<compile_context>
chip_gen: v7x
topology: tpu7x:2x2x1
jax: 0.10.2.dev20260603
libtpu: 0.0.44.dev20260713+nightly
codegen_flags: <defaults>
</compile_context>

<pallas_src>
import functools

import jax
import jax.numpy as jnp
from jax import lax
from jax.experimental import pallas as pl
from jax.experimental.pallas import tpu as pltpu
from jax.experimental.pallas import tpu_sc as plsc

_NEG = -1e30
_NC = 2
_NS = 16
_NW = _NC * _NS
_L = 16
_TOPK = 7


def _logits_kernel(x_ref, gw_ref, out_ref):
    out_ref[...] = lax.dot_general(
        gw_ref[...], x_ref[...], (((1,), (1,)), ((), ())),
        preferred_element_type=jnp.float32)


def _sc_route_body(lg_hbm, bias_hbm, zeros_hbm, rw_hbm, lg_v, bias_v, rw_v,
                   *, n_exp, tpw):
    wid = lax.axis_index("s") * _NC + lax.axis_index("c")
    pltpu.sync_copy(lg_hbm.at[:, pl.ds(wid * tpw, tpw)], lg_v)
    pltpu.sync_copy(bias_hbm, bias_v)
    pltpu.sync_copy(zeros_hbm, rw_v)
    lanes = lax.iota(jnp.int32, _L)

    def group(g, carry):
        m = jnp.full((_L,), _NEG, jnp.float32)
        vs = []
        for r in range(1, n_exp):
            v = lg_v[r, pl.ds(g * _L, _L)]
            vs.append(v)
            m = jnp.maximum(m, v)
        s = jnp.zeros((_L,), jnp.float32)
        ps = []
        for v in vs:
            p = jnp.exp(v - m)
            ps.append(p)
            s = s + p
        inv = 1.0 / s
        bs = [p * inv + bias_v[r + 1, :] for r, p in enumerate(ps)]
        idxs, vals = [], []
        tot = jnp.zeros((_L,), jnp.float32)
        for _ in range(_TOPK):
            mx = jnp.full((_L,), _NEG, jnp.float32)
            am = jnp.zeros((_L,), jnp.int32)
            for r in range(1, n_exp):
                cand = bs[r - 1]
                ok = cand > mx
                for prev in idxs:
                    ok = jnp.logical_and(ok, prev != r)
                mx = jnp.where(ok, cand, mx)
                am = jnp.where(ok, jnp.full((_L,), r, jnp.int32), am)
            idxs.append(am)
            vals.append(mx)
            tot = tot + mx
        scale = (_TOPK / (_TOPK + 1.0)) / tot
        rowbase = (g * _L + lanes) * n_exp
        plsc.store_scatter(rw_v, [rowbase],
                           jnp.full((_L,), 1.0 / (_TOPK + 1.0), jnp.float32))
        for k in range(_TOPK):
            plsc.store_scatter(rw_v, [rowbase + idxs[k]], vals[k] * scale)
        return carry

    lax.fori_loop(0, tpw // _L, group, 0)
    pltpu.sync_copy(rw_v, rw_hbm.at[pl.ds(wid * tpw * n_exp, tpw * n_exp)])


def _expert01_kernel(x_ref, wfc_ref, wproj_ref, out0_ref, y1_ref):
    x = x_ref[...]
    for e, ref, scale in ((0, out0_ref, 1.0 / (_TOPK + 1.0)), (1, y1_ref, 1.0)):
        h = lax.dot_general(x, wfc_ref[e], (((1,), (1,)), ((), ())),
                            preferred_element_type=jnp.float32)
        h = jnp.square(jnp.maximum(h, 0.0))
        y = lax.dot_general(h, wproj_ref[e], (((1,), (1,)), ((), ())),
                            preferred_element_type=jnp.float32)
        ref[...] = y * scale


def _expert_kernel(rw_ref, x_ref, wfc_ref, wproj_ref, out0_ref, y1_ref,
                   out_ref):
    e = pl.program_id(1) + 2
    x = x_ref[...]
    h = lax.dot_general(x, wfc_ref[0], (((1,), (1,)), ((), ())),
                        preferred_element_type=jnp.float32)
    h = jnp.square(jnp.maximum(h, 0.0))
    y = lax.dot_general(h, wproj_ref[0], (((1,), (1,)), ((), ())),
                        preferred_element_type=jnp.float32)
    col = lax.broadcasted_iota(jnp.int32, rw_ref.shape, 1)
    rw = rw_ref[...]
    w = jnp.sum(rw * (col == e).astype(jnp.float32), axis=1, keepdims=True)
    contrib = y * w

    @pl.when(e == 2)
    def _():
        w1 = jnp.sum(rw * (col == 1).astype(jnp.float32), axis=1,
                     keepdims=True)
        out_ref[...] = out0_ref[...] + y1_ref[...] * w1 + contrib

    @pl.when(e != 2)
    def _():
        out_ref[...] += contrib


def kernel(x, c_fc_w, c_proj_w, gate_w, expert_bias):
    b, t, d = x.shape
    n_exp, h_dim, _ = c_fc_w.shape
    n_tok = b * t
    x_flat = x.reshape(n_tok, d)
    tpw = n_tok // _NW

    gw_pad = jnp.concatenate(
        [jnp.zeros((1, d), dtype=gate_w.dtype), gate_w], axis=0)
    bias_pad = jnp.concatenate(
        [jnp.full((1,), _NEG, dtype=expert_bias.dtype), expert_bias])
    bias_b = jnp.broadcast_to(bias_pad[:, None], (n_exp, _L))

    lt = min(1024, n_tok)
    logits = pl.pallas_call(
        _logits_kernel,
        grid=(n_tok // lt,),
        in_specs=[
            pl.BlockSpec((lt, d), lambda i: (i, 0)),
            pl.BlockSpec((n_exp, d), lambda i: (0, 0)),
        ],
        out_specs=pl.BlockSpec((n_exp, lt), lambda i: (0, i)),
        out_shape=jax.ShapeDtypeStruct((n_exp, n_tok), jnp.float32),
    )(x_flat, gw_pad)

    zeros_rw = jnp.zeros((tpw * n_exp,), jnp.float32)

    sc_route = functools.partial(
        pl.kernel,
        out_type=jax.ShapeDtypeStruct((n_tok * n_exp,), jnp.float32),
        mesh=plsc.VectorSubcoreMesh(core_axis_name="c", subcore_axis_name="s",
                                    num_cores=_NC, num_subcores=_NS),
        scratch_types=[
            pltpu.VMEM((n_exp, tpw), jnp.float32),
            pltpu.VMEM((n_exp, _L), jnp.float32),
            pltpu.VMEM((tpw * n_exp,), jnp.float32),
        ],
        compiler_params=pltpu.CompilerParams(needs_layout_passes=False),
    )(functools.partial(_sc_route_body, n_exp=n_exp, tpw=tpw))
    rw = sc_route(logits, bias_b, zeros_rw).reshape(n_tok, n_exp)

    tt = min(8192, n_tok)
    out0, y1 = pl.pallas_call(
        _expert01_kernel,
        grid=(n_tok // tt,),
        in_specs=[
            pl.BlockSpec((tt, d), lambda i: (i, 0)),
            pl.BlockSpec((2, h_dim, d), lambda i: (0, 0, 0)),
            pl.BlockSpec((2, d, h_dim), lambda i: (0, 0, 0)),
        ],
        out_specs=[
            pl.BlockSpec((tt, d), lambda i: (i, 0)),
            pl.BlockSpec((tt, d), lambda i: (i, 0)),
        ],
        out_shape=[
            jax.ShapeDtypeStruct((n_tok, d), jnp.float32),
            jax.ShapeDtypeStruct((n_tok, d), jnp.float32),
        ],
    )(x_flat, c_fc_w, c_proj_w)

    out = pl.pallas_call(
        _expert_kernel,
        grid=(n_tok // tt, n_exp - 2),
        in_specs=[
            pl.BlockSpec((tt, n_exp), lambda i, e: (i, 0)),
            pl.BlockSpec((tt, d), lambda i, e: (i, 0)),
            pl.BlockSpec((1, h_dim, d), lambda i, e: (e + 2, 0, 0)),
            pl.BlockSpec((1, d, h_dim), lambda i, e: (e + 2, 0, 0)),
            pl.BlockSpec((tt, d), lambda i, e: (i, 0)),
            pl.BlockSpec((tt, d), lambda i, e: (i, 0)),
        ],
        out_specs=pl.BlockSpec((tt, d), lambda i, e: (i, 0)),
        out_shape=jax.ShapeDtypeStruct((n_tok, d), jnp.float32),
        compiler_params=pltpu.CompilerParams(
            dimension_semantics=("parallel", "arbitrary")),
    )(rw, x_flat, c_fc_w, c_proj_w, out0, y1)

    return out.reshape(b, t, d), rw

# --- scband reference (transcript-rebuilt; emitter-appended) ---
"""Pipeline reference for scband-dsmo-e-9715216024107 (READ-ONLY COPY).

The authoritative reference and input builder live on the scoring server;
editing this copy changes nothing except your own understanding.
"""

import jax, jax.numpy as jnp
import numpy as np

N_EXPERTS = 32
NUM_EXP = 8
D = 256
H = 4 * D

def setup_inputs(seed: int = 0) -> dict:
    key = jax.random.key(seed)
    ks = jax.random.split(key, 4)
    x = jax.random.normal(ks[0], (4, 2048, D), dtype=jnp.float32)
    c_fc_w = jax.random.normal(ks[1], (N_EXPERTS, H, D), dtype=jnp.float32) * 0.02
    c_proj_w = jax.random.normal(ks[2], (N_EXPERTS, D, H), dtype=jnp.float32) * 0.02
    gate_w = jax.random.normal(ks[3], (N_EXPERTS - 1, D), dtype=jnp.float32) * 0.02
    expert_bias = jnp.zeros((N_EXPERTS - 1,), dtype=jnp.float32)
    return {"x": x, "c_fc_w": c_fc_w, "c_proj_w": c_proj_w, "gate_w": gate_w, "expert_bias": expert_bias}

def reference(x, c_fc_w, c_proj_w, gate_w, expert_bias):
    # eval mode: dropout and UnitCenteredNoise are identity
    b, t, c = x.shape
    x_flat = x.reshape(b * t, c)
    # gate: Linear(no bias) -> (noise: identity in eval) -> softmax
    logits = x_flat @ gate_w.T
    gate_val_continuous = jax.nn.softmax(logits, axis=-1)
    biased_gate_vals = gate_val_continuous + expert_bias
    gate_vals, gate_val_indices = jax.lax.top_k(biased_gate_vals, NUM_EXP - 1)
    gate_vals = gate_vals / jnp.sum(gate_vals, axis=-1, keepdims=True)
    shared_expert_weight = jnp.ones_like(gate_vals[:, :1]) / NUM_EXP
    gate_vals = jnp.concatenate([shared_expert_weight, gate_vals * (NUM_EXP - 1) / NUM_EXP], axis=-1)
    gate_val_indices = jnp.concatenate([jnp.zeros_like(gate_val_indices[:, :1]), gate_val_indices + 1], axis=-1)
    # expert MLPs: relu(x W_fc^T)^2 W_proj^T, stacked over experts -> [E, N, D]
    h = jnp.einsum('nd,ehd->enh', x_flat, c_fc_w)
    h = jnp.square(jax.nn.relu(h))
    expert_outputs = jnp.einsum('enh,edh->end', h, c_proj_w)
    # scatter_add router weights
    n_tok = x_flat.shape[0]
    router_weights = jnp.zeros((n_tok, N_EXPERTS), dtype=x_flat.dtype)
    rows = jnp.arange(n_tok)
    for i in range(NUM_EXP):
        router_weights = router_weights.at[rows, gate_val_indices[:, i]].add(gate_vals[:, i])
    weighted_outputs = expert_outputs * router_weights.T[:, :, None]
    output = jnp.sum(weighted_outputs, axis=0)
    return (output.reshape(b, t, c), router_weights)

if __name__ == "__main__":
    import jax
    _d = setup_inputs()
    print(jax.jit(kernel)(*tuple(_d.values())))

</pallas_src>

<mosaic_0001>
#map = affine_map<(d0, d1) -> (0, 0)>
#map1 = affine_map<(d0, d1) -> (0)>
module attributes {stable_mosaic.version = 14 : i64} {
  func.func @_sc_route_body(%arg0: i32, %arg1: i32, %arg2: memref<32x8192xf32, #tpu.memory_space<hbm>>, %arg3: memref<32x16xf32, #tpu.memory_space<hbm>>, %arg4: memref<8192xf32, #tpu.memory_space<hbm>>, %arg5: memref<262144xf32, #tpu.memory_space<hbm>>, %arg6: memref<32x256xf32, #tpu.memory_space<vmem>>, %arg7: memref<32x16xf32, #tpu.memory_space<vmem>>, %arg8: memref<8192xf32, #tpu.memory_space<vmem>>) attributes {dimension_semantics = [#tpu.dimension_semantics<core_parallel>, #tpu.dimension_semantics<subcore_parallel>], iteration_bounds = array<i64: 2, 16>, scalar_prefetch = 0 : i64, scratch_operands = 3 : i64, tpu.core_type = #tpu.core_type<sc_vector_subcore>, window_params = [{transform_indices = #map}, {transform_indices = #map}, {transform_indices = #map1}, {transform_indices = #map1}]} {
    %mul3A = arith.constant 2 : i32
    %mul3A_0 = arith.muli %arg1, %mul3A : i32
    %add3A = arith.addi %mul3A_0, %arg0 : i32
    %mul3A_1 = arith.constant 256 : i32
    %mul3A_2 = arith.muli %add3A, %mul3A_1 : i32
    "tpu.region"() ({
      %run_scoped3A = tpu.sem_alloc : memref<!tpu.dma_semaphore, #tpu.memory_space<semaphore_mem>>
      %dma_start3A = arith.constant 0 : i32
      %dma_start3A_12 = tpu.memref_slice %arg2[%dma_start3A, %mul3A_2] : memref<32x8192xf32, #tpu.memory_space<hbm>> -> memref<32x256xf32, #tpu.memory_space<hbm>>
      %dma_start3A_13 = arith.constant 0 : i32
      %dma_start3A_14 = tpu.memref_slice %arg2[%dma_start3A_13, %mul3A_2] : memref<32x8192xf32, #tpu.memory_space<hbm>> -> memref<32x256xf32, #tpu.memory_space<hbm>>
      tpu.enqueue_dma source(%dma_start3A_14 : memref<32x256xf32, #tpu.memory_space<hbm>>) target(%arg6 : memref<32x256xf32, #tpu.memory_space<vmem>>) target_semaphore(%run_scoped3A : memref<!tpu.dma_semaphore, #tpu.memory_space<semaphore_mem>>)
      %dma_wait3A = arith.constant 0 : i32
      %dma_wait3A_15 = tpu.memref_slice %arg2[%dma_wait3A, %mul3A_2] : memref<32x8192xf32, #tpu.memory_space<hbm>> -> memref<32x256xf32, #tpu.memory_space<hbm>>
      %dma_wait3A_16 = arith.constant 0 : i32
      %dma_wait3A_17 = tpu.memref_slice %arg2[%dma_wait3A_16, %mul3A_2] : memref<32x8192xf32, #tpu.memory_space<hbm>> -> memref<32x256xf32, #tpu.memory_space<hbm>>
      tpu.wait_dma2 semaphore(%run_scoped3A : memref<!tpu.dma_semaphore, #tpu.memory_space<semaphore_mem>>) src(%dma_wait3A_17 : memref<32x256xf32, #tpu.memory_space<hbm>>) dst(%arg6 : memref<32x256xf32, #tpu.memory_space<vmem>>)
      tpu.yield
    }) : () -> ()
    "tpu.region"() ({
      %run_scoped3A = tpu.sem_alloc : memref<!tpu.dma_semaphore, #tpu.memory_space<semaphore_mem>>
      tpu.enqueue_dma source(%arg3 : memref<32x16xf32, #tpu.memory_space<hbm>>) target(%arg7 : memref<32x16xf32, #tpu.memory_space<vmem>>) target_semaphore(%run_scoped3A : memref<!tpu.dma_semaphore, #tpu.memory_space<semaphore_mem>>)
      tpu.wait_dma2 semaphore(%run_scoped3A : memref<!tpu.dma_semaphore, #tpu.memory_space<semaphore_mem>>) src(%arg3 : memref<32x16xf32, #tpu.memory_space<hbm>>) dst(%arg7 : memref<32x16xf32, #tpu.memory_space<vmem>>)
      tpu.yield
    }) : () -> ()
    "tpu.region"() ({
      %run_scoped3A = tpu.sem_alloc : memref<!tpu.dma_semaphore, #tpu.memory_space<semaphore_mem>>
      tpu.enqueue_dma source(%arg4 : memref<8192xf32, #tpu.memory_space<hbm>>) target(%arg8 : memref<8192xf32, #tpu.memory_space<vmem>>) target_semaphore(%run_scoped3A : memref<!tpu.dma_semaphore, #tpu.memory_space<semaphore_mem>>)
      tpu.wait_dma2 semaphore(%run_scoped3A : memref<!tpu.dma_semaphore, #tpu.memory_space<semaphore_mem>>) src(%arg4 : memref<8192xf32, #tpu.memory_space<hbm>>) dst(%arg8 : memref<8192xf32, #tpu.memory_space<vmem>>)
      tpu.yield
    }) : () -> ()
    %iota3A = tpu.iota {dimensions = array<i32: 0>} : vector<16xi32>
    %scan3A = arith.constant 0 : i32
    %scan3A_3 = arith.constant 0 : i32
    %scan3A_4 = arith.constant 16 : i32
    %scan3A_5 = arith.addi %scan3A_3, %scan3A_4 : i32
    %scan3A_6 = arith.constant 1 : i32
    scf.for %scan3A_12 = %scan3A_3 to %scan3A_5 step %scan3A_6  : i32 {
      %broadcast_in_dim3A = arith.constant -1.000000e+30 : f32
      %broadcast_in_dim3A_13 = vector.broadcast %broadcast_in_dim3A : f32 to vector<16xf32>
      %mul3A_14 = arith.constant 16 : i32
      %mul3A_15 = arith.muli %scan3A_12, %mul3A_14 : i32
      %get3A = arith.constant 1 : i32
      %get3A_16 = arith.index_cast %get3A : i32 to index
      %get3A_17 = arith.index_cast %mul3A_15 : i32 to index
      %get3A_18 = tpu.vector_load %arg6[%get3A_16, %get3A_17] {strides = array<i32>} : memref<32x256xf32, #tpu.memory_space<vmem>>, vector<16xf32>,
      %max3A = arith.maximumf %broadcast_in_dim3A_13, %get3A_18 : vector<16xf32>
      %mul3A_19 = arith.constant 16 : i32
      %mul3A_20 = arith.muli %scan3A_12, %mul3A_19 : i32
      %get3A_21 = arith.constant 2 : i32
      %get3A_22 = arith.index_cast %get3A_21 : i32 to index
      %get3A_23 = arith.index_cast %mul3A_20 : i32 to index
      %get3A_24 = tpu.vector_load %arg6[%get3A_22, %get3A_23] {strides = array<i32>} : memref<32x256xf32, #tpu.memory_space<vmem>>, vector<16xf32>,
      %max3A_25 = arith.maximumf %max3A, %get3A_24 : vector<16xf32>
      %mul3A_26 = arith.constant 16 : i32
      %mul3A_27 = arith.muli %scan3A_12, %mul3A_26 : i32
      %get3A_28 = arith.constant 3 : i32
      %get3A_29 = arith.index_cast %get3A_28 : i32 to index
      %get3A_30 = arith.index_cast %mul3A_27 : i32 to index
      %get3A_31 = tpu.vector_load %arg6[%get3A_29, %get3A_30] {strides = array<i32>} : memref<32x256xf32, #tpu.memory_space<vmem>>, vector<16xf32>,
      %max3A_32 = arith.maximumf %max3A_25, %get3A_31 : vector<16xf32>
      %mul3A_33 = arith.constant 16 : i32
      %mul3A_34 = arith.muli %scan3A_12, %mul3A_33 : i32
      %get3A_35 = arith.constant 4 : i32
      %get3A_36 = arith.index_cast %get3A_35 : i32 to index
      %get3A_37 = arith.index_cast %mul3A_34 : i32 to index
      %get3A_38 = tpu.vector_load %arg6[%get3A_36, %get3A_37] {strides = array<i32>} : memref<32x256xf32, #tpu.memory_space<vmem>>, vector<16xf32>,
      %max3A_39 = arith.maximumf %max3A_32, %get3A_38 : vector<16xf32>
      %mul3A_40 = arith.constant 16 : i32
      %mul3A_41 = arith.muli %scan3A_12, %mul3A_40 : i32
      %get3A_42 = arith.constant 5 : i32
      %get3A_43 = arith.index_cast %get3A_42 : i32 to index
      %get3A_44 = arith.index_cast %mul3A_41 : i32 to index
      %get3A_45 = tpu.vector_load %arg6[%get3A_43, %get3A_44] {strides = array<i32>} : memref<32x256xf32, #tpu.memory_space<vmem>>, vector<16xf32>,
      %max3A_46 = arith.maximumf %max3A_39, %get3A_45 : vector<16xf32>
      %mul3A_47 = arith.constant 16 : i32
      %mul3A_48 = arith.muli %scan3A_12, %mul3A_47 : i32
      %get3A_49 = arith.constant 6 : i32
      %get3A_50 = arith.index_cast %get3A_49 : i32 to index
      %get3A_51 = arith.index_cast %mul3A_48 : i32 to index
      %get3A_52 = tpu.vector_load %arg6[%get3A_50, %get3A_51] {strides = array<i32>} : memref<32x256xf32, #tpu.memory_space<vmem>>, vector<16xf32>,
      %max3A_53 = arith.maximumf %max3A_46, %get3A_52 : vector<16xf32>
      %mul3A_54 = arith.constant 16 : i32
      %mul3A_55 = arith.muli %scan3A_12, %mul3A_54 : i32
      %get3A_56 = arith.constant 7 : i32
      %get3A_57 = arith.index_cast %get3A_56 : i32 to index
      %get3A_58 = arith.index_cast %mul3A_55 : i32 to index
      %get3A_59 = tpu.vector_load %arg6[%get3A_57, %get3A_58] {strides = array<i32>} : memref<32x256xf32, #tpu.memory_space<vmem>>, vector<16xf32>,
      %max3A_60 = arith.maximumf %max3A_53, %get3A_59 : vector<16xf32>
      %mul3A_61 = arith.constant 16 : i32
      %mul3A_62 = arith.muli %scan3A_12, %mul3A_61 : i32
      %get3A_63 = arith.constant 8 : i32
      %get3A_64 = arith.index_cast %get3A_63 : i32 to index
      %get3A_65 = arith.index_cast %mul3A_62 : i32 to index
      %get3A_66 = tpu.vector_load %arg6[%get3A_64, %get3A_65] {strides = array<i32>} : memref<32x256xf32, #tpu.memory_space<vmem>>, vector<16xf32>,
      %max3A_67 = arith.maximumf %max3A_60, %get3A_66 : vector<16xf32>
      %mul3A_68 = arith.constant 16 : i32
      %mul3A_69 = arith.muli %scan3A_12, %mul3A_68 : i32
      %get3A_70 = arith.constant 9 : i32
      %get3A_71 = arith.index_cast %get3A_70 : i32 to index
      %get3A_72 = arith.index_cast %mul3A_69 : i32 to index
      %get3A_73 = tpu.vector_load %arg6[%get3A_71, %get3A_72] {strides = array<i32>} : memref<32x256xf32, #tpu.memory_space<vmem>>, vector<16xf32>,
      %max3A_74 = arith.maximumf %max3A_67, %get3A_73 : vector<16xf32>
      %mul3A_75 = arith.constant 16 : i32
      %mul3A_76 = arith.muli %scan3A_12, %mul3A_75 : i32
      %get3A_77 = arith.constant 10 : i32
      %get3A_78 = arith.index_cast %get3A_77 : i32 to index
      %get3A_79 = arith.index_cast %mul3A_76 : i32 to index
      %get3A_80 = tpu.vector_load %arg6[%get3A_78, %get3A_79] {strides = array<i32>} : memref<32x256xf32, #tpu.memory_space<vmem>>, vector<16xf32>,
      %max3A_81 = arith.maximumf %max3A_74, %get3A_80 : vector<16xf32>
      %mul3A_82 = arith.constant 16 : i32
      %mul3A_83 = arith.muli %scan3A_12, %mul3A_82 : i32
      %get3A_84 = arith.constant 11 : i32
      %get3A_85 = arith.index_cast %get3A_84 : i32 to index
      %get3A_86 = arith.index_cast %mul3A_83 : i32 to index
      %get3A_87 = tpu.vector_load %arg6[%get3A_85, %get3A_86] {strides = array<i32>} : memref<32x256xf32, #tpu.memory_space<vmem>>, vector<16xf32>,
      %max3A_88 = arith.maximumf %max3A_81, %get3A_87 : vector<16xf32>
      %mul3A_89 = arith.constant 16 : i32
      %mul3A_90 = arith.muli %scan3A_12, %mul3A_89 : i32
      %get3A_91 = arith.constant 12 : i32
      %get3A_92 = arith.index_cast %get3A_91 : i32 to index
      %get3A_93 = arith.index_cast %mul3A_90 : i32 to index
      %get3A_94 = tpu.vector_load %arg6[%get3A_92, %get3A_93] {strides = array<i32>} : memref<32x256xf32, #tpu.memory_space<vmem>>, vector<16xf32>,
      %max3A_95 = arith.maximumf %max3A_88, %get3A_94 : vector<16xf32>
      %mul3A_96 = arith.constant 16 : i32
      %mul3A_97 = arith.muli %scan3A_12, %mul3A_96 : i32
      %get3A_98 = arith.constant 13 : i32
      %get3A_99 = arith.index_cast %get3A_98 : i32 to index
      %get3A_100 = arith.index_cast %mul3A_97 : i32 to index
      %get3A_101 = tpu.vector_load %arg6[%get3A_99, %get3A_100] {strides = array<i32>} : memref<32x256xf32, #tpu.memory_space<vmem>>, vector<16xf32>,
      %max3A_102 = arith.maximumf %max3A_95, %get3A_101 : vector<16xf32>
      %mul3A_103 = arith.constant 16 : i32
      %mul3A_104 = arith.muli %scan3A_12, %mul3A_103 : i32
      %get3A_105 = arith.constant 14 : i32
      %get3A_106 = arith.index_cast %get3A_105 : i32 to index
      %get3A_107 = arith.index_cast %mul3A_104 : i32 to index
      %get3A_108 = tpu.vector_load %arg6[%get3A_106, %get3A_107] {strides = array<i32>} : memref<32x256xf32, #tpu.memory_space<vmem>>, vector<16xf32>,
      %max3A_109 = arith.maximumf %max3A_102, %get3A_108 : vector<16xf32>
      %mul3A_110 = arith.constant 16 : i32
      %mul3A_111 = arith.muli %scan3A_12, %mul3A_110 : i32
      %get3A_112 = arith.constant 15 : i32
      %get3A_113 = arith.index_cast %get3A_112 : i32 to index
      %get3A_114 = arith.index_cast %mul3A_111 : i32 to index
      %get3A_115 = tpu.vector_load %arg6[%get3A_113, %get3A_114] {strides = array<i32>} : memref<32x256xf32, #tpu.memory_space<vmem>>, vector<16xf32>,
      %max3A_116 = arith.maximumf %max3A_109, %get3A_115 : vector<16xf32>
      %mul3A_117 = arith.constant 16 : i32
      %mul3A_118 = arith.muli %scan3A_12, %mul3A_117 : i32
      %get3A_119 = arith.constant 16 : i32
      %get3A_120 = arith.index_cast %get3A_119 : i32 to index
      %get3A_121 = arith.index_cast %mul3A_118 : i32 to index
      %get3A_122 = tpu.vector_load %arg6[%get3A_120, %get3A_121] {strides = array<i32>} : memref<32x256xf32, #tpu.memory_space<vmem>>, vector<16xf32>,
      %max3A_123 = arith.maximumf %max3A_116, %get3A_122 : vector<16xf32>
      %mul3A_124 = arith.constant 16 : i32
      %mul3A_125 = arith.muli %scan3A_12, %mul3A_124 : i32
      %get3A_126 = arith.constant 17 : i32
      %get3A_127 = arith.index_cast %get3A_126 : i32 to index
      %get3A_128 = arith.index_cast %mul3A_125 : i32 to index
      %get3A_129 = tpu.vector_load %arg6[%get3A_127, %get3A_128] {strides = array<i32>} : memref<32x256xf32, #tpu.memory_space<vmem>>, vector<16xf32>,
      %max3A_130 = arith.maximumf %max3A_123, %get3A_129 : vector<16xf32>
      %mul3A_131 = arith.constant 16 : i32
      %mul3A_132 = arith.muli %scan3A_12, %mul3A_131 : i32
      %get3A_133 = arith.constant 18 : i32
      %get3A_134 = arith.index_cast %get3A_133 : i32 to index
      %get3A_135 = arith.index_cast %mul3A_132 : i32 to index
      %get3A_136 = tpu.vector_load %arg6[%get3A_134, %get3A_135] {strides = array<i32>} : memref<32x256xf32, #tpu.memory_space<vmem>>, vector<16xf32>,
      %max3A_137 = arith.maximumf %max3A_130, %get3A_136 : vector<16xf32>
      %mul3A_138 = arith.constant 16 : i32
      %mul3A_139 = arith.muli %scan3A_12, %mul3A_138 : i32
      %get3A_140 = arith.constant 19 : i32
      %get3A_141 = arith.index_cast %get3A_140 : i32 to index
      %get3A_142 = arith.index_cast %mul3A_139 : i32 to index
      %get3A_143 = tpu.vector_load %arg6[%get3A_141, %get3A_142] {strides = array<i32>} : memref<32x256xf32, #tpu.memory_space<vmem>>, vector<16xf32>,
      %max3A_144 = arith.maximumf %max3A_137, %get3A_143 : vector<16xf32>
      %mul3A_145 = arith.constant 16 : i32
      %mul3A_146 = arith.muli %scan3A_12, %mul3A_145 : i32
      %get3A_147 = arith.constant 20 : i32
      %get3A_148 = arith.index_cast %get3A_147 : i32 to index
      %get3A_149 = arith.index_cast %mul3A_146 : i32 to index
      %get3A_150 = tpu.vector_load %arg6[%get3A_148, %get3A_149] {strides = array<i32>} : memref<32x256xf32, #tpu.memory_space<vmem>>, vector<16xf32>,
      %max3A_151 = arith.maximumf %max3A_144, %get3A_150 : vector<16xf32>
      %mul3A_152 = arith.constant 16 : i32
      %mul3A_153 = arith.muli %scan3A_12, %mul3A_152 : i32
      %get3A_154 = arith.constant 21 : i32
      %get3A_155 = arith.index_cast %get3A_154 : i32 to index
      %get3A_156 = arith.index_cast %mul3A_153 : i32 to index
      %get3A_157 = tpu.vector_load %arg6[%get3A_155, %get3A_156] {strides = array<i32>} : memref<32x256xf32, #tpu.memory_space<vmem>>, vector<16xf32>,
      %max3A_158 = arith.maximumf %max3A_151, %get3A_157 : vector<16xf32>
      %mul3A_159 = arith.constant 16 : i32
      %mul3A_160 = arith.muli %scan3A_12, %mul3A_159 : i32
      %get3A_161 = arith.constant 22 : i32
      %get3A_162 = arith.index_cast %get3A_161 : i32 to index
      %get3A_163 = arith.index_cast %mul3A_160 : i32 to index
      %get3A_164 = tpu.vector_load %arg6[%get3A_162, %get3A_163] {strides = array<i32>} : memref<32x256xf32, #tpu.memory_space<vmem>>, vector<16xf32>,
      %max3A_165 = arith.maximumf %max3A_158, %get3A_164 : vector<16xf32>
      %mul3A_166 = arith.constant 16 : i32
      %mul3A_167 = arith.muli %scan3A_12, %mul3A_166 : i32
      %get3A_168 = arith.constant 23 : i32
      %get3A_169 = arith.index_cast %get3A_168 : i32 to index
      %get3A_170 = arith.index_cast %mul3A_167 : i32 to index
      %get3A_171 = tpu.vector_load %arg6[%get3A_169, %get3A_170] {strides = array<i32>} : memref<32x256xf32, #tpu.memory_space<vmem>>, vector<16xf32>,
      %max3A_172 = arith.maximumf %max3A_165, %get3A_171 : vector<16xf32>
      %mul3A_173 = arith.constant 16 : i32
      %mul3A_174 = arith.muli %scan3A_12, %mul3A_173 : i32
      %get3A_175 = arith.constant 24 : i32
      %get3A_176 = arith.index_cast %get3A_175 : i32 to index
      %get3A_177 = arith.index_cast %mul3A_174 : i32 to index
      %get3A_178 = tpu.vector_load %arg6[%get3A_176, %get3A_177] {strides = array<i32>} : memref<32x256xf32, #tpu.memory_space<vmem>>, vector<16xf32>,
      %max3A_179 = arith.maximumf %max3A_172, %get3A_178 : vector<16xf32>
      %mul3A_180 = arith.constant 16 : i32
      %mul3A_181 = arith.muli %scan3A_12, %mul3A_180 : i32
      %get3A_182 = arith.constant 25 : i32
      %get3A_183 = arith.index_cast %get3A_182 : i32 to index
      %get3A_184 = arith.index_cast %mul3A_181 : i32 to index
      %get3A_185 = tpu.vector_load %arg6[%get3A_183, %get3A_184] {strides = array<i32>} : memref<32x256xf32, #tpu.memory_space<vmem>>, vector<16xf32>,
      %max3A_186 = arith.maximumf %max3A_179, %get3A_185 : vector<16xf32>
      %mul3A_187 = arith.constant 16 : i32
      %mul3A_188 = arith.muli %scan3A_12, %mul3A_187 : i32
      %get3A_189 = arith.constant 26 : i32
      %get3A_190 = arith.index_cast %get3A_189 : i32 to index
      %get3A_191 = arith.index_cast %mul3A_188 : i32 to index
      %get3A_192 = tpu.vector_load %arg6[%get3A_190, %get3A_191] {strides = array<i32>} : memref<32x256xf32, #tpu.memory_space<vmem>>, vector<16xf32>,
      %max3A_193 = arith.maximumf %max3A_186, %get3A_192 : vector<16xf32>
      %mul3A_194 = arith.constant 16 : i32
      %mul3A_195 = arith.muli %scan3A_12, %mul3A_194 : i32
      %get3A_196 = arith.constant 27 : i32
      %get3A_197 = arith.index_cast %get3A_196 : i32 to index
      %get3A_198 = arith.index_cast %mul3A_195 : i32 to index
      %get3A_199 = tpu.vector_load %arg6[%get3A_197, %get3A_198] {strides = array<i32>} : memref<32x256xf32, #tpu.memory_space<vmem>>, vector<16xf32>,
      %max3A_200 = arith.maximumf %max3A_193, %get3A_199 : vector<16xf32>
      %mul3A_201 = arith.constant 16 : i32
      %mul3A_202 = arith.muli %scan3A_12, %mul3A_201 : i32
      %get3A_203 = arith.constant 28 : i32
      %get3A_204 = arith.index_cast %get3A_203 : i32 to index
      %get3A_205 = arith.index_cast %mul3A_202 : i32 to index
      %get3A_206 = tpu.vector_load %arg6[%get3A_204, %get3A_205] {strides = array<i32>} : memref<32x256xf32, #tpu.memory_space<vmem>>, vector<16xf32>,
      %max3A_207 = arith.maximumf %max3A_200, %get3A_206 : vector<16xf32>
      %mul3A_208 = arith.constant 16 : i32
      %mul3A_209 = arith.muli %scan3A_12, %mul3A_208 : i32
      %get3A_210 = arith.constant 29 : i32
      %get3A_211 = arith.index_cast %get3A_210 : i32 to index
      %get3A_212 = arith.index_cast %mul3A_209 : i32 to index
      %get3A_213 = tpu.vector_load %arg6[%get3A_211, %get3A_212] {strides = array<i32>} : memref<32x256xf32, #tpu.memory_space<vmem>>, vector<16xf32>,
      %max3A_214 = arith.maximumf %max3A_207, %get3A_213 : vector<16xf32>
      %mul3A_215 = arith.constant 16 : i32
      %mul3A_216 = arith.muli %scan3A_12, %mul3A_215 : i32
      %get3A_217 = arith.constant 30 : i32
      %get3A_218 = arith.index_cast %get3A_217 : i32 to index
      %get3A_219 = arith.index_cast %mul3A_216 : i32 to index
      %get3A_220 = tpu.vector_load %arg6[%get3A_218, %get3A_219] {strides = array<i32>} : memref<32x256xf32, #tpu.memory_space<vmem>>, vector<16xf32>,
      %max3A_221 = arith.maximumf %max3A_214, %get3A_220 : vector<16xf32>
      %mul3A_222 = arith.constant 16 : i32
      %mul3A_223 = arith.muli %scan3A_12, %mul3A_222 : i32
      %get3A_224 = arith.constant 31 : i32
      %get3A_225 = arith.index_cast %get3A_224 : i32 to index
      %get3A_226 = arith.index_cast %mul3A_223 : i32 to index
      %get3A_227 = tpu.vector_load %arg6[%get3A_225, %get3A_226] {strides = array<i32>} : memref<32x256xf32, #tpu.memory_space<vmem>>, vector<16xf32>,
      %max3A_228 = arith.maximumf %max3A_221, %get3A_227 : vector<16xf32>
      %broadcast_in_dim3A_229 = arith.constant 0.000000e+00 : f32
      %broadcast_in_dim3A_230 = vector.broadcast %broadcast_in_dim3A_229 : f32 to vector<16xf32>
      %sub3A = arith.subf %get3A_18, %max3A_228 : vector<16xf32>
      %exp3A = math.exp %sub3A : vector<16xf32>
      %add3A_231 = arith.addf %broadcast_in_dim3A_230, %exp3A : vector<16xf32>
      %sub3A_232 = arith.subf %get3A_24, %max3A_228 : vector<16xf32>
      %exp3A_233 = math.exp %sub3A_232 : vector<16xf32>
      %add3A_234 = arith.addf %add3A_231, %exp3A_233 : vector<16xf32>
      %sub3A_235 = arith.subf %get3A_31, %max3A_228 : vector<16xf32>
      %exp3A_236 = math.exp %sub3A_235 : vector<16xf32>
      %add3A_237 = arith.addf %add3A_234, %exp3A_236 : vector<16xf32>
      %sub3A_238 = arith.subf %get3A_38, %max3A_228 : vector<16xf32>
      %exp3A_239 = math.exp %sub3A_238 : vector<16xf32>
      %add3A_240 = arith.addf %add3A_237, %exp3A_239 : vector<16xf32>
      %sub3A_241 = arith.subf %get3A_45, %max3A_228 : vector<16xf32>
      %exp3A_242 = math.exp %sub3A_241 : vector<16xf32>
      %add3A_243 = arith.addf %add3A_240, %exp3A_242 : vector<16xf32>
      %sub3A_244 = arith.subf %get3A_52, %max3A_228 : vector<16xf32>
      %exp3A_245 = math.exp %sub3A_244 : vector<16xf32>
      %add3A_246 = arith.addf %add3A_243, %exp3A_245 : vector<16xf32>
      %sub3A_247 = arith.subf %get3A_59, %max3A_228 : vector<16xf32>
      %exp3A_248 = math.exp %sub3A_247 : vector<16xf32>
      %add3A_249 = arith.addf %add3A_246, %exp3A_248 : vector<16xf32>
      %sub3A_250 = arith.subf %get3A_66, %max3A_228 : vector<16xf32>
      %exp3A_251 = math.exp %sub3A_250 : vector<16xf32>
      %add3A_252 = arith.addf %add3A_249, %exp3A_251 : vector<16xf32>
      %sub3A_253 = arith.subf %get3A_73, %max3A_228 : vector<16xf32>
      %exp3A_254 = math.exp %sub3A_253 : vector<16xf32>
      %add3A_255 = arith.addf %add3A_252, %exp3A_254 : vector<16xf32>
      %sub3A_256 = arith.subf %get3A_80, %max3A_228 : vector<16xf32>
      %exp3A_257 = math.exp %sub3A_256 : vector<16xf32>
      %add3A_258 = arith.addf %add3A_255, %exp3A_257 : vector<16xf32>
      %sub3A_259 = arith.subf %get3A_87, %max3A_228 : vector<16xf32>
      %exp3A_260 = math.exp %sub3A_259 : vector<16xf32>
      %add3A_261 = arith.addf %add3A_258, %exp3A_260 : vector<16xf32>
      %sub3A_262 = arith.subf %get3A_94, %max3A_228 : vector<16xf32>
      %exp3A_263 = math.exp %sub3A_262 : vector<16xf32>
      %add3A_264 = arith.addf %add3A_261, %exp3A_263 : vector<16xf32>
      %sub3A_265 = arith.subf %get3A_101, %max3A_228 : vector<16xf32>
      %exp3A_266 = math.exp %sub3A_265 : vector<16xf32>
      %add3A_267 = arith.addf %add3A_264, %exp3A_266 : vector<16xf32>
      %sub3A_268 = arith.subf %get3A_108, %max3A_228 : vector<16xf32>
      %exp3A_269 = math.exp %sub3A_268 : vector<16xf32>
      %add3A_270 = arith.addf %add3A_267, %exp3A_269 : vector<16xf32>
      %sub3A_271 = arith.subf %get3A_115, %max3A_228 : vector<16xf32>
      %exp3A_272 = math.exp %sub3A_271 : vector<16xf32>
      %add3A_273 = arith.addf %add3A_270, %exp3A_272 : vector<16xf32>
      %sub3A_274 = arith.subf %get3A_122, %max3A_228 : vector<16xf32>
      %exp3A_275 = math.exp %sub3A_274 : vector<16xf32>
      %add3A_276 = arith.addf %add3A_273, %exp3A_275 : vector<16xf32>
      %sub3A_277 = arith.subf %get3A_129, %max3A_228 : vector<16xf32>
      %exp3A_278 = math.exp %sub3A_277 : vector<16xf32>
      %add3A_279 = arith.addf %add3A_276, %exp3A_278 : vector<16xf32>
      %sub3A_280 = arith.subf %get3A_136, %max3A_228 : vector<16xf32>
      %exp3A_281 = math.exp %sub3A_280 : vector<16xf32>
      %add3A_282 = arith.addf %add3A_279, %exp3A_281 : vector<16xf32>
      %sub3A_283 = arith.subf %get3A_143, %max3A_228 : vector<16xf32>
      %exp3A_284 = math.exp %sub3A_283 : vector<16xf32>
      %add3A_285 = arith.addf %add3A_282, %exp3A_284 : vector<16xf32>
      %sub3A_286 = arith.subf %get3A_150, %max3A_228 : vector<16xf32>
      %exp3A_287 = math.exp %sub3A_286 : vector<16xf32>
      %add3A_288 = arith.addf %add3A_285, %exp3A_287 : vector<16xf32>
      %sub3A_289 = arith.subf %get3A_157, %max3A_228 : vector<16xf32>
      %exp3A_290 = math.exp %sub3A_289 : vector<16xf32>
      %add3A_291 = arith.addf %add3A_288, %exp3A_290 : vector<16xf32>
      %sub3A_292 = arith.subf %get3A_164, %max3A_228 : vector<16xf32>
      %exp3A_293 = math.exp %sub3A_292 : vector<16xf32>
      %add3A_294 = arith.addf %add3A_291, %exp3A_293 : vector<16xf32>
      %sub3A_295 = arith.subf %get3A_171, %max3A_228 : vector<16xf32>
      %exp3A_296 = math.exp %sub3A_295 : vector<16xf32>
      %add3A_297 = arith.addf %add3A_294, %exp3A_296 : vector<16xf32>
      %sub3A_298 = arith.subf %get3A_178, %max3A_228 : vector<16xf32>
      %exp3A_299 = math.exp %sub3A_298 : vector<16xf32>
      %add3A_300 = arith.addf %add3A_297, %exp3A_299 : vector<16xf32>
      %sub3A_301 = arith.subf %get3A_185, %max3A_228 : vector<16xf32>
      %exp3A_302 = math.exp %sub3A_301 : vector<16xf32>
      %add3A_303 = arith.addf %add3A_300, %exp3A_302 : vector<16xf32>
      %sub3A_304 = arith.subf %get3A_192, %max3A_228 : vector<16xf32>
      %exp3A_305 = math.exp %sub3A_304 : vector<16xf32>
      %add3A_306 = arith.addf %add3A_303, %exp3A_305 : vector<16xf32>
      %sub3A_307 = arith.subf %get3A_199, %max3A_228 : vector<16xf32>
      %exp3A_308 = math.exp %sub3A_307 : vector<16xf32>
      %add3A_309 = arith.addf %add3A_306, %exp3A_308 : vector<16xf32>
      %sub3A_310 = arith.subf %get3A_206, %max3A_228 : vector<16xf32>
      %exp3A_311 = math.exp %sub3A_310 : vector<16xf32>
      %add3A_312 = arith.addf %add3A_309, %exp3A_311 : vector<16xf32>
      %sub3A_313 = arith.subf %get3A_213, %max3A_228 : vector<16xf32>
      %exp3A_314 = math.exp %sub3A_313 : vector<16xf32>
      %add3A_315 = arith.addf %add3A_312, %exp3A_314 : vector<16xf32>
      %sub3A_316 = arith.subf %get3A_220, %max3A_228 : vector<16xf32>
      %exp3A_317 = math.exp %sub3A_316 : vector<16xf32>
      %add3A_318 = arith.addf %add3A_315, %exp3A_317 : vector<16xf32>
      %sub3A_319 = arith.subf %get3A_227, %max3A_228 : vector<16xf32>
      %exp3A_320 = math.exp %sub3A_319 : vector<16xf32>
      %add3A_321 = arith.addf %add3A_318, %exp3A_320 : vector<16xf32>
      %div3A = arith.constant 1.000000e+00 : f32
      %div3A_322 = vector.broadcast %div3A : f32 to vector<16xf32>
      %div3A_323 = arith.divf %div3A_322, %add3A_321 : vector<16xf32>
      %mul3A_324 = arith.mulf %exp3A, %div3A_323 : vector<16xf32>
      %get3A_325 = arith.constant 1 : i32
      %get3A_326 = arith.index_cast %get3A_325 : i32 to index
      %get3A_327 = arith.constant 0 : index
      %get3A_328 = tpu.vector_load %arg7[%get3A_326, %get3A_327] {strides = array<i32>} : memref<32x16xf32, #tpu.memory_space<vmem>>, vector<16xf32>,
      %add3A_329 = arith.addf %mul3A_324, %get3A_328 : vector<16xf32>
      %mul3A_330 = arith.mulf %exp3A_233, %div3A_323 : vector<16xf32>
      %get3A_331 = arith.constant 2 : i32
      %get3A_332 = arith.index_cast %get3A_331 : i32 to index
      %get3A_333 = arith.constant 0 : index
      %get3A_334 = tpu.vector_load %arg7[%get3A_332, %get3A_333] {strides = array<i32>} : memref<32x16xf32, #tpu.memory_space<vmem>>, vector<16xf32>,
      %add3A_335 = arith.addf %mul3A_330, %get3A_334 : vector<16xf32>
      %mul3A_336 = arith.mulf %exp3A_236, %div3A_323 : vector<16xf32>
      %get3A_337 = arith.constant 3 : i32
      %get3A_338 = arith.index_cast %get3A_337 : i32 to index
      %get3A_339 = arith.constant 0 : index
      %get3A_340 = tpu.vector_load %arg7[%get3A_338, %get3A_339] {strides = array<i32>} : memref<32x16xf32, #tpu.memory_space<vmem>>, vector<16xf32>,
      %add3A_341 = arith.addf %mul3A_336, %get3A_340 : vector<16xf32>
      %mul3A_342 = arith.mulf %exp3A_239, %div3A_323 : vector<16xf32>
      %get3A_343 = arith.constant 4 : i32
      %get3A_344 = arith.index_cast %get3A_343 : i32 to index
      %get3A_345 = arith.constant 0 : index
      %get3A_346 = tpu.vector_load %arg7[%get3A_344, %get3A_345] {strides = array<i32>} : memref<32x16xf32, #tpu.memory_space<vmem>>, vector<16xf32>,
      %add3A_347 = arith.addf %mul3A_342, %get3A_346 : vector<16xf32>
      %mul3A_348 = arith.mulf %exp3A_242, %div3A_323 : vector<16xf32>
      %get3A_349 = arith.constant 5 : i32
      %get3A_350 = arith.index_cast %get3A_349 : i32 to index
      %get3A_351 = arith.constant 0 : index
      %get3A_352 = tpu.vector_load %arg7[%get3A_350, %get3A_351] {strides = array<i32>} : memref<32x16xf32, #tpu.memory_space<vmem>>, vector<16xf32>,
      %add3A_353 = arith.addf %mul3A_348, %get3A_352 : vector<16xf32>
      %mul3A_354 = arith.mulf %exp3A_245, %div3A_323 : vector<16xf32>
      %get3A_355 = arith.constant 6 : i32
      %get3A_356 = arith.index_cast %get3A_355 : i32 to index
      %get3A_357 = arith.constant 0 : index
      %get3A_358 = tpu.vector_load %arg7[%get3A_356, %get3A_357] {strides = array<i32>} : memref<32x16xf32, #tpu.memory_space<vmem>>, vector<16xf32>,
      %add3A_359 = arith.addf %mul3A_354, %get3A_358 : vector<16xf32>
      %mul3A_360 = arith.mulf %exp3A_248, %div3A_323 : vector<16xf32>
      %get3A_361 = arith.constant 7 : i32
      %get3A_362 = arith.index_cast %get3A_361 : i32 to index
      %get3A_363 = arith.constant 0 : index
      %get3A_364 = tpu.vector_load %arg7[%get3A_362, %get3A_363] {strides = array<i32>} : memref<32x16xf32, #tpu.memory_space<vmem>>, vector<16xf32>,
      %add3A_365 = arith.addf %mul3A_360, %get3A_364 : vector<16xf32>
      %mul3A_366 = arith.mulf %exp3A_251, %div3A_323 : vector<16xf32>
      %get3A_367 = arith.constant 8 : i32
      %get3A_368 = arith.index_cast %get3A_367 : i32 to index
      %get3A_369 = arith.constant 0 : index
      %get3A_370 = tpu.vector_load %arg7[%get3A_368, %get3A_369] {strides = array<i32>} : memref<32x16xf32, #tpu.memory_space<vmem>>, vector<16xf32>,
      %add3A_371 = arith.addf %mul3A_366, %get3A_370 : vector<16xf32>
      %mul3A_372 = arith.mulf %exp3A_254, %div3A_323 : vector<16xf32>
      %get3A_373 = arith.constant 9 : i32
      %get3A_374 = arith.index_cast %get3A_373 : i32 to index
      %get3A_375 = arith.constant 0 : index
      %get3A_376 = tpu.vector_load %arg7[%get3A_374, %get3A_375] {strides = array<i32>} : memref<32x16xf32, #tpu.memory_space<vmem>>, vector<16xf32>,
      %add3A_377 = arith.addf %mul3A_372, %get3A_376 : vector<16xf32>
      %mul3A_378 = arith.mulf %exp3A_257, %div3A_323 : vector<16xf32>
      %get3A_379 = arith.constant 10 : i32
      %get3A_380 = arith.index_cast %get3A_379 : i32 to index
      %get3A_381 = arith.constant 0 : index
      %get3A_382 = tpu.vector_load %arg7[%get3A_380, %get3A_381] {strides = array<i32>} : memref<32x16xf32, #tpu.memory_space<vmem>>, vector<16xf32>,
      %add3A_383 = arith.addf %mul3A_378, %get3A_382 : vector<16xf32>
      %mul3A_384 = arith.mulf %exp3A_260, %div3A_323 : vector<16xf32>
      %get3A_385 = arith.constant 11 : i32
      %get3A_386 = arith.index_cast %get3A_385 : i32 to index
      %get3A_387 = arith.constant 0 : index
      %get3A_388 = tpu.vector_load %arg7[%get3A_386, %get3A_387] {strides = array<i32>} : memref<32x16xf32, #tpu.memory_space<vmem>>, vector<16xf32>,
      %add3A_389 = arith.addf %mul3A_384, %get3A_388 : vector<16xf32>
      %mul3A_390 = arith.mulf %exp3A_263, %div3A_323 : vector<16xf32>
      %get3A_391 = arith.constant 12 : i32
      %get3A_392 = arith.index_cast %get3A_391 : i32 to index
      %get3A_393 = arith.constant 0 : index
      %get3A_394 = tpu.vector_load %arg7[%get3A_392, %get3A_393] {strides = array<i32>} : memref<32x16xf32, #tpu.memory_space<vmem>>, vector<16xf32>,
      %add3A_395 = arith.addf %mul3A_390, %get3A_394 : vector<16xf32>
      %mul3A_396 = arith.mulf %exp3A_266, %div3A_323 : vector<16xf32>
      %get3A_397 = arith.constant 13 : i32
      %get3A_398 = arith.index_cast %get3A_397 : i32 to index
      %get3A_399 = arith.constant 0 : index
      %get3A_400 = tpu.vector_load %arg7[%get3A_398, %get3A_399] {strides = array<i32>} : memref<32x16xf32, #tpu.memory_space<vmem>>, vector<16xf32>,
      %add3A_401 = arith.addf %mul3A_396, %get3A_400 : vector<16xf32>
      %mul3A_402 = arith.mulf %exp3A_269, %div3A_323 : vector<16xf32>
      %get3A_403 = arith.constant 14 : i32
      %get3A_404 = arith.index_cast %get3A_403 : i32 to index
      %get3A_405 = arith.constant 0 : index
      %get3A_406 = tpu.vector_load %arg7[%get3A_404, %get3A_405] {strides = array<i32>} : memref<32x16xf32, #tpu.memory_space<vmem>>, vector<16xf32>,
      %add3A_407 = arith.addf %mul3A_402, %get3A_406 : vector<16xf32>
      %mul3A_408 = arith.mulf %exp3A_272, %div3A_323 : vector<16xf32>
      %get3A_409 = arith.constant 15 : i32
      %get3A_410 = arith.index_cast %get3A_409 : i32 to index
      %get3A_411 = arith.constant 0 : index
      %get3A_412 = tpu.vector_load %arg7[%get3A_410, %get3A_411] {strides = array<i32>} : memref<32x16xf32, #tpu.memory_space<vmem>>, vector<16xf32>,
      %add3A_413 = arith.addf %mul3A_408, %get3A_412 : vector<16xf32>
      %mul3A_414 = arith.mulf %exp3A_275, %div3A_323 : vector<16xf32>
      %get3A_415 = arith.constant 16 : i32
      %get3A_416 = arith.index_cast %get3A_415 : i32 to index
      %get3A_417 = arith.constant 0 : index
      %get3A_418 = tpu.vector_load %arg7[%get3A_416, %get3A_417] {strides = array<i32>} : memref<32x16xf32, #tpu.memory_space<vmem>>, vector<16xf32>,
      %add3A_419 = arith.addf %mul3A_414, %get3A_418 : vector<16xf32>
      %mul3A_420 = arith.mulf %exp3A_278, %div3A_323 : vector<16xf32>
      %get3A_421 = arith.constant 17 : i32
      %get3A_422 = arith.index_cast %get3A_421 : i32 to index
      %get3A_423 = arith.constant 0 : index
      %get3A_424 = tpu.vector_load %arg7[%get3A_422, %get3A_423] {strides = array<i32>} : memref<32x16xf32, #tpu.memory_space<vmem>>, vector<16xf32>,
      %add3A_425 = arith.addf %mul3A_420, %get3A_424 : vector<16xf32>
      %mul3A_426 = arith.mulf %exp3A_281, %div3A_323 : vector<16xf32>
      %get3A_427 = arith.constant 18 : i32
      %get3A_428 = arith.index_cast %get3A_427 : i32 to index
      %get3A_429 = arith.constant 0 : index
      %get3A_430 = tpu.vector_load %arg7[%get3A_428, %get3A_429] {strides = array<i32>} : memref<32x16xf32, #tpu.memory_space<vmem>>, vector<16xf32>,
      %add3A_431 = arith.addf %mul3A_426, %get3A_430 : vector<16xf32>
      %mul3A_432 = arith.mulf %exp3A_284, %div3A_323 : vector<16xf32>
      %get3A_433 = arith.constant 19 : i32
      %get3A_434 = arith.index_cast %get3A_433 : i32 to index
      %get3A_435 = arith.constant 0 : index
      %get3A_436 = tpu.vector_load %arg7[%get3A_434, %get3A_435] {strides = array<i32>} : memref<32x16xf32, #tpu.memory_space<vmem>>, vector<16xf32>,
      %add3A_437 = arith.addf %mul3A_432, %get3A_436 : vector<16xf32>
      %mul3A_438 = arith.mulf %exp3A_287, %div3A_323 : vector<16xf32>
      %get3A_439 = arith.constant 20 : i32
      %get3A_440 = arith.index_cast %get3A_439 : i32 to index
      %get3A_441 = arith.constant 0 : index
      %get3A_442 = tpu.vector_load %arg7[%get3A_440, %get3A_441] {strides = array<i32>} : memref<32x16xf32, #tpu.memory_space<vmem>>, vector<16xf32>,
      %add3A_443 = arith.addf %mul3A_438, %get3A_442 : vector<16xf32>
      %mul3A_444 = arith.mulf %exp3A_290, %div3A_323 : vector<16xf32>
      %get3A_445 = arith.constant 21 : i32
      %get3A_446 = arith.index_cast %get3A_445 : i32 to index
      %get3A_447 = arith.constant 0 : index
      %get3A_448 = tpu.vector_load %arg7[%get3A_446, %get3A_447] {strides = array<i32>} : memref<32x16xf32, #tpu.memory_space<vmem>>, vector<16xf32>,
      %add3A_449 = arith.addf %mul3A_444, %get3A_448 : vector<16xf32>
      %mul3A_450 = arith.mulf %exp3A_293, %div3A_323 : vector<16xf32>
      %get3A_451 = arith.constant 22 : i32
      %get3A_452 = arith.index_cast %get3A_451 : i32 to index
      %get3A_453 = arith.constant 0 : index
      %get3A_454 = tpu.vector_load %arg7[%get3A_452, %get3A_453] {strides = array<i32>} : memref<32x16xf32, #tpu.memory_space<vmem>>, vector<16xf32>,
      %add3A_455 = arith.addf %mul3A_450, %get3A_454 : vector<16xf32>
      %mul3A_456 = arith.mulf %exp3A_296, %div3A_323 : vector<16xf32>
      %get3A_457 = arith.constant 23 : i32
      %get3A_458 = arith.index_cast %get3A_457 : i32 to index
      %get3A_459 = arith.constant 0 : index
      %get3A_460 = tpu.vector_load %arg7[%get3A_458, %get3A_459] {strides = array<i32>} : memref<32x16xf32, #tpu.memory_space<vmem>>, vector<16xf32>,
      %add3A_461 = arith.addf %mul3A_456, %get3A_460 : vector<16xf32>
      %mul3A_462 = arith.mulf %exp3A_299, %div3A_323 : vector<16xf32>
      %get3A_463 = arith.constant 24 : i32
      %get3A_464 = arith.index_cast %get3A_463 : i32 to index
      %get3A_465 = arith.constant 0 : index
      %get3A_466 = tpu.vector_load %arg7[%get3A_464, %get3A_465] {strides = array<i32>} : memref<32x16xf32, #tpu.memory_space<vmem>>, vector<16xf32>,
      %add3A_467 = arith.addf %mul3A_462, %get3A_466 : vector<16xf32>
      %mul3A_468 = arith.mulf %exp3A_302, %div3A_323 : vector<16xf32>
      %get3A_469 = arith.constant 25 : i32
      %get3A_470 = arith.index_cast %get3A_469 : i32 to index
      %get3A_471 = arith.constant 0 : index
      %get3A_472 = tpu.vector_load %arg7[%get3A_470, %get3A_471] {strides = array<i32>} : memref<32x16xf32, #tpu.memory_space<vmem>>, vector<16xf32>,
      %add3A_473 = arith.addf %mul3A_468, %get3A_472 : vector<16xf32>
      %mul3A_474 = arith.mulf %exp3A_305, %div3A_323 : vector<16xf32>
      %get3A_475 = arith.constant 26 : i32
      %get3A_476 = arith.index_cast %get3A_475 : i32 to index
      %get3A_477 = arith.constant 0 : index
      %get3A_478 = tpu.vector_load %arg7[%get3A_476, %get3A_477] {strides = array<i32>} : memref<32x16xf32, #tpu.memory_space<vmem>>, vector<16xf32>,
      %add3A_479 = arith.addf %mul3A_474, %get3A_478 : vector<16xf32>
      %mul3A_480 = arith.mulf %exp3A_308, %div3A_323 : vector<16xf32>
      %get3A_481 = arith.constant 27 : i32
      %get3A_482 = arith.index_cast %get3A_481 : i32 to index
      %get3A_483 = arith.constant 0 : index
      %get3A_484 = tpu.vector_load %arg7[%get3A_482, %get3A_483] {strides = array<i32>} : memref<32x16xf32, #tpu.memory_space<vmem>>, vector<16xf32>,
      %add3A_485 = arith.addf %mul3A_480, %get3A_484 : vector<16xf32>
      %mul3A_486 = arith.mulf %exp3A_311, %div3A_323 : vector<16xf32>
      %get3A_487 = arith.constant 28 : i32
      %get3A_488 = arith.index_cast %get3A_487 : i32 to index
      %get3A_489 = arith.constant 0 : index
      %get3A_490 = tpu.vector_load %arg7[%get3A_488, %get3A_489] {strides = array<i32>} : memref<32x16xf32, #tpu.memory_space<vmem>>, vector<16xf32>,
      %add3A_491 = arith.addf %mul3A_486, %get3A_490 : vector<16xf32>
      %mul3A_492 = arith.mulf %exp3A_314, %div3A_323 : vector<16xf32>
      %get3A_493 = arith.constant 29 : i32
      %get3A_494 = arith.index_cast %get3A_493 : i32 to index
      %get3A_495 = arith.constant 0 : index
      %get3A_496 = tpu.vector_load %arg7[%get3A_494, %get3A_495] {strides = array<i32>} : memref<32x16xf32, #tpu.memory_space<vmem>>, vector<16xf32>,
      %add3A_497 = arith.addf %mul3A_492, %get3A_496 : vector<16xf32>
      %mul3A_498 = arith.mulf %exp3A_317, %div3A_323 : vector<16xf32>
      %get3A_499 = arith.constant 30 : i32
      %get3A_500 = arith.index_cast %get3A_499 : i32 to index
      %get3A_501 = arith.constant 0 : index
      %get3A_502 = tpu.vector_load %arg7[%get3A_500, %get3A_501] {strides = array<i32>} : memref<32x16xf32, #tpu.memory_space<vmem>>, vector<16xf32>,
      %add3A_503 = arith.addf %mul3A_498, %get3A_502 : vector<16xf32>
      %mul3A_504 = arith.mulf %exp3A_320, %div3A_323 : vector<16xf32>
      %get3A_505 = arith.constant 31 : i32
      %get3A_506 = arith.index_cast %get3A_505 : i32 to index
      %get3A_507 = arith.constant 0 : index
      %get3A_508 = tpu.vector_load %arg7[%get3A_506, %get3A_507] {strides = array<i32>} : memref<32x16xf32, #tpu.memory_space<vmem>>, vector<16xf32>,
      %add3A_509 = arith.addf %mul3A_504, %get3A_508 : vector<16xf32>
      %broadcast_in_dim3A_510 = arith.constant 0.000000e+00 : f32
      %broadcast_in_dim3A_511 = vector.broadcast %broadcast_in_dim3A_510 : f32 to vector<16xf32>
      %broadcast_in_dim3A_512 = arith.constant -1.000000e+30 : f32
      %broadcast_in_dim3A_513 = vector.broadcast %broadcast_in_dim3A_512 : f32 to vector<16xf32>
      %broadcast_in_dim3A_514 = arith.constant 0 : i32
      %broadcast_in_dim3A_515 = vector.broadcast %broadcast_in_dim3A_514 : i32 to vector<16xi32>
      %gt3A = arith.cmpf ogt, %add3A_329, %broadcast_in_dim3A_513 : vector<16xf32>
      %select_n3A = arith.select %gt3A, %add3A_329, %broadcast_in_dim3A_513 : vector<16xi1>, vector<16xf32>
      %broadcast_in_dim3A_516 = arith.constant 1 : i32
      %broadcast_in_dim3A_517 = vector.broadcast %broadcast_in_dim3A_516 : i32 to vector<16xi32>
      %select_n3A_518 = arith.select %gt3A, %broadcast_in_dim3A_517, %broadcast_in_dim3A_515 : vector<16xi1>, vector<16xi32>
      %gt3A_519 = arith.cmpf ogt, %add3A_335, %select_n3A : vector<16xf32>
      %select_n3A_520 = arith.select %gt3A_519, %add3A_335, %select_n3A : vector<16xi1>, vector<16xf32>
      %broadcast_in_dim3A_521 = arith.constant 2 : i32
      %broadcast_in_dim3A_522 = vector.broadcast %broadcast_in_dim3A_521 : i32 to vector<16xi32>
      %select_n3A_523 = arith.select %gt3A_519, %broadcast_in_dim3A_522, %select_n3A_518 : vector<16xi1>, vector<16xi32>
      %gt3A_524 = arith.cmpf ogt, %add3A_341, %select_n3A_520 : vector<16xf32>
      %select_n3A_525 = arith.select %gt3A_524, %add3A_341, %select_n3A_520 : vector<16xi1>, vector<16xf32>
      %broadcast_in_dim3A_526 = arith.constant 3 : i32
      %broadcast_in_dim3A_527 = vector.broadcast %broadcast_in_dim3A_526 : i32 to vector<16xi32>
      %select_n3A_528 = arith.select %gt3A_524, %broadcast_in_dim3A_527, %select_n3A_523 : vector<16xi1>, vector<16xi32>
      %gt3A_529 = arith.cmpf ogt, %add3A_347, %select_n3A_525 : vector<16xf32>
      %select_n3A_530 = arith.select %gt3A_529, %add3A_347, %select_n3A_525 : vector<16xi1>, vector<16xf32>
      %broadcast_in_dim3A_531 = arith.constant 4 : i32
      %broadcast_in_dim3A_532 = vector.broadcast %broadcast_in_dim3A_531 : i32 to vector<16xi32>
      %select_n3A_533 = arith.select %gt3A_529, %broadcast_in_dim3A_532, %select_n3A_528 : vector<16xi1>, vector<16xi32>
      %gt3A_534 = arith.cmpf ogt, %add3A_353, %select_n3A_530 : vector<16xf32>
      %select_n3A_535 = arith.select %gt3A_534, %add3A_353, %select_n3A_530 : vector<16xi1>, vector<16xf32>
      %broadcast_in_dim3A_536 = arith.constant 5 : i32
      %broadcast_in_dim3A_537 = vector.broadcast %broadcast_in_dim3A_536 : i32 to vector<16xi32>
      %select_n3A_538 = arith.select %gt3A_534, %broadcast_in_dim3A_537, %select_n3A_533 : vector<16xi1>, vector<16xi32>
      %gt3A_539 = arith.cmpf ogt, %add3A_359, %select_n3A_535 : vector<16xf32>
      %select_n3A_540 = arith.select %gt3A_539, %add3A_359, %select_n3A_535 : vector<16xi1>, vector<16xf32>
      %broadcast_in_dim3A_541 = arith.constant 6 : i32
      %broadcast_in_dim3A_542 = vector.broadcast %broadcast_in_dim3A_541 : i32 to vector<16xi32>
      %select_n3A_543 = arith.select %gt3A_539, %broadcast_in_dim3A_542, %select_n3A_538 : vector<16xi1>, vector<16xi32>
      %gt3A_544 = arith.cmpf ogt, %add3A_365, %select_n3A_540 : vector<16xf32>
      %select_n3A_545 = arith.select %gt3A_544, %add3A_365, %select_n3A_540 : vector<16xi1>, vector<16xf32>
      %broadcast_in_dim3A_546 = arith.constant 7 : i32
      %broadcast_in_dim3A_547 = vector.broadcast %broadcast_in_dim3A_546 : i32 to vector<16xi32>
      %select_n3A_548 = arith.select %gt3A_544, %broadcast_in_dim3A_547, %select_n3A_543 : vector<16xi1>, vector<16xi32>
      %gt3A_549 = arith.cmpf ogt, %add3A_371, %select_n3A_545 : vector<16xf32>
      %select_n3A_550 = arith.select %gt3A_549, %add3A_371, %select_n3A_545 : vector<16xi1>, vector<16xf32>
      %broadcast_in_dim3A_551 = arith.constant 8 : i32
      %broadcast_in_dim3A_552 = vector.broadcast %broadcast_in_dim3A_551 : i32 to vector<16xi32>
      %select_n3A_553 = arith.select %gt3A_549, %broadcast_in_dim3A_552, %select_n3A_548 : vector<16xi1>, vector<16xi32>
      %gt3A_554 = arith.cmpf ogt, %add3A_377, %select_n3A_550 : vector<16xf32>
      %select_n3A_555 = arith.select %gt3A_554, %add3A_377, %select_n3A_550 : vector<16xi1>, vector<16xf32>
      %broadcast_in_dim3A_556 = arith.constant 9 : i32
      %broadcast_in_dim3A_557 = vector.broadcast %broadcast_in_dim3A_556 : i32 to vector<16xi32>
      %select_n3A_558 = arith.select %gt3A_554, %broadcast_in_dim3A_557, %select_n3A_553 : vector<16xi1>, vector<16xi32>
      %gt3A_559 = arith.cmpf ogt, %add3A_383, %select_n3A_555 : vector<16xf32>
      %select_n3A_560 = arith.select %gt3A_559, %add3A_383, %select_n3A_555 : vector<16xi1>, vector<16xf32>
      %broadcast_in_dim3A_561 = arith.constant 10 : i32
      %broadcast_in_dim3A_562 = vector.broadcast %broadcast_in_dim3A_561 : i32 to vector<16xi32>
      %select_n3A_563 = arith.select %gt3A_559, %broadcast_in_dim3A_562, %select_n3A_558 : vector<16xi1>, vector<16xi32>
      %gt3A_564 = arith.cmpf ogt, %add3A_389, %select_n3A_560 : vector<16xf32>
      %select_n3A_565 = arith.select %gt3A_564, %add3A_389, %select_n3A_560 : vector<16xi1>, vector<16xf32>
      %broadcast_in_dim3A_566 = arith.constant 11 : i32
      %broadcast_in_dim3A_567 = vector.broadcast %broadcast_in_dim3A_566 : i32 to vector<16xi32>
      %select_n3A_568 = arith.select %gt3A_564, %broadcast_in_dim3A_567, %select_n3A_563 : vector<16xi1>, vector<16xi32>
      %gt3A_569 = arith.cmpf ogt, %add3A_395, %select_n3A_565 : vector<16xf32>
      %select_n3A_570 = arith.select %gt3A_569, %add3A_395, %select_n3A_565 : vector<16xi1>, vector<16xf32>
      %broadcast_in_dim3A_571 = arith.constant 12 : i32
      %broadcast_in_dim3A_572 = vector.broadcast %broadcast_in_dim3A_571 : i32 to vector<16xi32>
      %select_n3A_573 = arith.select %gt3A_569, %broadcast_in_dim3A_572, %select_n3A_568 : vector<16xi1>, vector<16xi32>
      %gt3A_574 = arith.cmpf ogt, %add3A_401, %select_n3A_570 : vector<16xf32>
      %select_n3A_575 = arith.select %gt3A_574, %add3A_401, %select_n3A_570 : vector<16xi1>, vector<16xf32>
      %broadcast_in_dim3A_576 = arith.constant 13 : i32
      %broadcast_in_dim3A_577 = vector.broadcast %broadcast_in_dim3A_576 : i32 to vector<16xi32>
      %select_n3A_578 = arith.select %gt3A_574, %broadcast_in_dim3A_577, %select_n3A_573 : vector<16xi1>, vector<16xi32>
      %gt3A_579 = arith.cmpf ogt, %add3A_407, %select_n3A_575 : vector<16xf32>
      %select_n3A_580 = arith.select %gt3A_579, %add3A_407, %select_n3A_575 : vector<16xi1>, vector<16xf32>
      %broadcast_in_dim3A_581 = arith.constant 14 : i32
      %broadcast_in_dim3A_582 = vector.broadcast %broadcast_in_dim3A_581 : i32 to vector<16xi32>
      %select_n3A_583 = arith.select %gt3A_579, %broadcast_in_dim3A_582, %select_n3A_578 : vector<16xi1>, vector<16xi32>
      %gt3A_584 = arith.cmpf ogt, %add3A_413, %select_n3A_580 : vector<16xf32>
      %select_n3A_585 = arith.select %gt3A_584, %add3A_413, %select_n3A_580 : vector<16xi1>, vector<16xf32>
      %broadcast_in_dim3A_586 = arith.constant 15 : i32
      %broadcast_in_dim3A_587 = vector.broadcast %broadcast_in_dim3A_586 : i32 to vector<16xi32>
      %select_n3A_588 = arith.select %gt3A_584, %broadcast_in_dim3A_587, %select_n3A_583 : vector<16xi1>, vector<16xi32>
      %gt3A_589 = arith.cmpf ogt, %add3A_419, %select_n3A_585 : vector<16xf32>
      %select_n3A_590 = arith.select %gt3A_589, %add3A_419, %select_n3A_585 : vector<16xi1>, vector<16xf32>
      %broadcast_in_dim3A_591 = arith.constant 16 : i32
      %broadcast_in_dim3A_592 = vector.broadcast %broadcast_in_dim3A_591 : i32 to vector<16xi32>
      %select_n3A_593 = arith.select %gt3A_589, %broadcast_in_dim3A_592, %select_n3A_588 : vector<16xi1>, vector<16xi32>
      %gt3A_594 = arith.cmpf ogt, %add3A_425, %select_n3A_590 : vector<16xf32>
      %select_n3A_595 = arith.select %gt3A_594, %add3A_425, %select_n3A_590 : vector<16xi1>, vector<16xf32>
      %broadcast_in_dim3A_596 = arith.constant 17 : i32
      %broadcast_in_dim3A_597 = vector.broadcast %broadcast_in_dim3A_596 : i32 to vector<16xi32>
      %select_n3A_598 = arith.select %gt3A_594, %broadcast_in_dim3A_597, %select_n3A_593 : vector<16xi1>, vector<16xi32>
      %gt3A_599 = arith.cmpf ogt, %add3A_431, %select_n3A_595 : vector<16xf32>
      %select_n3A_600 = arith.select %gt3A_599, %add3A_431, %select_n3A_595 : vector<16xi1>, vector<16xf32>
      %broadcast_in_dim3A_601 = arith.constant 18 : i32
      %broadcast_in_dim3A_602 = vector.broadcast %broadcast_in_dim3A_601 : i32 to vector<16xi32>
      %select_n3A_603 = arith.select %gt3A_599, %broadcast_in_dim3A_602, %select_n3A_598 : vector<16xi1>, vector<16xi32>
      %gt3A_604 = arith.cmpf ogt, %add3A_437, %select_n3A_600 : vector<16xf32>
      %select_n3A_605 = arith.select %gt3A_604, %add3A_437, %select_n3A_600 : vector<16xi1>, vector<16xf32>
      %broadcast_in_dim3A_606 = arith.constant 19 : i32
      %broadcast_in_dim3A_607 = vector.broadcast %broadcast_in_dim3A_606 : i32 to vector<16xi32>
      %select_n3A_608 = arith.select %gt3A_604, %broadcast_in_dim3A_607, %select_n3A_603 : vector<16xi1>, vector<16xi32>
      %gt3A_609 = arith.cmpf ogt, %add3A_443, %select_n3A_605 : vector<16xf32>
      %select_n3A_610 = arith.select %gt3A_609, %add3A_443, %select_n3A_605 : vector<16xi1>, vector<16xf32>
      %broadcast_in_dim3A_611 = arith.constant 20 : i32
      %broadcast_in_dim3A_612 = vector.broadcast %broadcast_in_dim3A_611 : i32 to vector<16xi32>
      %select_n3A_613 = arith.select %gt3A_609, %broadcast_in_dim3A_612, %select_n3A_608 : vector<16xi1>, vector<16xi32>
      %gt3A_614 = arith.cmpf ogt, %add3A_449, %select_n3A_610 : vector<16xf32>
      %select_n3A_615 = arith.select %gt3A_614, %add3A_449, %select_n3A_610 : vector<16xi1>, vector<16xf32>
      %broadcast_in_dim3A_616 = arith.constant 21 : i32
      %broadcast_in_dim3A_617 = vector.broadcast %broadcast_in_dim3A_616 : i32 to vector<16xi32>
      %select_n3A_618 = arith.select %gt3A_614, %broadcast_in_dim3A_617, %select_n3A_613 : vector<16xi1>, vector<16xi32>
      %gt3A_619 = arith.cmpf ogt, %add3A_455, %select_n3A_615 : vector<16xf32>
      %select_n3A_620 = arith.select %gt3A_619, %add3A_455, %select_n3A_615 : vector<16xi1>, vector<16xf32>
      %broadcast_in_dim3A_621 = arith.constant 22 : i32
      %broadcast_in_dim3A_622 = vector.broadcast %broadcast_in_dim3A_621 : i32 to vector<16xi32>
      %select_n3A_623 = arith.select %gt3A_619, %broadcast_in_dim3A_622, %select_n3A_618 : vector<16xi1>, vector<16xi32>
      %gt3A_624 = arith.cmpf ogt, %add3A_461, %select_n3A_620 : vector<16xf32>
      %select_n3A_625 = arith.select %gt3A_624, %add3A_461, %select_n3A_620 : vector<16xi1>, vector<16xf32>
      %broadcast_in_dim3A_626 = arith.constant 23 : i32
      %broadcast_in_dim3A_627 = vector.broadcast %broadcast_in_dim3A_626 : i32 to vector<16xi32>
      %select_n3A_628 = arith.select %gt3A_624, %broadcast_in_dim3A_627, %select_n3A_623 : vector<16xi1>, vector<16xi32>
      %gt3A_629 = arith.cmpf ogt, %add3A_467, %select_n3A_625 : vector<16xf32>
      %select_n3A_630 = arith.select %gt3A_629, %add3A_467, %select_n3A_625 : vector<16xi1>, vector<16xf32>
      %broadcast_in_dim3A_631 = arith.constant 24 : i32
      %broadcast_in_dim3A_632 = vector.broadcast %broadcast_in_dim3A_631 : i32 to vector<16xi32>
      %select_n3A_633 = arith.select %gt3A_629, %broadcast_in_dim3A_632, %select_n3A_628 : vector<16xi1>, vector<16xi32>
      %gt3A_634 = arith.cmpf ogt, %add3A_473, %select_n3A_630 : vector<16xf32>
      %select_n3A_635 = arith.select %gt3A_634, %add3A_473, %select_n3A_630 : vector<16xi1>, vector<16xf32>
      %broadcast_in_dim3A_636 = arith.constant 25 : i32
      %broadcast_in_dim3A_637 = vector.broadcast %broadcast_in_dim3A_636 : i32 to vector<16xi32>
      %select_n3A_638 = arith.select %gt3A_634, %broadcast_in_dim3A_637, %select_n3A_633 : vector<16xi1>, vector<16xi32>
      %gt3A_639 = arith.cmpf ogt, %add3A_479, %select_n3A_635 : vector<16xf32>
      %select_n3A_640 = arith.select %gt3A_639, %add3A_479, %select_n3A_635 : vector<16xi1>, vector<16xf32>
      %broadcast_in_dim3A_641 = arith.constant 26 : i32
      %broadcast_in_dim3A_642 = vector.broadcast %broadcast_in_dim3A_641 : i32 to vector<16xi32>
      %select_n3A_643 = arith.select %gt3A_639, %broadcast_in_dim3A_642, %select_n3A_638 : vector<16xi1>, vector<16xi32>
      %gt3A_644 = arith.cmpf ogt, %add3A_485, %select_n3A_640 : vector<16xf32>
      %select_n3A_645 = arith.select %gt3A_644, %add3A_485, %select_n3A_640 : vector<16xi1>, vector<16xf32>
      %broadcast_in_dim3A_646 = arith.constant 27 : i32
      %broadcast_in_dim3A_647 = vector.broadcast %broadcast_in_dim3A_646 : i32 to vector<16xi32>
      %select_n3A_648 = arith.select %gt3A_644, %broadcast_in_dim3A_647, %select_n3A_643 : vector<16xi1>, vector<16xi32>
      %gt3A_649 = arith.cmpf ogt, %add3A_491, %select_n3A_645 : vector<16xf32>
      %select_n3A_650 = arith.select %gt3A_649, %add3A_491, %select_n3A_645 : vector<16xi1>, vector<16xf32>
      %broadcast_in_dim3A_651 = arith.constant 28 : i32
      %broadcast_in_dim3A_652 = vector.broadcast %broadcast_in_dim3A_651 : i32 to vector<16xi32>
      %select_n3A_653 = arith.select %gt3A_649, %broadcast_in_dim3A_652, %select_n3A_648 : vector<16xi1>, vector<16xi32>
      %gt3A_654 = arith.cmpf ogt, %add3A_497, %select_n3A_650 : vector<16xf32>
      %select_n3A_655 = arith.select %gt3A_654, %add3A_497, %select_n3A_650 : vector<16xi1>, vector<16xf32>
      %broadcast_in_dim3A_656 = arith.constant 29 : i32
      %broadcast_in_dim3A_657 = vector.broadcast %broadcast_in_dim3A_656 : i32 to vector<16xi32>
      %select_n3A_658 = arith.select %gt3A_654, %broadcast_in_dim3A_657, %select_n3A_653 : vector<16xi1>, vector<16xi32>
      %gt3A_659 = arith.cmpf ogt, %add3A_503, %select_n3A_655 : vector<16xf32>
      %select_n3A_660 = arith.select %gt3A_659, %add3A_503, %select_n3A_655 : vector<16xi1>, vector<16xf32>
      %broadcast_in_dim3A_661 = arith.constant 30 : i32
      %broadcast_in_dim3A_662 = vector.broadcast %broadcast_in_dim3A_661 : i32 to vector<16xi32>
      %select_n3A_663 = arith.select %gt3A_659, %broadcast_in_dim3A_662, %select_n3A_658 : vector<16xi1>, vector<16xi32>
      %gt3A_664 = arith.cmpf ogt, %add3A_509, %select_n3A_660 : vector<16xf32>
      %select_n3A_665 = arith.select %gt3A_664, %add3A_509, %select_n3A_660 : vector<16xi1>, vector<16xf32>
      %broadcast_in_dim3A_666 = arith.constant 31 : i32
      %broadcast_in_dim3A_667 = vector.broadcast %broadcast_in_dim3A_666 : i32 to vector<16xi32>
      %select_n3A_668 = arith.select %gt3A_664, %broadcast_in_dim3A_667, %select_n3A_663 : vector<16xi1>, vector<16xi32>
      %add3A_669 = arith.addf %broadcast_in_dim3A_511, %select_n3A_665 : vector<16xf32>
      %broadcast_in_dim3A_670 = arith.constant -1.000000e+30 : f32
      %broadcast_in_dim3A_671 = vector.broadcast %broadcast_in_dim3A_670 : f32 to vector<16xf32>
      %broadcast_in_dim3A_672 = arith.constant 0 : i32
      %broadcast_in_dim3A_673 = vector.broadcast %broadcast_in_dim3A_672 : i32 to vector<16xi32>
      %gt3A_674 = arith.cmpf ogt, %add3A_329, %broadcast_in_dim3A_671 : vector<16xf32>
      %ne3A = arith.constant 1 : i32
      %ne3A_675 = vector.broadcast %ne3A : i32 to vector<16xi32>
      %ne3A_676 = arith.cmpi ne, %select_n3A_668, %ne3A_675 : vector<16xi32>
      %and3A = arith.andi %gt3A_674, %ne3A_676 : vector<16xi1>
      %select_n3A_677 = arith.select %and3A, %add3A_329, %broadcast_in_dim3A_671 : vector<16xi1>, vector<16xf32>
      %broadcast_in_dim3A_678 = arith.constant 1 : i32
      %broadcast_in_dim3A_679 = vector.broadcast %broadcast_in_dim3A_678 : i32 to vector<16xi32>
      %select_n3A_680 = arith.select %and3A, %broadcast_in_dim3A_679, %broadcast_in_dim3A_673 : vector<16xi1>, vector<16xi32>
      %gt3A_681 = arith.cmpf ogt, %add3A_335, %select_n3A_677 : vector<16xf32>
      %ne3A_682 = arith.constant 2 : i32
      %ne3A_683 = vector.broadcast %ne3A_682 : i32 to vector<16xi32>
      %ne3A_684 = arith.cmpi ne, %select_n3A_668, %ne3A_683 : vector<16xi32>
      %and3A_685 = arith.andi %gt3A_681, %ne3A_684 : vector<16xi1>
      %select_n3A_686 = arith.select %and3A_685, %add3A_335, %select_n3A_677 : vector<16xi1>, vector<16xf32>
      %broadcast_in_dim3A_687 = arith.constant 2 : i32
      %broadcast_in_dim3A_688 = vector.broadcast %broadcast_in_dim3A_687 : i32 to vector<16xi32>
      %select_n3A_689 = arith.select %and3A_685, %broadcast_in_dim3A_688, %select_n3A_680 : vector<16xi1>, vector<16xi32>
      %gt3A_690 = arith.cmpf ogt, %add3A_341, %select_n3A_686 : vector<16xf32>
      %ne3A_691 = arith.constant 3 : i32
      %ne3A_692 = vector.broadcast %ne3A_691 : i32 to vector<16xi32>
      %ne3A_693 = arith.cmpi ne, %select_n3A_668, %ne3A_692 : vector<16xi32>
      %and3A_694 = arith.andi %gt3A_690, %ne3A_693 : vector<16xi1>
      %select_n3A_695 = arith.select %and3A_694, %add3A_341, %select_n3A_686 : vector<16xi1>, vector<16xf32>
      %broadcast_in_dim3A_696 = arith.constant 3 : i32
      %broadcast_in_dim3A_697 = vector.broadcast %broadcast_in_dim3A_696 : i32 to vector<16xi32>
      %select_n3A_698 = arith.select %and3A_694, %broadcast_in_dim3A_697, %select_n3A_689 : vector<16xi1>, vector<16xi32>
      %gt3A_699 = arith.cmpf ogt, %add3A_347, %select_n3A_695 : vector<16xf32>
      %ne3A_700 = arith.constant 4 : i32
      %ne3A_701 = vector.broadcast %ne3A_700 : i32 to vector<16xi32>
      %ne3A_702 = arith.cmpi ne, %select_n3A_668, %ne3A_701 : vector<16xi32>
      %and3A_703 = arith.andi %gt3A_699, %ne3A_702 : vector<16xi1>
      %select_n3A_704 = arith.select %and3A_703, %add3A_347, %select_n3A_695 : vector<16xi1>, vector<16xf32>
      %broadcast_in_dim3A_705 = arith.constant 4 : i32
      %broadcast_in_dim3A_706 = vector.broadcast %broadcast_in_dim3A_705 : i32 to vector<16xi32>
      %select_n3A_707 = arith.select %and3A_703, %broadcast_in_dim3A_706, %select_n3A_698 : vector<16xi1>, vector<16xi32>
      %gt3A_708 = arith.cmpf ogt, %add3A_353, %select_n3A_704 : vector<16xf32>
      %ne3A_709 = arith.constant 5 : i32
      %ne3A_710 = vector.broadcast %ne3A_709 : i32 to vector<16xi32>
      %ne3A_711 = arith.cmpi ne, %select_n3A_668, %ne3A_710 : vector<16xi32>
      %and3A_712 = arith.andi %gt3A_708, %ne3A_711 : vector<16xi1>
      %select_n3A_713 = arith.select %and3A_712, %add3A_353, %select_n3A_704 : vector<16xi1>, vector<16xf32>
      %broadcast_in_dim3A_714 = arith.constant 5 : i32
      %broadcast_in_dim3A_715 = vector.broadcast %broadcast_in_dim3A_714 : i32 to vector<16xi32>
      %select_n3A_716 = arith.select %and3A_712, %broadcast_in_dim3A_715, %select_n3A_707 : vector<16xi1>, vector<16xi32>
      %gt3A_717 = arith.cmpf ogt, %add3A_359, %select_n3A_713 : vector<16xf32>
      %ne3A_718 = arith.constant 6 : i32
      %ne3A_719 = vector.broadcast %ne3A_718 : i32 to vector<16xi32>
      %ne3A_720 = arith.cmpi ne, %select_n3A_668, %ne3A_719 : vector<16xi32>
      %and3A_721 = arith.andi %gt3A_717, %ne3A_720 : vector<16xi1>
      %select_n3A_722 = arith.select %and3A_721, %add3A_359, %select_n3A_713 : vector<16xi1>, vector<16xf32>
      %broadcast_in_dim3A_723 = arith.constant 6 : i32
      %broadcast_in_dim3A_724 = vector.broadcast %broadcast_in_dim3A_723 : i32 to vector<16xi32>
      %select_n3A_725 = arith.select %and3A_721, %broadcast_in_dim3A_724, %select_n3A_716 : vector<16xi1>, vector<16xi32>
      %gt3A_726 = arith.cmpf ogt, %add3A_365, %select_n3A_722 : vector<16xf32>
      %ne3A_727 = arith.constant 7 : i32
      %ne3A_728 = vector.broadcast %ne3A_727 : i32 to vector<16xi32>
      %ne3A_729 = arith.cmpi ne, %select_n3A_668, %ne3A_728 : vector<16xi32>
      %and3A_730 = arith.andi %gt3A_726, %ne3A_729 : vector<16xi1>
      %select_n3A_731 = arith.select %and3A_730, %add3A_365, %select_n3A_722 : vector<16xi1>, vector<16xf32>
      %broadcast_in_dim3A_732 = arith.constant 7 : i32
      %broadcast_in_dim3A_733 = vector.broadcast %broadcast_in_dim3A_732 : i32 to vector<16xi32>
      %select_n3A_734 = arith.select %and3A_730, %broadcast_in_dim3A_733, %select_n3A_725 : vector<16xi1>, vector<16xi32>
      %gt3A_735 = arith.cmpf ogt, %add3A_371, %select_n3A_731 : vector<16xf32>
      %ne3A_736 = arith.constant 8 : i32
      %ne3A_737 = vector.broadcast %ne3A_736 : i32 to vector<16xi32>
      %ne3A_738 = arith.cmpi ne, %select_n3A_668, %ne3A_737 : vector<16xi32>
      %and3A_739 = arith.andi %gt3A_735, %ne3A_738 : vector<16xi1>
      %select_n3A_740 = arith.select %and3A_739, %add3A_371, %select_n3A_731 : vector<16xi1>, vector<16xf32>
      %broadcast_in_dim3A_741 = arith.constant 8 : i32
      %broadcast_in_dim3A_742 = vector.broadcast %broadcast_in_dim3A_741 : i32 to vector<16xi32>
      %select_n3A_743 = arith.select %and3A_739, %broadcast_in_dim3A_742, %select_n3A_734 : vector<16xi1>, vector<16xi32>
      %gt3A_744 = arith.cmpf ogt, %add3A_377, %select_n3A_740 : vector<16xf32>
      %ne3A_745 = arith.constant 9 : i32
      %ne3A_746 = vector.broadcast %ne3A_745 : i32 to vector<16xi32>
      %ne3A_747 = arith.cmpi ne, %select_n3A_668, %ne3A_746 : vector<16xi32>
      %and3A_748 = arith.andi %gt3A_744, %ne3A_747 : vector<16xi1>
      %select_n3A_749 = arith.select %and3A_748, %add3A_377, %select_n3A_740 : vector<16xi1>, vector<16xf32>
      %broadcast_in_dim3A_750 = arith.constant 9 : i32
      %broadcast_in_dim3A_751 = vector.broadcast %broadcast_in_dim3A_750 : i32 to vector<16xi32>
      %select_n3A_752 = arith.select %and3A_748, %broadcast_in_dim3A_751, %select_n3A_743 : vector<16xi1>, vector<16xi32>
      %gt3A_753 = arith.cmpf ogt, %add3A_383, %select_n3A_749 : vector<16xf32>
      %ne3A_754 = arith.constant 10 : i32
      %ne3A_755 = vector.broadcast %ne3A_754 : i32 to vector<16xi32>
      %ne3A_756 = arith.cmpi ne, %select_n3A_668, %ne3A_755 : vector<16xi32>
      %and3A_757 = arith.andi %gt3A_753, %ne3A_756 : vector<16xi1>
      %select_n3A_758 = arith.select %and3A_757, %add3A_383, %select_n3A_749 : vector<16xi1>, vector<16xf32>
      %broadcast_in_dim3A_759 = arith.constant 10 : i32
      %broadcast_in_dim3A_760 = vector.broadcast %broadcast_in_dim3A_759 : i32 to vector<16xi32>
      %select_n3A_761 = arith.select %and3A_757, %broadcast_in_dim3A_760, %select_n3A_752 : vector<16xi1>, vector<16xi32>
      %gt3A_762 = arith.cmpf ogt, %add3A_389, %select_n3A_758 : vector<16xf32>
      %ne3A_763 = arith.constant 11 : i32
      %ne3A_764 = vector.broadcast %ne3A_763 : i32 to vector<16xi32>
      %ne3A_765 = arith.cmpi ne, %select_n3A_668, %ne3A_764 : vector<16xi32>
      %and3A_766 = arith.andi %gt3A_762, %ne3A_765 : vector<16xi1>
      %select_n3A_767 = arith.select %and3A_766, %add3A_389, %select_n3A_758 : vector<16xi1>, vector<16xf32>
      %broadcast_in_dim3A_768 = arith.constant 11 : i32
      %broadcast_in_dim3A_769 = vector.broadcast %broadcast_in_dim3A_768 : i32 to vector<16xi32>
      %select_n3A_770 = arith.select %and3A_766, %broadcast_in_dim3A_769, %select_n3A_761 : vector<16xi1>, vector<16xi32>
      %gt3A_771 = arith.cmpf ogt, %add3A_395, %select_n3A_767 : vector<16xf32>
      %ne3A_772 = arith.constant 12 : i32
      %ne3A_773 = vector.broadcast %ne3A_772 : i32 to vector<16xi32>
      %ne3A_774 = arith.cmpi ne, %select_n3A_668, %ne3A_773 : vector<16xi32>
      %and3A_775 = arith.andi %gt3A_771, %ne3A_774 : vector<16xi1>
      %select_n3A_776 = arith.select %and3A_775, %add3A_395, %select_n3A_767 : vector<16xi1>, vector<16xf32>
      %broadcast_in_dim3A_777 = arith.constant 12 : i32
      %broadcast_in_dim3A_778 = vector.broadcast %broadcast_in_dim3A_777 : i32 to vector<16xi32>
      %select_n3A_779 = arith.select %and3A_775, %broadcast_in_dim3A_778, %select_n3A_770 : vector<16xi1>, vector<16xi32>
      %gt3A_780 = arith.cmpf ogt, %add3A_401, %select_n3A_776 : vector<16xf32>
      %ne3A_781 = arith.constant 13 : i32
      %ne3A_782 = vector.broadcast %ne3A_781 : i32 to vector<16xi32>
      %ne3A_783 = arith.cmpi ne, %select_n3A_668, %ne3A_782 : vector<16xi32>
      %and3A_784 = arith.andi %gt3A_780, %ne3A_783 : vector<16xi1>
      %select_n3A_785 = arith.select %and3A_784, %add3A_401, %select_n3A_776 : vector<16xi1>, vector<16xf32>
      %broadcast_in_dim3A_786 = arith.constant 13 : i32
      %broadcast_in_dim3A_787 = vector.broadcast %broadcast_in_dim3A_786 : i32 to vector<16xi32>
      %select_n3A_788 = arith.select %and3A_784, %broadcast_in_dim3A_787, %select_n3A_779 : vector<16xi1>, vector<16xi32>
      %gt3A_789 = arith.cmpf ogt, %add3A_407, %select_n3A_785 : vector<16xf32>
      %ne3A_790 = arith.constant 14 : i32
      %ne3A_791 = vector.broadcast %ne3A_790 : i32 to vector<16xi32>
      %ne3A_792 = arith.cmpi ne, %select_n3A_668, %ne3A_791 : vector<16xi32>
      %and3A_793 = arith.andi %gt3A_789, %ne3A_792 : vector<16xi1>
      %select_n3A_794 = arith.select %and3A_793, %add3A_407, %select_n3A_785 : vector<16xi1>, vector<16xf32>
      %broadcast_in_dim3A_795 = arith.constant 14 : i32
      %broadcast_in_dim3A_796 = vector.broadcast %broadcast_in_dim3A_795 : i32 to vector<16xi32>
      %select_n3A_797 = arith.select %and3A_793, %broadcast_in_dim3A_796, %select_n3A_788 : vector<16xi1>, vector<16xi32>
      %gt3A_798 = arith.cmpf ogt, %add3A_413, %select_n3A_794 : vector<16xf32>
      %ne3A_799 = arith.constant 15 : i32
      %ne3A_800 = vector.broadcast %ne3A_799 : i32 to vector<16xi32>
      %ne3A_801 = arith.cmpi ne, %select_n3A_668, %ne3A_800 : vector<16xi32>
      %and3A_802 = arith.andi %gt3A_798, %ne3A_801 : vector<16xi1>
      %select_n3A_803 = arith.select %and3A_802, %add3A_413, %select_n3A_794 : vector<16xi1>, vector<16xf32>
      %broadcast_in_dim3A_804 = arith.constant 15 : i32
      %broadcast_in_dim3A_805 = vector.broadcast %broadcast_in_dim3A_804 : i32 to vector<16xi32>
      %select_n3A_806 = arith.select %and3A_802, %broadcast_in_dim3A_805, %select_n3A_797 : vector<16xi1>, vector<16xi32>
      %gt3A_807 = arith.cmpf ogt, %add3A_419, %select_n3A_803 : vector<16xf32>
      %ne3A_808 = arith.constant 16 : i32
      %ne3A_809 = vector.broadcast %ne3A_808 : i32 to vector<16xi32>
      %ne3A_810 = arith.cmpi ne, %select_n3A_668, %ne3A_809 : vector<16xi32>
      %and3A_811 = arith.andi %gt3A_807, %ne3A_810 : vector<16xi1>
      %select_n3A_812 = arith.select %and3A_811, %add3A_419, %select_n3A_803 : vector<16xi1>, vector<16xf32>
      %broadcast_in_dim3A_813 = arith.constant 16 : i32
      %broadcast_in_dim3A_814 = vector.broadcast %broadcast_in_dim3A_813 : i32 to vector<16xi32>
      %select_n3A_815 = arith.select %and3A_811, %broadcast_in_dim3A_814, %select_n3A_806 : vector<16xi1>, vector<16xi32>
      %gt3A_816 = arith.cmpf ogt, %add3A_425, %select_n3A_812 : vector<16xf32>
      %ne3A_817 = arith.constant 17 : i32
      %ne3A_818 = vector.broadcast %ne3A_817 : i32 to vector<16xi32>
      %ne3A_819 = arith.cmpi ne, %select_n3A_668, %ne3A_818 : vector<16xi32>
      %and3A_820 = arith.andi %gt3A_816, %ne3A_819 : vector<16xi1>
      %select_n3A_821 = arith.select %and3A_820, %add3A_425, %select_n3A_812 : vector<16xi1>, vector<16xf32>
      %broadcast_in_dim3A_822 = arith.constant 17 : i32
      %broadcast_in_dim3A_823 = vector.broadcast %broadcast_in_dim3A_822 : i32 to vector<16xi32>
      %select_n3A_824 = arith.select %and3A_820, %broadcast_in_dim3A_823, %select_n3A_815 : vector<16xi1>, vector<16xi32>
      %gt3A_825 = arith.cmpf ogt, %add3A_431, %select_n3A_821 : vector<16xf32>
      %ne3A_826 = arith.constant 18 : i32
      %ne3A_827 = vector.broadcast %ne3A_826 : i32 to vector<16xi32>
      %ne3A_828 = arith.cmpi ne, %select_n3A_668, %ne3A_827 : vector<16xi32>
      %and3A_829 = arith.andi %gt3A_825, %ne3A_828 : vector<16xi1>
      %select_n3A_830 = arith.select %and3A_829, %add3A_431, %select_n3A_821 : vector<16xi1>, vector<16xf32>
      %broadcast_in_dim3A_831 = arith.constant 18 : i32
      %broadcast_in_dim3A_832 = vector.broadcast %broadcast_in_dim3A_831 : i32 to vector<16xi32>
      %select_n3A_833 = arith.select %and3A_829, %broadcast_in_dim3A_832, %select_n3A_824 : vector<16xi1>, vector<16xi32>
      %gt3A_834 = arith.cmpf ogt, %add3A_437, %select_n3A_830 : vector<16xf32>
      %ne3A_835 = arith.constant 19 : i32
      %ne3A_836 = vector.broadcast %ne3A_835 : i32 to vector<16xi32>
      %ne3A_837 = arith.cmpi ne, %select_n3A_668, %ne3A_836 : vector<16xi32>
      %and3A_838 = arith.andi %gt3A_834, %ne3A_837 : vector<16xi1>
      %select_n3A_839 = arith.select %and3A_838, %add3A_437, %select_n3A_830 : vector<16xi1>, vector<16xf32>
      %broadcast_in_dim3A_840 = arith.constant 19 : i32
      %broadcast_in_dim3A_841 = vector.broadcast %broadcast_in_dim3A_840 : i32 to vector<16xi32>
      %select_n3A_842 = arith.select %and3A_838, %broadcast_in_dim3A_841, %select_n3A_833 : vector<16xi1>, vector<16xi32>
      %gt3A_843 = arith.cmpf ogt, %add3A_443, %select_n3A_839 : vector<16xf32>
      %ne3A_844 = arith.constant 20 : i32
      %ne3A_845 = vector.broadcast %ne3A_844 : i32 to vector<16xi32>
      %ne3A_846 = arith.cmpi ne, %select_n3A_668, %ne3A_845 : vector<16xi32>
      %and3A_847 = arith.andi %gt3A_843, %ne3A_846 : vector<16xi1>
      %select_n3A_848 = arith.select %and3A_847, %add3A_443, %select_n3A_839 : vector<16xi1>, vector<16xf32>
      %broadcast_in_dim3A_849 = arith.constant 20 : i32
      %broadcast_in_dim3A_850 = vector.broadcast %broadcast_in_dim3A_849 : i32 to vector<16xi32>
      %select_n3A_851 = arith.select %and3A_847, %broadcast_in_dim3A_850, %select_n3A_842 : vector<16xi1>, vector<16xi32>
      %gt3A_852 = arith.cmpf ogt, %add3A_449, %select_n3A_848 : vector<16xf32>
      %ne3A_853 = arith.constant 21 : i32
      %ne3A_854 = vector.broadcast %ne3A_853 : i32 to vector<16xi32>
      %ne3A_855 = arith.cmpi ne, %select_n3A_668, %ne3A_854 : vector<16xi32>
      %and3A_856 = arith.andi %gt3A_852, %ne3A_855 : vector<16xi1>
      %select_n3A_857 = arith.select %and3A_856, %add3A_449, %select_n3A_848 : vector<16xi1>, vector<16xf32>
      %broadcast_in_dim3A_858 = arith.constant 21 : i32
      %broadcast_in_dim3A_859 = vector.broadcast %broadcast_in_dim3A_858 : i32 to vector<16xi32>
      %select_n3A_860 = arith.select %and3A_856, %broadcast_in_dim3A_859, %select_n3A_851 : vector<16xi1>, vector<16xi32>
      %gt3A_861 = arith.cmpf ogt, %add3A_455, %select_n3A_857 : vector<16xf32>
      %ne3A_862 = arith.constant 22 : i32
      %ne3A_863 = vector.broadcast %ne3A_862 : i32 to vector<16xi32>
      %ne3A_864 = arith.cmpi ne, %select_n3A_668, %ne3A_863 : vector<16xi32>
      %and3A_865 = arith.andi %gt3A_861, %ne3A_864 : vector<16xi1>
      %select_n3A_866 = arith.select %and3A_865, %add3A_455, %select_n3A_857 : vector<16xi1>, vector<16xf32>
      %broadcast_in_dim3A_867 = arith.constant 22 : i32
      %broadcast_in_dim3A_868 = vector.broadcast %broadcast_in_dim3A_867 : i32 to vector<16xi32>
      %select_n3A_869 = arith.select %and3A_865, %broadcast_in_dim3A_868, %select_n3A_860 : vector<16xi1>, vector<16xi32>
      %gt3A_870 = arith.cmpf ogt, %add3A_461, %select_n3A_866 : vector<16xf32>
      %ne3A_871 = arith.constant 23 : i32
      %ne3A_872 = vector.broadcast %ne3A_871 : i32 to vector<16xi32>
      %ne3A_873 = arith.cmpi ne, %select_n3A_668, %ne3A_872 : vector<16xi32>
      %and3A_874 = arith.andi %gt3A_870, %ne3A_873 : vector<16xi1>
      %select_n3A_875 = arith.select %and3A_874, %add3A_461, %select_n3A_866 : vector<16xi1>, vector<16xf32>
      %broadcast_in_dim3A_876 = arith.constant 23 : i32
      %broadcast_in_dim3A_877 = vector.broadcast %broadcast_in_dim3A_876 : i32 to vector<16xi32>
      %select_n3A_878 = arith.select %and3A_874, %broadcast_in_dim3A_877, %select_n3A_869 : vector<16xi1>, vector<16xi32>
      %gt3A_879 = arith.cmpf ogt, %add3A_467, %select_n3A_875 : vector<16xf32>
      %ne3A_880 = arith.constant 24 : i32
      %ne3A_881 = vector.broadcast %ne3A_880 : i32 to vector<16xi32>
      %ne3A_882 = arith.cmpi ne, %select_n3A_668, %ne3A_881 : vector<16xi32>
      %and3A_883 = arith.andi %gt3A_879, %ne3A_882 : vector<16xi1>
      %select_n3A_884 = arith.select %and3A_883, %add3A_467, %select_n3A_875 : vector<16xi1>, vector<16xf32>
      %broadcast_in_dim3A_885 = arith.constant 24 : i32
      %broadcast_in_dim3A_886 = vector.broadcast %broadcast_in_dim3A_885 : i32 to vector<16xi32>
      %select_n3A_887 = arith.select %and3A_883, %broadcast_in_dim3A_886, %select_n3A_878 : vector<16xi1>, vector<16xi32>
      %gt3A_888 = arith.cmpf ogt, %add3A_473, %select_n3A_884 : vector<16xf32>
      %ne3A_889 = arith.constant 25 : i32
      %ne3A_890 = vector.broadcast %ne3A_889 : i32 to vector<16xi32>
      %ne3A_891 = arith.cmpi ne, %select_n3A_668, %ne3A_890 : vector<16xi32>
      %and3A_892 = arith.andi %gt3A_888, %ne3A_891 : vector<16xi1>
      %select_n3A_893 = arith.select %and3A_892, %add3A_473, %select_n3A_884 : vector<16xi1>, vector<16xf32>
      %broadcast_in_dim3A_894 = arith.constant 25 : i32
      %broadcast_in_dim3A_895 = vector.broadcast %broadcast_in_dim3A_894 : i32 to vector<16xi32>
      %select_n3A_896 = arith.select %and3A_892, %broadcast_in_dim3A_895, %select_n3A_887 : vector<16xi1>, vector<16xi32>
      %gt3A_897 = arith.cmpf ogt, %add3A_479, %select_n3A_893 : vector<16xf32>
      %ne3A_898 = arith.constant 26 : i32
      %ne3A_899 = vector.broadcast %ne3A_898 : i32 to vector<16xi32>
      %ne3A_900 = arith.cmpi ne, %select_n3A_668, %ne3A_899 : vector<16xi32>
      %and3A_901 = arith.andi %gt3A_897, %ne3A_900 : vector<16xi1>
      %select_n3A_902 = arith.select %and3A_901, %add3A_479, %select_n3A_893 : vector<16xi1>, vector<16xf32>
      %broadcast_in_dim3A_903 = arith.constant 26 : i32
      %broadcast_in_dim3A_904 = vector.broadcast %broadcast_in_dim3A_903 : i32 to vector<16xi32>
      %select_n3A_905 = arith.select %and3A_901, %broadcast_in_dim3A_904, %select_n3A_896 : vector<16xi1>, vector<16xi32>
      %gt3A_906 = arith.cmpf ogt, %add3A_485, %select_n3A_902 : vector<16xf32>
      %ne3A_907 = arith.constant 27 : i32
      %ne3A_908 = vector.broadcast %ne3A_907 : i32 to vector<16xi32>
      %ne3A_909 = arith.cmpi ne, %select_n3A_668, %ne3A_908 : vector<16xi32>
      %and3A_910 = arith.andi %gt3A_906, %ne3A_909 : vector<16xi1>
      %select_n3A_911 = arith.select %and3A_910, %add3A_485, %select_n3A_902 : vector<16xi1>, vector<16xf32>
      %broadcast_in_dim3A_912 = arith.constant 27 : i32
      %broadcast_in_dim3A_913 = vector.broadcast %broadcast_in_dim3A_912 : i32 to vector<16xi32>
      %select_n3A_914 = arith.select %and3A_910, %broadcast_in_dim3A_913, %select_n3A_905 : vector<16xi1>, vector<16xi32>
      %gt3A_915 = arith.cmpf ogt, %add3A_491, %select_n3A_911 : vector<16xf32>
      %ne3A_916 = arith.constant 28 : i32
      %ne3A_917 = vector.broadcast %ne3A_916 : i32 to vector<16xi32>
      %ne3A_918 = arith.cmpi ne, %select_n3A_668, %ne3A_917 : vector<16xi32>
      %and3A_919 = arith.andi %gt3A_915, %ne3A_918 : vector<16xi1>
      %select_n3A_920 = arith.select %and3A_919, %add3A_491, %select_n3A_911 : vector<16xi1>, vector<16xf32>
      %broadcast_in_dim3A_921 = arith.constant 28 : i32
      %broadcast_in_dim3A_922 = vector.broadcast %broadcast_in_dim3A_921 : i32 to vector<16xi32>
      %select_n3A_923 = arith.select %and3A_919, %broadcast_in_dim3A_922, %select_n3A_914 : vector<16xi1>, vector<16xi32>
      %gt3A_924 = arith.cmpf ogt, %add3A_497, %select_n3A_920 : vector<16xf32>
      %ne3A_925 = arith.constant 29 : i32
      %ne3A_926 = vector.broadcast %ne3A_925 : i32 to vector<16xi32>
      %ne3A_927 = arith.cmpi ne, %select_n3A_668, %ne3A_926 : vector<16xi32>
      %and3A_928 = arith.andi %gt3A_924, %ne3A_927 : vector<16xi1>
      %select_n3A_929 = arith.select %and3A_928, %add3A_497, %select_n3A_920 : vector<16xi1>, vector<16xf32>
      %broadcast_in_dim3A_930 = arith.constant 29 : i32
      %broadcast_in_dim3A_931 = vector.broadcast %broadcast_in_dim3A_930 : i32 to vector<16xi32>
      %select_n3A_932 = arith.select %and3A_928, %broadcast_in_dim3A_931, %select_n3A_923 : vector<16xi1>, vector<16xi32>
      %gt3A_933 = arith.cmpf ogt, %add3A_503, %select_n3A_929 : vector<16xf32>
      %ne3A_934 = arith.constant 30 : i32
      %ne3A_935 = vector.broadcast %ne3A_934 : i32 to vector<16xi32>
      %ne3A_936 = arith.cmpi ne, %select_n3A_668, %ne3A_935 : vector<16xi32>
      %and3A_937 = arith.andi %gt3A_933, %ne3A_936 : vector<16xi1>
      %select_n3A_938 = arith.select %and3A_937, %add3A_503, %select_n3A_929 : vector<16xi1>, vector<16xf32>
      %broadcast_in_dim3A_939 = arith.constant 30 : i32
      %broadcast_in_dim3A_940 = vector.broadcast %broadcast_in_dim3A_939 : i32 to vector<16xi32>
      %select_n3A_941 = arith.select %and3A_937, %broadcast_in_dim3A_940, %select_n3A_932 : vector<16xi1>, vector<16xi32>
      %gt3A_942 = arith.cmpf ogt, %add3A_509, %select_n3A_938 : vector<16xf32>
      %ne3A_943 = arith.constant 31 : i32
      %ne3A_944 = vector.broadcast %ne3A_943 : i32 to vector<16xi32>
      %ne3A_945 = arith.cmpi ne, %select_n3A_668, %ne3A_944 : vector<16xi32>
      %and3A_946 = arith.andi %gt3A_942, %ne3A_945 : vector<16xi1>
      %select_n3A_947 = arith.select %and3A_946, %add3A_509, %select_n3A_938 : vector<16xi1>, vector<16xf32>
      %broadcast_in_dim3A_948 = arith.constant 31 : i32
      %broadcast_in_dim3A_949 = vector.broadcast %broadcast_in_dim3A_948 : i32 to vector<16xi32>
      %select_n3A_950 = arith.select %and3A_946, %broadcast_in_dim3A_949, %select_n3A_941 : vector<16xi1>, vector<16xi32>
      %add3A_951 = arith.addf %add3A_669, %select_n3A_947 : vector<16xf32>
      %broadcast_in_dim3A_952 = arith.constant -1.000000e+30 : f32
      %broadcast_in_dim3A_953 = vector.broadcast %broadcast_in_dim3A_952 : f32 to vector<16xf32>
      %broadcast_in_dim3A_954 = arith.constant 0 : i32
      %broadcast_in_dim3A_955 = vector.broadcast %broadcast_in_dim3A_954 : i32 to vector<16xi32>
      %gt3A_956 = arith.cmpf ogt, %add3A_329, %broadcast_in_dim3A_953 : vector<16xf32>
      %ne3A_957 = arith.constant 1 : i32
      %ne3A_958 = vector.broadcast %ne3A_957 : i32 to vector<16xi32>
      %ne3A_959 = arith.cmpi ne, %select_n3A_668, %ne3A_958 : vector<16xi32>
      %and3A_960 = arith.andi %gt3A_956, %ne3A_959 : vector<16xi1>
      %ne3A_961 = arith.constant 1 : i32
      %ne3A_962 = vector.broadcast %ne3A_961 : i32 to vector<16xi32>
      %ne3A_963 = arith.cmpi ne, %select_n3A_950, %ne3A_962 : vector<16xi32>
      %and3A_964 = arith.andi %and3A_960, %ne3A_963 : vector<16xi1>
      %select_n3A_965 = arith.select %and3A_964, %add3A_329, %broadcast_in_dim3A_953 : vector<16xi1>, vector<16xf32>
      %broadcast_in_dim3A_966 = arith.constant 1 : i32
      %broadcast_in_dim3A_967 = vector.broadcast %broadcast_in_dim3A_966 : i32 to vector<16xi32>
      %select_n3A_968 = arith.select %and3A_964, %broadcast_in_dim3A_967, %broadcast_in_dim3A_955 : vector<16xi1>, vector<16xi32>
      %gt3A_969 = arith.cmpf ogt, %add3A_335, %select_n3A_965 : vector<16xf32>
      %ne3A_970 = arith.constant 2 : i32
      %ne3A_971 = vector.broadcast %ne3A_970 : i32 to vector<16xi32>
      %ne3A_972 = arith.cmpi ne, %select_n3A_668, %ne3A_971 : vector<16xi32>
      %and3A_973 = arith.andi %gt3A_969, %ne3A_972 : vector<16xi1>
      %ne3A_974 = arith.constant 2 : i32
      %ne3A_975 = vector.broadcast %ne3A_974 : i32 to vector<16xi32>
      %ne3A_976 = arith.cmpi ne, %select_n3A_950, %ne3A_975 : vector<16xi32>
      %and3A_977 = arith.andi %and3A_973, %ne3A_976 : vector<16xi1>
      %select_n3A_978 = arith.select %and3A_977, %add3A_335, %select_n3A_965 : vector<16xi1>, vector<16xf32>
      %broadcast_in_dim3A_979 = arith.constant 2 : i32
      %broadcast_in_dim3A_980 = vector.broadcast %broadcast_in_dim3A_979 : i32 to vector<16xi32>
      %select_n3A_981 = arith.select %and3A_977, %broadcast_in_dim3A_980, %select_n3A_968 : vector<16xi1>, vector<16xi32>
      %gt3A_982 = arith.cmpf ogt, %add3A_341, %select_n3A_978 : vector<16xf32>
      %ne3A_983 = arith.constant 3 : i32
      %ne3A_984 = vector.broadcast %ne3A_983 : i32 to vector<16xi32>
      %ne3A_985 = arith.cmpi ne, %select_n3A_668, %ne3A_984 : vector<16xi32>
      %and3A_986 = arith.andi %gt3A_982, %ne3A_985 : vector<16xi1>
      %ne3A_987 = arith.constant 3 : i32
      %ne3A_988 = vector.broadcast %ne3A_987 : i32 to vector<16xi32>
      %ne3A_989 = arith.cmpi ne, %select_n3A_950, %ne3A_988 : vector<16xi32>
      %and3A_990 = arith.andi %and3A_986, %ne3A_989 : vector<16xi1>
      %select_n3A_991 = arith.select %and3A_990, %add3A_341, %select_n3A_978 : vector<16xi1>, vector<16xf32>
      %broadcast_in_dim3A_992 = arith.constant 3 : i32
      %broadcast_in_dim3A_993 = vector.broadcast %broadcast_in_dim3A_992 : i32 to vector<16xi32>
      %select_n3A_994 = arith.select %and3A_990, %broadcast_in_dim3A_993, %select_n3A_981 : vector<16xi1>, vector<16xi32>
      %gt3A_995 = arith.cmpf ogt, %add3A_347, %select_n3A_991 : vector<16xf32>
      %ne3A_996 = arith.constant 4 : i32
      %ne3A_997 = vector.broadcast %ne3A_996 : i32 to vector<16xi32>
      %ne3A_998 = arith.cmpi ne, %select_n3A_668, %ne3A_997 : vector<16xi32>
      %and3A_999 = arith.andi %gt3A_995, %ne3A_998 : vector<16xi1>
      %ne3A_1000 = arith.constant 4 : i32
      %ne3A_1001 = vector.broadcast %ne3A_1000 : i32 to vector<16xi32>
      %ne3A_1002 = arith.cmpi ne, %select_n3A_950, %ne3A_1001 : vector<16xi32>
      %and3A_1003 = arith.andi %and3A_999, %ne3A_1002 : vector<16xi1>
      %select_n3A_1004 = arith.select %and3A_1003, %add3A_347, %select_n3A_991 : vector<16xi1>, vector<16xf32>
      %broadcast_in_dim3A_1005 = arith.constant 4 : i32
      %broadcast_in_dim3A_1006 = vector.broadcast %broadcast_in_dim3A_1005 : i32 to vector<16xi32>
      %select_n3A_1007 = arith.select %and3A_1003, %broadcast_in_dim3A_1006, %select_n3A_994 : vector<16xi1>, vector<16xi32>
      %gt3A_1008 = arith.cmpf ogt, %add3A_353, %select_n3A_1004 : vector<16xf32>
      %ne3A_1009 = arith.constant 5 : i32
      %ne3A_1010 = vector.broadcast %ne3A_1009 : i32 to vector<16xi32>
      %ne3A_1011 = arith.cmpi ne, %select_n3A_668, %ne3A_1010 : vector<16xi32>
      %and3A_1012 = arith.andi %gt3A_1008, %ne3A_1011 : vector<16xi1>
      %ne3A_1013 = arith.constant 5 : i32
      %ne3A_1014 = vector.broadcast %ne3A_1013 : i32 to vector<16xi32>
      %ne3A_1015 = arith.cmpi ne, %select_n3A_950, %ne3A_1014 : vector<16xi32>
      %and3A_1016 = arith.andi %and3A_1012, %ne3A_1015 : vector<16xi1>
      %select_n3A_1017 = arith.select %and3A_1016, %add3A_353, %select_n3A_1004 : vector<16xi1>, vector<16xf32>
      %broadcast_in_dim3A_1018 = arith.constant 5 : i32
      %broadcast_in_dim3A_1019 = vector.broadcast %broadcast_in_dim3A_1018 : i32 to vector<16xi32>
      %select_n3A_1020 = arith.select %and3A_1016, %broadcast_in_dim3A_1019, %select_n3A_1007 : vector<16xi1>, vector<16xi32>
      %gt3A_1021 = arith.cmpf ogt, %add3A_359, %select_n3A_1017 : vector<16xf32>
      %ne3A_1022 = arith.constant 6 : i32
      %ne3A_1023 = vector.broadcast %ne3A_1022 : i32 to vector<16xi32>
      %ne3A_1024 = arith.cmpi ne, %select_n3A_668, %ne3A_1023 : vector<16xi32>
      %and3A_1025 = arith.andi %gt3A_1021, %ne3A_1024 : vector<16xi1>
      %ne3A_1026 = arith.constant 6 : i32
      %ne3A_1027 = vector.broadcast %ne3A_1026 : i32 to vector<16xi32>
      %ne3A_1028 = arith.cmpi ne, %select_n3A_950, %ne3A_1027 : vector<16xi32>
      %and3A_1029 = arith.andi %and3A_1025, %ne3A_1028 : vector<16xi1>
      %select_n3A_1030 = arith.select %and3A_1029, %add3A_359, %select_n3A_1017 : vector<16xi1>, vector<16xf32>
      %broadcast_in_dim3A_1031 = arith.constant 6 : i32
      %broadcast_in_dim3A_1032 = vector.broadcast %broadcast_in_dim3A_1031 : i32 to vector<16xi32>
      %select_n3A_1033 = arith.select %and3A_1029, %broadcast_in_dim3A_1032, %select_n3A_1020 : vector<16xi1>, vector<16xi32>
      %gt3A_1034 = arith.cmpf ogt, %add3A_365, %select_n3A_1030 : vector<16xf32>
      %ne3A_1035 = arith.constant 7 : i32
      %ne3A_1036 = vector.broadcast %ne3A_1035 : i32 to vector<16xi32>
      %ne3A_1037 = arith.cmpi ne, %select_n3A_668, %ne3A_1036 : vector<16xi32>
      %and3A_1038 = arith.andi %gt3A_1034, %ne3A_1037 : vector<16xi1>
      %ne3A_1039 = arith.constant 7 : i32
      %ne3A_1040 = vector.broadcast %ne3A_1039 : i32 to vector<16xi32>
      %ne3A_1041 = arith.cmpi ne, %select_n3A_950, %ne3A_1040 : vector<16xi32>
      %and3A_1042 = arith.andi %and3A_1038, %ne3A_1041 : vector<16xi1>
      %select_n3A_1043 = arith.select %and3A_1042, %add3A_365, %select_n3A_1030 : vector<16xi1>, vector<16xf32>
      %broadcast_in_dim3A_1044 = arith.constant 7 : i32
      %broadcast_in_dim3A_1045 = vector.broadcast %broadcast_in_dim3A_1044 : i32 to vector<16xi32>
      %select_n3A_1046 = arith.select %and3A_1042, %broadcast_in_dim3A_1045, %select_n3A_1033 : vector<16xi1>, vector<16xi32>
      %gt3A_1047 = arith.cmpf ogt, %add3A_371, %select_n3A_1043 : vector<16xf32>
      %ne3A_1048 = arith.constant 8 : i32
      %ne3A_1049 = vector.broadcast %ne3A_1048 : i32 to vector<16xi32>
      %ne3A_1050 = arith.cmpi ne, %select_n3A_668, %ne3A_1049 : vector<16xi32>
      %and3A_1051 = arith.andi %gt3A_1047, %ne3A_1050 : vector<16xi1>
      %ne3A_1052 = arith.constant 8 : i32
      %ne3A_1053 = vector.broadcast %ne3A_1052 : i32 to vector<16xi32>
      %ne3A_1054 = arith.cmpi ne, %select_n3A_950, %ne3A_1053 : vector<16xi32>
      %and3A_1055 = arith.andi %and3A_1051, %ne3A_1054 : vector<16xi1>
      %select_n3A_1056 = arith.select %and3A_1055, %add3A_371, %select_n3A_1043 : vector<16xi1>, vector<16xf32>
      %broadcast_in_dim3A_1057 = arith.constant 8 : i32
      %broadcast_in_dim3A_1058 = vector.broadcast %broadcast_in_dim3A_1057 : i32 to vector<16xi32>
      %select_n3A_1059 = arith.select %and3A_1055, %broadcast_in_dim3A_1058, %select_n3A_1046 : vector<16xi1>, vector<16xi32>
      %gt3A_1060 = arith.cmpf ogt, %add3A_377, %select_n3A_1056 : vector<16xf32>
      %ne3A_1061 = arith.constant 9 : i32
      %ne3A_1062 = vector.broadcast %ne3A_1061 : i32 to vector<16xi32>
      %ne3A_1063 = arith.cmpi ne, %select_n3A_668, %ne3A_1062 : vector<16xi32>
      %and3A_1064 = arith.andi %gt3A_1060, %ne3A_1063 : vector<16xi1>
      %ne3A_1065 = arith.constant 9 : i32
      %ne3A_1066 = vector.broadcast %ne3A_1065 : i32 to vector<16xi32>
      %ne3A_1067 = arith.cmpi ne, %select_n3A_950, %ne3A_1066 : vector<16xi32>
      %and3A_1068 = arith.andi %and3A_1064, %ne3A_1067 : vector<16xi1>
      %select_n3A_1069 = arith.select %and3A_1068, %add3A_377, %select_n3A_1056 : vector<16xi1>, vector<16xf32>
      %broadcast_in_dim3A_1070 = arith.constant 9 : i32
      %broadcast_in_dim3A_1071 = vector.broadcast %broadcast_in_dim3A_1070 : i32 to vector<16xi32>
      %select_n3A_1072 = arith.select %and3A_1068, %broadcast_in_dim3A_1071, %select_n3A_1059 : vector<16xi1>, vector<16xi32>
      %gt3A_1073 = arith.cmpf ogt, %add3A_383, %select_n3A_1069 : vector<16xf32>
      %ne3A_1074 = arith.constant 10 : i32
      %ne3A_1075 = vector.broadcast %ne3A_1074 : i32 to vector<16xi32>
      %ne3A_1076 = arith.cmpi ne, %select_n3A_668, %ne3A_1075 : vector<16xi32>
      %and3A_1077 = arith.andi %gt3A_1073, %ne3A_1076 : vector<16xi1>
      %ne3A_1078 = arith.constant 10 : i32
      %ne3A_1079 = vector.broadcast %ne3A_1078 : i32 to vector<16xi32>
      %ne3A_1080 = arith.cmpi ne, %select_n3A_950, %ne3A_1079 : vector<16xi32>
      %and3A_1081 = arith.andi %and3A_1077, %ne3A_1080 : vector<16xi1>
      %select_n3A_1082 = arith.select %and3A_1081, %add3A_383, %select_n3A_1069 : vector<16xi1>, vector<16xf32>
      %broadcast_in_dim3A_1083 = arith.constant 10 : i32
      %broadcast_in_dim3A_1084 = vector.broadcast %broadcast_in_dim3A_1083 : i32 to vector<16xi32>
      %select_n3A_1085 = arith.select %and3A_1081, %broadcast_in_dim3A_1084, %select_n3A_1072 : vector<16xi1>, vector<16xi32>
      %gt3A_1086 = arith.cmpf ogt, %add3A_389, %select_n3A_1082 : vector<16xf32>
      %ne3A_1087 = arith.constant 11 : i32
      %ne3A_1088 = vector.broadcast %ne3A_1087 : i32 to vector<16xi32>
      %ne3A_1089 = arith.cmpi ne, %select_n3A_668, %ne3A_1088 : vector<16xi32>
      %and3A_1090 = arith.andi %gt3A_1086, %ne3A_1089 : vector<16xi1>
      %ne3A_1091 = arith.constant 11 : i32
      %ne3A_1092 = vector.broadcast %ne3A_1091 : i32 to vector<16xi32>
      %ne3A_1093 = arith.cmpi ne, %select_n3A_950, %ne3A_1092 : vector<16xi32>
      %and3A_1094 = arith.andi %and3A_1090, %ne3A_1093 : vector<16xi1>
      %select_n3A_1095 = arith.select %and3A_1094, %add3A_389, %select_n3A_1082 : vector<16xi1>, vector<16xf32>
      %broadcast_in_dim3A_1096 = arith.constant 11 : i32
      %broadcast_in_dim3A_1097 = vector.broadcast %broadcast_in_dim3A_1096 : i32 to vector<16xi32>
      %select_n3A_1098 = arith.select %and3A_1094, %broadcast_in_dim3A_1097, %select_n3A_1085 : vector<16xi1>, vector<16xi32>
      %gt3A_1099 = arith.cmpf ogt, %add3A_395, %select_n3A_1095 : vector<16xf32>
      %ne3A_1100 = arith.constant 12 : i32
      %ne3A_1101 = vector.broadcast %ne3A_1100 : i32 to vector<16xi32>
      %ne3A_1102 = arith.cmpi ne, %select_n3A_668, %ne3A_1101 : vector<16xi32>
      %and3A_1103 = arith.andi %gt3A_1099, %ne3A_1102 : vector<16xi1>
      %ne3A_1104 = arith.constant 12 : i32
      %ne3A_1105 = vector.broadcast %ne3A_1104 : i32 to vector<16xi32>
      %ne3A_1106 = arith.cmpi ne, %select_n3A_950, %ne3A_1105 : vector<16xi32>
      %and3A_1107 = arith.andi %and3A_1103, %ne3A_1106 : vector<16xi1>
      %select_n3A_1108 = arith.select %and3A_1107, %add3A_395, %select_n3A_1095 : vector<16xi1>, vector<16xf32>
      %broadcast_in_dim3A_1109 = arith.constant 12 : i32
      %broadcast_in_dim3A_1110 = vector.broadcast %broadcast_in_dim3A_1109 : i32 to vector<16xi32>
      %select_n3A_1111 = arith.select %and3A_1107, %broadcast_in_dim3A_1110, %select_n3A_1098 : vector<16xi1>, vector<16xi32>
      %gt3A_1112 = arith.cmpf ogt, %add3A_401, %select_n3A_1108 : vector<16xf32>
      %ne3A_1113 = arith.constant 13 : i32
      %ne3A_1114 = vector.broadcast %ne3A_1113 : i32 to vector<16xi32>
      %ne3A_1115 = arith.cmpi ne, %select_n3A_668, %ne3A_1114 : vector<16xi32>
      %and3A_1116 = arith.andi %gt3A_1112, %ne3A_1115 : vector<16xi1>
      %ne3A_1117 = arith.constant 13 : i32
      %ne3A_1118 = vector.broadcast %ne3A_1117 : i32 to vector<16xi32>
      %ne3A_1119 = arith.cmpi ne, %select_n3A_950, %ne3A_1118 : vector<16xi32>
      %and3A_1120 = arith.andi %and3A_1116, %ne3A_1119 : vector<16xi1>
      %select_n3A_1121 = arith.select %and3A_1120, %add3A_401, %select_n3A_1108 : vector<16xi1>, vector<16xf32>
      %broadcast_in_dim3A_1122 = arith.constant 13 : i32
      %broadcast_in_dim3A_1123 = vector.broadcast %broadcast_in_dim3A_1122 : i32 to vector<16xi32>
      %select_n3A_1124 = arith.select %and3A_1120, %broadcast_in_dim3A_1123, %select_n3A_1111 : vector<16xi1>, vector<16xi32>
      %gt3A_1125 = arith.cmpf ogt, %add3A_407, %select_n3A_1121 : vector<16xf32>
      %ne3A_1126 = arith.constant 14 : i32
      %ne3A_1127 = vector.broadcast %ne3A_1126 : i32 to vector<16xi32>
      %ne3A_1128 = arith.cmpi ne, %select_n3A_668, %ne3A_1127 : vector<16xi32>
      %and3A_1129 = arith.andi %gt3A_1125, %ne3A_1128 : vector<16xi1>
      %ne3A_1130 = arith.constant 14 : i32
      %ne3A_1131 = vector.broadcast %ne3A_1130 : i32 to vector<16xi32>
      %ne3A_1132 = arith.cmpi ne, %select_n3A_950, %ne3A_1131 : vector<16xi32>
      %and3A_1133 = arith.andi %and3A_1129, %ne3A_1132 : vector<16xi1>
      %select_n3A_1134 = arith.select %and3A_1133, %add3A_407, %select_n3A_1121 : vector<16xi1>, vector<16xf32>
      %broadcast_in_dim3A_1135 = arith.constant 14 : i32
      %broadcast_in_dim3A_1136 = vector.broadcast %broadcast_in_dim3A_1135 : i32 to vector<16xi32>
      %select_n3A_1137 = arith.select %and3A_1133, %broadcast_in_dim3A_1136, %select_n3A_1124 : vector<16xi1>, vector<16xi32>
      %gt3A_1138 = arith.cmpf ogt, %add3A_413, %select_n3A_1134 : vector<16xf32>
      %ne3A_1139 = arith.constant 15 : i32
      %ne3A_1140 = vector.broadcast %ne3A_1139 : i32 to vector<16xi32>
      %ne3A_1141 = arith.cmpi ne, %select_n3A_668, %ne3A_1140 : vector<16xi32>
      %and3A_1142 = arith.andi %gt3A_1138, %ne3A_1141 : vector<16xi1>
      %ne3A_1143 = arith.constant 15 : i32
      %ne3A_1144 = vector.broadcast %ne3A_1143 : i32 to vector<16xi32>
      %ne3A_1145 = arith.cmpi ne, %select_n3A_950, %ne3A_1144 : vector<16xi32>
      %and3A_1146 = arith.andi %and3A_1142, %ne3A_1145 : vector<16xi1>
      %select_n3A_1147 = arith.select %and3A_1146, %add3A_413, %select_n3A_1134 : vector<16xi1>, vector<16xf32>
      %broadcast_in_dim3A_1148 = arith.constant 15 : i32
      %broadcast_in_dim3A_1149 = vector.broadcast %broadcast_in_dim3A_1148 : i32 to vector<16xi32>
      %select_n3A_1150 = arith.select %and3A_1146, %broadcast_in_dim3A_1149, %select_n3A_1137 : vector<16xi1>, vector<16xi32>
      %gt3A_1151 = arith.cmpf ogt, %add3A_419, %select_n3A_1147 : vector<16xf32>
      %ne3A_1152 = arith.constant 16 : i32
      %ne3A_1153 = vector.broadcast %ne3A_1152 : i32 to vector<16xi32>
      %ne3A_1154 = arith.cmpi ne, %select_n3A_668, %ne3A_1153 : vector<16xi32>
      %and3A_1155 = arith.andi %gt3A_1151, %ne3A_1154 : vector<16xi1>
      %ne3A_1156 = arith.constant 16 : i32
      %ne3A_1157 = vector.broadcast %ne3A_1156 : i32 to vector<16xi32>
      %ne3A_1158 = arith.cmpi ne, %select_n3A_950, %ne3A_1157 : vector<16xi32>
      %and3A_1159 = arith.andi %and3A_1155, %ne3A_1158 : vector<16xi1>
      %select_n3A_1160 = arith.select %and3A_1159, %add3A_419, %select_n3A_1147 : vector<16xi1>, vector<16xf32>
      %broadcast_in_dim3A_1161 = arith.constant 16 : i32
      %broadcast_in_dim3A_1162 = vector.broadcast %broadcast_in_dim3A_1161 : i32 to vector<16xi32>
      %select_n3A_1163 = arith.select %and3A_1159, %broadcast_in_dim3A_1162, %select_n3A_1150 : vector<16xi1>, vector<16xi32>
      %gt3A_1164 = arith.cmpf ogt, %add3A_425, %select_n3A_1160 : vector<16xf32>
      %ne3A_1165 = arith.constant 17 : i32
      %ne3A_1166 = vector.broadcast %ne3A_1165 : i32 to vector<16xi32>
      %ne3A_1167 = arith.cmpi ne, %select_n3A_668, %ne3A_1166 : vector<16xi32>
      %and3A_1168 = arith.andi %gt3A_1164, %ne3A_1167 : vector<16xi1>
      %ne3A_1169 = arith.constant 17 : i32
      %ne3A_1170 = vector.broadcast %ne3A_1169 : i32 to vector<16xi32>
      %ne3A_1171 = arith.cmpi ne, %select_n3A_950, %ne3A_1170 : vector<16xi32>
      %and3A_1172 = arith.andi %and3A_1168, %ne3A_1171 : vector<16xi1>
      %select_n3A_1173 = arith.select %and3A_1172, %add3A_425, %select_n3A_1160 : vector<16xi1>, vector<16xf32>
      %broadcast_in_dim3A_1174 = arith.constant 17 : i32
      %broadcast_in_dim3A_1175 = vector.broadcast %broadcast_in_dim3A_1174 : i32 to vector<16xi32>
      %select_n3A_1176 = arith.select %and3A_1172, %broadcast_in_dim3A_1175, %select_n3A_1163 : vector<16xi1>, vector<16xi32>
      %gt3A_1177 = arith.cmpf ogt, %add3A_431, %select_n3A_1173 : vector<16xf32>
      %ne3A_1178 = arith.constant 18 : i32
      %ne3A_1179 = vector.broadcast %ne3A_1178 : i32 to vector<16xi32>
      %ne3A_1180 = arith.cmpi ne, %select_n3A_668, %ne3A_1179 : vector<16xi32>
      %and3A_1181 = arith.andi %gt3A_1177, %ne3A_1180 : vector<16xi1>
      %ne3A_1182 = arith.constant 18 : i32
      %ne3A_1183 = vector.broadcast %ne3A_1182 : i32 to vector<16xi32>
      %ne3A_1184 = arith.cmpi ne, %select_n3A_950, %ne3A_1183 : vector<16xi32>
      %and3A_1185 = arith.andi %and3A_1181, %ne3A_1184 : vector<16xi1>
      %select_n3A_1186 = arith.select %and3A_1185, %add3A_431, %select_n3A_1173 : vector<16xi1>, vector<16xf32>
      %broadcast_in_dim3A_1187 = arith.constant 18 : i32
      %broadcast_in_dim3A_1188 = vector.broadcast %broadcast_in_dim3A_1187 : i32 to vector<16xi32>
      %select_n3A_1189 = arith.select %and3A_1185, %broadcast_in_dim3A_1188, %select_n3A_1176 : vector<16xi1>, vector<16xi32>
      %gt3A_1190 = arith.cmpf ogt, %add3A_437, %select_n3A_1186 : vector<16xf32>
      %ne3A_1191 = arith.constant 19 : i32
      %ne3A_1192 = vector.broadcast %ne3A_1191 : i32 to vector<16xi32>
      %ne3A_1193 = arith.cmpi ne, %select_n3A_668, %ne3A_1192 : vector<16xi32>
      %and3A_1194 = arith.andi %gt3A_1190, %ne3A_1193 : vector<16xi1>
      %ne3A_1195 = arith.constant 19 : i32
      %ne3A_1196 = vector.broadcast %ne3A_1195 : i32 to vector<16xi32>
      %ne3A_1197 = arith.cmpi ne, %select_n3A_950, %ne3A_1196 : vector<16xi32>
      %and3A_1198 = arith.andi %and3A_1194, %ne3A_1197 : vector<16xi1>
      %select_n3A_1199 = arith.select %and3A_1198, %add3A_437, %select_n3A_1186 : vector<16xi1>, vector<16xf32>
      %broadcast_in_dim3A_1200 = arith.constant 19 : i32
      %broadcast_in_dim3A_1201 = vector.broadcast %broadcast_in_dim3A_1200 : i32 to vector<16xi32>
      %select_n3A_1202 = arith.select %and3A_1198, %broadcast_in_dim3A_1201, %select_n3A_1189 : vector<16xi1>, vector<16xi32>
      %gt3A_1203 = arith.cmpf ogt, %add3A_443, %select_n3A_1199 : vector<16xf32>
      %ne3A_1204 = arith.constant 20 : i32
      %ne3A_1205 = vector.broadcast %ne3A_1204 : i32 to vector<16xi32>
      %ne3A_1206 = arith.cmpi ne, %select_n3A_668, %ne3A_1205 : vector<16xi32>
      %and3A_1207 = arith.andi %gt3A_1203, %ne3A_1206 : vector<16xi1>
      %ne3A_1208 = arith.constant 20 : i32
      %ne3A_1209 = vector.broadcast %ne3A_1208 : i32 to vector<16xi32>
      %ne3A_1210 = arith.cmpi ne, %select_n3A_950, %ne3A_1209 : vector<16xi32>
      %and3A_1211 = arith.andi %and3A_1207, %ne3A_1210 : vector<16xi1>
      %select_n3A_1212 = arith.select %and3A_1211, %add3A_443, %select_n3A_1199 : vector<16xi1>, vector<16xf32>
      %broadcast_in_dim3A_1213 = arith.constant 20 : i32
      %broadcast_in_dim3A_1214 = vector.broadcast %broadcast_in_dim3A_1213 : i32 to vector<16xi32>
      %select_n3A_1215 = arith.select %and3A_1211, %broadcast_in_dim3A_1214, %select_n3A_1202 : vector<16xi1>, vector<16xi32>
      %gt3A_1216 = arith.cmpf ogt, %add3A_449, %select_n3A_1212 : vector<16xf32>
      %ne3A_1217 = arith.constant 21 : i32
      %ne3A_1218 = vector.broadcast %ne3A_1217 : i32 to vector<16xi32>
      %ne3A_1219 = arith.cmpi ne, %select_n3A_668, %ne3A_1218 : vector<16xi32>
      %and3A_1220 = arith.andi %gt3A_1216, %ne3A_1219 : vector<16xi1>
      %ne3A_1221 = arith.constant 21 : i32
      %ne3A_1222 = vector.broadcast %ne3A_1221 : i32 to vector<16xi32>
      %ne3A_1223 = arith.cmpi ne, %select_n3A_950, %ne3A_1222 : vector<16xi32>
      %and3A_1224 = arith.andi %and3A_1220, %ne3A_1223 : vector<16xi1>
      %select_n3A_1225 = arith.select %and3A_1224, %add3A_449, %select_n3A_1212 : vector<16xi1>, vector<16xf32>
      %broadcast_in_dim3A_1226 = arith.constant 21 : i32
      %broadcast_in_dim3A_1227 = vector.broadcast %broadcast_in_dim3A_1226 : i32 to vector<16xi32>
      %select_n3A_1228 = arith.select %and3A_1224, %broadcast_in_dim3A_1227, %select_n3A_1215 : vector<16xi1>, vector<16xi32>
      %gt3A_1229 = arith.cmpf ogt, %add3A_455, %select_n3A_1225 : vector<16xf32>
      %ne3A_1230 = arith.constant 22 : i32
      %ne3A_1231 = vector.broadcast %ne3A_1230 : i32 to vector<16xi32>
      %ne3A_1232 = arith.cmpi ne, %select_n3A_668, %ne3A_1231 : vector<16xi32>
      %and3A_1233 = arith.andi %gt3A_1229, %ne3A_1232 : vector<16xi1>
      %ne3A_1234 = arith.constant 22 : i32
      %ne3A_1235 = vector.broadcast %ne3A_1234 : i32 to vector<16xi32>
      %ne3A_1236 = arith.cmpi ne, %select_n3A_950, %ne3A_1235 : vector<16xi32>
      %and3A_1237 = arith.andi %and3A_1233, %ne3A_1236 : vector<16xi1>
      %select_n3A_1238 = arith.select %and3A_1237, %add3A_455, %select_n3A_1225 : vector<16xi1>, vector<16xf32>
      %broadcast_in_dim3A_1239 = arith.constant 22 : i32
      %broadcast_in_dim3A_1240 = vector.broadcast %broadcast_in_dim3A_1239 : i32 to vector<16xi32>
      %select_n3A_1241 = arith.select %and3A_1237, %broadcast_in_dim3A_1240, %select_n3A_1228 : vector<16xi1>, vector<16xi32>
      %gt3A_1242 = arith.cmpf ogt, %add3A_461, %select_n3A_1238 : vector<16xf32>
      %ne3A_1243 = arith.constant 23 : i32
      %ne3A_1244 = vector.broadcast %ne3A_1243 : i32 to vector<16xi32>
      %ne3A_1245 = arith.cmpi ne, %select_n3A_668, %ne3A_1244 : vector<16xi32>
      %and3A_1246 = arith.andi %gt3A_1242, %ne3A_1245 : vector<16xi1>
      %ne3A_1247 = arith.constant 23 : i32
      %ne3A_1248 = vector.broadcast %ne3A_1247 : i32 to vector<16xi32>
      %ne3A_1249 = arith.cmpi ne, %select_n3A_950, %ne3A_1248 : vector<16xi32>
      %and3A_1250 = arith.andi %and3A_1246, %ne3A_1249 : vector<16xi1>
      %select_n3A_1251 = arith.select %and3A_1250, %add3A_461, %select_n3A_1238 : vector<16xi1>, vector<16xf32>
      %broadcast_in_dim3A_1252 = arith.constant 23 : i32
      %broadcast_in_dim3A_1253 = vector.broadcast %broadcast_in_dim3A_1252 : i32 to vector<16xi32>
      %select_n3A_1254 = arith.select %and3A_1250, %broadcast_in_dim3A_1253, %select_n3A_1241 : vector<16xi1>, vector<16xi32>
      %gt3A_1255 = arith.cmpf ogt, %add3A_467, %select_n3A_1251 : vector<16xf32>
      %ne3A_1256 = arith.constant 24 : i32
      %ne3A_1257 = vector.broadcast %ne3A_1256 : i32 to vector<16xi32>
      %ne3A_1258 = arith.cmpi ne, %select_n3A_668, %ne3A_1257 : vector<16xi32>
      %and3A_1259 = arith.andi %gt3A_1255, %ne3A_1258 : vector<16xi1>
      %ne3A_1260 = arith.constant 24 : i32
      %ne3A_1261 = vector.broadcast %ne3A_1260 : i32 to vector<16xi32>
      %ne3A_1262 = arith.cmpi ne, %select_n3A_950, %ne3A_1261 : vector<16xi32>
      %and3A_1263 = arith.andi %and3A_1259, %ne3A_1262 : vector<16xi1>
      %select_n3A_1264 = arith.select %and3A_1263, %add3A_467, %select_n3A_1251 : vector<16xi1>, vector<16xf32>
      %broadcast_in_dim3A_1265 = arith.constant 24 : i32
      %broadcast_in_dim3A_1266 = vector.broadcast %broadcast_in_dim3A_1265 : i32 to vector<16xi32>
      %select_n3A_1267 = arith.select %and3A_1263, %broadcast_in_dim3A_1266, %select_n3A_1254 : vector<16xi1>, vector<16xi32>
      %gt3A_1268 = arith.cmpf ogt, %add3A_473, %select_n3A_1264 : vector<16xf32>
      %ne3A_1269 = arith.constant 25 : i32
      %ne3A_1270 = vector.broadcast %ne3A_1269 : i32 to vector<16xi32>
      %ne3A_1271 = arith.cmpi ne, %select_n3A_668, %ne3A_1270 : vector<16xi32>
      %and3A_1272 = arith.andi %gt3A_1268, %ne3A_1271 : vector<16xi1>
      %ne3A_1273 = arith.constant 25 : i32
      %ne3A_1274 = vector.broadcast %ne3A_1273 : i32 to vector<16xi32>
      %ne3A_1275 = arith.cmpi ne, %select_n3A_950, %ne3A_1274 : vector<16xi32>
      %and3A_1276 = arith.andi %and3A_1272, %ne3A_1275 : vector<16xi1>
      %select_n3A_1277 = arith.select %and3A_1276, %add3A_473, %select_n3A_1264 : vector<16xi1>, vector<16xf32>
      %broadcast_in_dim3A_1278 = arith.constant 25 : i32
      %broadcast_in_dim3A_1279 = vector.broadcast %broadcast_in_dim3A_1278 : i32 to vector<16xi32>
      %select_n3A_1280 = arith.select %and3A_1276, %broadcast_in_dim3A_1279, %select_n3A_1267 : vector<16xi1>, vector<16xi32>
      %gt3A_1281 = arith.cmpf ogt, %add3A_479, %select_n3A_1277 : vector<16xf32>
      %ne3A_1282 = arith.constant 26 : i32
      %ne3A_1283 = vector.broadcast %ne3A_1282 : i32 to vector<16xi32>
      %ne3A_1284 = arith.cmpi ne, %select_n3A_668, %ne3A_1283 : vector<16xi32>
      %and3A_1285 = arith.andi %gt3A_1281, %ne3A_1284 : vector<16xi1>
      %ne3A_1286 = arith.constant 26 : i32
      %ne3A_1287 = vector.broadcast %ne3A_1286 : i32 to vector<16xi32>
      %ne3A_1288 = arith.cmpi ne, %select_n3A_950, %ne3A_1287 : vector<16xi32>
      %and3A_1289 = arith.andi %and3A_1285, %ne3A_1288 : vector<16xi1>
      %select_n3A_1290 = arith.select %and3A_1289, %add3A_479, %select_n3A_1277 : vector<16xi1>, vector<16xf32>
      %broadcast_in_dim3A_1291 = arith.constant 26 : i32
      %broadcast_in_dim3A_1292 = vector.broadcast %broadcast_in_dim3A_1291 : i32 to vector<16xi32>
      %select_n3A_1293 = arith.select %and3A_1289, %broadcast_in_dim3A_1292, %select_n3A_1280 : vector<16xi1>, vector<16xi32>
      %gt3A_1294 = arith.cmpf ogt, %add3A_485, %select_n3A_1290 : vector<16xf32>
      %ne3A_1295 = arith.constant 27 : i32
      %ne3A_1296 = vector.broadcast %ne3A_1295 : i32 to vector<16xi32>
      %ne3A_1297 = arith.cmpi ne, %select_n3A_668, %ne3A_1296 : vector<16xi32>
      %and3A_1298 = arith.andi %gt3A_1294, %ne3A_1297 : vector<16xi1>
      %ne3A_1299 = arith.constant 27 : i32
      %ne3A_1300 = vector.broadcast %ne3A_1299 : i32 to vector<16xi32>
      %ne3A_1301 = arith.cmpi ne, %select_n3A_950, %ne3A_1300 : vector<16xi32>
      %and3A_1302 = arith.andi %and3A_1298, %ne3A_1301 : vector<16xi1>
      %select_n3A_1303 = arith.select %and3A_1302, %add3A_485, %select_n3A_1290 : vector<16xi1>, vector<16xf32>
      %broadcast_in_dim3A_1304 = arith.constant 27 : i32
      %broadcast_in_dim3A_1305 = vector.broadcast %broadcast_in_dim3A_1304 : i32 to vector<16xi32>
      %select_n3A_1306 = arith.select %and3A_1302, %broadcast_in_dim3A_1305, %select_n3A_1293 : vector<16xi1>, vector<16xi32>
      %gt3A_1307 = arith.cmpf ogt, %add3A_491, %select_n3A_1303 : vector<16xf32>
      %ne3A_1308 = arith.constant 28 : i32
      %ne3A_1309 = vector.broadcast %ne3A_1308 : i32 to vector<16xi32>
      %ne3A_1310 = arith.cmpi ne, %select_n3A_668, %ne3A_1309 : vector<16xi32>
      %and3A_1311 = arith.andi %gt3A_1307, %ne3A_1310 : vector<16xi1>
      %ne3A_1312 = arith.constant 28 : i32
      %ne3A_1313 = vector.broadcast %ne3A_1312 : i32 to vector<16xi32>
      %ne3A_1314 = arith.cmpi ne, %select_n3A_950, %ne3A_1313 : vector<16xi32>
      %and3A_1315 = arith.andi %and3A_1311, %ne3A_1314 : vector<16xi1>
      %select_n3A_1316 = arith.select %and3A_1315, %add3A_491, %select_n3A_1303 : vector<16xi1>, vector<16xf32>
      %broadcast_in_dim3A_1317 = arith.constant 28 : i32
      %broadcast_in_dim3A_1318 = vector.broadcast %broadcast_in_dim3A_1317 : i32 to vector<16xi32>
      %select_n3A_1319 = arith.select %and3A_1315, %broadcast_in_dim3A_1318, %select_n3A_1306 : vector<16xi1>, vector<16xi32>
      %gt3A_1320 = arith.cmpf ogt, %add3A_497, %select_n3A_1316 : vector<16xf32>
      %ne3A_1321 = arith.constant 29 : i32
      %ne3A_1322 = vector.broadcast %ne3A_1321 : i32 to vector<16xi32>
      %ne3A_1323 = arith.cmpi ne, %select_n3A_668, %ne3A_1322 : vector<16xi32>
      %and3A_1324 = arith.andi %gt3A_1320, %ne3A_1323 : vector<16xi1>
      %ne3A_1325 = arith.constant 29 : i32
      %ne3A_1326 = vector.broadcast %ne3A_1325 : i32 to vector<16xi32>
      %ne3A_1327 = arith.cmpi ne, %select_n3A_950, %ne3A_1326 : vector<16xi32>
      %and3A_1328 = arith.andi %and3A_1324, %ne3A_1327 : vector<16xi1>
      %select_n3A_1329 = arith.select %and3A_1328, %add3A_497, %select_n3A_1316 : vector<16xi1>, vector<16xf32>
      %broadcast_in_dim3A_1330 = arith.constant 29 : i32
      %broadcast_in_dim3A_1331 = vector.broadcast %broadcast_in_dim3A_1330 : i32 to vector<16xi32>
      %select_n3A_1332 = arith.select %and3A_1328, %broadcast_in_dim3A_1331, %select_n3A_1319 : vector<16xi1>, vector<16xi32>
      %gt3A_1333 = arith.cmpf ogt, %add3A_503, %select_n3A_1329 : vector<16xf32>
      %ne3A_1334 = arith.constant 30 : i32
      %ne3A_1335 = vector.broadcast %ne3A_1334 : i32 to vector<16xi32>
      %ne3A_1336 = arith.cmpi ne, %select_n3A_668, %ne3A_1335 : vector<16xi32>
      %and3A_1337 = arith.andi %gt3A_1333, %ne3A_1336 : vector<16xi1>
      %ne3A_1338 = arith.constant 30 : i32
      %ne3A_1339 = vector.broadcast %ne3A_1338 : i32 to vector<16xi32>
      %ne3A_1340 = arith.cmpi ne, %select_n3A_950, %ne3A_1339 : vector<16xi32>
      %and3A_1341 = arith.andi %and3A_1337, %ne3A_1340 : vector<16xi1>
      %select_n3A_1342 = arith.select %and3A_1341, %add3A_503, %select_n3A_1329 : vector<16xi1>, vector<16xf32>
      %broadcast_in_dim3A_1343 = arith.constant 30 : i32
      %broadcast_in_dim3A_1344 = vector.broadcast %broadcast_in_dim3A_1343 : i32 to vector<16xi32>
      %select_n3A_1345 = arith.select %and3A_1341, %broadcast_in_dim3A_1344, %select_n3A_1332 : vector<16xi1>, vector<16xi32>
      %gt3A_1346 = arith.cmpf ogt, %add3A_509, %select_n3A_1342 : vector<16xf32>
      %ne3A_1347 = arith.constant 31 : i32
      %ne3A_1348 = vector.broadcast %ne3A_1347 : i32 to vector<16xi32>
      %ne3A_1349 = arith.cmpi ne, %select_n3A_668, %ne3A_1348 : vector<16xi32>
      %and3A_1350 = arith.andi %gt3A_1346, %ne3A_1349 : vector<16xi1>
      %ne3A_1351 = arith.constant 31 : i32
      %ne3A_1352 = vector.broadcast %ne3A_1351 : i32 to vector<16xi32>
      %ne3A_1353 = arith.cmpi ne, %select_n3A_950, %ne3A_1352 : vector<16xi32>
      %and3A_1354 = arith.andi %and3A_1350, %ne3A_1353 : vector<16xi1>
      %select_n3A_1355 = arith.select %and3A_1354, %add3A_509, %select_n3A_1342 : vector<16xi1>, vector<16xf32>
      %broadcast_in_dim3A_1356 = arith.constant 31 : i32
      %broadcast_in_dim3A_1357 = vector.broadcast %broadcast_in_dim3A_1356 : i32 to vector<16xi32>
      %select_n3A_1358 = arith.select %and3A_1354, %broadcast_in_dim3A_1357, %select_n3A_1345 : vector<16xi1>, vector<16xi32>
      %add3A_1359 = arith.addf %add3A_951, %select_n3A_1355 : vector<16xf32>
      %broadcast_in_dim3A_1360 = arith.constant -1.000000e+30 : f32
      %broadcast_in_dim3A_1361 = vector.broadcast %broadcast_in_dim3A_1360 : f32 to vector<16xf32>
      %broadcast_in_dim3A_1362 = arith.constant 0 : i32
      %broadcast_in_dim3A_1363 = vector.broadcast %broadcast_in_dim3A_1362 : i32 to vector<16xi32>
      %gt3A_1364 = arith.cmpf ogt, %add3A_329, %broadcast_in_dim3A_1361 : vector<16xf32>
      %ne3A_1365 = arith.constant 1 : i32
      %ne3A_1366 = vector.broadcast %ne3A_1365 : i32 to vector<16xi32>
      %ne3A_1367 = arith.cmpi ne, %select_n3A_668, %ne3A_1366 : vector<16xi32>
      %and3A_1368 = arith.andi %gt3A_1364, %ne3A_1367 : vector<16xi1>
      %ne3A_1369 = arith.constant 1 : i32
      %ne3A_1370 = vector.broadcast %ne3A_1369 : i32 to vector<16xi32>
      %ne3A_1371 = arith.cmpi ne, %select_n3A_950, %ne3A_1370 : vector<16xi32>
      %and3A_1372 = arith.andi %and3A_1368, %ne3A_1371 : vector<16xi1>
      %ne3A_1373 = arith.constant 1 : i32
      %ne3A_1374 = vector.broadcast %ne3A_1373 : i32 to vector<16xi32>
      %ne3A_1375 = arith.cmpi ne, %select_n3A_1358, %ne3A_1374 : vector<16xi32>
      %and3A_1376 = arith.andi %and3A_1372, %ne3A_1375 : vector<16xi1>
      %select_n3A_1377 = arith.select %and3A_1376, %add3A_329, %broadcast_in_dim3A_1361 : vector<16xi1>, vector<16xf32>
      %broadcast_in_dim3A_1378 = arith.constant 1 : i32
      %broadcast_in_dim3A_1379 = vector.broadcast %broadcast_in_dim3A_1378 : i32 to vector<16xi32>
      %select_n3A_1380 = arith.select %and3A_1376, %broadcast_in_dim3A_1379, %broadcast_in_dim3A_1363 : vector<16xi1>, vector<16xi32>
      %gt3A_1381 = arith.cmpf ogt, %add3A_335, %select_n3A_1377 : vector<16xf32>
      %ne3A_1382 = arith.constant 2 : i32
      %ne3A_1383 = vector.broadcast %ne3A_1382 : i32 to vector<16xi32>
      %ne3A_1384 = arith.cmpi ne, %select_n3A_668, %ne3A_1383 : vector<16xi32>
      %and3A_1385 = arith.andi %gt3A_1381, %ne3A_1384 : vector<16xi1>
      %ne3A_1386 = arith.constant 2 : i32
      %ne3A_1387 = vector.broadcast %ne3A_1386 : i32 to vector<16xi32>
      %ne3A_1388 = arith.cmpi ne, %select_n3A_950, %ne3A_1387 : vector<16xi32>
      %and3A_1389 = arith.andi %and3A_1385, %ne3A_1388 : vector<16xi1>
      %ne3A_1390 = arith.constant 2 : i32
      %ne3A_1391 = vector.broadcast %ne3A_1390 : i32 to vector<16xi32>
      %ne3A_1392 = arith.cmpi ne, %select_n3A_1358, %ne3A_1391 : vector<16xi32>
      %and3A_1393 = arith.andi %and3A_1389, %ne3A_1392 : vector<16xi1>
      %select_n3A_1394 = arith.select %and3A_1393, %add3A_335, %select_n3A_1377 : vector<16xi1>, vector<16xf32>
      %broadcast_in_dim3A_1395 = arith.constant 2 : i32
      %broadcast_in_dim3A_1396 = vector.broadcast %broadcast_in_dim3A_1395 : i32 to vector<16xi32>
      %select_n3A_1397 = arith.select %and3A_1393, %broadcast_in_dim3A_1396, %select_n3A_1380 : vector<16xi1>, vector<16xi32>
      %gt3A_1398 = arith.cmpf ogt, %add3A_341, %select_n3A_1394 : vector<16xf32>
      %ne3A_1399 = arith.constant 3 : i32
      %ne3A_1400 = vector.broadcast %ne3A_1399 : i32 to vector<16xi32>
      %ne3A_1401 = arith.cmpi ne, %select_n3A_668, %ne3A_1400 : vector<16xi32>
      %and3A_1402 = arith.andi %gt3A_1398, %ne3A_1401 : vector<16xi1>
      %ne3A_1403 = arith.constant 3 : i32
      %ne3A_1404 = vector.broadcast %ne3A_1403 : i32 to vector<16xi32>
      %ne3A_1405 = arith.cmpi ne, %select_n3A_950, %ne3A_1404 : vector<16xi32>
      %and3A_1406 = arith.andi %and3A_1402, %ne3A_1405 : vector<16xi1>
      %ne3A_1407 = arith.constant 3 : i32
      %ne3A_1408 = vector.broadcast %ne3A_1407 : i32 to vector<16xi32>
      %ne3A_1409 = arith.cmpi ne, %select_n3A_1358, %ne3A_1408 : vector<16xi32>
      %and3A_1410 = arith.andi %and3A_1406, %ne3A_1409 : vector<16xi1>
      %select_n3A_1411 = arith.select %and3A_1410, %add3A_341, %select_n3A_1394 : vector<16xi1>, vector<16xf32>
      %broadcast_in_dim3A_1412 = arith.constant 3 : i32
      %broadcast_in_dim3A_1413 = vector.broadcast %broadcast_in_dim3A_1412 : i32 to vector<16xi32>
      %select_n3A_1414 = arith.select %and3A_1410, %broadcast_in_dim3A_1413, %select_n3A_1397 : vector<16xi1>, vector<16xi32>
      %gt3A_1415 = arith.cmpf ogt, %add3A_347, %select_n3A_1411 : vector<16xf32>
      %ne3A_1416 = arith.constant 4 : i32
      %ne3A_1417 = vector.broadcast %ne3A_1416 : i32 to vector<16xi32>
      %ne3A_1418 = arith.cmpi ne, %select_n3A_668, %ne3A_1417 : vector<16xi32>
      %and3A_1419 = arith.andi %gt3A_1415, %ne3A_1418 : vector<16xi1>
      %ne3A_1420 = arith.constant 4 : i32
      %ne3A_1421 = vector.broadcast %ne3A_1420 : i32 to vector<16xi32>
      %ne3A_1422 = arith.cmpi ne, %select_n3A_950, %ne3A_1421 : vector<16xi32>
      %and3A_1423 = arith.andi %and3A_1419, %ne3A_1422 : vector<16xi1>
      %ne3A_1424 = arith.constant 4 : i32
      %ne3A_1425 = vector.broadcast %ne3A_1424 : i32 to vector<16xi32>
      %ne3A_1426 = arith.cmpi ne, %select_n3A_1358, %ne3A_1425 : vector<16xi32>
      %and3A_1427 = arith.andi %and3A_1423, %ne3A_1426 : vector<16xi1>
      %select_n3A_1428 = arith.select %and3A_1427, %add3A_347, %select_n3A_1411 : vector<16xi1>, vector<16xf32>
      %broadcast_in_dim3A_1429 = arith.constant 4 : i32
      %broadcast_in_dim3A_1430 = vector.broadcast %broadcast_in_dim3A_1429 : i32 to vector<16xi32>
      %select_n3A_1431 = arith.select %and3A_1427, %broadcast_in_dim3A_1430, %select_n3A_1414 : vector<16xi1>, vector<16xi32>
      %gt3A_1432 = arith.cmpf ogt, %add3A_353, %select_n3A_1428 : vector<16xf32>
      %ne3A_1433 = arith.constant 5 : i32
      %ne3A_1434 = vector.broadcast %ne3A_1433 : i32 to vector<16xi32>
      %ne3A_1435 = arith.cmpi ne, %select_n3A_668, %ne3A_1434 : vector<16xi32>
      %and3A_1436 = arith.andi %gt3A_1432, %ne3A_1435 : vector<16xi1>
      %ne3A_1437 = arith.constant 5 : i32
      %ne3A_1438 = vector.broadcast %ne3A_1437 : i32 to vector<16xi32>
      %ne3A_1439 = arith.cmpi ne, %select_n3A_950, %ne3A_1438 : vector<16xi32>
      %and3A_1440 = arith.andi %and3A_1436, %ne3A_1439 : vector<16xi1>
      %ne3A_1441 = arith.constant 5 : i32
      %ne3A_1442 = vector.broadcast %ne3A_1441 : i32 to vector<16xi32>
      %ne3A_1443 = arith.cmpi ne, %select_n3A_1358, %ne3A_1442 : vector<16xi32>
      %and3A_1444 = arith.andi %and3A_1440, %ne3A_1443 : vector<16xi1>
      %select_n3A_1445 = arith.select %and3A_1444, %add3A_353, %select_n3A_1428 : vector<16xi1>, vector<16xf32>
      %broadcast_in_dim3A_1446 = arith.constant 5 : i32
      %broadcast_in_dim3A_1447 = vector.broadcast %broadcast_in_dim3A_1446 : i32 to vector<16xi32>
      %select_n3A_1448 = arith.select %and3A_1444, %broadcast_in_dim3A_1447, %select_n3A_1431 : vector<16xi1>, vector<16xi32>
      %gt3A_1449 = arith.cmpf ogt, %add3A_359, %select_n3A_1445 : vector<16xf32>
      %ne3A_1450 = arith.constant 6 : i32
      %ne3A_1451 = vector.broadcast %ne3A_1450 : i32 to vector<16xi32>
      %ne3A_1452 = arith.cmpi ne, %select_n3A_668, %ne3A_1451 : vector<16xi32>
      %and3A_1453 = arith.andi %gt3A_1449, %ne3A_1452 : vector<16xi1>
      %ne3A_1454 = arith.constant 6 : i32
      %ne3A_1455 = vector.broadcast %ne3A_1454 : i32 to vector<16xi32>
      %ne3A_1456 = arith.cmpi ne, %select_n3A_950, %ne3A_1455 : vector<16xi32>
      %and3A_1457 = arith.andi %and3A_1453, %ne3A_1456 : vector<16xi1>
      %ne3A_1458 = arith.constant 6 : i32
      %ne3A_1459 = vector.broadcast %ne3A_1458 : i32 to vector<16xi32>
      %ne3A_1460 = arith.cmpi ne, %select_n3A_1358, %ne3A_1459 : vector<16xi32>
      %and3A_1461 = arith.andi %and3A_1457, %ne3A_1460 : vector<16xi1>
      %select_n3A_1462 = arith.select %and3A_1461, %add3A_359, %select_n3A_1445 : vector<16xi1>, vector<16xf32>
      %broadcast_in_dim3A_1463 = arith.constant 6 : i32
      %broadcast_in_dim3A_1464 = vector.broadcast %broadcast_in_dim3A_1463 : i32 to vector<16xi32>
      %select_n3A_1465 = arith.select %and3A_1461, %broadcast_in_dim3A_1464, %select_n3A_1448 : vector<16xi1>, vector<16xi32>
      %gt3A_1466 = arith.cmpf ogt, %add3A_365, %select_n3A_1462 : vector<16xf32>
      %ne3A_1467 = arith.constant 7 : i32
      %ne3A_1468 = vector.broadcast %ne3A_1467 : i32 to vector<16xi32>
      %ne3A_1469 = arith.cmpi ne, %select_n3A_668, %ne3A_1468 : vector<16xi32>
      %and3A_1470 = arith.andi %gt3A_1466, %ne3A_1469 : vector<16xi1>
      %ne3A_1471 = arith.constant 7 : i32
      %ne3A_1472 = vector.broadcast %ne3A_1471 : i32 to vector<16xi32>
      %ne3A_1473 = arith.cmpi ne, %select_n3A_950, %ne3A_1472 : vector<16xi32>
      %and3A_1474 = arith.andi %and3A_1470, %ne3A_1473 : vector<16xi1>
      %ne3A_1475 = arith.constant 7 : i32
      %ne3A_1476 = vector.broadcast %ne3A_1475 : i32 to vector<16xi32>
      %ne3A_1477 = arith.cmpi ne, %select_n3A_1358, %ne3A_1476 : vector<16xi32>
      %and3A_1478 = arith.andi %and3A_1474, %ne3A_1477 : vector<16xi1>
      %select_n3A_1479 = arith.select %and3A_1478, %add3A_365, %select_n3A_1462 : vector<16xi1>, vector<16xf32>
      %broadcast_in_dim3A_1480 = arith.constant 7 : i32
      %broadcast_in_dim3A_1481 = vector.broadcast %broadcast_in_dim3A_1480 : i32 to vector<16xi32>
      %select_n3A_1482 = arith.select %and3A_1478, %broadcast_in_dim3A_1481, %select_n3A_1465 : vector<16xi1>, vector<16xi32>
      %gt3A_1483 = arith.cmpf ogt, %add3A_371, %select_n3A_1479 : vector<16xf32>
      %ne3A_1484 = arith.constant 8 : i32
      %ne3A_1485 = vector.broadcast %ne3A_1484 : i32 to vector<16xi32>
      %ne3A_1486 = arith.cmpi ne, %select_n3A_668, %ne3A_1485 : vector<16xi32>
      %and3A_1487 = arith.andi %gt3A_1483, %ne3A_1486 : vector<16xi1>
      %ne3A_1488 = arith.constant 8 : i32
      %ne3A_1489 = vector.broadcast %ne3A_1488 : i32 to vector<16xi32>
      %ne3A_1490 = arith.cmpi ne, %select_n3A_950, %ne3A_1489 : vector<16xi32>
      %and3A_1491 = arith.andi %and3A_1487, %ne3A_1490 : vector<16xi1>
      %ne3A_1492 = arith.constant 8 : i32
      %ne3A_1493 = vector.broadcast %ne3A_1492 : i32 to vector<16xi32>
      %ne3A_1494 = arith.cmpi ne, %select_n3A_1358, %ne3A_1493 : vector<16xi32>
      %and3A_1495 = arith.andi %and3A_1491, %ne3A_1494 : vector<16xi1>
      %select_n3A_1496 = arith.select %and3A_1495, %add3A_371, %select_n3A_1479 : vector<16xi1>, vector<16xf32>
      %broadcast_in_dim3A_1497 = arith.constant 8 : i32
      %broadcast_in_dim3A_1498 = vector.broadcast %broadcast_in_dim3A_1497 : i32 to vector<16xi32>
      %select_n3A_1499 = arith.select %and3A_1495, %broadcast_in_dim3A_1498, %select_n3A_1482 : vector<16xi1>, vector<16xi32>
      %gt3A_1500 = arith.cmpf ogt, %add3A_377, %select_n3A_1496 : vector<16xf32>
      %ne3A_1501 = arith.constant 9 : i32
      %ne3A_1502 = vector.broadcast %ne3A_1501 : i32 to vector<16xi32>
      %ne3A_1503 = arith.cmpi ne, %select_n3A_668, %ne3A_1502 : vector<16xi32>
      %and3A_1504 = arith.andi %gt3A_1500, %ne3A_1503 : vector<16xi1>
      %ne3A_1505 = arith.constant 9 : i32
      %ne3A_1506 = vector.broadcast %ne3A_1505 : i32 to vector<16xi32>
      %ne3A_1507 = arith.cmpi ne, %select_n3A_950, %ne3A_1506 : vector<16xi32>
      %and3A_1508 = arith.andi %and3A_1504, %ne3A_1507 : vector<16xi1>
      %ne3A_1509 = arith.constant 9 : i32
      %ne3A_1510 = vector.broadcast %ne3A_1509 : i32 to vector<16xi32>
      %ne3A_1511 = arith.cmpi ne, %select_n3A_1358, %ne3A_1510 : vector<16xi32>
      %and3A_1512 = arith.andi %and3A_1508, %ne3A_1511 : vector<16xi1>
      %select_n3A_1513 = arith.select %and3A_1512, %add3A_377, %select_n3A_1496 : vector<16xi1>, vector<16xf32>
      %broadcast_in_dim3A_1514 = arith.constant 9 : i32
      %broadcast_in_dim3A_1515 = vector.broadcast %broadcast_in_dim3A_1514 : i32 to vector<16xi32>
      %select_n3A_1516 = arith.select %and3A_1512, %broadcast_in_dim3A_1515, %select_n3A_1499 : vector<16xi1>, vector<16xi32>
      %gt3A_1517 = arith.cmpf ogt, %add3A_383, %select_n3A_1513 : vector<16xf32>
      %ne3A_1518 = arith.constant 10 : i32
      %ne3A_1519 = vector.broadcast %ne3A_1518 : i32 to vector<16xi32>
      %ne3A_1520 = arith.cmpi ne, %select_n3A_668, %ne3A_1519 : vector<16xi32>
      %and3A_1521 = arith.andi %gt3A_1517, %ne3A_1520 : vector<16xi1>
      %ne3A_1522 = arith.constant 10 : i32
      %ne3A_1523 = vector.broadcast %ne3A_1522 : i32 to vector<16xi32>
      %ne3A_1524 = arith.cmpi ne, %select_n3A_950, %ne3A_1523 : vector<16xi32>
      %and3A_1525 = arith.andi %and3A_1521, %ne3A_1524 : vector<16xi1>
      %ne3A_1526 = arith.constant 10 : i32
      %ne3A_1527 = vector.broadcast %ne3A_1526 : i32 to vector<16xi32>
      %ne3A_1528 = arith.cmpi ne, %select_n3A_1358, %ne3A_1527 : vector<16xi32>
      %and3A_1529 = arith.andi %and3A_1525, %ne3A_1528 : vector<16xi1>
      %select_n3A_1530 = arith.select %and3A_1529, %add3A_383, %select_n3A_1513 : vector<16xi1>, vector<16xf32>
      %broadcast_in_dim3A_1531 = arith.constant 10 : i32
      %broadcast_in_dim3A_1532 = vector.broadcast %broadcast_in_dim3A_1531 : i32 to vector<16xi32>
      %select_n3A_1533 = arith.select %and3A_1529, %broadcast_in_dim3A_1532, %select_n3A_1516 : vector<16xi1>, vector<16xi32>
      %gt3A_1534 = arith.cmpf ogt, %add3A_389, %select_n3A_1530 : vector<16xf32>
      %ne3A_1535 = arith.constant 11 : i32
      %ne3A_1536 = vector.broadcast %ne3A_1535 : i32 to vector<16xi32>
      %ne3A_1537 = arith.cmpi ne, %select_n3A_668, %ne3A_1536 : vector<16xi32>
      %and3A_1538 = arith.andi %gt3A_1534, %ne3A_1537 : vector<16xi1>
      %ne3A_1539 = arith.constant 11 : i32
      %ne3A_1540 = vector.broadcast %ne3A_1539 : i32 to vector<16xi32>
      %ne3A_1541 = arith.cmpi ne, %select_n3A_950, %ne3A_1540 : vector<16xi32>
      %and3A_1542 = arith.andi %and3A_1538, %ne3A_1541 : vector<16xi1>
      %ne3A_1543 = arith.constant 11 : i32
      %ne3A_1544 = vector.broadcast %ne3A_1543 : i32 to vector<16xi32>
      %ne3A_1545 = arith.cmpi ne, %select_n3A_1358, %ne3A_1544 : vector<16xi32>
      %and3A_1546 = arith.andi %and3A_1542, %ne3A_1545 : vector<16xi1>
      %select_n3A_1547 = arith.select %and3A_1546, %add3A_389, %select_n3A_1530 : vector<16xi1>, vector<16xf32>
      %broadcast_in_dim3A_1548 = arith.constant 11 : i32
      %broadcast_in_dim3A_1549 = vector.broadcast %broadcast_in_dim3A_1548 : i32 to vector<16xi32>
      %select_n3A_1550 = arith.select %and3A_1546, %broadcast_in_dim3A_1549, %select_n3A_1533 : vector<16xi1>, vector<16xi32>
      %gt3A_1551 = arith.cmpf ogt, %add3A_395, %select_n3A_1547 : vector<16xf32>
      %ne3A_1552 = arith.constant 12 : i32
      %ne3A_1553 = vector.broadcast %ne3A_1552 : i32 to vector<16xi32>
      %ne3A_1554 = arith.cmpi ne, %select_n3A_668, %ne3A_1553 : vector<16xi32>
      %and3A_1555 = arith.andi %gt3A_1551, %ne3A_1554 : vector<16xi1>
      %ne3A_1556 = arith.constant 12 : i32
      %ne3A_1557 = vector.broadcast %ne3A_1556 : i32 to vector<16xi32>
      %ne3A_1558 = arith.cmpi ne, %select_n3A_950, %ne3A_1557 : vector<16xi32>
      %and3A_1559 = arith.andi %and3A_1555, %ne3A_1558 : vector<16xi1>
      %ne3A_1560 = arith.constant 12 : i32
      %ne3A_1561 = vector.broadcast %ne3A_1560 : i32 to vector<16xi32>
      %ne3A_1562 = arith.cmpi ne, %select_n3A_1358, %ne3A_1561 : vector<16xi32>
      %and3A_1563 = arith.andi %and3A_1559, %ne3A_1562 : vector<16xi1>
      %select_n3A_1564 = arith.select %and3A_1563, %add3A_395, %select_n3A_1547 : vector<16xi1>, vector<16xf32>
      %broadcast_in_dim3A_1565 = arith.constant 12 : i32
      %broadcast_in_dim3A_1566 = vector.broadcast %broadcast_in_dim3A_1565 : i32 to vector<16xi32>
      %select_n3A_1567 = arith.select %and3A_1563, %broadcast_in_dim3A_1566, %select_n3A_1550 : vector<16xi1>, vector<16xi32>
      %gt3A_1568 = arith.cmpf ogt, %add3A_401, %select_n3A_1564 : vector<16xf32>
      %ne3A_1569 = arith.constant 13 : i32
      %ne3A_1570 = vector.broadcast %ne3A_1569 : i32 to vector<16xi32>
      %ne3A_1571 = arith.cmpi ne, %select_n3A_668, %ne3A_1570 : vector<16xi32>
      %and3A_1572 = arith.andi %gt3A_1568, %ne3A_1571 : vector<16xi1>
      %ne3A_1573 = arith.constant 13 : i32
      %ne3A_1574 = vector.broadcast %ne3A_1573 : i32 to vector<16xi32>
      %ne3A_1575 = arith.cmpi ne, %select_n3A_950, %ne3A_1574 : vector<16xi32>
      %and3A_1576 = arith.andi %and3A_1572, %ne3A_1575 : vector<16xi1>
      %ne3A_1577 = arith.constant 13 : i32
      %ne3A_1578 = vector.broadcast %ne3A_1577 : i32 to vector<16xi32>
      %ne3A_1579 = arith.cmpi ne, %select_n3A_1358, %ne3A_1578 : vector<16xi32>
      %and3A_1580 = arith.andi %and3A_1576, %ne3A_1579 : vector<16xi1>
      %select_n3A_1581 = arith.select %and3A_1580, %add3A_401, %select_n3A_1564 : vector<16xi1>, vector<16xf32>
      %broadcast_in_dim3A_1582 = arith.constant 13 : i32
      %broadcast_in_dim3A_1583 = vector.broadcast %broadcast_in_dim3A_1582 : i32 to vector<16xi32>
      %select_n3A_1584 = arith.select %and3A_1580, %broadcast_in_dim3A_1583, %select_n3A_1567 : vector<16xi1>, vector<16xi32>
      %gt3A_1585 = arith.cmpf ogt, %add3A_407, %select_n3A_1581 : vector<16xf32>
      %ne3A_1586 = arith.constant 14 : i32
      %ne3A_1587 = vector.broadcast %ne3A_1586 : i32 to vector<16xi32>
      %ne3A_1588 = arith.cmpi ne, %select_n3A_668, %ne3A_1587 : vector<16xi32>
      %and3A_1589 = arith.andi %gt3A_1585, %ne3A_1588 : vector<16xi1>
      %ne3A_1590 = arith.constant 14 : i32
      %ne3A_1591 = vector.broadcast %ne3A_1590 : i32 to vector<16xi32>
      %ne3A_1592 = arith.cmpi ne, %select_n3A_950, %ne3A_1591 : vector<16xi32>
      %and3A_1593 = arith.andi %and3A_1589, %ne3A_1592 : vector<16xi1>
      %ne3A_1594 = arith.constant 14 : i32
      %ne3A_1595 = vector.broadcast %ne3A_1594 : i32 to vector<16xi32>
      %ne3A_1596 = arith.cmpi ne, %select_n3A_1358, %ne3A_1595 : vector<16xi32>
      %and3A_1597 = arith.andi %and3A_1593, %ne3A_1596 : vector<16xi1>
      %select_n3A_1598 = arith.select %and3A_1597, %add3A_407, %select_n3A_1581 : vector<16xi1>, vector<16xf32>
      %broadcast_in_dim3A_1599 = arith.constant 14 : i32
      %broadcast_in_dim3A_1600 = vector.broadcast %broadcast_in_dim3A_1599 : i32 to vector<16xi32>
      %select_n3A_1601 = arith.select %and3A_1597, %broadcast_in_dim3A_1600, %select_n3A_1584 : vector<16xi1>, vector<16xi32>
      %gt3A_1602 = arith.cmpf ogt, %add3A_413, %select_n3A_1598 : vector<16xf32>
      %ne3A_1603 = arith.constant 15 : i32
      %ne3A_1604 = vector.broadcast %ne3A_1603 : i32 to vector<16xi32>
      %ne3A_1605 = arith.cmpi ne, %select_n3A_668, %ne3A_1604 : vector<16xi32>
      %and3A_1606 = arith.andi %gt3A_1602, %ne3A_1605 : vector<16xi1>
      %ne3A_1607 = arith.constant 15 : i32
      %ne3A_1608 = vector.broadcast %ne3A_1607 : i32 to vector<16xi32>
      %ne3A_1609 = arith.cmpi ne, %select_n3A_950, %ne3A_1608 : vector<16xi32>
      %and3A_1610 = arith.andi %and3A_1606, %ne3A_1609 : vector<16xi1>
      %ne3A_1611 = arith.constant 15 : i32
      %ne3A_1612 = vector.broadcast %ne3A_1611 : i32 to vector<16xi32>
      %ne3A_1613 = arith.cmpi ne, %select_n3A_1358, %ne3A_1612 : vector<16xi32>
      %and3A_1614 = arith.andi %and3A_1610, %ne3A_1613 : vector<16xi1>
      %select_n3A_1615 = arith.select %and3A_1614, %add3A_413, %select_n3A_1598 : vector<16xi1>, vector<16xf32>
      %broadcast_in_dim3A_1616 = arith.constant 15 : i32
      %broadcast_in_dim3A_1617 = vector.broadcast %broadcast_in_dim3A_1616 : i32 to vector<16xi32>
      %select_n3A_1618 = arith.select %and3A_1614, %broadcast_in_dim3A_1617, %select_n3A_1601 : vector<16xi1>, vector<16xi32>
      %gt3A_1619 = arith.cmpf ogt, %add3A_419, %select_n3A_1615 : vector<16xf32>
      %ne3A_1620 = arith.constant 16 : i32
      %ne3A_1621 = vector.broadcast %ne3A_1620 : i32 to vector<16xi32>
      %ne3A_1622 = arith.cmpi ne, %select_n3A_668, %ne3A_1621 : vector<16xi32>
      %and3A_1623 = arith.andi %gt3A_1619, %ne3A_1622 : vector<16xi1>
      %ne3A_1624 = arith.constant 16 : i32
      %ne3A_1625 = vector.broadcast %ne3A_1624 : i32 to vector<16xi32>
      %ne3A_1626 = arith.cmpi ne, %select_n3A_950, %ne3A_1625 : vector<16xi32>
      %and3A_1627 = arith.andi %and3A_1623, %ne3A_1626 : vector<16xi1>
      %ne3A_1628 = arith.constant 16 : i32
      %ne3A_1629 = vector.broadcast %ne3A_1628 : i32 to vector<16xi32>
      %ne3A_1630 = arith.cmpi ne, %select_n3A_1358, %ne3A_1629 : vector<16xi32>
      %and3A_1631 = arith.andi %and3A_1627, %ne3A_1630 : vector<16xi1>
      %select_n3A_1632 = arith.select %and3A_1631, %add3A_419, %select_n3A_1615 : vector<16xi1>, vector<16xf32>
      %broadcast_in_dim3A_1633 = arith.constant 16 : i32
      %broadcast_in_dim3A_1634 = vector.broadcast %broadcast_in_dim3A_1633 : i32 to vector<16xi32>
      %select_n3A_1635 = arith.select %and3A_1631, %broadcast_in_dim3A_1634, %select_n3A_1618 : vector<16xi1>, vector<16xi32>
      %gt3A_1636 = arith.cmpf ogt, %add3A_425, %select_n3A_1632 : vector<16xf32>
      %ne3A_1637 = arith.constant 17 : i32
      %ne3A_1638 = vector.broadcast %ne3A_1637 : i32 to vector<16xi32>
      %ne3A_1639 = arith.cmpi ne, %select_n3A_668, %ne3A_1638 : vector<16xi32>
      %and3A_1640 = arith.andi %gt3A_1636, %ne3A_1639 : vector<16xi1>
      %ne3A_1641 = arith.constant 17 : i32
      %ne3A_1642 = vector.broadcast %ne3A_1641 : i32 to vector<16xi32>
      %ne3A_1643 = arith.cmpi ne, %select_n3A_950, %ne3A_1642 : vector<16xi32>
      %and3A_1644 = arith.andi %and3A_1640, %ne3A_1643 : vector<16xi1>
      %ne3A_1645 = arith.constant 17 : i32
      %ne3A_1646 = vector.broadcast %ne3A_1645 : i32 to vector<16xi32>
      %ne3A_1647 = arith.cmpi ne, %select_n3A_1358, %ne3A_1646 : vector<16xi32>
      %and3A_1648 = arith.andi %and3A_1644, %ne3A_1647 : vector<16xi1>
      %select_n3A_1649 = arith.select %and3A_1648, %add3A_425, %select_n3A_1632 : vector<16xi1>, vector<16xf32>
      %broadcast_in_dim3A_1650 = arith.constant 17 : i32
      %broadcast_in_dim3A_1651 = vector.broadcast %broadcast_in_dim3A_1650 : i32 to vector<16xi32>
      %select_n3A_1652 = arith.select %and3A_1648, %broadcast_in_dim3A_1651, %select_n3A_1635 : vector<16xi1>, vector<16xi32>
      %gt3A_1653 = arith.cmpf ogt, %add3A_431, %select_n3A_1649 : vector<16xf32>
      %ne3A_1654 = arith.constant 18 : i32
      %ne3A_1655 = vector.broadcast %ne3A_1654 : i32 to vector<16xi32>
      %ne3A_1656 = arith.cmpi ne, %select_n3A_668, %ne3A_1655 : vector<16xi32>
      %and3A_1657 = arith.andi %gt3A_1653, %ne3A_1656 : vector<16xi1>
      %ne3A_1658 = arith.constant 18 : i32
      %ne3A_1659 = vector.broadcast %ne3A_1658 : i32 to vector<16xi32>
      %ne3A_1660 = arith.cmpi ne, %select_n3A_950, %ne3A_1659 : vector<16xi32>
      %and3A_1661 = arith.andi %and3A_1657, %ne3A_1660 : vector<16xi1>
      %ne3A_1662 = arith.constant 18 : i32
      %ne3A_1663 = vector.broadcast %ne3A_1662 : i32 to vector<16xi32>
      %ne3A_1664 = arith.cmpi ne, %select_n3A_1358, %ne3A_1663 : vector<16xi32>
      %and3A_1665 = arith.andi %and3A_1661, %ne3A_1664 : vector<16xi1>
      %select_n3A_1666 = arith.select %and3A_1665, %add3A_431, %select_n3A_1649 : vector<16xi1>, vector<16xf32>
      %broadcast_in_dim3A_1667 = arith.constant 18 : i32
      %broadcast_in_dim3A_1668 = vector.broadcast %broadcast_in_dim3A_1667 : i32 to vector<16xi32>
      %select_n3A_1669 = arith.select %and3A_1665, %broadcast_in_dim3A_1668, %select_n3A_1652 : vector<16xi1>, vector<16xi32>
      %gt3A_1670 = arith.cmpf ogt, %add3A_437, %select_n3A_1666 : vector<16xf32>
      %ne3A_1671 = arith.constant 19 : i32
      %ne3A_1672 = vector.broadcast %ne3A_1671 : i32 to vector<16xi32>
      %ne3A_1673 = arith.cmpi ne, %select_n3A_668, %ne3A_1672 : vector<16xi32>
      %and3A_1674 = arith.andi %gt3A_1670, %ne3A_1673 : vector<16xi1>
      %ne3A_1675 = arith.constant 19 : i32
      %ne3A_1676 = vector.broadcast %ne3A_1675 : i32 to vector<16xi32>
      %ne3A_1677 = arith.cmpi ne, %select_n3A_950, %ne3A_1676 : vector<16xi32>
      %and3A_1678 = arith.andi %and3A_1674, %ne3A_1677 : vector<16xi1>
      %ne3A_1679 = arith.constant 19 : i32
      %ne3A_1680 = vector.broadcast %ne3A_1679 : i32 to vector<16xi32>
      %ne3A_1681 = arith.cmpi ne, %select_n3A_1358, %ne3A_1680 : vector<16xi32>
      %and3A_1682 = arith.andi %and3A_1678, %ne3A_1681 : vector<16xi1>
      %select_n3A_1683 = arith.select %and3A_1682, %add3A_437, %select_n3A_1666 : vector<16xi1>, vector<16xf32>
      %broadcast_in_dim3A_1684 = arith.constant 19 : i32
      %broadcast_in_dim3A_1685 = vector.broadcast %broadcast_in_dim3A_1684 : i32 to vector<16xi32>
      %select_n3A_1686 = arith.select %and3A_1682, %broadcast_in_dim3A_1685, %select_n3A_1669 : vector<16xi1>, vector<16xi32>
      %gt3A_1687 = arith.cmpf ogt, %add3A_443, %select_n3A_1683 : vector<16xf32>
      %ne3A_1688 = arith.constant 20 : i32
      %ne3A_1689 = vector.broadcast %ne3A_1688 : i32 to vector<16xi32>
      %ne3A_1690 = arith.cmpi ne, %select_n3A_668, %ne3A_1689 : vector<16xi32>
      %and3A_1691 = arith.andi %gt3A_1687, %ne3A_1690 : vector<16xi1>
      %ne3A_1692 = arith.constant 20 : i32
      %ne3A_1693 = vector.broadcast %ne3A_1692 : i32 to vector<16xi32>
      %ne3A_1694 = arith.cmpi ne, %select_n3A_950, %ne3A_1693 : vector<16xi32>
      %and3A_1695 = arith.andi %and3A_1691, %ne3A_1694 : vector<16xi1>
      %ne3A_1696 = arith.constant 20 : i32
      %ne3A_1697 = vector.broadcast %ne3A_1696 : i32 to vector<16xi32>
      %ne3A_1698 = arith.cmpi ne, %select_n3A_1358, %ne3A_1697 : vector<16xi32>
      %and3A_1699 = arith.andi %and3A_1695, %ne3A_1698 : vector<16xi1>
      %select_n3A_1700 = arith.select %and3A_1699, %add3A_443, %select_n3A_1683 : vector<16xi1>, vector<16xf32>
      %broadcast_in_dim3A_1701 = arith.constant 20 : i32
      %broadcast_in_dim3A_1702 = vector.broadcast %broadcast_in_dim3A_1701 : i32 to vector<16xi32>
      %select_n3A_1703 = arith.select %and3A_1699, %broadcast_in_dim3A_1702, %select_n3A_1686 : vector<16xi1>, vector<16xi32>
      %gt3A_1704 = arith.cmpf ogt, %add3A_449, %select_n3A_1700 : vector<16xf32>
      %ne3A_1705 = arith.constant 21 : i32
      %ne3A_1706 = vector.broadcast %ne3A_1705 : i32 to vector<16xi32>
      %ne3A_1707 = arith.cmpi ne, %select_n3A_668, %ne3A_1706 : vector<16xi32>
      %and3A_1708 = arith.andi %gt3A_1704, %ne3A_1707 : vector<16xi1>
      %ne3A_1709 = arith.constant 21 : i32
      %ne3A_1710 = vector.broadcast %ne3A_1709 : i32 to vector<16xi32>
      %ne3A_1711 = arith.cmpi ne, %select_n3A_950, %ne3A_1710 : vector<16xi32>
      %and3A_1712 = arith.andi %and3A_1708, %ne3A_1711 : vector<16xi1>
      %ne3A_1713 = arith.constant 21 : i32
      %ne3A_1714 = vector.broadcast %ne3A_1713 : i32 to vector<16xi32>
      %ne3A_1715 = arith.cmpi ne, %select_n3A_1358, %ne3A_1714 : vector<16xi32>
      %and3A_1716 = arith.andi %and3A_1712, %ne3A_1715 : vector<16xi1>
      %select_n3A_1717 = arith.select %and3A_1716, %add3A_449, %select_n3A_1700 : vector<16xi1>, vector<16xf32>
      %broadcast_in_dim3A_1718 = arith.constant 21 : i32
      %broadcast_in_dim3A_1719 = vector.broadcast %broadcast_in_dim3A_1718 : i32 to vector<16xi32>
      %select_n3A_1720 = arith.select %and3A_1716, %broadcast_in_dim3A_1719, %select_n3A_1703 : vector<16xi1>, vector<16xi32>
      %gt3A_1721 = arith.cmpf ogt, %add3A_455, %select_n3A_1717 : vector<16xf32>
      %ne3A_1722 = arith.constant 22 : i32
      %ne3A_1723 = vector.broadcast %ne3A_1722 : i32 to vector<16xi32>
      %ne3A_1724 = arith.cmpi ne, %select_n3A_668, %ne3A_1723 : vector<16xi32>
      %and3A_1725 = arith.andi %gt3A_1721, %ne3A_1724 : vector<16xi1>
      %ne3A_1726 = arith.constant 22 : i32
      %ne3A_1727 = vector.broadcast %ne3A_1726 : i32 to vector<16xi32>
      %ne3A_1728 = arith.cmpi ne, %select_n3A_950, %ne3A_1727 : vector<16xi32>
      %and3A_1729 = arith.andi %and3A_1725, %ne3A_1728 : vector<16xi1>
      %ne3A_1730 = arith.constant 22 : i32
      %ne3A_1731 = vector.broadcast %ne3A_1730 : i32 to vector<16xi32>
      %ne3A_1732 = arith.cmpi ne, %select_n3A_1358, %ne3A_1731 : vector<16xi32>
      %and3A_1733 = arith.andi %and3A_1729, %ne3A_1732 : vector<16xi1>
      %select_n3A_1734 = arith.select %and3A_1733, %add3A_455, %select_n3A_1717 : vector<16xi1>, vector<16xf32>
      %broadcast_in_dim3A_1735 = arith.constant 22 : i32
      %broadcast_in_dim3A_1736 = vector.broadcast %broadcast_in_dim3A_1735 : i32 to vector<16xi32>
      %select_n3A_1737 = arith.select %and3A_1733, %broadcast_in_dim3A_1736, %select_n3A_1720 : vector<16xi1>, vector<16xi32>
      %gt3A_1738 = arith.cmpf ogt, %add3A_461, %select_n3A_1734 : vector<16xf32>
      %ne3A_1739 = arith.constant 23 : i32
      %ne3A_1740 = vector.broadcast %ne3A_1739 : i32 to vector<16xi32>
      %ne3A_1741 = arith.cmpi ne, %select_n3A_668, %ne3A_1740 : vector<16xi32>
      %and3A_1742 = arith.andi %gt3A_1738, %ne3A_1741 : vector<16xi1>
      %ne3A_1743 = arith.constant 23 : i32
      %ne3A_1744 = vector.broadcast %ne3A_1743 : i32 to vector<16xi32>
      %ne3A_1745 = arith.cmpi ne, %select_n3A_950, %ne3A_1744 : vector<16xi32>
      %and3A_1746 = arith.andi %and3A_1742, %ne3A_1745 : vector<16xi1>
      %ne3A_1747 = arith.constant 23 : i32
      %ne3A_1748 = vector.broadcast %ne3A_1747 : i32 to vector<16xi32>
      %ne3A_1749 = arith.cmpi ne, %select_n3A_1358, %ne3A_1748 : vector<16xi32>
      %and3A_1750 = arith.andi %and3A_1746, %ne3A_1749 : vector<16xi1>
      %select_n3A_1751 = arith.select %and3A_1750, %add3A_461, %select_n3A_1734 : vector<16xi1>, vector<16xf32>
      %broadcast_in_dim3A_1752 = arith.constant 23 : i32
      %broadcast_in_dim3A_1753 = vector.broadcast %broadcast_in_dim3A_1752 : i32 to vector<16xi32>
      %select_n3A_1754 = arith.select %and3A_1750, %broadcast_in_dim3A_1753, %select_n3A_1737 : vector<16xi1>, vector<16xi32>
      %gt3A_1755 = arith.cmpf ogt, %add3A_467, %select_n3A_1751 : vector<16xf32>
      %ne3A_1756 = arith.constant 24 : i32
      %ne3A_1757 = vector.broadcast %ne3A_1756 : i32 to vector<16xi32>
      %ne3A_1758 = arith.cmpi ne, %select_n3A_668, %ne3A_1757 : vector<16xi32>
      %and3A_1759 = arith.andi %gt3A_1755, %ne3A_1758 : vector<16xi1>
      %ne3A_1760 = arith.constant 24 : i32
      %ne3A_1761 = vector.broadcast %ne3A_1760 : i32 to vector<16xi32>
      %ne3A_1762 = arith.cmpi ne, %select_n3A_950, %ne3A_1761 : vector<16xi32>
      %and3A_1763 = arith.andi %and3A_1759, %ne3A_1762 : vector<16xi1>
      %ne3A_1764 = arith.constant 24 : i32
      %ne3A_1765 = vector.broadcast %ne3A_1764 : i32 to vector<16xi32>
      %ne3A_1766 = arith.cmpi ne, %select_n3A_1358, %ne3A_1765 : vector<16xi32>
      %and3A_1767 = arith.andi %and3A_1763, %ne3A_1766 : vector<16xi1>
      %select_n3A_1768 = arith.select %and3A_1767, %add3A_467, %select_n3A_1751 : vector<16xi1>, vector<16xf32>
      %broadcast_in_dim3A_1769 = arith.constant 24 : i32
      %broadcast_in_dim3A_1770 = vector.broadcast %broadcast_in_dim3A_1769 : i32 to vector<16xi32>
      %select_n3A_1771 = arith.select %and3A_1767, %broadcast_in_dim3A_1770, %select_n3A_1754 : vector<16xi1>, vector<16xi32>
      %gt3A_1772 = arith.cmpf ogt, %add3A_473, %select_n3A_1768 : vector<16xf32>
      %ne3A_1773 = arith.constant 25 : i32
      %ne3A_1774 = vector.broadcast %ne3A_1773 : i32 to vector<16xi32>
      %ne3A_1775 = arith.cmpi ne, %select_n3A_668, %ne3A_1774 : vector<16xi32>
      %and3A_1776 = arith.andi %gt3A_1772, %ne3A_1775 : vector<16xi1>
      %ne3A_1777 = arith.constant 25 : i32
      %ne3A_1778 = vector.broadcast %ne3A_1777 : i32 to vector<16xi32>
      %ne3A_1779 = arith.cmpi ne, %select_n3A_950, %ne3A_1778 : vector<16xi32>
      %and3A_1780 = arith.andi %and3A_1776, %ne3A_1779 : vector<16xi1>
      %ne3A_1781 = arith.constant 25 : i32
      %ne3A_1782 = vector.broadcast %ne3A_1781 : i32 to vector<16xi32>
      %ne3A_1783 = arith.cmpi ne, %select_n3A_1358, %ne3A_1782 : vector<16xi32>
      %and3A_1784 = arith.andi %and3A_1780, %ne3A_1783 : vector<16xi1>
      %select_n3A_1785 = arith.select %and3A_1784, %add3A_473, %select_n3A_1768 : vector<16xi1>, vector<16xf32>
      %broadcast_in_dim3A_1786 = arith.constant 25 : i32
      %broadcast_in_dim3A_1787 = vector.broadcast %broadcast_in_dim3A_1786 : i32 to vector<16xi32>
      %select_n3A_1788 = arith.select %and3A_1784, %broadcast_in_dim3A_1787, %select_n3A_1771 : vector<16xi1>, vector<16xi32>
      %gt3A_1789 = arith.cmpf ogt, %add3A_479, %select_n3A_1785 : vector<16xf32>
      %ne3A_1790 = arith.constant 26 : i32
      %ne3A_1791 = vector.broadcast %ne3A_1790 : i32 to vector<16xi32>
      %ne3A_1792 = arith.cmpi ne, %select_n3A_668, %ne3A_1791 : vector<16xi32>
      %and3A_1793 = arith.andi %gt3A_1789, %ne3A_1792 : vector<16xi1>
      %ne3A_1794 = arith.constant 26 : i32
      %ne3A_1795 = vector.broadcast %ne3A_1794 : i32 to vector<16xi32>
      %ne3A_1796 = arith.cmpi ne, %select_n3A_950, %ne3A_1795 : vector<16xi32>
      %and3A_1797 = arith.andi %and3A_1793, %ne3A_1796 : vector<16xi1>
      %ne3A_1798 = arith.constant 26 : i32
      %ne3A_1799 = vector.broadcast %ne3A_1798 : i32 to vector<16xi32>
      %ne3A_1800 = arith.cmpi ne, %select_n3A_1358, %ne3A_1799 : vector<16xi32>
      %and3A_1801 = arith.andi %and3A_1797, %ne3A_1800 : vector<16xi1>
      %select_n3A_1802 = arith.select %and3A_1801, %add3A_479, %select_n3A_1785 : vector<16xi1>, vector<16xf32>
      %broadcast_in_dim3A_1803 = arith.constant 26 : i32
      %broadcast_in_dim3A_1804 = vector.broadcast %broadcast_in_dim3A_1803 : i32 to vector<16xi32>
      %select_n3A_1805 = arith.select %and3A_1801, %broadcast_in_dim3A_1804, %select_n3A_1788 : vector<16xi1>, vector<16xi32>
      %gt3A_1806 = arith.cmpf ogt, %add3A_485, %select_n3A_1802 : vector<16xf32>
      %ne3A_1807 = arith.constant 27 : i32
      %ne3A_1808 = vector.broadcast %ne3A_1807 : i32 to vector<16xi32>
      %ne3A_1809 = arith.cmpi ne, %select_n3A_668, %ne3A_1808 : vector<16xi32>
      %and3A_1810 = arith.andi %gt3A_1806, %ne3A_1809 : vector<16xi1>
      %ne3A_1811 = arith.constant 27 : i32
      %ne3A_1812 = vector.broadcast %ne3A_1811 : i32 to vector<16xi32>
      %ne3A_1813 = arith.cmpi ne, %select_n3A_950, %ne3A_1812 : vector<16xi32>
      %and3A_1814 = arith.andi %and3A_1810, %ne3A_1813 : vector<16xi1>
      %ne3A_1815 = arith.constant 27 : i32
      %ne3A_1816 = vector.broadcast %ne3A_1815 : i32 to vector<16xi32>
      %ne3A_1817 = arith.cmpi ne, %select_n3A_1358, %ne3A_1816 : vector<16xi32>
      %and3A_1818 = arith.andi %and3A_1814, %ne3A_1817 : vector<16xi1>
      %select_n3A_1819 = arith.select %and3A_1818, %add3A_485, %select_n3A_1802 : vector<16xi1>, vector<16xf32>
      %broadcast_in_dim3A_1820 = arith.constant 27 : i32
      %broadcast_in_dim3A_1821 = vector.broadcast %broadcast_in_dim3A_1820 : i32 to vector<16xi32>
      %select_n3A_1822 = arith.select %and3A_1818, %broadcast_in_dim3A_1821, %select_n3A_1805 : vector<16xi1>, vector<16xi32>
      %gt3A_1823 = arith.cmpf ogt, %add3A_491, %select_n3A_1819 : vector<16xf32>
      %ne3A_1824 = arith.constant 28 : i32
      %ne3A_1825 = vector.broadcast %ne3A_1824 : i32 to vector<16xi32>
      %ne3A_1826 = arith.cmpi ne, %select_n3A_668, %ne3A_1825 : vector<16xi32>
      %and3A_1827 = arith.andi %gt3A_1823, %ne3A_1826 : vector<16xi1>
      %ne3A_1828 = arith.constant 28 : i32
      %ne3A_1829 = vector.broadcast %ne3A_1828 : i32 to vector<16xi32>
      %ne3A_1830 = arith.cmpi ne, %select_n3A_950, %ne3A_1829 : vector<16xi32>
      %and3A_1831 = arith.andi %and3A_1827, %ne3A_1830 : vector<16xi1>
      %ne3A_1832 = arith.constant 28 : i32
      %ne3A_1833 = vector.broadcast %ne3A_1832 : i32 to vector<16xi32>
      %ne3A_1834 = arith.cmpi ne, %select_n3A_1358, %ne3A_1833 : vector<16xi32>
      %and3A_1835 = arith.andi %and3A_1831, %ne3A_1834 : vector<16xi1>
      %select_n3A_1836 = arith.select %and3A_1835, %add3A_491, %select_n3A_1819 : vector<16xi1>, vector<16xf32>
      %broadcast_in_dim3A_1837 = arith.constant 28 : i32
      %broadcast_in_dim3A_1838 = vector.broadcast %broadcast_in_dim3A_1837 : i32 to vector<16xi32>
      %select_n3A_1839 = arith.select %and3A_1835, %broadcast_in_dim3A_1838, %select_n3A_1822 : vector<16xi1>, vector<16xi32>
      %gt3A_1840 = arith.cmpf ogt, %add3A_497, %select_n3A_1836 : vector<16xf32>
      %ne3A_1841 = arith.constant 29 : i32
      %ne3A_1842 = vector.broadcast %ne3A_1841 : i32 to vector<16xi32>
      %ne3A_1843 = arith.cmpi ne, %select_n3A_668, %ne3A_1842 : vector<16xi32>
      %and3A_1844 = arith.andi %gt3A_1840, %ne3A_1843 : vector<16xi1>
      %ne3A_1845 = arith.constant 29 : i32
      %ne3A_1846 = vector.broadcast %ne3A_1845 : i32 to vector<16xi32>
      %ne3A_1847 = arith.cmpi ne, %select_n3A_950, %ne3A_1846 : vector<16xi32>
      %and3A_1848 = arith.andi %and3A_1844, %ne3A_1847 : vector<16xi1>
      %ne3A_1849 = arith.constant 29 : i32
      %ne3A_1850 = vector.broadcast %ne3A_1849 : i32 to vector<16xi32>
      %ne3A_1851 = arith.cmpi ne, %select_n3A_1358, %ne3A_1850 : vector<16xi32>
      %and3A_1852 = arith.andi %and3A_1848, %ne3A_1851 : vector<16xi1>
      %select_n3A_1853 = arith.select %and3A_1852, %add3A_497, %select_n3A_1836 : vector<16xi1>, vector<16xf32>
      %broadcast_in_dim3A_1854 = arith.constant 29 : i32
      %broadcast_in_dim3A_1855 = vector.broadcast %broadcast_in_dim3A_1854 : i32 to vector<16xi32>
      %select_n3A_1856 = arith.select %and3A_1852, %broadcast_in_dim3A_1855, %select_n3A_1839 : vector<16xi1>, vector<16xi32>
      %gt3A_1857 = arith.cmpf ogt, %add3A_503, %select_n3A_1853 : vector<16xf32>
      %ne3A_1858 = arith.constant 30 : i32
      %ne3A_1859 = vector.broadcast %ne3A_1858 : i32 to vector<16xi32>
      %ne3A_1860 = arith.cmpi ne, %select_n3A_668, %ne3A_1859 : vector<16xi32>
      %and3A_1861 = arith.andi %gt3A_1857, %ne3A_1860 : vector<16xi1>
      %ne3A_1862 = arith.constant 30 : i32
      %ne3A_1863 = vector.broadcast %ne3A_1862 : i32 to vector<16xi32>
      %ne3A_1864 = arith.cmpi ne, %select_n3A_950, %ne3A_1863 : vector<16xi32>
      %and3A_1865 = arith.andi %and3A_1861, %ne3A_1864 : vector<16xi1>
      %ne3A_1866 = arith.constant 30 : i32
      %ne3A_1867 = vector.broadcast %ne3A_1866 : i32 to vector<16xi32>
      %ne3A_1868 = arith.cmpi ne, %select_n3A_1358, %ne3A_1867 : vector<16xi32>
      %and3A_1869 = arith.andi %and3A_1865, %ne3A_1868 : vector<16xi1>
      %select_n3A_1870 = arith.select %and3A_1869, %add3A_503, %select_n3A_1853 : vector<16xi1>, vector<16xf32>
      %broadcast_in_dim3A_1871 = arith.constant 30 : i32
      %broadcast_in_dim3A_1872 = vector.broadcast %broadcast_in_dim3A_1871 : i32 to vector<16xi32>
      %select_n3A_1873 = arith.select %and3A_1869, %broadcast_in_dim3A_1872, %select_n3A_1856 : vector<16xi1>, vector<16xi32>
      %gt3A_1874 = arith.cmpf ogt, %add3A_509, %select_n3A_1870 : vector<16xf32>
      %ne3A_1875 = arith.constant 31 : i32
      %ne3A_1876 = vector.broadcast %ne3A_1875 : i32 to vector<16xi32>
      %ne3A_1877 = arith.cmpi ne, %select_n3A_668, %ne3A_1876 : vector<16xi32>
      %and3A_1878 = arith.andi %gt3A_1874, %ne3A_1877 : vector<16xi1>
      %ne3A_1879 = arith.constant 31 : i32
      %ne3A_1880 = vector.broadcast %ne3A_1879 : i32 to vector<16xi32>
      %ne3A_1881 = arith.cmpi ne, %select_n3A_950, %ne3A_1880 : vector<16xi32>
      %and3A_1882 = arith.andi %and3A_1878, %ne3A_1881 : vector<16xi1>
      %ne3A_1883 = arith.constant 31 : i32
      %ne3A_1884 = vector.broadcast %ne3A_1883 : i32 to vector<16xi32>
      %ne3A_1885 = arith.cmpi ne, %select_n3A_1358, %ne3A_1884 : vector<16xi32>
      %and3A_1886 = arith.andi %and3A_1882, %ne3A_1885 : vector<16xi1>
      %select_n3A_1887 = arith.select %and3A_1886, %add3A_509, %select_n3A_1870 : vector<16xi1>, vector<16xf32>
      %broadcast_in_dim3A_1888 = arith.constant 31 : i32
      %broadcast_in_dim3A_1889 = vector.broadcast %broadcast_in_dim3A_1888 : i32 to vector<16xi32>
      %select_n3A_1890 = arith.select %and3A_1886, %broadcast_in_dim3A_1889, %select_n3A_1873 : vector<16xi1>, vector<16xi32>
      %add3A_1891 = arith.addf %add3A_1359, %select_n3A_1887 : vector<16xf32>
      %broadcast_in_dim3A_1892 = arith.constant -1.000000e+30 : f32
      %broadcast_in_dim3A_1893 = vector.broadcast %broadcast_in_dim3A_1892 : f32 to vector<16xf32>
      %broadcast_in_dim3A_1894 = arith.constant 0 : i32
      %broadcast_in_dim3A_1895 = vector.broadcast %broadcast_in_dim3A_1894 : i32 to vector<16xi32>
      %gt3A_1896 = arith.cmpf ogt, %add3A_329, %broadcast_in_dim3A_1893 : vector<16xf32>
      %ne3A_1897 = arith.constant 1 : i32
      %ne3A_1898 = vector.broadcast %ne3A_1897 : i32 to vector<16xi32>
      %ne3A_1899 = arith.cmpi ne, %select_n3A_668, %ne3A_1898 : vector<16xi32>
      %and3A_1900 = arith.andi %gt3A_1896, %ne3A_1899 : vector<16xi1>
      %ne3A_1901 = arith.constant 1 : i32
      %ne3A_1902 = vector.broadcast %ne3A_1901 : i32 to vector<16xi32>
      %ne3A_1903 = arith.cmpi ne, %select_n3A_950, %ne3A_1902 : vector<16xi32>
      %and3A_1904 = arith.andi %and3A_1900, %ne3A_1903 : vector<16xi1>
      %ne3A_1905 = arith.constant 1 : i32
      %ne3A_1906 = vector.broadcast %ne3A_1905 : i32 to vector<16xi32>
      %ne3A_1907 = arith.cmpi ne, %select_n3A_1358, %ne3A_1906 : vector<16xi32>
      %and3A_1908 = arith.andi %and3A_1904, %ne3A_1907 : vector<16xi1>
      %ne3A_1909 = arith.constant 1 : i32
      %ne3A_1910 = vector.broadcast %ne3A_1909 : i32 to vector<16xi32>
      %ne3A_1911 = arith.cmpi ne, %select_n3A_1890, %ne3A_1910 : vector<16xi32>
      %and3A_1912 = arith.andi %and3A_1908, %ne3A_1911 : vector<16xi1>
      %select_n3A_1913 = arith.select %and3A_1912, %add3A_329, %broadcast_in_dim3A_1893 : vector<16xi1>, vector<16xf32>
      %broadcast_in_dim3A_1914 = arith.constant 1 : i32
      %broadcast_in_dim3A_1915 = vector.broadcast %broadcast_in_dim3A_1914 : i32 to vector<16xi32>
      %select_n3A_1916 = arith.select %and3A_1912, %broadcast_in_dim3A_1915, %broadcast_in_dim3A_1895 : vector<16xi1>, vector<16xi32>
      %gt3A_1917 = arith.cmpf ogt, %add3A_335, %select_n3A_1913 : vector<16xf32>
      %ne3A_1918 = arith.constant 2 : i32
      %ne3A_1919 = vector.broadcast %ne3A_1918 : i32 to vector<16xi32>
      %ne3A_1920 = arith.cmpi ne, %select_n3A_668, %ne3A_1919 : vector<16xi32>
      %and3A_1921 = arith.andi %gt3A_1917, %ne3A_1920 : vector<16xi1>
      %ne3A_1922 = arith.constant 2 : i32
      %ne3A_1923 = vector.broadcast %ne3A_1922 : i32 to vector<16xi32>
      %ne3A_1924 = arith.cmpi ne, %select_n3A_950, %ne3A_1923 : vector<16xi32>
      %and3A_1925 = arith.andi %and3A_1921, %ne3A_1924 : vector<16xi1>
      %ne3A_1926 = arith.constant 2 : i32
      %ne3A_1927 = vector.broadcast %ne3A_1926 : i32 to vector<16xi32>
      %ne3A_1928 = arith.cmpi ne, %select_n3A_1358, %ne3A_1927 : vector<16xi32>
      %and3A_1929 = arith.andi %and3A_1925, %ne3A_1928 : vector<16xi1>
      %ne3A_1930 = arith.constant 2 : i32
      %ne3A_1931 = vector.broadcast %ne3A_1930 : i32 to vector<16xi32>
      %ne3A_1932 = arith.cmpi ne, %select_n3A_1890, %ne3A_1931 : vector<16xi32>
      %and3A_1933 = arith.andi %and3A_1929, %ne3A_1932 : vector<16xi1>
      %select_n3A_1934 = arith.select %and3A_1933, %add3A_335, %select_n3A_1913 : vector<16xi1>, vector<16xf32>
      %broadcast_in_dim3A_1935 = arith.constant 2 : i32
      %broadcast_in_dim3A_1936 = vector.broadcast %broadcast_in_dim3A_1935 : i32 to vector<16xi32>
      %select_n3A_1937 = arith.select %and3A_1933, %broadcast_in_dim3A_1936, %select_n3A_1916 : vector<16xi1>, vector<16xi32>
      %gt3A_1938 = arith.cmpf ogt, %add3A_341, %select_n3A_1934 : vector<16xf32>
      %ne3A_1939 = arith.constant 3 : i32
      %ne3A_1940 = vector.broadcast %ne3A_1939 : i32 to vector<16xi32>
      %ne3A_1941 = arith.cmpi ne, %select_n3A_668, %ne3A_1940 : vector<16xi32>
      %and3A_1942 = arith.andi %gt3A_1938, %ne3A_1941 : vector<16xi1>
      %ne3A_1943 = arith.constant 3 : i32
      %ne3A_1944 = vector.broadcast %ne3A_1943 : i32 to vector<16xi32>
      %ne3A_1945 = arith.cmpi ne, %select_n3A_950, %ne3A_1944 : vector<16xi32>
      %and3A_1946 = arith.andi %and3A_1942, %ne3A_1945 : vector<16xi1>
      %ne3A_1947 = arith.constant 3 : i32
      %ne3A_1948 = vector.broadcast %ne3A_1947 : i32 to vector<16xi32>
      %ne3A_1949 = arith.cmpi ne, %select_n3A_1358, %ne3A_1948 : vector<16xi32>
      %and3A_1950 = arith.andi %and3A_1946, %ne3A_1949 : vector<16xi1>
      %ne3A_1951 = arith.constant 3 : i32
      %ne3A_1952 = vector.broadcast %ne3A_1951 : i32 to vector<16xi32>
      %ne3A_1953 = arith.cmpi ne, %select_n3A_1890, %ne3A_1952 : vector<16xi32>
      %and3A_1954 = arith.andi %and3A_1950, %ne3A_1953 : vector<16xi1>
      %select_n3A_1955 = arith.select %and3A_1954, %add3A_341, %select_n3A_1934 : vector<16xi1>, vector<16xf32>
      %broadcast_in_dim3A_1956 = arith.constant 3 : i32
      %broadcast_in_dim3A_1957 = vector.broadcast %broadcast_in_dim3A_1956 : i32 to vector<16xi32>
      %select_n3A_1958 = arith.select %and3A_1954, %broadcast_in_dim3A_1957, %select_n3A_1937 : vector<16xi1>, vector<16xi32>
      %gt3A_1959 = arith.cmpf ogt, %add3A_347, %select_n3A_1955 : vector<16xf32>
      %ne3A_1960 = arith.constant 4 : i32
      %ne3A_1961 = vector.broadcast %ne3A_1960 : i32 to vector<16xi32>
      %ne3A_1962 = arith.cmpi ne, %select_n3A_668, %ne3A_1961 : vector<16xi32>
      %and3A_1963 = arith.andi %gt3A_1959, %ne3A_1962 : vector<16xi1>
      %ne3A_1964 = arith.constant 4 : i32
      %ne3A_1965 = vector.broadcast %ne3A_1964 : i32 to vector<16xi32>
      %ne3A_1966 = arith.cmpi ne, %select_n3A_950, %ne3A_1965 : vector<16xi32>
      %and3A_1967 = arith.andi %and3A_1963, %ne3A_1966 : vector<16xi1>
      %ne3A_1968 = arith.constant 4 : i32
      %ne3A_1969 = vector.broadcast %ne3A_1968 : i32 to vector<16xi32>
      %ne3A_1970 = arith.cmpi ne, %select_n3A_1358, %ne3A_1969 : vector<16xi32>
      %and3A_1971 = arith.andi %and3A_1967, %ne3A_1970 : vector<16xi1>
      %ne3A_1972 = arith.constant 4 : i32
      %ne3A_1973 = vector.broadcast %ne3A_1972 : i32 to vector<16xi32>
      %ne3A_1974 = arith.cmpi ne, %select_n3A_1890, %ne3A_1973 : vector<16xi32>
      %and3A_1975 = arith.andi %and3A_1971, %ne3A_1974 : vector<16xi1>
      %select_n3A_1976 = arith.select %and3A_1975, %add3A_347, %select_n3A_1955 : vector<16xi1>, vector<16xf32>
      %broadcast_in_dim3A_1977 = arith.constant 4 : i32
      %broadcast_in_dim3A_1978 = vector.broadcast %broadcast_in_dim3A_1977 : i32 to vector<16xi32>
      %select_n3A_1979 = arith.select %and3A_1975, %broadcast_in_dim3A_1978, %select_n3A_1958 : vector<16xi1>, vector<16xi32>
      %gt3A_1980 = arith.cmpf ogt, %add3A_353, %select_n3A_1976 : vector<16xf32>
      %ne3A_1981 = arith.constant 5 : i32
      %ne3A_1982 = vector.broadcast %ne3A_1981 : i32 to vector<16xi32>
      %ne3A_1983 = arith.cmpi ne, %select_n3A_668, %ne3A_1982 : vector<16xi32>
      %and3A_1984 = arith.andi %gt3A_1980, %ne3A_1983 : vector<16xi1>
      %ne3A_1985 = arith.constant 5 : i32
      %ne3A_1986 = vector.broadcast %ne3A_1985 : i32 to vector<16xi32>
      %ne3A_1987 = arith.cmpi ne, %select_n3A_950, %ne3A_1986 : vector<16xi32>
      %and3A_1988 = arith.andi %and3A_1984, %ne3A_1987 : vector<16xi1>
      %ne3A_1989 = arith.constant 5 : i32
      %ne3A_1990 = vector.broadcast %ne3A_1989 : i32 to vector<16xi32>
      %ne3A_1991 = arith.cmpi ne, %select_n3A_1358, %ne3A_1990 : vector<16xi32>
      %and3A_1992 = arith.andi %and3A_1988, %ne3A_1991 : vector<16xi1>
      %ne3A_1993 = arith.constant 5 : i32
      %ne3A_1994 = vector.broadcast %ne3A_1993 : i32 to vector<16xi32>
      %ne3A_1995 = arith.cmpi ne, %select_n3A_1890, %ne3A_1994 : vector<16xi32>
      %and3A_1996 = arith.andi %and3A_1992, %ne3A_1995 : vector<16xi1>
      %select_n3A_1997 = arith.select %and3A_1996, %add3A_353, %select_n3A_1976 : vector<16xi1>, vector<16xf32>
      %broadcast_in_dim3A_1998 = arith.constant 5 : i32
      %broadcast_in_dim3A_1999 = vector.broadcast %broadcast_in_dim3A_1998 : i32 to vector<16xi32>
      %select_n3A_2000 = arith.select %and3A_1996, %broadcast_in_dim3A_1999, %select_n3A_1979 : vector<16xi1>, vector<16xi32>
      %gt3A_2001 = arith.cmpf ogt, %add3A_359, %select_n3A_1997 : vector<16xf32>
      %ne3A_2002 = arith.constant 6 : i32
      %ne3A_2003 = vector.broadcast %ne3A_2002 : i32 to vector<16xi32>
      %ne3A_2004 = arith.cmpi ne, %select_n3A_668, %ne3A_2003 : vector<16xi32>
      %and3A_2005 = arith.andi %gt3A_2001, %ne3A_2004 : vector<16xi1>
      %ne3A_2006 = arith.constant 6 : i32
      %ne3A_2007 = vector.broadcast %ne3A_2006 : i32 to vector<16xi32>
      %ne3A_2008 = arith.cmpi ne, %select_n3A_950, %ne3A_2007 : vector<16xi32>
      %and3A_2009 = arith.andi %and3A_2005, %ne3A_2008 : vector<16xi1>
      %ne3A_2010 = arith.constant 6 : i32
      %ne3A_2011 = vector.broadcast %ne3A_2010 : i32 to vector<16xi32>
      %ne3A_2012 = arith.cmpi ne, %select_n3A_1358, %ne3A_2011 : vector<16xi32>
      %and3A_2013 = arith.andi %and3A_2009, %ne3A_2012 : vector<16xi1>
      %ne3A_2014 = arith.constant 6 : i32
      %ne3A_2015 = vector.broadcast %ne3A_2014 : i32 to vector<16xi32>
      %ne3A_2016 = arith.cmpi ne, %select_n3A_1890, %ne3A_2015 : vector<16xi32>
      %and3A_2017 = arith.andi %and3A_2013, %ne3A_2016 : vector<16xi1>
      %select_n3A_2018 = arith.select %and3A_2017, %add3A_359, %select_n3A_1997 : vector<16xi1>, vector<16xf32>
      %broadcast_in_dim3A_2019 = arith.constant 6 : i32
      %broadcast_in_dim3A_2020 = vector.broadcast %broadcast_in_dim3A_2019 : i32 to vector<16xi32>
      %select_n3A_2021 = arith.select %and3A_2017, %broadcast_in_dim3A_2020, %select_n3A_2000 : vector<16xi1>, vector<16xi32>
      %gt3A_2022 = arith.cmpf ogt, %add3A_365, %select_n3A_2018 : vector<16xf32>
      %ne3A_2023 = arith.constant 7 : i32
      %ne3A_2024 = vector.broadcast %ne3A_2023 : i32 to vector<16xi32>
      %ne3A_2025 = arith.cmpi ne, %select_n3A_668, %ne3A_2024 : vector<16xi32>
      %and3A_2026 = arith.andi %gt3A_2022, %ne3A_2025 : vector<16xi1>
      %ne3A_2027 = arith.constant 7 : i32
      %ne3A_2028 = vector.broadcast %ne3A_2027 : i32 to vector<16xi32>
      %ne3A_2029 = arith.cmpi ne, %select_n3A_950, %ne3A_2028 : vector<16xi32>
      %and3A_2030 = arith.andi %and3A_2026, %ne3A_2029 : vector<16xi1>
      %ne3A_2031 = arith.constant 7 : i32
      %ne3A_2032 = vector.broadcast %ne3A_2031 : i32 to vector<16xi32>
      %ne3A_2033 = arith.cmpi ne, %select_n3A_1358, %ne3A_2032 : vector<16xi32>
      %and3A_2034 = arith.andi %and3A_2030, %ne3A_2033 : vector<16xi1>
      %ne3A_2035 = arith.constant 7 : i32
      %ne3A_2036 = vector.broadcast %ne3A_2035 : i32 to vector<16xi32>
      %ne3A_2037 = arith.cmpi ne, %select_n3A_1890, %ne3A_2036 : vector<16xi32>
      %and3A_2038 = arith.andi %and3A_2034, %ne3A_2037 : vector<16xi1>
      %select_n3A_2039 = arith.select %and3A_2038, %add3A_365, %select_n3A_2018 : vector<16xi1>, vector<16xf32>
      %broadcast_in_dim3A_2040 = arith.constant 7 : i32
      %broadcast_in_dim3A_2041 = vector.broadcast %broadcast_in_dim3A_2040 : i32 to vector<16xi32>
      %select_n3A_2042 = arith.select %and3A_2038, %broadcast_in_dim3A_2041, %select_n3A_2021 : vector<16xi1>, vector<16xi32>
      %gt3A_2043 = arith.cmpf ogt, %add3A_371, %select_n3A_2039 : vector<16xf32>
      %ne3A_2044 = arith.constant 8 : i32
      %ne3A_2045 = vector.broadcast %ne3A_2044 : i32 to vector<16xi32>
      %ne3A_2046 = arith.cmpi ne, %select_n3A_668, %ne3A_2045 : vector<16xi32>
      %and3A_2047 = arith.andi %gt3A_2043, %ne3A_2046 : vector<16xi1>
      %ne3A_2048 = arith.constant 8 : i32
      %ne3A_2049 = vector.broadcast %ne3A_2048 : i32 to vector<16xi32>
      %ne3A_2050 = arith.cmpi ne, %select_n3A_950, %ne3A_2049 : vector<16xi32>
      %and3A_2051 = arith.andi %and3A_2047, %ne3A_2050 : vector<16xi1>
      %ne3A_2052 = arith.constant 8 : i32
      %ne3A_2053 = vector.broadcast %ne3A_2052 : i32 to vector<16xi32>
      %ne3A_2054 = arith.cmpi ne, %select_n3A_1358, %ne3A_2053 : vector<16xi32>
      %and3A_2055 = arith.andi %and3A_2051, %ne3A_2054 : vector<16xi1>
      %ne3A_2056 = arith.constant 8 : i32
      %ne3A_2057 = vector.broadcast %ne3A_2056 : i32 to vector<16xi32>
      %ne3A_2058 = arith.cmpi ne, %select_n3A_1890, %ne3A_2057 : vector<16xi32>
      %and3A_2059 = arith.andi %and3A_2055, %ne3A_2058 : vector<16xi1>
      %select_n3A_2060 = arith.select %and3A_2059, %add3A_371, %select_n3A_2039 : vector<16xi1>, vector<16xf32>
      %broadcast_in_dim3A_2061 = arith.constant 8 : i32
      %broadcast_in_dim3A_2062 = vector.broadcast %broadcast_in_dim3A_2061 : i32 to vector<16xi32>
      %select_n3A_2063 = arith.select %and3A_2059, %broadcast_in_dim3A_2062, %select_n3A_2042 : vector<16xi1>, vector<16xi32>
      %gt3A_2064 = arith.cmpf ogt, %add3A_377, %select_n3A_2060 : vector<16xf32>
      %ne3A_2065 = arith.constant 9 : i32
      %ne3A_2066 = vector.broadcast %ne3A_2065 : i32 to vector<16xi32>
      %ne3A_2067 = arith.cmpi ne, %select_n3A_668, %ne3A_2066 : vector<16xi32>
      %and3A_2068 = arith.andi %gt3A_2064, %ne3A_2067 : vector<16xi1>
      %ne3A_2069 = arith.constant 9 : i32
      %ne3A_2070 = vector.broadcast %ne3A_2069 : i32 to vector<16xi32>
      %ne3A_2071 = arith.cmpi ne, %select_n3A_950, %ne3A_2070 : vector<16xi32>
      %and3A_2072 = arith.andi %and3A_2068, %ne3A_2071 : vector<16xi1>
      %ne3A_2073 = arith.constant 9 : i32
      %ne3A_2074 = vector.broadcast %ne3A_2073 : i32 to vector<16xi32>
      %ne3A_2075 = arith.cmpi ne, %select_n3A_1358, %ne3A_2074 : vector<16xi32>
      %and3A_2076 = arith.andi %and3A_2072, %ne3A_2075 : vector<16xi1>
      %ne3A_2077 = arith.constant 9 : i32
      %ne3A_2078 = vector.broadcast %ne3A_2077 : i32 to vector<16xi32>
      %ne3A_2079 = arith.cmpi ne, %select_n3A_1890, %ne3A_2078 : vector<16xi32>
      %and3A_2080 = arith.andi %and3A_2076, %ne3A_2079 : vector<16xi1>
      %select_n3A_2081 = arith.select %and3A_2080, %add3A_377, %select_n3A_2060 : vector<16xi1>, vector<16xf32>
      %broadcast_in_dim3A_2082 = arith.constant 9 : i32
      %broadcast_in_dim3A_2083 = vector.broadcast %broadcast_in_dim3A_2082 : i32 to vector<16xi32>
      %select_n3A_2084 = arith.select %and3A_2080, %broadcast_in_dim3A_2083, %select_n3A_2063 : vector<16xi1>, vector<16xi32>
      %gt3A_2085 = arith.cmpf ogt, %add3A_383, %select_n3A_2081 : vector<16xf32>
      %ne3A_2086 = arith.constant 10 : i32
      %ne3A_2087 = vector.broadcast %ne3A_2086 : i32 to vector<16xi32>
      %ne3A_2088 = arith.cmpi ne, %select_n3A_668, %ne3A_2087 : vector<16xi32>
      %and3A_2089 = arith.andi %gt3A_2085, %ne3A_2088 : vector<16xi1>
      %ne3A_2090 = arith.constant 10 : i32
      %ne3A_2091 = vector.broadcast %ne3A_2090 : i32 to vector<16xi32>
      %ne3A_2092 = arith.cmpi ne, %select_n3A_950, %ne3A_2091 : vector<16xi32>
      %and3A_2093 = arith.andi %and3A_2089, %ne3A_2092 : vector<16xi1>
      %ne3A_2094 = arith.constant 10 : i32
      %ne3A_2095 = vector.broadcast %ne3A_2094 : i32 to vector<16xi32>
      %ne3A_2096 = arith.cmpi ne, %select_n3A_1358, %ne3A_2095 : vector<16xi32>
      %and3A_2097 = arith.andi %and3A_2093, %ne3A_2096 : vector<16xi1>
      %ne3A_2098 = arith.constant 10 : i32
      %ne3A_2099 = vector.broadcast %ne3A_2098 : i32 to vector<16xi32>
      %ne3A_2100 = arith.cmpi ne, %select_n3A_1890, %ne3A_2099 : vector<16xi32>
      %and3A_2101 = arith.andi %and3A_2097, %ne3A_2100 : vector<16xi1>
      %select_n3A_2102 = arith.select %and3A_2101, %add3A_383, %select_n3A_2081 : vector<16xi1>, vector<16xf32>
      %broadcast_in_dim3A_2103 = arith.constant 10 : i32
      %broadcast_in_dim3A_2104 = vector.broadcast %broadcast_in_dim3A_2103 : i32 to vector<16xi32>
      %select_n3A_2105 = arith.select %and3A_2101, %broadcast_in_dim3A_2104, %select_n3A_2084 : vector<16xi1>, vector<16xi32>
      %gt3A_2106 = arith.cmpf ogt, %add3A_389, %select_n3A_2102 : vector<16xf32>
      %ne3A_2107 = arith.constant 11 : i32
      %ne3A_2108 = vector.broadcast %ne3A_2107 : i32 to vector<16xi32>
      %ne3A_2109 = arith.cmpi ne, %select_n3A_668, %ne3A_2108 : vector<16xi32>
      %and3A_2110 = arith.andi %gt3A_2106, %ne3A_2109 : vector<16xi1>
      %ne3A_2111 = arith.constant 11 : i32
      %ne3A_2112 = vector.broadcast %ne3A_2111 : i32 to vector<16xi32>
      %ne3A_2113 = arith.cmpi ne, %select_n3A_950, %ne3A_2112 : vector<16xi32>
      %and3A_2114 = arith.andi %and3A_2110, %ne3A_2113 : vector<16xi1>
      %ne3A_2115 = arith.constant 11 : i32
      %ne3A_2116 = vector.broadcast %ne3A_2115 : i32 to vector<16xi32>
      %ne3A_2117 = arith.cmpi ne, %select_n3A_1358, %ne3A_2116 : vector<16xi32>
      %and3A_2118 = arith.andi %and3A_2114, %ne3A_2117 : vector<16xi1>
      %ne3A_2119 = arith.constant 11 : i32
      %ne3A_2120 = vector.broadcast %ne3A_2119 : i32 to vector<16xi32>
      %ne3A_2121 = arith.cmpi ne, %select_n3A_1890, %ne3A_2120 : vector<16xi32>
      %and3A_2122 = arith.andi %and3A_2118, %ne3A_2121 : vector<16xi1>
      %select_n3A_2123 = arith.select %and3A_2122, %add3A_389, %select_n3A_2102 : vector<16xi1>, vector<16xf32>
      %broadcast_in_dim3A_2124 = arith.constant 11 : i32
      %broadcast_in_dim3A_2125 = vector.broadcast %broadcast_in_dim3A_2124 : i32 to vector<16xi32>
      %select_n3A_2126 = arith.select %and3A_2122, %broadcast_in_dim3A_2125, %select_n3A_2105 : vector<16xi1>, vector<16xi32>
      %gt3A_2127 = arith.cmpf ogt, %add3A_395, %select_n3A_2123 : vector<16xf32>
      %ne3A_2128 = arith.constant 12 : i32
      %ne3A_2129 = vector.broadcast %ne3A_2128 : i32 to vector<16xi32>
      %ne3A_2130 = arith.cmpi ne, %select_n3A_668, %ne3A_2129 : vector<16xi32>
      %and3A_2131 = arith.andi %gt3A_2127, %ne3A_2130 : vector<16xi1>
      %ne3A_2132 = arith.constant 12 : i32
      %ne3A_2133 = vector.broadcast %ne3A_2132 : i32 to vector<16xi32>
      %ne3A_2134 = arith.cmpi ne, %select_n3A_950, %ne3A_2133 : vector<16xi32>
      %and3A_2135 = arith.andi %and3A_2131, %ne3A_2134 : vector<16xi1>
      %ne3A_2136 = arith.constant 12 : i32
      %ne3A_2137 = vector.broadcast %ne3A_2136 : i32 to vector<16xi32>
      %ne3A_2138 = arith.cmpi ne, %select_n3A_1358, %ne3A_2137 : vector<16xi32>
      %and3A_2139 = arith.andi %and3A_2135, %ne3A_2138 : vector<16xi1>
      %ne3A_2140 = arith.constant 12 : i32
      %ne3A_2141 = vector.broadcast %ne3A_2140 : i32 to vector<16xi32>
      %ne3A_2142 = arith.cmpi ne, %select_n3A_1890, %ne3A_2141 : vector<16xi32>
      %and3A_2143 = arith.andi %and3A_2139, %ne3A_2142 : vector<16xi1>
      %select_n3A_2144 = arith.select %and3A_2143, %add3A_395, %select_n3A_2123 : vector<16xi1>, vector<16xf32>
      %broadcast_in_dim3A_2145 = arith.constant 12 : i32
      %broadcast_in_dim3A_2146 = vector.broadcast %broadcast_in_dim3A_2145 : i32 to vector<16xi32>
      %select_n3A_2147 = arith.select %and3A_2143, %broadcast_in_dim3A_2146, %select_n3A_2126 : vector<16xi1>, vector<16xi32>
      %gt3A_2148 = arith.cmpf ogt, %add3A_401, %select_n3A_2144 : vector<16xf32>
      %ne3A_2149 = arith.constant 13 : i32
      %ne3A_2150 = vector.broadcast %ne3A_2149 : i32 to vector<16xi32>
      %ne3A_2151 = arith.cmpi ne, %select_n3A_668, %ne3A_2150 : vector<16xi32>
      %and3A_2152 = arith.andi %gt3A_2148, %ne3A_2151 : vector<16xi1>
      %ne3A_2153 = arith.constant 13 : i32
      %ne3A_2154 = vector.broadcast %ne3A_2153 : i32 to vector<16xi32>
      %ne3A_2155 = arith.cmpi ne, %select_n3A_950, %ne3A_2154 : vector<16xi32>
      %and3A_2156 = arith.andi %and3A_2152, %ne3A_2155 : vector<16xi1>
      %ne3A_2157 = arith.constant 13 : i32
      %ne3A_2158 = vector.broadcast %ne3A_2157 : i32 to vector<16xi32>
      %ne3A_2159 = arith.cmpi ne, %select_n3A_1358, %ne3A_2158 : vector<16xi32>
      %and3A_2160 = arith.andi %and3A_2156, %ne3A_2159 : vector<16xi1>
      %ne3A_2161 = arith.constant 13 : i32
      %ne3A_2162 = vector.broadcast %ne3A_2161 : i32 to vector<16xi32>
      %ne3A_2163 = arith.cmpi ne, %select_n3A_1890, %ne3A_2162 : vector<16xi32>
      %and3A_2164 = arith.andi %and3A_2160, %ne3A_2163 : vector<16xi1>
      %select_n3A_2165 = arith.select %and3A_2164, %add3A_401, %select_n3A_2144 : vector<16xi1>, vector<16xf32>
      %broadcast_in_dim3A_2166 = arith.constant 13 : i32
      %broadcast_in_dim3A_2167 = vector.broadcast %broadcast_in_dim3A_2166 : i32 to vector<16xi32>
      %select_n3A_2168 = arith.select %and3A_2164, %broadcast_in_dim3A_2167, %select_n3A_2147 : vector<16xi1>, vector<16xi32>
      %gt3A_2169 = arith.cmpf ogt, %add3A_407, %select_n3A_2165 : vector<16xf32>
      %ne3A_2170 = arith.constant 14 : i32
      %ne3A_2171 = vector.broadcast %ne3A_2170 : i32 to vector<16xi32>
      %ne3A_2172 = arith.cmpi ne, %select_n3A_668, %ne3A_2171 : vector<16xi32>
      %and3A_2173 = arith.andi %gt3A_2169, %ne3A_2172 : vector<16xi1>
      %ne3A_2174 = arith.constant 14 : i32
      %ne3A_2175 = vector.broadcast %ne3A_2174 : i32 to vector<16xi32>
      %ne3A_2176 = arith.cmpi ne, %select_n3A_950, %ne3A_2175 : vector<16xi32>
      %and3A_2177 = arith.andi %and3A_2173, %ne3A_2176 : vector<16xi1>
      %ne3A_2178 = arith.constant 14 : i32
      %ne3A_2179 = vector.broadcast %ne3A_2178 : i32 to vector<16xi32>
      %ne3A_2180 = arith.cmpi ne, %select_n3A_1358, %ne3A_2179 : vector<16xi32>
      %and3A_2181 = arith.andi %and3A_2177, %ne3A_2180 : vector<16xi1>
      %ne3A_2182 = arith.constant 14 : i32
      %ne3A_2183 = vector.broadcast %ne3A_2182 : i32 to vector<16xi32>
      %ne3A_2184 = arith.cmpi ne, %select_n3A_1890, %ne3A_2183 : vector<16xi32>
      %and3A_2185 = arith.andi %and3A_2181, %ne3A_2184 : vector<16xi1>
      %select_n3A_2186 = arith.select %and3A_2185, %add3A_407, %select_n3A_2165 : vector<16xi1>, vector<16xf32>
      %broadcast_in_dim3A_2187 = arith.constant 14 : i32
      %broadcast_in_dim3A_2188 = vector.broadcast %broadcast_in_dim3A_2187 : i32 to vector<16xi32>
      %select_n3A_2189 = arith.select %and3A_2185, %broadcast_in_dim3A_2188, %select_n3A_2168 : vector<16xi1>, vector<16xi32>
      %gt3A_2190 = arith.cmpf ogt, %add3A_413, %select_n3A_2186 : vector<16xf32>
      %ne3A_2191 = arith.constant 15 : i32
      %ne3A_2192 = vector.broadcast %ne3A_2191 : i32 to vector<16xi32>
      %ne3A_2193 = arith.cmpi ne, %select_n3A_668, %ne3A_2192 : vector<16xi32>
      %and3A_2194 = arith.andi %gt3A_2190, %ne3A_2193 : vector<16xi1>
      %ne3A_2195 = arith.constant 15 : i32
      %ne3A_2196 = vector.broadcast %ne3A_2195 : i32 to vector<16xi32>
      %ne3A_2197 = arith.cmpi ne, %select_n3A_950, %ne3A_2196 : vector<16xi32>
      %and3A_2198 = arith.andi %and3A_2194, %ne3A_2197 : vector<16xi1>
      %ne3A_2199 = arith.constant 15 : i32
      %ne3A_2200 = vector.broadcast %ne3A_2199 : i32 to vector<16xi32>
      %ne3A_2201 = arith.cmpi ne, %select_n3A_1358, %ne3A_2200 : vector<16xi32>
      %and3A_2202 = arith.andi %and3A_2198, %ne3A_2201 : vector<16xi1>
      %ne3A_2203 = arith.constant 15 : i32
      %ne3A_2204 = vector.broadcast %ne3A_2203 : i32 to vector<16xi32>
      %ne3A_2205 = arith.cmpi ne, %select_n3A_1890, %ne3A_2204 : vector<16xi32>
      %and3A_2206 = arith.andi %and3A_2202, %ne3A_2205 : vector<16xi1>
      %select_n3A_2207 = arith.select %and3A_2206, %add3A_413, %select_n3A_2186 : vector<16xi1>, vector<16xf32>
      %broadcast_in_dim3A_2208 = arith.constant 15 : i32
      %broadcast_in_dim3A_2209 = vector.broadcast %broadcast_in_dim3A_2208 : i32 to vector<16xi32>
      %select_n3A_2210 = arith.select %and3A_2206, %broadcast_in_dim3A_2209, %select_n3A_2189 : vector<16xi1>, vector<16xi32>
      %gt3A_2211 = arith.cmpf ogt, %add3A_419, %select_n3A_2207 : vector<16xf32>
      %ne3A_2212 = arith.constant 16 : i32
      %ne3A_2213 = vector.broadcast %ne3A_2212 : i32 to vector<16xi32>
      %ne3A_2214 = arith.cmpi ne, %select_n3A_668, %ne3A_2213 : vector<16xi32>
      %and3A_2215 = arith.andi %gt3A_2211, %ne3A_2214 : vector<16xi1>
      %ne3A_2216 = arith.constant 16 : i32
      %ne3A_2217 = vector.broadcast %ne3A_2216 : i32 to vector<16xi32>
      %ne3A_2218 = arith.cmpi ne, %select_n3A_950, %ne3A_2217 : vector<16xi32>
      %and3A_2219 = arith.andi %and3A_2215, %ne3A_2218 : vector<16xi1>
      %ne3A_2220 = arith.constant 16 : i32
      %ne3A_2221 = vector.broadcast %ne3A_2220 : i32 to vector<16xi32>
      %ne3A_2222 = arith.cmpi ne, %select_n3A_1358, %ne3A_2221 : vector<16xi32>
      %and3A_2223 = arith.andi %and3A_2219, %ne3A_2222 : vector<16xi1>
      %ne3A_2224 = arith.constant 16 : i32
      %ne3A_2225 = vector.broadcast %ne3A_2224 : i32 to vector<16xi32>
      %ne3A_2226 = arith.cmpi ne, %select_n3A_1890, %ne3A_2225 : vector<16xi32>
      %and3A_2227 = arith.andi %and3A_2223, %ne3A_2226 : vector<16xi1>
      %select_n3A_2228 = arith.select %and3A_2227, %add3A_419, %select_n3A_2207 : vector<16xi1>, vector<16xf32>
      %broadcast_in_dim3A_2229 = arith.constant 16 : i32
      %broadcast_in_dim3A_2230 = vector.broadcast %broadcast_in_dim3A_2229 : i32 to vector<16xi32>
      %select_n3A_2231 = arith.select %and3A_2227, %broadcast_in_dim3A_2230, %select_n3A_2210 : vector<16xi1>, vector<16xi32>
      %gt3A_2232 = arith.cmpf ogt, %add3A_425, %select_n3A_2228 : vector<16xf32>
      %ne3A_2233 = arith.constant 17 : i32
      %ne3A_2234 = vector.broadcast %ne3A_2233 : i32 to vector<16xi32>
      %ne3A_2235 = arith.cmpi ne, %select_n3A_668, %ne3A_2234 : vector<16xi32>
      %and3A_2236 = arith.andi %gt3A_2232, %ne3A_2235 : vector<16xi1>
      %ne3A_2237 = arith.constant 17 : i32
      %ne3A_2238 = vector.broadcast %ne3A_2237 : i32 to vector<16xi32>
      %ne3A_2239 = arith.cmpi ne, %select_n3A_950, %ne3A_2238 : vector<16xi32>
      %and3A_2240 = arith.andi %and3A_2236, %ne3A_2239 : vector<16xi1>
      %ne3A_2241 = arith.constant 17 : i32
      %ne3A_2242 = vector.broadcast %ne3A_2241 : i32 to vector<16xi32>
      %ne3A_2243 = arith.cmpi ne, %select_n3A_1358, %ne3A_2242 : vector<16xi32>
      %and3A_2244 = arith.andi %and3A_2240, %ne3A_2243 : vector<16xi1>
      %ne3A_2245 = arith.constant 17 : i32
      %ne3A_2246 = vector.broadcast %ne3A_2245 : i32 to vector<16xi32>
      %ne3A_2247 = arith.cmpi ne, %select_n3A_1890, %ne3A_2246 : vector<16xi32>
      %and3A_2248 = arith.andi %and3A_2244, %ne3A_2247 : vector<16xi1>
      %select_n3A_2249 = arith.select %and3A_2248, %add3A_425, %select_n3A_2228 : vector<16xi1>, vector<16xf32>
      %broadcast_in_dim3A_2250 = arith.constant 17 : i32
      %broadcast_in_dim3A_2251 = vector.broadcast %broadcast_in_dim3A_2250 : i32 to vector<16xi32>
      %select_n3A_2252 = arith.select %and3A_2248, %broadcast_in_dim3A_2251, %select_n3A_2231 : vector<16xi1>, vector<16xi32>
      %gt3A_2253 = arith.cmpf ogt, %add3A_431, %select_n3A_2249 : vector<16xf32>
      %ne3A_2254 = arith.constant 18 : i32
      %ne3A_2255 = vector.broadcast %ne3A_2254 : i32 to vector<16xi32>
      %ne3A_2256 = arith.cmpi ne, %select_n3A_668, %ne3A_2255 : vector<16xi32>
      %and3A_2257 = arith.andi %gt3A_2253, %ne3A_2256 : vector<16xi1>
      %ne3A_2258 = arith.constant 18 : i32
      %ne3A_2259 = vector.broadcast %ne3A_2258 : i32 to vector<16xi32>
      %ne3A_2260 = arith.cmpi ne, %select_n3A_950, %ne3A_2259 : vector<16xi32>
      %and3A_2261 = arith.andi %and3A_2257, %ne3A_2260 : vector<16xi1>
      %ne3A_2262 = arith.constant 18 : i32
      %ne3A_2263 = vector.broadcast %ne3A_2262 : i32 to vector<16xi32>
      %ne3A_2264 = arith.cmpi ne, %select_n3A_1358, %ne3A_2263 : vector<16xi32>
      %and3A_2265 = arith.andi %and3A_2261, %ne3A_2264 : vector<16xi1>
      %ne3A_2266 = arith.constant 18 : i32
      %ne3A_2267 = vector.broadcast %ne3A_2266 : i32 to vector<16xi32>
      %ne3A_2268 = arith.cmpi ne, %select_n3A_1890, %ne3A_2267 : vector<16xi32>
      %and3A_2269 = arith.andi %and3A_2265, %ne3A_2268 : vector<16xi1>
      %select_n3A_2270 = arith.select %and3A_2269, %add3A_431, %select_n3A_2249 : vector<16xi1>, vector<16xf32>
      %broadcast_in_dim3A_2271 = arith.constant 18 : i32
      %broadcast_in_dim3A_2272 = vector.broadcast %broadcast_in_dim3A_2271 : i32 to vector<16xi32>
      %select_n3A_2273 = arith.select %and3A_2269, %broadcast_in_dim3A_2272, %select_n3A_2252 : vector<16xi1>, vector<16xi32>
      %gt3A_2274 = arith.cmpf ogt, %add3A_437, %select_n3A_2270 : vector<16xf32>
      %ne3A_2275 = arith.constant 19 : i32
      %ne3A_2276 = vector.broadcast %ne3A_2275 : i32 to vector<16xi32>
      %ne3A_2277 = arith.cmpi ne, %select_n3A_668, %ne3A_2276 : vector<16xi32>
      %and3A_2278 = arith.andi %gt3A_2274, %ne3A_2277 : vector<16xi1>
      %ne3A_2279 = arith.constant 19 : i32
      %ne3A_2280 = vector.broadcast %ne3A_2279 : i32 to vector<16xi32>
      %ne3A_2281 = arith.cmpi ne, %select_n3A_950, %ne3A_2280 : vector<16xi32>
      %and3A_2282 = arith.andi %and3A_2278, %ne3A_2281 : vector<16xi1>
      %ne3A_2283 = arith.constant 19 : i32
      %ne3A_2284 = vector.broadcast %ne3A_2283 : i32 to vector<16xi32>
      %ne3A_2285 = arith.cmpi ne, %select_n3A_1358, %ne3A_2284 : vector<16xi32>
      %and3A_2286 = arith.andi %and3A_2282, %ne3A_2285 : vector<16xi1>
      %ne3A_2287 = arith.constant 19 : i32
      %ne3A_2288 = vector.broadcast %ne3A_2287 : i32 to vector<16xi32>
      %ne3A_2289 = arith.cmpi ne, %select_n3A_1890, %ne3A_2288 : vector<16xi32>
      %and3A_2290 = arith.andi %and3A_2286, %ne3A_2289 : vector<16xi1>
      %select_n3A_2291 = arith.select %and3A_2290, %add3A_437, %select_n3A_2270 : vector<16xi1>, vector<16xf32>
      %broadcast_in_dim3A_2292 = arith.constant 19 : i32
      %broadcast_in_dim3A_2293 = vector.broadcast %broadcast_in_dim3A_2292 : i32 to vector<16xi32>
      %select_n3A_2294 = arith.select %and3A_2290, %broadcast_in_dim3A_2293, %select_n3A_2273 : vector<16xi1>, vector<16xi32>
      %gt3A_2295 = arith.cmpf ogt, %add3A_443, %select_n3A_2291 : vector<16xf32>
      %ne3A_2296 = arith.constant 20 : i32
      %ne3A_2297 = vector.broadcast %ne3A_2296 : i32 to vector<16xi32>
      %ne3A_2298 = arith.cmpi ne, %select_n3A_668, %ne3A_2297 : vector<16xi32>
      %and3A_2299 = arith.andi %gt3A_2295, %ne3A_2298 : vector<16xi1>
      %ne3A_2300 = arith.constant 20 : i32
      %ne3A_2301 = vector.broadcast %ne3A_2300 : i32 to vector<16xi32>
      %ne3A_2302 = arith.cmpi ne, %select_n3A_950, %ne3A_2301 : vector<16xi32>
      %and3A_2303 = arith.andi %and3A_2299, %ne3A_2302 : vector<16xi1>
      %ne3A_2304 = arith.constant 20 : i32
      %ne3A_2305 = vector.broadcast %ne3A_2304 : i32 to vector<16xi32>
      %ne3A_2306 = arith.cmpi ne, %select_n3A_1358, %ne3A_2305 : vector<16xi32>
      %and3A_2307 = arith.andi %and3A_2303, %ne3A_2306 : vector<16xi1>
      %ne3A_2308 = arith.constant 20 : i32
      %ne3A_2309 = vector.broadcast %ne3A_2308 : i32 to vector<16xi32>
      %ne3A_2310 = arith.cmpi ne, %select_n3A_1890, %ne3A_2309 : vector<16xi32>
      %and3A_2311 = arith.andi %and3A_2307, %ne3A_2310 : vector<16xi1>
      %select_n3A_2312 = arith.select %and3A_2311, %add3A_443, %select_n3A_2291 : vector<16xi1>, vector<16xf32>
      %broadcast_in_dim3A_2313 = arith.constant 20 : i32
      %broadcast_in_dim3A_2314 = vector.broadcast %broadcast_in_dim3A_2313 : i32 to vector<16xi32>
      %select_n3A_2315 = arith.select %and3A_2311, %broadcast_in_dim3A_2314, %select_n3A_2294 : vector<16xi1>, vector<16xi32>
      %gt3A_2316 = arith.cmpf ogt, %add3A_449, %select_n3A_2312 : vector<16xf32>
      %ne3A_2317 = arith.constant 21 : i32
      %ne3A_2318 = vector.broadcast %ne3A_2317 : i32 to vector<16xi32>
      %ne3A_2319 = arith.cmpi ne, %select_n3A_668, %ne3A_2318 : vector<16xi32>
      %and3A_2320 = arith.andi %gt3A_2316, %ne3A_2319 : vector<16xi1>
      %ne3A_2321 = arith.constant 21 : i32
      %ne3A_2322 = vector.broadcast %ne3A_2321 : i32 to vector<16xi32>
      %ne3A_2323 = arith.cmpi ne, %select_n3A_950, %ne3A_2322 : vector<16xi32>
      %and3A_2324 = arith.andi %and3A_2320, %ne3A_2323 : vector<16xi1>
      %ne3A_2325 = arith.constant 21 : i32
      %ne3A_2326 = vector.broadcast %ne3A_2325 : i32 to vector<16xi32>
      %ne3A_2327 = arith.cmpi ne, %select_n3A_1358, %ne3A_2326 : vector<16xi32>
      %and3A_2328 = arith.andi %and3A_2324, %ne3A_2327 : vector<16xi1>
      %ne3A_2329 = arith.constant 21 : i32
      %ne3A_2330 = vector.broadcast %ne3A_2329 : i32 to vector<16xi32>
      %ne3A_2331 = arith.cmpi ne, %select_n3A_1890, %ne3A_2330 : vector<16xi32>
      %and3A_2332 = arith.andi %and3A_2328, %ne3A_2331 : vector<16xi1>
      %select_n3A_2333 = arith.select %and3A_2332, %add3A_449, %select_n3A_2312 : vector<16xi1>, vector<16xf32>
      %broadcast_in_dim3A_2334 = arith.constant 21 : i32
      %broadcast_in_dim3A_2335 = vector.broadcast %broadcast_in_dim3A_2334 : i32 to vector<16xi32>
      %select_n3A_2336 = arith.select %and3A_2332, %broadcast_in_dim3A_2335, %select_n3A_2315 : vector<16xi1>, vector<16xi32>
      %gt3A_2337 = arith.cmpf ogt, %add3A_455, %select_n3A_2333 : vector<16xf32>
      %ne3A_2338 = arith.constant 22 : i32
      %ne3A_2339 = vector.broadcast %ne3A_2338 : i32 to vector<16xi32>
      %ne3A_2340 = arith.cmpi ne, %select_n3A_668, %ne3A_2339 : vector<16xi32>
      %and3A_2341 = arith.andi %gt3A_2337, %ne3A_2340 : vector<16xi1>
      %ne3A_2342 = arith.constant 22 : i32
      %ne3A_2343 = vector.broadcast %ne3A_2342 : i32 to vector<16xi32>
      %ne3A_2344 = arith.cmpi ne, %select_n3A_950, %ne3A_2343 : vector<16xi32>
      %and3A_2345 = arith.andi %and3A_2341, %ne3A_2344 : vector<16xi1>
      %ne3A_2346 = arith.constant 22 : i32
      %ne3A_2347 = vector.broadcast %ne3A_2346 : i32 to vector<16xi32>
      %ne3A_2348 = arith.cmpi ne, %select_n3A_1358, %ne3A_2347 : vector<16xi32>
      %and3A_2349 = arith.andi %and3A_2345, %ne3A_2348 : vector<16xi1>
      %ne3A_2350 = arith.constant 22 : i32
      %ne3A_2351 = vector.broadcast %ne3A_2350 : i32 to vector<16xi32>
      %ne3A_2352 = arith.cmpi ne, %select_n3A_1890, %ne3A_2351 : vector<16xi32>
      %and3A_2353 = arith.andi %and3A_2349, %ne3A_2352 : vector<16xi1>
      %select_n3A_2354 = arith.select %and3A_2353, %add3A_455, %select_n3A_2333 : vector<16xi1>, vector<16xf32>
      %broadcast_in_dim3A_2355 = arith.constant 22 : i32
      %broadcast_in_dim3A_2356 = vector.broadcast %broadcast_in_dim3A_2355 : i32 to vector<16xi32>
      %select_n3A_2357 = arith.select %and3A_2353, %broadcast_in_dim3A_2356, %select_n3A_2336 : vector<16xi1>, vector<16xi32>
      %gt3A_2358 = arith.cmpf ogt, %add3A_461, %select_n3A_2354 : vector<16xf32>
      %ne3A_2359 = arith.constant 23 : i32
      %ne3A_2360 = vector.broadcast %ne3A_2359 : i32 to vector<16xi32>
      %ne3A_2361 = arith.cmpi ne, %select_n3A_668, %ne3A_2360 : vector<16xi32>
      %and3A_2362 = arith.andi %gt3A_2358, %ne3A_2361 : vector<16xi1>
      %ne3A_2363 = arith.constant 23 : i32
      %ne3A_2364 = vector.broadcast %ne3A_2363 : i32 to vector<16xi32>
      %ne3A_2365 = arith.cmpi ne, %select_n3A_950, %ne3A_2364 : vector<16xi32>
      %and3A_2366 = arith.andi %and3A_2362, %ne3A_2365 : vector<16xi1>
      %ne3A_2367 = arith.constant 23 : i32
      %ne3A_2368 = vector.broadcast %ne3A_2367 : i32 to vector<16xi32>
      %ne3A_2369 = arith.cmpi ne, %select_n3A_1358, %ne3A_2368 : vector<16xi32>
      %and3A_2370 = arith.andi %and3A_2366, %ne3A_2369 : vector<16xi1>
      %ne3A_2371 = arith.constant 23 : i32
      %ne3A_2372 = vector.broadcast %ne3A_2371 : i32 to vector<16xi32>
      %ne3A_2373 = arith.cmpi ne, %select_n3A_1890, %ne3A_2372 : vector<16xi32>
      %and3A_2374 = arith.andi %and3A_2370, %ne3A_2373 : vector<16xi1>
      %select_n3A_2375 = arith.select %and3A_2374, %add3A_461, %select_n3A_2354 : vector<16xi1>, vector<16xf32>
      %broadcast_in_dim3A_2376 = arith.constant 23 : i32
      %broadcast_in_dim3A_2377 = vector.broadcast %broadcast_in_dim3A_2376 : i32 to vector<16xi32>
      %select_n3A_2378 = arith.select %and3A_2374, %broadcast_in_dim3A_2377, %select_n3A_2357 : vector<16xi1>, vector<16xi32>
      %gt3A_2379 = arith.cmpf ogt, %add3A_467, %select_n3A_2375 : vector<16xf32>
      %ne3A_2380 = arith.constant 24 : i32
      %ne3A_2381 = vector.broadcast %ne3A_2380 : i32 to vector<16xi32>
      %ne3A_2382 = arith.cmpi ne, %select_n3A_668, %ne3A_2381 : vector<16xi32>
      %and3A_2383 = arith.andi %gt3A_2379, %ne3A_2382 : vector<16xi1>
      %ne3A_2384 = arith.constant 24 : i32
      %ne3A_2385 = vector.broadcast %ne3A_2384 : i32 to vector<16xi32>
      %ne3A_2386 = arith.cmpi ne, %select_n3A_950, %ne3A_2385 : vector<16xi32>
      %and3A_2387 = arith.andi %and3A_2383, %ne3A_2386 : vector<16xi1>
      %ne3A_2388 = arith.constant 24 : i32
      %ne3A_2389 = vector.broadcast %ne3A_2388 : i32 to vector<16xi32>
      %ne3A_2390 = arith.cmpi ne, %select_n3A_1358, %ne3A_2389 : vector<16xi32>
      %and3A_2391 = arith.andi %and3A_2387, %ne3A_2390 : vector<16xi1>
      %ne3A_2392 = arith.constant 24 : i32
      %ne3A_2393 = vector.broadcast %ne3A_2392 : i32 to vector<16xi32>
      %ne3A_2394 = arith.cmpi ne, %select_n3A_1890, %ne3A_2393 : vector<16xi32>
      %and3A_2395 = arith.andi %and3A_2391, %ne3A_2394 : vector<16xi1>
      %select_n3A_2396 = arith.select %and3A_2395, %add3A_467, %select_n3A_2375 : vector<16xi1>, vector<16xf32>
      %broadcast_in_dim3A_2397 = arith.constant 24 : i32
      %broadcast_in_dim3A_2398 = vector.broadcast %broadcast_in_dim3A_2397 : i32 to vector<16xi32>
      %select_n3A_2399 = arith.select %and3A_2395, %broadcast_in_dim3A_2398, %select_n3A_2378 : vector<16xi1>, vector<16xi32>
      %gt3A_2400 = arith.cmpf ogt, %add3A_473, %select_n3A_2396 : vector<16xf32>
      %ne3A_2401 = arith.constant 25 : i32
      %ne3A_2402 = vector.broadcast %ne3A_2401 : i32 to vector<16xi32>
      %ne3A_2403 = arith.cmpi ne, %select_n3A_668, %ne3A_2402 : vector<16xi32>
      %and3A_2404 = arith.andi %gt3A_2400, %ne3A_2403 : vector<16xi1>
      %ne3A_2405 = arith.constant 25 : i32
      %ne3A_2406 = vector.broadcast %ne3A_2405 : i32 to vector<16xi32>
      %ne3A_2407 = arith.cmpi ne, %select_n3A_950, %ne3A_2406 : vector<16xi32>
      %and3A_2408 = arith.andi %and3A_2404, %ne3A_2407 : vector<16xi1>
      %ne3A_2409 = arith.constant 25 : i32
      %ne3A_2410 = vector.broadcast %ne3A_2409 : i32 to vector<16xi32>
      %ne3A_2411 = arith.cmpi ne, %select_n3A_1358, %ne3A_2410 : vector<16xi32>
      %and3A_2412 = arith.andi %and3A_2408, %ne3A_2411 : vector<16xi1>
      %ne3A_2413 = arith.constant 25 : i32
      %ne3A_2414 = vector.broadcast %ne3A_2413 : i32 to vector<16xi32>
      %ne3A_2415 = arith.cmpi ne, %select_n3A_1890, %ne3A_2414 : vector<16xi32>
      %and3A_2416 = arith.andi %and3A_2412, %ne3A_2415 : vector<16xi1>
      %select_n3A_2417 = arith.select %and3A_2416, %add3A_473, %select_n3A_2396 : vector<16xi1>, vector<16xf32>
      %broadcast_in_dim3A_2418 = arith.constant 25 : i32
      %broadcast_in_dim3A_2419 = vector.broadcast %broadcast_in_dim3A_2418 : i32 to vector<16xi32>
      %select_n3A_2420 = arith.select %and3A_2416, %broadcast_in_dim3A_2419, %select_n3A_2399 : vector<16xi1>, vector<16xi32>
      %gt3A_2421 = arith.cmpf ogt, %add3A_479, %select_n3A_2417 : vector<16xf32>
      %ne3A_2422 = arith.constant 26 : i32
      %ne3A_2423 = vector.broadcast %ne3A_2422 : i32 to vector<16xi32>
      %ne3A_2424 = arith.cmpi ne, %select_n3A_668, %ne3A_2423 : vector<16xi32>
      %and3A_2425 = arith.andi %gt3A_2421, %ne3A_2424 : vector<16xi1>
      %ne3A_2426 = arith.constant 26 : i32
      %ne3A_2427 = vector.broadcast %ne3A_2426 : i32 to vector<16xi32>
      %ne3A_2428 = arith.cmpi ne, %select_n3A_950, %ne3A_2427 : vector<16xi32>
      %and3A_2429 = arith.andi %and3A_2425, %ne3A_2428 : vector<16xi1>
      %ne3A_2430 = arith.constant 26 : i32
      %ne3A_2431 = vector.broadcast %ne3A_2430 : i32 to vector<16xi32>
      %ne3A_2432 = arith.cmpi ne, %select_n3A_1358, %ne3A_2431 : vector<16xi32>
      %and3A_2433 = arith.andi %and3A_2429, %ne3A_2432 : vector<16xi1>
      %ne3A_2434 = arith.constant 26 : i32
      %ne3A_2435 = vector.broadcast %ne3A_2434 : i32 to vector<16xi32>
      %ne3A_2436 = arith.cmpi ne, %select_n3A_1890, %ne3A_2435 : vector<16xi32>
      %and3A_2437 = arith.andi %and3A_2433, %ne3A_2436 : vector<16xi1>
      %select_n3A_2438 = arith.select %and3A_2437, %add3A_479, %select_n3A_2417 : vector<16xi1>, vector<16xf32>
      %broadcast_in_dim3A_2439 = arith.constant 26 : i32
      %broadcast_in_dim3A_2440 = vector.broadcast %broadcast_in_dim3A_2439 : i32 to vector<16xi32>
      %select_n3A_2441 = arith.select %and3A_2437, %broadcast_in_dim3A_2440, %select_n3A_2420 : vector<16xi1>, vector<16xi32>
      %gt3A_2442 = arith.cmpf ogt, %add3A_485, %select_n3A_2438 : vector<16xf32>
      %ne3A_2443 = arith.constant 27 : i32
      %ne3A_2444 = vector.broadcast %ne3A_2443 : i32 to vector<16xi32>
      %ne3A_2445 = arith.cmpi ne, %select_n3A_668, %ne3A_2444 : vector<16xi32>
      %and3A_2446 = arith.andi %gt3A_2442, %ne3A_2445 : vector<16xi1>
      %ne3A_2447 = arith.constant 27 : i32
      %ne3A_2448 = vector.broadcast %ne3A_2447 : i32 to vector<16xi32>
      %ne3A_2449 = arith.cmpi ne, %select_n3A_950, %ne3A_2448 : vector<16xi32>
      %and3A_2450 = arith.andi %and3A_2446, %ne3A_2449 : vector<16xi1>
      %ne3A_2451 = arith.constant 27 : i32
      %ne3A_2452 = vector.broadcast %ne3A_2451 : i32 to vector<16xi32>
      %ne3A_2453 = arith.cmpi ne, %select_n3A_1358, %ne3A_2452 : vector<16xi32>
      %and3A_2454 = arith.andi %and3A_2450, %ne3A_2453 : vector<16xi1>
      %ne3A_2455 = arith.constant 27 : i32
      %ne3A_2456 = vector.broadcast %ne3A_2455 : i32 to vector<16xi32>
      %ne3A_2457 = arith.cmpi ne, %select_n3A_1890, %ne3A_2456 : vector<16xi32>
      %and3A_2458 = arith.andi %and3A_2454, %ne3A_2457 : vector<16xi1>
      %select_n3A_2459 = arith.select %and3A_2458, %add3A_485, %select_n3A_2438 : vector<16xi1>, vector<16xf32>
      %broadcast_in_dim3A_2460 = arith.constant 27 : i32
      %broadcast_in_dim3A_2461 = vector.broadcast %broadcast_in_dim3A_2460 : i32 to vector<16xi32>
      %select_n3A_2462 = arith.select %and3A_2458, %broadcast_in_dim3A_2461, %select_n3A_2441 : vector<16xi1>, vector<16xi32>
      %gt3A_2463 = arith.cmpf ogt, %add3A_491, %select_n3A_2459 : vector<16xf32>
      %ne3A_2464 = arith.constant 28 : i32
      %ne3A_2465 = vector.broadcast %ne3A_2464 : i32 to vector<16xi32>
      %ne3A_2466 = arith.cmpi ne, %select_n3A_668, %ne3A_2465 : vector<16xi32>
      %and3A_2467 = arith.andi %gt3A_2463, %ne3A_2466 : vector<16xi1>
      %ne3A_2468 = arith.constant 28 : i32
      %ne3A_2469 = vector.broadcast %ne3A_2468 : i32 to vector<16xi32>
      %ne3A_2470 = arith.cmpi ne, %select_n3A_950, %ne3A_2469 : vector<16xi32>
      %and3A_2471 = arith.andi %and3A_2467, %ne3A_2470 : vector<16xi1>
      %ne3A_2472 = arith.constant 28 : i32
      %ne3A_2473 = vector.broadcast %ne3A_2472 : i32 to vector<16xi32>
      %ne3A_2474 = arith.cmpi ne, %select_n3A_1358, %ne3A_2473 : vector<16xi32>
      %and3A_2475 = arith.andi %and3A_2471, %ne3A_2474 : vector<16xi1>
      %ne3A_2476 = arith.constant 28 : i32
      %ne3A_2477 = vector.broadcast %ne3A_2476 : i32 to vector<16xi32>
      %ne3A_2478 = arith.cmpi ne, %select_n3A_1890, %ne3A_2477 : vector<16xi32>
      %and3A_2479 = arith.andi %and3A_2475, %ne3A_2478 : vector<16xi1>
      %select_n3A_2480 = arith.select %and3A_2479, %add3A_491, %select_n3A_2459 : vector<16xi1>, vector<16xf32>
      %broadcast_in_dim3A_2481 = arith.constant 28 : i32
      %broadcast_in_dim3A_2482 = vector.broadcast %broadcast_in_dim3A_2481 : i32 to vector<16xi32>
      %select_n3A_2483 = arith.select %and3A_2479, %broadcast_in_dim3A_2482, %select_n3A_2462 : vector<16xi1>, vector<16xi32>
      %gt3A_2484 = arith.cmpf ogt, %add3A_497, %select_n3A_2480 : vector<16xf32>
      %ne3A_2485 = arith.constant 29 : i32
      %ne3A_2486 = vector.broadcast %ne3A_2485 : i32 to vector<16xi32>
      %ne3A_2487 = arith.cmpi ne, %select_n3A_668, %ne3A_2486 : vector<16xi32>
      %and3A_2488 = arith.andi %gt3A_2484, %ne3A_2487 : vector<16xi1>
      %ne3A_2489 = arith.constant 29 : i32
      %ne3A_2490 = vector.broadcast %ne3A_2489 : i32 to vector<16xi32>
      %ne3A_2491 = arith.cmpi ne, %select_n3A_950, %ne3A_2490 : vector<16xi32>
      %and3A_2492 = arith.andi %and3A_2488, %ne3A_2491 : vector<16xi1>
      %ne3A_2493 = arith.constant 29 : i32
      %ne3A_2494 = vector.broadcast %ne3A_2493 : i32 to vector<16xi32>
      %ne3A_2495 = arith.cmpi ne, %select_n3A_1358, %ne3A_2494 : vector<16xi32>
      %and3A_2496 = arith.andi %and3A_2492, %ne3A_2495 : vector<16xi1>
      %ne3A_2497 = arith.constant 29 : i32
      %ne3A_2498 = vector.broadcast %ne3A_2497 : i32 to vector<16xi32>
      %ne3A_2499 = arith.cmpi ne, %select_n3A_1890, %ne3A_2498 : vector<16xi32>
      %and3A_2500 = arith.andi %and3A_2496, %ne3A_2499 : vector<16xi1>
      %select_n3A_2501 = arith.select %and3A_2500, %add3A_497, %select_n3A_2480 : vector<16xi1>, vector<16xf32>
      %broadcast_in_dim3A_2502 = arith.constant 29 : i32
      %broadcast_in_dim3A_2503 = vector.broadcast %broadcast_in_dim3A_2502 : i32 to vector<16xi32>
      %select_n3A_2504 = arith.select %and3A_2500, %broadcast_in_dim3A_2503, %select_n3A_2483 : vector<16xi1>, vector<16xi32>
      %gt3A_2505 = arith.cmpf ogt, %add3A_503, %select_n3A_2501 : vector<16xf32>
      %ne3A_2506 = arith.constant 30 : i32
      %ne3A_2507 = vector.broadcast %ne3A_2506 : i32 to vector<16xi32>
      %ne3A_2508 = arith.cmpi ne, %select_n3A_668, %ne3A_2507 : vector<16xi32>
      %and3A_2509 = arith.andi %gt3A_2505, %ne3A_2508 : vector<16xi1>
      %ne3A_2510 = arith.constant 30 : i32
      %ne3A_2511 = vector.broadcast %ne3A_2510 : i32 to vector<16xi32>
      %ne3A_2512 = arith.cmpi ne, %select_n3A_950, %ne3A_2511 : vector<16xi32>
      %and3A_2513 = arith.andi %and3A_2509, %ne3A_2512 : vector<16xi1>
      %ne3A_2514 = arith.constant 30 : i32
      %ne3A_2515 = vector.broadcast %ne3A_2514 : i32 to vector<16xi32>
      %ne3A_2516 = arith.cmpi ne, %select_n3A_1358, %ne3A_2515 : vector<16xi32>
      %and3A_2517 = arith.andi %and3A_2513, %ne3A_2516 : vector<16xi1>
      %ne3A_2518 = arith.constant 30 : i32
      %ne3A_2519 = vector.broadcast %ne3A_2518 : i32 to vector<16xi32>
      %ne3A_2520 = arith.cmpi ne, %select_n3A_1890, %ne3A_2519 : vector<16xi32>
      %and3A_2521 = arith.andi %and3A_2517, %ne3A_2520 : vector<16xi1>
      %select_n3A_2522 = arith.select %and3A_2521, %add3A_503, %select_n3A_2501 : vector<16xi1>, vector<16xf32>
      %broadcast_in_dim3A_2523 = arith.constant 30 : i32
      %broadcast_in_dim3A_2524 = vector.broadcast %broadcast_in_dim3A_2523 : i32 to vector<16xi32>
      %select_n3A_2525 = arith.select %and3A_2521, %broadcast_in_dim3A_2524, %select_n3A_2504 : vector<16xi1>, vector<16xi32>
      %gt3A_2526 = arith.cmpf ogt, %add3A_509, %select_n3A_2522 : vector<16xf32>
      %ne3A_2527 = arith.constant 31 : i32
      %ne3A_2528 = vector.broadcast %ne3A_2527 : i32 to vector<16xi32>
      %ne3A_2529 = arith.cmpi ne, %select_n3A_668, %ne3A_2528 : vector<16xi32>
      %and3A_2530 = arith.andi %gt3A_2526, %ne3A_2529 : vector<16xi1>
      %ne3A_2531 = arith.constant 31 : i32
      %ne3A_2532 = vector.broadcast %ne3A_2531 : i32 to vector<16xi32>
      %ne3A_2533 = arith.cmpi ne, %select_n3A_950, %ne3A_2532 : vector<16xi32>
      %and3A_2534 = arith.andi %and3A_2530, %ne3A_2533 : vector<16xi1>
      %ne3A_2535 = arith.constant 31 : i32
      %ne3A_2536 = vector.broadcast %ne3A_2535 : i32 to vector<16xi32>
      %ne3A_2537 = arith.cmpi ne, %select_n3A_1358, %ne3A_2536 : vector<16xi32>
      %and3A_2538 = arith.andi %and3A_2534, %ne3A_2537 : vector<16xi1>
      %ne3A_2539 = arith.constant 31 : i32
      %ne3A_2540 = vector.broadcast %ne3A_2539 : i32 to vector<16xi32>
      %ne3A_2541 = arith.cmpi ne, %select_n3A_1890, %ne3A_2540 : vector<16xi32>
      %and3A_2542 = arith.andi %and3A_2538, %ne3A_2541 : vector<16xi1>
      %select_n3A_2543 = arith.select %and3A_2542, %add3A_509, %select_n3A_2522 : vector<16xi1>, vector<16xf32>
      %broadcast_in_dim3A_2544 = arith.constant 31 : i32
      %broadcast_in_dim3A_2545 = vector.broadcast %broadcast_in_dim3A_2544 : i32 to vector<16xi32>
      %select_n3A_2546 = arith.select %and3A_2542, %broadcast_in_dim3A_2545, %select_n3A_2525 : vector<16xi1>, vector<16xi32>
      %add3A_2547 = arith.addf %add3A_1891, %select_n3A_2543 : vector<16xf32>
      %broadcast_in_dim3A_2548 = arith.constant -1.000000e+30 : f32
      %broadcast_in_dim3A_2549 = vector.broadcast %broadcast_in_dim3A_2548 : f32 to vector<16xf32>
      %broadcast_in_dim3A_2550 = arith.constant 0 : i32
      %broadcast_in_dim3A_2551 = vector.broadcast %broadcast_in_dim3A_2550 : i32 to vector<16xi32>
      %gt3A_2552 = arith.cmpf ogt, %add3A_329, %broadcast_in_dim3A_2549 : vector<16xf32>
      %ne3A_2553 = arith.constant 1 : i32
      %ne3A_2554 = vector.broadcast %ne3A_2553 : i32 to vector<16xi32>
      %ne3A_2555 = arith.cmpi ne, %select_n3A_668, %ne3A_2554 : vector<16xi32>
      %and3A_2556 = arith.andi %gt3A_2552, %ne3A_2555 : vector<16xi1>
      %ne3A_2557 = arith.constant 1 : i32
      %ne3A_2558 = vector.broadcast %ne3A_2557 : i32 to vector<16xi32>
      %ne3A_2559 = arith.cmpi ne, %select_n3A_950, %ne3A_2558 : vector<16xi32>
      %and3A_2560 = arith.andi %and3A_2556, %ne3A_2559 : vector<16xi1>
      %ne3A_2561 = arith.constant 1 : i32
      %ne3A_2562 = vector.broadcast %ne3A_2561 : i32 to vector<16xi32>
      %ne3A_2563 = arith.cmpi ne, %select_n3A_1358, %ne3A_2562 : vector<16xi32>
      %and3A_2564 = arith.andi %and3A_2560, %ne3A_2563 : vector<16xi1>
      %ne3A_2565 = arith.constant 1 : i32
      %ne3A_2566 = vector.broadcast %ne3A_2565 : i32 to vector<16xi32>
      %ne3A_2567 = arith.cmpi ne, %select_n3A_1890, %ne3A_2566 : vector<16xi32>
      %and3A_2568 = arith.andi %and3A_2564, %ne3A_2567 : vector<16xi1>
      %ne3A_2569 = arith.constant 1 : i32
      %ne3A_2570 = vector.broadcast %ne3A_2569 : i32 to vector<16xi32>
      %ne3A_2571 = arith.cmpi ne, %select_n3A_2546, %ne3A_2570 : vector<16xi32>
      %and3A_2572 = arith.andi %and3A_2568, %ne3A_2571 : vector<16xi1>
      %select_n3A_2573 = arith.select %and3A_2572, %add3A_329, %broadcast_in_dim3A_2549 : vector<16xi1>, vector<16xf32>
      %broadcast_in_dim3A_2574 = arith.constant 1 : i32
      %broadcast_in_dim3A_2575 = vector.broadcast %broadcast_in_dim3A_2574 : i32 to vector<16xi32>
      %select_n3A_2576 = arith.select %and3A_2572, %broadcast_in_dim3A_2575, %broadcast_in_dim3A_2551 : vector<16xi1>, vector<16xi32>
      %gt3A_2577 = arith.cmpf ogt, %add3A_335, %select_n3A_2573 : vector<16xf32>
      %ne3A_2578 = arith.constant 2 : i32
      %ne3A_2579 = vector.broadcast %ne3A_2578 : i32 to vector<16xi32>
      %ne3A_2580 = arith.cmpi ne, %select_n3A_668, %ne3A_2579 : vector<16xi32>
      %and3A_2581 = arith.andi %gt3A_2577, %ne3A_2580 : vector<16xi1>
      %ne3A_2582 = arith.constant 2 : i32
      %ne3A_2583 = vector.broadcast %ne3A_2582 : i32 to vector<16xi32>
      %ne3A_2584 = arith.cmpi ne, %select_n3A_950, %ne3A_2583 : vector<16xi32>
      %and3A_2585 = arith.andi %and3A_2581, %ne3A_2584 : vector<16xi1>
      %ne3A_2586 = arith.constant 2 : i32
      %ne3A_2587 = vector.broadcast %ne3A_2586 : i32 to vector<16xi32>
      %ne3A_2588 = arith.cmpi ne, %select_n3A_1358, %ne3A_2587 : vector<16xi32>
      %and3A_2589 = arith.andi %and3A_2585, %ne3A_2588 : vector<16xi1>
      %ne3A_2590 = arith.constant 2 : i32
      %ne3A_2591 = vector.broadcast %ne3A_2590 : i32 to vector<16xi32>
      %ne3A_2592 = arith.cmpi ne, %select_n3A_1890, %ne3A_2591 : vector<16xi32>
      %and3A_2593 = arith.andi %and3A_2589, %ne3A_2592 : vector<16xi1>
      %ne3A_2594 = arith.constant 2 : i32
      %ne3A_2595 = vector.broadcast %ne3A_2594 : i32 to vector<16xi32>
      %ne3A_2596 = arith.cmpi ne, %select_n3A_2546, %ne3A_2595 : vector<16xi32>
      %and3A_2597 = arith.andi %and3A_2593, %ne3A_2596 : vector<16xi1>
      %select_n3A_2598 = arith.select %and3A_2597, %add3A_335, %select_n3A_2573 : vector<16xi1>, vector<16xf32>
      %broadcast_in_dim3A_2599 = arith.constant 2 : i32
      %broadcast_in_dim3A_2600 = vector.broadcast %broadcast_in_dim3A_2599 : i32 to vector<16xi32>
      %select_n3A_2601 = arith.select %and3A_2597, %broadcast_in_dim3A_2600, %select_n3A_2576 : vector<16xi1>, vector<16xi32>
      %gt3A_2602 = arith.cmpf ogt, %add3A_341, %select_n3A_2598 : vector<16xf32>
      %ne3A_2603 = arith.constant 3 : i32
      %ne3A_2604 = vector.broadcast %ne3A_2603 : i32 to vector<16xi32>
      %ne3A_2605 = arith.cmpi ne, %select_n3A_668, %ne3A_2604 : vector<16xi32>
      %and3A_2606 = arith.andi %gt3A_2602, %ne3A_2605 : vector<16xi1>
      %ne3A_2607 = arith.constant 3 : i32
      %ne3A_2608 = vector.broadcast %ne3A_2607 : i32 to vector<16xi32>
      %ne3A_2609 = arith.cmpi ne, %select_n3A_950, %ne3A_2608 : vector<16xi32>
      %and3A_2610 = arith.andi %and3A_2606, %ne3A_2609 : vector<16xi1>
      %ne3A_2611 = arith.constant 3 : i32
      %ne3A_2612 = vector.broadcast %ne3A_2611 : i32 to vector<16xi32>
      %ne3A_2613 = arith.cmpi ne, %select_n3A_1358, %ne3A_2612 : vector<16xi32>
      %and3A_2614 = arith.andi %and3A_2610, %ne3A_2613 : vector<16xi1>
      %ne3A_2615 = arith.constant 3 : i32
      %ne3A_2616 = vector.broadcast %ne3A_2615 : i32 to vector<16xi32>
      %ne3A_2617 = arith.cmpi ne, %select_n3A_1890, %ne3A_2616 : vector<16xi32>
      %and3A_2618 = arith.andi %and3A_2614, %ne3A_2617 : vector<16xi1>
      %ne3A_2619 = arith.constant 3 : i32
      %ne3A_2620 = vector.broadcast %ne3A_2619 : i32 to vector<16xi32>
      %ne3A_2621 = arith.cmpi ne, %select_n3A_2546, %ne3A_2620 : vector<16xi32>
      %and3A_2622 = arith.andi %and3A_2618, %ne3A_2621 : vector<16xi1>
      %select_n3A_2623 = arith.select %and3A_2622, %add3A_341, %select_n3A_2598 : vector<16xi1>, vector<16xf32>
      %broadcast_in_dim3A_2624 = arith.constant 3 : i32
      %broadcast_in_dim3A_2625 = vector.broadcast %broadcast_in_dim3A_2624 : i32 to vector<16xi32>
      %select_n3A_2626 = arith.select %and3A_2622, %broadcast_in_dim3A_2625, %select_n3A_2601 : vector<16xi1>, vector<16xi32>
      %gt3A_2627 = arith.cmpf ogt, %add3A_347, %select_n3A_2623 : vector<16xf32>
      %ne3A_2628 = arith.constant 4 : i32
      %ne3A_2629 = vector.broadcast %ne3A_2628 : i32 to vector<16xi32>
      %ne3A_2630 = arith.cmpi ne, %select_n3A_668, %ne3A_2629 : vector<16xi32>
      %and3A_2631 = arith.andi %gt3A_2627, %ne3A_2630 : vector<16xi1>
      %ne3A_2632 = arith.constant 4 : i32
      %ne3A_2633 = vector.broadcast %ne3A_2632 : i32 to vector<16xi32>
      %ne3A_2634 = arith.cmpi ne, %select_n3A_950, %ne3A_2633 : vector<16xi32>
      %and3A_2635 = arith.andi %and3A_2631, %ne3A_2634 : vector<16xi1>
      %ne3A_2636 = arith.constant 4 : i32
      %ne3A_2637 = vector.broadcast %ne3A_2636 : i32 to vector<16xi32>
      %ne3A_2638 = arith.cmpi ne, %select_n3A_1358, %ne3A_2637 : vector<16xi32>
      %and3A_2639 = arith.andi %and3A_2635, %ne3A_2638 : vector<16xi1>
      %ne3A_2640 = arith.constant 4 : i32
      %ne3A_2641 = vector.broadcast %ne3A_2640 : i32 to vector<16xi32>
      %ne3A_2642 = arith.cmpi ne, %select_n3A_1890, %ne3A_2641 : vector<16xi32>
      %and3A_2643 = arith.andi %and3A_2639, %ne3A_2642 : vector<16xi1>
      %ne3A_2644 = arith.constant 4 : i32
      %ne3A_2645 = vector.broadcast %ne3A_2644 : i32 to vector<16xi32>
      %ne3A_2646 = arith.cmpi ne, %select_n3A_2546, %ne3A_2645 : vector<16xi32>
      %and3A_2647 = arith.andi %and3A_2643, %ne3A_2646 : vector<16xi1>
      %select_n3A_2648 = arith.select %and3A_2647, %add3A_347, %select_n3A_2623 : vector<16xi1>, vector<16xf32>
      %broadcast_in_dim3A_2649 = arith.constant 4 : i32
      %broadcast_in_dim3A_2650 = vector.broadcast %broadcast_in_dim3A_2649 : i32 to vector<16xi32>
      %select_n3A_2651 = arith.select %and3A_2647, %broadcast_in_dim3A_2650, %select_n3A_2626 : vector<16xi1>, vector<16xi32>
      %gt3A_2652 = arith.cmpf ogt, %add3A_353, %select_n3A_2648 : vector<16xf32>
      %ne3A_2653 = arith.constant 5 : i32
      %ne3A_2654 = vector.broadcast %ne3A_2653 : i32 to vector<16xi32>
      %ne3A_2655 = arith.cmpi ne, %select_n3A_668, %ne3A_2654 : vector<16xi32>
      %and3A_2656 = arith.andi %gt3A_2652, %ne3A_2655 : vector<16xi1>
      %ne3A_2657 = arith.constant 5 : i32
      %ne3A_2658 = vector.broadcast %ne3A_2657 : i32 to vector<16xi32>
      %ne3A_2659 = arith.cmpi ne, %select_n3A_950, %ne3A_2658 : vector<16xi32>
      %and3A_2660 = arith.andi %and3A_2656, %ne3A_2659 : vector<16xi1>
      %ne3A_2661 = arith.constant 5 : i32
      %ne3A_2662 = vector.broadcast %ne3A_2661 : i32 to vector<16xi32>
      %ne3A_2663 = arith.cmpi ne, %select_n3A_1358, %ne3A_2662 : vector<16xi32>
      %and3A_2664 = arith.andi %and3A_2660, %ne3A_2663 : vector<16xi1>
      %ne3A_2665 = arith.constant 5 : i32
      %ne3A_2666 = vector.broadcast %ne3A_2665 : i32 to vector<16xi32>
      %ne3A_2667 = arith.cmpi ne, %select_n3A_1890, %ne3A_2666 : vector<16xi32>
      %and3A_2668 = arith.andi %and3A_2664, %ne3A_2667 : vector<16xi1>
      %ne3A_2669 = arith.constant 5 : i32
      %ne3A_2670 = vector.broadcast %ne3A_2669 : i32 to vector<16xi32>
      %ne3A_2671 = arith.cmpi ne, %select_n3A_2546, %ne3A_2670 : vector<16xi32>
      %and3A_2672 = arith.andi %and3A_2668, %ne3A_2671 : vector<16xi1>
      %select_n3A_2673 = arith.select %and3A_2672, %add3A_353, %select_n3A_2648 : vector<16xi1>, vector<16xf32>
      %broadcast_in_dim3A_2674 = arith.constant 5 : i32
      %broadcast_in_dim3A_2675 = vector.broadcast %broadcast_in_dim3A_2674 : i32 to vector<16xi32>
      %select_n3A_2676 = arith.select %and3A_2672, %broadcast_in_dim3A_2675, %select_n3A_2651 : vector<16xi1>, vector<16xi32>
      %gt3A_2677 = arith.cmpf ogt, %add3A_359, %select_n3A_2673 : vector<16xf32>
      %ne3A_2678 = arith.constant 6 : i32
      %ne3A_2679 = vector.broadcast %ne3A_2678 : i32 to vector<16xi32>
      %ne3A_2680 = arith.cmpi ne, %select_n3A_668, %ne3A_2679 : vector<16xi32>
      %and3A_2681 = arith.andi %gt3A_2677, %ne3A_2680 : vector<16xi1>
      %ne3A_2682 = arith.constant 6 : i32
      %ne3A_2683 = vector.broadcast %ne3A_2682 : i32 to vector<16xi32>
      %ne3A_2684 = arith.cmpi ne, %select_n3A_950, %ne3A_2683 : vector<16xi32>
      %and3A_2685 = arith.andi %and3A_2681, %ne3A_2684 : vector<16xi1>
      %ne3A_2686 = arith.constant 6 : i32
      %ne3A_2687 = vector.broadcast %ne3A_2686 : i32 to vector<16xi32>
      %ne3A_2688 = arith.cmpi ne, %select_n3A_1358, %ne3A_2687 : vector<16xi32>
      %and3A_2689 = arith.andi %and3A_2685, %ne3A_2688 : vector<16xi1>
      %ne3A_2690 = arith.constant 6 : i32
      %ne3A_2691 = vector.broadcast %ne3A_2690 : i32 to vector<16xi32>
      %ne3A_2692 = arith.cmpi ne, %select_n3A_1890, %ne3A_2691 : vector<16xi32>
      %and3A_2693 = arith.andi %and3A_2689, %ne3A_2692 : vector<16xi1>
      %ne3A_2694 = arith.constant 6 : i32
      %ne3A_2695 = vector.broadcast %ne3A_2694 : i32 to vector<16xi32>
      %ne3A_2696 = arith.cmpi ne, %select_n3A_2546, %ne3A_2695 : vector<16xi32>
      %and3A_2697 = arith.andi %and3A_2693, %ne3A_2696 : vector<16xi1>
      %select_n3A_2698 = arith.select %and3A_2697, %add3A_359, %select_n3A_2673 : vector<16xi1>, vector<16xf32>
      %broadcast_in_dim3A_2699 = arith.constant 6 : i32
      %broadcast_in_dim3A_2700 = vector.broadcast %broadcast_in_dim3A_2699 : i32 to vector<16xi32>
      %select_n3A_2701 = arith.select %and3A_2697, %broadcast_in_dim3A_2700, %select_n3A_2676 : vector<16xi1>, vector<16xi32>
      %gt3A_2702 = arith.cmpf ogt, %add3A_365, %select_n3A_2698 : vector<16xf32>
      %ne3A_2703 = arith.constant 7 : i32
      %ne3A_2704 = vector.broadcast %ne3A_2703 : i32 to vector<16xi32>
      %ne3A_2705 = arith.cmpi ne, %select_n3A_668, %ne3A_2704 : vector<16xi32>
      %and3A_2706 = arith.andi %gt3A_2702, %ne3A_2705 : vector<16xi1>
      %ne3A_2707 = arith.constant 7 : i32
      %ne3A_2708 = vector.broadcast %ne3A_2707 : i32 to vector<16xi32>
      %ne3A_2709 = arith.cmpi ne, %select_n3A_950, %ne3A_2708 : vector<16xi32>
      %and3A_2710 = arith.andi %and3A_2706, %ne3A_2709 : vector<16xi1>
      %ne3A_2711 = arith.constant 7 : i32
      %ne3A_2712 = vector.broadcast %ne3A_2711 : i32 to vector<16xi32>
      %ne3A_2713 = arith.cmpi ne, %select_n3A_1358, %ne3A_2712 : vector<16xi32>
      %and3A_2714 = arith.andi %and3A_2710, %ne3A_2713 : vector<16xi1>
      %ne3A_2715 = arith.constant 7 : i32
      %ne3A_2716 = vector.broadcast %ne3A_2715 : i32 to vector<16xi32>
      %ne3A_2717 = arith.cmpi ne, %select_n3A_1890, %ne3A_2716 : vector<16xi32>
      %and3A_2718 = arith.andi %and3A_2714, %ne3A_2717 : vector<16xi1>
      %ne3A_2719 = arith.constant 7 : i32
      %ne3A_2720 = vector.broadcast %ne3A_2719 : i32 to vector<16xi32>
      %ne3A_2721 = arith.cmpi ne, %select_n3A_2546, %ne3A_2720 : vector<16xi32>
      %and3A_2722 = arith.andi %and3A_2718, %ne3A_2721 : vector<16xi1>
      %select_n3A_2723 = arith.select %and3A_2722, %add3A_365, %select_n3A_2698 : vector<16xi1>, vector<16xf32>
      %broadcast_in_dim3A_2724 = arith.constant 7 : i32
      %broadcast_in_dim3A_2725 = vector.broadcast %broadcast_in_dim3A_2724 : i32 to vector<16xi32>
      %select_n3A_2726 = arith.select %and3A_2722, %broadcast_in_dim3A_2725, %select_n3A_2701 : vector<16xi1>, vector<16xi32>
      %gt3A_2727 = arith.cmpf ogt, %add3A_371, %select_n3A_2723 : vector<16xf32>
      %ne3A_2728 = arith.constant 8 : i32
      %ne3A_2729 = vector.broadcast %ne3A_2728 : i32 to vector<16xi32>
      %ne3A_2730 = arith.cmpi ne, %select_n3A_668, %ne3A_2729 : vector<16xi32>
      %and3A_2731 = arith.andi %gt3A_2727, %ne3A_2730 : vector<16xi1>
      %ne3A_2732 = arith.constant 8 : i32
      %ne3A_2733 = vector.broadcast %ne3A_2732 : i32 to vector<16xi32>
      %ne3A_2734 = arith.cmpi ne, %select_n3A_950, %ne3A_2733 : vector<16xi32>
      %and3A_2735 = arith.andi %and3A_2731, %ne3A_2734 : vector<16xi1>
      %ne3A_2736 = arith.constant 8 : i32
      %ne3A_2737 = vector.broadcast %ne3A_2736 : i32 to vector<16xi32>
      %ne3A_2738 = arith.cmpi ne, %select_n3A_1358, %ne3A_2737 : vector<16xi32>
      %and3A_2739 = arith.andi %and3A_2735, %ne3A_2738 : vector<16xi1>
      %ne3A_2740 = arith.constant 8 : i32
      %ne3A_2741 = vector.broadcast %ne3A_2740 : i32 to vector<16xi32>
      %ne3A_2742 = arith.cmpi ne, %select_n3A_1890, %ne3A_2741 : vector<16xi32>
      %and3A_2743 = arith.andi %and3A_2739, %ne3A_2742 : vector<16xi1>
      %ne3A_2744 = arith.constant 8 : i32
      %ne3A_2745 = vector.broadcast %ne3A_2744 : i32 to vector<16xi32>
      %ne3A_2746 = arith.cmpi ne, %select_n3A_2546, %ne3A_2745 : vector<16xi32>
      %and3A_2747 = arith.andi %and3A_2743, %ne3A_2746 : vector<16xi1>
      %select_n3A_2748 = arith.select %and3A_2747, %add3A_371, %select_n3A_2723 : vector<16xi1>, vector<16xf32>
      %broadcast_in_dim3A_2749 = arith.constant 8 : i32
      %broadcast_in_dim3A_2750 = vector.broadcast %broadcast_in_dim3A_2749 : i32 to vector<16xi32>
      %select_n3A_2751 = arith.select %and3A_2747, %broadcast_in_dim3A_2750, %select_n3A_2726 : vector<16xi1>, vector<16xi32>
      %gt3A_2752 = arith.cmpf ogt, %add3A_377, %select_n3A_2748 : vector<16xf32>
      %ne3A_2753 = arith.constant 9 : i32
      %ne3A_2754 = vector.broadcast %ne3A_2753 : i32 to vector<16xi32>
      %ne3A_2755 = arith.cmpi ne, %select_n3A_668, %ne3A_2754 : vector<16xi32>
      %and3A_2756 = arith.andi %gt3A_2752, %ne3A_2755 : vector<16xi1>
      %ne3A_2757 = arith.constant 9 : i32
      %ne3A_2758 = vector.broadcast %ne3A_2757 : i32 to vector<16xi32>
      %ne3A_2759 = arith.cmpi ne, %select_n3A_950, %ne3A_2758 : vector<16xi32>
      %and3A_2760 = arith.andi %and3A_2756, %ne3A_2759 : vector<16xi1>
      %ne3A_2761 = arith.constant 9 : i32
      %ne3A_2762 = vector.broadcast %ne3A_2761 : i32 to vector<16xi32>
      %ne3A_2763 = arith.cmpi ne, %select_n3A_1358, %ne3A_2762 : vector<16xi32>
      %and3A_2764 = arith.andi %and3A_2760, %ne3A_2763 : vector<16xi1>
      %ne3A_2765 = arith.constant 9 : i32
      %ne3A_2766 = vector.broadcast %ne3A_2765 : i32 to vector<16xi32>
      %ne3A_2767 = arith.cmpi ne, %select_n3A_1890, %ne3A_2766 : vector<16xi32>
      %and3A_2768 = arith.andi %and3A_2764, %ne3A_2767 : vector<16xi1>
      %ne3A_2769 = arith.constant 9 : i32
      %ne3A_2770 = vector.broadcast %ne3A_2769 : i32 to vector<16xi32>
      %ne3A_2771 = arith.cmpi ne, %select_n3A_2546, %ne3A_2770 : vector<16xi32>
      %and3A_2772 = arith.andi %and3A_2768, %ne3A_2771 : vector<16xi1>
      %select_n3A_2773 = arith.select %and3A_2772, %add3A_377, %select_n3A_2748 : vector<16xi1>, vector<16xf32>
      %broadcast_in_dim3A_2774 = arith.constant 9 : i32
      %broadcast_in_dim3A_2775 = vector.broadcast %broadcast_in_dim3A_2774 : i32 to vector<16xi32>
      %select_n3A_2776 = arith.select %and3A_2772, %broadcast_in_dim3A_2775, %select_n3A_2751 : vector<16xi1>, vector<16xi32>
      %gt3A_2777 = arith.cmpf ogt, %add3A_383, %select_n3A_2773 : vector<16xf32>
      %ne3A_2778 = arith.constant 10 : i32
      %ne3A_2779 = vector.broadcast %ne3A_2778 : i32 to vector<16xi32>
      %ne3A_2780 = arith.cmpi ne, %select_n3A_668, %ne3A_2779 : vector<16xi32>
      %and3A_2781 = arith.andi %gt3A_2777, %ne3A_2780 : vector<16xi1>
      %ne3A_2782 = arith.constant 10 : i32
      %ne3A_2783 = vector.broadcast %ne3A_2782 : i32 to vector<16xi32>
      %ne3A_2784 = arith.cmpi ne, %select_n3A_950, %ne3A_2783 : vector<16xi32>
      %and3A_2785 = arith.andi %and3A_2781, %ne3A_2784 : vector<16xi1>
      %ne3A_2786 = arith.constant 10 : i32
      %ne3A_2787 = vector.broadcast %ne3A_2786 : i32 to vector<16xi32>
      %ne3A_2788 = arith.cmpi ne, %select_n3A_1358, %ne3A_2787 : vector<16xi32>
      %and3A_2789 = arith.andi %and3A_2785, %ne3A_2788 : vector<16xi1>
      %ne3A_2790 = arith.constant 10 : i32
      %ne3A_2791 = vector.broadcast %ne3A_2790 : i32 to vector<16xi32>
      %ne3A_2792 = arith.cmpi ne, %select_n3A_1890, %ne3A_2791 : vector<16xi32>
      %and3A_2793 = arith.andi %and3A_2789, %ne3A_2792 : vector<16xi1>
      %ne3A_2794 = arith.constant 10 : i32
      %ne3A_2795 = vector.broadcast %ne3A_2794 : i32 to vector<16xi32>
      %ne3A_2796 = arith.cmpi ne, %select_n3A_2546, %ne3A_2795 : vector<16xi32>
      %and3A_2797 = arith.andi %and3A_2793, %ne3A_2796 : vector<16xi1>
      %select_n3A_2798 = arith.select %and3A_2797, %add3A_383, %select_n3A_2773 : vector<16xi1>, vector<16xf32>
      %broadcast_in_dim3A_2799 = arith.constant 10 : i32
      %broadcast_in_dim3A_2800 = vector.broadcast %broadcast_in_dim3A_2799 : i32 to vector<16xi32>
      %select_n3A_2801 = arith.select %and3A_2797, %broadcast_in_dim3A_2800, %select_n3A_2776 : vector<16xi1>, vector<16xi32>
      %gt3A_2802 = arith.cmpf ogt, %add3A_389, %select_n3A_2798 : vector<16xf32>
      %ne3A_2803 = arith.constant 11 : i32
      %ne3A_2804 = vector.broadcast %ne3A_2803 : i32 to vector<16xi32>
      %ne3A_2805 = arith.cmpi ne, %select_n3A_668, %ne3A_2804 : vector<16xi32>
      %and3A_2806 = arith.andi %gt3A_2802, %ne3A_2805 : vector<16xi1>
      %ne3A_2807 = arith.constant 11 : i32
      %ne3A_2808 = vector.broadcast %ne3A_2807 : i32 to vector<16xi32>
      %ne3A_2809 = arith.cmpi ne, %select_n3A_950, %ne3A_2808 : vector<16xi32>
      %and3A_2810 = arith.andi %and3A_2806, %ne3A_2809 : vector<16xi1>
      %ne3A_2811 = arith.constant 11 : i32
      %ne3A_2812 = vector.broadcast %ne3A_2811 : i32 to vector<16xi32>
      %ne3A_2813 = arith.cmpi ne, %select_n3A_1358, %ne3A_2812 : vector<16xi32>
      %and3A_2814 = arith.andi %and3A_2810, %ne3A_2813 : vector<16xi1>
      %ne3A_2815 = arith.constant 11 : i32
      %ne3A_2816 = vector.broadcast %ne3A_2815 : i32 to vector<16xi32>
      %ne3A_2817 = arith.cmpi ne, %select_n3A_1890, %ne3A_2816 : vector<16xi32>
      %and3A_2818 = arith.andi %and3A_2814, %ne3A_2817 : vector<16xi1>
      %ne3A_2819 = arith.constant 11 : i32
      %ne3A_2820 = vector.broadcast %ne3A_2819 : i32 to vector<16xi32>
      %ne3A_2821 = arith.cmpi ne, %select_n3A_2546, %ne3A_2820 : vector<16xi32>
      %and3A_2822 = arith.andi %and3A_2818, %ne3A_2821 : vector<16xi1>
      %select_n3A_2823 = arith.select %and3A_2822, %add3A_389, %select_n3A_2798 : vector<16xi1>, vector<16xf32>
      %broadcast_in_dim3A_2824 = arith.constant 11 : i32
      %broadcast_in_dim3A_2825 = vector.broadcast %broadcast_in_dim3A_2824 : i32 to vector<16xi32>
      %select_n3A_2826 = arith.select %and3A_2822, %broadcast_in_dim3A_2825, %select_n3A_2801 : vector<16xi1>, vector<16xi32>
      %gt3A_2827 = arith.cmpf ogt, %add3A_395, %select_n3A_2823 : vector<16xf32>
      %ne3A_2828 = arith.constant 12 : i32
      %ne3A_2829 = vector.broadcast %ne3A_2828 : i32 to vector<16xi32>
      %ne3A_2830 = arith.cmpi ne, %select_n3A_668, %ne3A_2829 : vector<16xi32>
      %and3A_2831 = arith.andi %gt3A_2827, %ne3A_2830 : vector<16xi1>
      %ne3A_2832 = arith.constant 12 : i32
      %ne3A_2833 = vector.broadcast %ne3A_2832 : i32 to vector<16xi32>
      %ne3A_2834 = arith.cmpi ne, %select_n3A_950, %ne3A_2833 : vector<16xi32>
      %and3A_2835 = arith.andi %and3A_2831, %ne3A_2834 : vector<16xi1>
      %ne3A_2836 = arith.constant 12 : i32
      %ne3A_2837 = vector.broadcast %ne3A_2836 : i32 to vector<16xi32>
      %ne3A_2838 = arith.cmpi ne, %select_n3A_1358, %ne3A_2837 : vector<16xi32>
      %and3A_2839 = arith.andi %and3A_2835, %ne3A_2838 : vector<16xi1>
      %ne3A_2840 = arith.constant 12 : i32
      %ne3A_2841 = vector.broadcast %ne3A_2840 : i32 to vector<16xi32>
      %ne3A_2842 = arith.cmpi ne, %select_n3A_1890, %ne3A_2841 : vector<16xi32>
      %and3A_2843 = arith.andi %and3A_2839, %ne3A_2842 : vector<16xi1>
      %ne3A_2844 = arith.constant 12 : i32
      %ne3A_2845 = vector.broadcast %ne3A_2844 : i32 to vector<16xi32>
      %ne3A_2846 = arith.cmpi ne, %select_n3A_2546, %ne3A_2845 : vector<16xi32>
      %and3A_2847 = arith.andi %and3A_2843, %ne3A_2846 : vector<16xi1>
      %select_n3A_2848 = arith.select %and3A_2847, %add3A_395, %select_n3A_2823 : vector<16xi1>, vector<16xf32>
      %broadcast_in_dim3A_2849 = arith.constant 12 : i32
      %broadcast_in_dim3A_2850 = vector.broadcast %broadcast_in_dim3A_2849 : i32 to vector<16xi32>
      %select_n3A_2851 = arith.select %and3A_2847, %broadcast_in_dim3A_2850, %select_n3A_2826 : vector<16xi1>, vector<16xi32>
      %gt3A_2852 = arith.cmpf ogt, %add3A_401, %select_n3A_2848 : vector<16xf32>
      %ne3A_2853 = arith.constant 13 : i32
      %ne3A_2854 = vector.broadcast %ne3A_2853 : i32 to vector<16xi32>
      %ne3A_2855 = arith.cmpi ne, %select_n3A_668, %ne3A_2854 : vector<16xi32>
      %and3A_2856 = arith.andi %gt3A_2852, %ne3A_2855 : vector<16xi1>
      %ne3A_2857 = arith.constant 13 : i32
      %ne3A_2858 = vector.broadcast %ne3A_2857 : i32 to vector<16xi32>
      %ne3A_2859 = arith.cmpi ne, %select_n3A_950, %ne3A_2858 : vector<16xi32>
      %and3A_2860 = arith.andi %and3A_2856, %ne3A_2859 : vector<16xi1>
      %ne3A_2861 = arith.constant 13 : i32
      %ne3A_2862 = vector.broadcast %ne3A_2861 : i32 to vector<16xi32>
      %ne3A_2863 = arith.cmpi ne, %select_n3A_1358, %ne3A_2862 : vector<16xi32>
      %and3A_2864 = arith.andi %and3A_2860, %ne3A_2863 : vector<16xi1>
      %ne3A_2865 = arith.constant 13 : i32
      %ne3A_2866 = vector.broadcast %ne3A_2865 : i32 to vector<16xi32>
      %ne3A_2867 = arith.cmpi ne, %select_n3A_1890, %ne3A_2866 : vector<16xi32>
      %and3A_2868 = arith.andi %and3A_2864, %ne3A_2867 : vector<16xi1>
      %ne3A_2869 = arith.constant 13 : i32
      %ne3A_2870 = vector.broadcast %ne3A_2869 : i32 to vector<16xi32>
      %ne3A_2871 = arith.cmpi ne, %select_n3A_2546, %ne3A_2870 : vector<16xi32>
      %and3A_2872 = arith.andi %and3A_2868, %ne3A_2871 : vector<16xi1>
      %select_n3A_2873 = arith.select %and3A_2872, %add3A_401, %select_n3A_2848 : vector<16xi1>, vector<16xf32>
      %broadcast_in_dim3A_2874 = arith.constant 13 : i32
      %broadcast_in_dim3A_2875 = vector.broadcast %broadcast_in_dim3A_2874 : i32 to vector<16xi32>
      %select_n3A_2876 = arith.select %and3A_2872, %broadcast_in_dim3A_2875, %select_n3A_2851 : vector<16xi1>, vector<16xi32>
      %gt3A_2877 = arith.cmpf ogt, %add3A_407, %select_n3A_2873 : vector<16xf32>
      %ne3A_2878 = arith.constant 14 : i32
      %ne3A_2879 = vector.broadcast %ne3A_2878 : i32 to vector<16xi32>
      %ne3A_2880 = arith.cmpi ne, %select_n3A_668, %ne3A_2879 : vector<16xi32>
      %and3A_2881 = arith.andi %gt3A_2877, %ne3A_2880 : vector<16xi1>
      %ne3A_2882 = arith.constant 14 : i32
      %ne3A_2883 = vector.broadcast %ne3A_2882 : i32 to vector<16xi32>
      %ne3A_2884 = arith.cmpi ne, %select_n3A_950, %ne3A_2883 : vector<16xi32>
      %and3A_2885 = arith.andi %and3A_2881, %ne3A_2884 : vector<16xi1>
      %ne3A_2886 = arith.constant 14 : i32
      %ne3A_2887 = vector.broadcast %ne3A_2886 : i32 to vector<16xi32>
      %ne3A_2888 = arith.cmpi ne, %select_n3A_1358, %ne3A_2887 : vector<16xi32>
      %and3A_2889 = arith.andi %and3A_2885, %ne3A_2888 : vector<16xi1>
      %ne3A_2890 = arith.constant 14 : i32
      %ne3A_2891 = vector.broadcast %ne3A_2890 : i32 to vector<16xi32>
      %ne3A_2892 = arith.cmpi ne, %select_n3A_1890, %ne3A_2891 : vector<16xi32>
      %and3A_2893 = arith.andi %and3A_2889, %ne3A_2892 : vector<16xi1>
      %ne3A_2894 = arith.constant 14 : i32
      %ne3A_2895 = vector.broadcast %ne3A_2894 : i32 to vector<16xi32>
      %ne3A_2896 = arith.cmpi ne, %select_n3A_2546, %ne3A_2895 : vector<16xi32>
      %and3A_2897 = arith.andi %and3A_2893, %ne3A_2896 : vector<16xi1>
      %select_n3A_2898 = arith.select %and3A_2897, %add3A_407, %select_n3A_2873 : vector<16xi1>, vector<16xf32>
      %broadcast_in_dim3A_2899 = arith.constant 14 : i32
      %broadcast_in_dim3A_2900 = vector.broadcast %broadcast_in_dim3A_2899 : i32 to vector<16xi32>
      %select_n3A_2901 = arith.select %and3A_2897, %broadcast_in_dim3A_2900, %select_n3A_2876 : vector<16xi1>, vector<16xi32>
      %gt3A_2902 = arith.cmpf ogt, %add3A_413, %select_n3A_2898 : vector<16xf32>
      %ne3A_2903 = arith.constant 15 : i32
      %ne3A_2904 = vector.broadcast %ne3A_2903 : i32 to vector<16xi32>
      %ne3A_2905 = arith.cmpi ne, %select_n3A_668, %ne3A_2904 : vector<16xi32>
      %and3A_2906 = arith.andi %gt3A_2902, %ne3A_2905 : vector<16xi1>
      %ne3A_2907 = arith.constant 15 : i32
      %ne3A_2908 = vector.broadcast %ne3A_2907 : i32 to vector<16xi32>
      %ne3A_2909 = arith.cmpi ne, %select_n3A_950, %ne3A_2908 : vector<16xi32>
      %and3A_2910 = arith.andi %and3A_2906, %ne3A_2909 : vector<16xi1>
      %ne3A_2911 = arith.constant 15 : i32
      %ne3A_2912 = vector.broadcast %ne3A_2911 : i32 to vector<16xi32>
      %ne3A_2913 = arith.cmpi ne, %select_n3A_1358, %ne3A_2912 : vector<16xi32>
      %and3A_2914 = arith.andi %and3A_2910, %ne3A_2913 : vector<16xi1>
      %ne3A_2915 = arith.constant 15 : i32
      %ne3A_2916 = vector.broadcast %ne3A_2915 : i32 to vector<16xi32>
      %ne3A_2917 = arith.cmpi ne, %select_n3A_1890, %ne3A_2916 : vector<16xi32>
      %and3A_2918 = arith.andi %and3A_2914, %ne3A_2917 : vector<16xi1>
      %ne3A_2919 = arith.constant 15 : i32
      %ne3A_2920 = vector.broadcast %ne3A_2919 : i32 to vector<16xi32>
      %ne3A_2921 = arith.cmpi ne, %select_n3A_2546, %ne3A_2920 : vector<16xi32>
      %and3A_2922 = arith.andi %and3A_2918, %ne3A_2921 : vector<16xi1>
      %select_n3A_2923 = arith.select %and3A_2922, %add3A_413, %select_n3A_2898 : vector<16xi1>, vector<16xf32>
      %broadcast_in_dim3A_2924 = arith.constant 15 : i32
      %broadcast_in_dim3A_2925 = vector.broadcast %broadcast_in_dim3A_2924 : i32 to vector<16xi32>
      %select_n3A_2926 = arith.select %and3A_2922, %broadcast_in_dim3A_2925, %select_n3A_2901 : vector<16xi1>, vector<16xi32>
      %gt3A_2927 = arith.cmpf ogt, %add3A_419, %select_n3A_2923 : vector<16xf32>
      %ne3A_2928 = arith.constant 16 : i32
      %ne3A_2929 = vector.broadcast %ne3A_2928 : i32 to vector<16xi32>
      %ne3A_2930 = arith.cmpi ne, %select_n3A_668, %ne3A_2929 : vector<16xi32>
      %and3A_2931 = arith.andi %gt3A_2927, %ne3A_2930 : vector<16xi1>
      %ne3A_2932 = arith.constant 16 : i32
      %ne3A_2933 = vector.broadcast %ne3A_2932 : i32 to vector<16xi32>
      %ne3A_2934 = arith.cmpi ne, %select_n3A_950, %ne3A_2933 : vector<16xi32>
      %and3A_2935 = arith.andi %and3A_2931, %ne3A_2934 : vector<16xi1>
      %ne3A_2936 = arith.constant 16 : i32
      %ne3A_2937 = vector.broadcast %ne3A_2936 : i32 to vector<16xi32>
      %ne3A_2938 = arith.cmpi ne, %select_n3A_1358, %ne3A_2937 : vector<16xi32>
      %and3A_2939 = arith.andi %and3A_2935, %ne3A_2938 : vector<16xi1>
      %ne3A_2940 = arith.constant 16 : i32
      %ne3A_2941 = vector.broadcast %ne3A_2940 : i32 to vector<16xi32>
      %ne3A_2942 = arith.cmpi ne, %select_n3A_1890, %ne3A_2941 : vector<16xi32>
      %and3A_2943 = arith.andi %and3A_2939, %ne3A_2942 : vector<16xi1>
      %ne3A_2944 = arith.constant 16 : i32
      %ne3A_2945 = vector.broadcast %ne3A_2944 : i32 to vector<16xi32>
      %ne3A_2946 = arith.cmpi ne, %select_n3A_2546, %ne3A_2945 : vector<16xi32>
      %and3A_2947 = arith.andi %and3A_2943, %ne3A_2946 : vector<16xi1>
      %select_n3A_2948 = arith.select %and3A_2947, %add3A_419, %select_n3A_2923 : vector<16xi1>, vector<16xf32>
      %broadcast_in_dim3A_2949 = arith.constant 16 : i32
      %broadcast_in_dim3A_2950 = vector.broadcast %broadcast_in_dim3A_2949 : i32 to vector<16xi32>
      %select_n3A_2951 = arith.select %and3A_2947, %broadcast_in_dim3A_2950, %select_n3A_2926 : vector<16xi1>, vector<16xi32>
      %gt3A_2952 = arith.cmpf ogt, %add3A_425, %select_n3A_2948 : vector<16xf32>
      %ne3A_2953 = arith.constant 17 : i32
      %ne3A_2954 = vector.broadcast %ne3A_2953 : i32 to vector<16xi32>
      %ne3A_2955 = arith.cmpi ne, %select_n3A_668, %ne3A_2954 : vector<16xi32>
      %and3A_2956 = arith.andi %gt3A_2952, %ne3A_2955 : vector<16xi1>
      %ne3A_2957 = arith.constant 17 : i32
      %ne3A_2958 = vector.broadcast %ne3A_2957 : i32 to vector<16xi32>
      %ne3A_2959 = arith.cmpi ne, %select_n3A_950, %ne3A_2958 : vector<16xi32>
      %and3A_2960 = arith.andi %and3A_2956, %ne3A_2959 : vector<16xi1>
      %ne3A_2961 = arith.constant 17 : i32
      %ne3A_2962 = vector.broadcast %ne3A_2961 : i32 to vector<16xi32>
      %ne3A_2963 = arith.cmpi ne, %select_n3A_1358, %ne3A_2962 : vector<16xi32>
      %and3A_2964 = arith.andi %and3A_2960, %ne3A_2963 : vector<16xi1>
      %ne3A_2965 = arith.constant 17 : i32
      %ne3A_2966 = vector.broadcast %ne3A_2965 : i32 to vector<16xi32>
      %ne3A_2967 = arith.cmpi ne, %select_n3A_1890, %ne3A_2966 : vector<16xi32>
      %and3A_2968 = arith.andi %and3A_2964, %ne3A_2967 : vector<16xi1>
      %ne3A_2969 = arith.constant 17 : i32
      %ne3A_2970 = vector.broadcast %ne3A_2969 : i32 to vector<16xi32>
      %ne3A_2971 = arith.cmpi ne, %select_n3A_2546, %ne3A_2970 : vector<16xi32>
      %and3A_2972 = arith.andi %and3A_2968, %ne3A_2971 : vector<16xi1>
      %select_n3A_2973 = arith.select %and3A_2972, %add3A_425, %select_n3A_2948 : vector<16xi1>, vector<16xf32>
      %broadcast_in_dim3A_2974 = arith.constant 17 : i32
      %broadcast_in_dim3A_2975 = vector.broadcast %broadcast_in_dim3A_2974 : i32 to vector<16xi32>
      %select_n3A_2976 = arith.select %and3A_2972, %broadcast_in_dim3A_2975, %select_n3A_2951 : vector<16xi1>, vector<16xi32>
      %gt3A_2977 = arith.cmpf ogt, %add3A_431, %select_n3A_2973 : vector<16xf32>
      %ne3A_2978 = arith.constant 18 : i32
      %ne3A_2979 = vector.broadcast %ne3A_2978 : i32 to vector<16xi32>
      %ne3A_2980 = arith.cmpi ne, %select_n3A_668, %ne3A_2979 : vector<16xi32>
      %and3A_2981 = arith.andi %gt3A_2977, %ne3A_2980 : vector<16xi1>
      %ne3A_2982 = arith.constant 18 : i32
      %ne3A_2983 = vector.broadcast %ne3A_2982 : i32 to vector<16xi32>
      %ne3A_2984 = arith.cmpi ne, %select_n3A_950, %ne3A_2983 : vector<16xi32>
      %and3A_2985 = arith.andi %and3A_2981, %ne3A_2984 : vector<16xi1>
      %ne3A_2986 = arith.constant 18 : i32
      %ne3A_2987 = vector.broadcast %ne3A_2986 : i32 to vector<16xi32>
      %ne3A_2988 = arith.cmpi ne, %select_n3A_1358, %ne3A_2987 : vector<16xi32>
      %and3A_2989 = arith.andi %and3A_2985, %ne3A_2988 : vector<16xi1>
      %ne3A_2990 = arith.constant 18 : i32
      %ne3A_2991 = vector.broadcast %ne3A_2990 : i32 to vector<16xi32>
      %ne3A_2992 = arith.cmpi ne, %select_n3A_1890, %ne3A_2991 : vector<16xi32>
      %and3A_2993 = arith.andi %and3A_2989, %ne3A_2992 : vector<16xi1>
      %ne3A_2994 = arith.constant 18 : i32
      %ne3A_2995 = vector.broadcast %ne3A_2994 : i32 to vector<16xi32>
      %ne3A_2996 = arith.cmpi ne, %select_n3A_2546, %ne3A_2995 : vector<16xi32>
      %and3A_2997 = arith.andi %and3A_2993, %ne3A_2996 : vector<16xi1>
      %select_n3A_2998 = arith.select %and3A_2997, %add3A_431, %select_n3A_2973 : vector<16xi1>, vector<16xf32>
      %broadcast_in_dim3A_2999 = arith.constant 18 : i32
      %broadcast_in_dim3A_3000 = vector.broadcast %broadcast_in_dim3A_2999 : i32 to vector<16xi32>
      %select_n3A_3001 = arith.select %and3A_2997, %broadcast_in_dim3A_3000, %select_n3A_2976 : vector<16xi1>, vector<16xi32>
      %gt3A_3002 = arith.cmpf ogt, %add3A_437, %select_n3A_2998 : vector<16xf32>
      %ne3A_3003 = arith.constant 19 : i32
      %ne3A_3004 = vector.broadcast %ne3A_3003 : i32 to vector<16xi32>
      %ne3A_3005 = arith.cmpi ne, %select_n3A_668, %ne3A_3004 : vector<16xi32>
      %and3A_3006 = arith.andi %gt3A_3002, %ne3A_3005 : vector<16xi1>
      %ne3A_3007 = arith.constant 19 : i32
      %ne3A_3008 = vector.broadcast %ne3A_3007 : i32 to vector<16xi32>
      %ne3A_3009 = arith.cmpi ne, %select_n3A_950, %ne3A_3008 : vector<16xi32>
      %and3A_3010 = arith.andi %and3A_3006, %ne3A_3009 : vector<16xi1>
      %ne3A_3011 = arith.constant 19 : i32
      %ne3A_3012 = vector.broadcast %ne3A_3011 : i32 to vector<16xi32>
      %ne3A_3013 = arith.cmpi ne, %select_n3A_1358, %ne3A_3012 : vector<16xi32>
      %and3A_3014 = arith.andi %and3A_3010, %ne3A_3013 : vector<16xi1>
      %ne3A_3015 = arith.constant 19 : i32
      %ne3A_3016 = vector.broadcast %ne3A_3015 : i32 to vector<16xi32>
      %ne3A_3017 = arith.cmpi ne, %select_n3A_1890, %ne3A_3016 : vector<16xi32>
      %and3A_3018 = arith.andi %and3A_3014, %ne3A_3017 : vector<16xi1>
      %ne3A_3019 = arith.constant 19 : i32
      %ne3A_3020 = vector.broadcast %ne3A_3019 : i32 to vector<16xi32>
      %ne3A_3021 = arith.cmpi ne, %select_n3A_2546, %ne3A_3020 : vector<16xi32>
      %and3A_3022 = arith.andi %and3A_3018, %ne3A_3021 : vector<16xi1>
      %select_n3A_3023 = arith.select %and3A_3022, %add3A_437, %select_n3A_2998 : vector<16xi1>, vector<16xf32>
      %broadcast_in_dim3A_3024 = arith.constant 19 : i32
      %broadcast_in_dim3A_3025 = vector.broadcast %broadcast_in_dim3A_3024 : i32 to vector<16xi32>
      %select_n3A_3026 = arith.select %and3A_3022, %broadcast_in_dim3A_3025, %select_n3A_3001 : vector<16xi1>, vector<16xi32>
      %gt3A_3027 = arith.cmpf ogt, %add3A_443, %select_n3A_3023 : vector<16xf32>
      %ne3A_3028 = arith.constant 20 : i32
      %ne3A_3029 = vector.broadcast %ne3A_3028 : i32 to vector<16xi32>
      %ne3A_3030 = arith.cmpi ne, %select_n3A_668, %ne3A_3029 : vector<16xi32>
      %and3A_3031 = arith.andi %gt3A_3027, %ne3A_3030 : vector<16xi1>
      %ne3A_3032 = arith.constant 20 : i32
      %ne3A_3033 = vector.broadcast %ne3A_3032 : i32 to vector<16xi32>
      %ne3A_3034 = arith.cmpi ne, %select_n3A_950, %ne3A_3033 : vector<16xi32>
      %and3A_3035 = arith.andi %and3A_3031, %ne3A_3034 : vector<16xi1>
      %ne3A_3036 = arith.constant 20 : i32
      %ne3A_3037 = vector.broadcast %ne3A_3036 : i32 to vector<16xi32>
      %ne3A_3038 = arith.cmpi ne, %select_n3A_1358, %ne3A_3037 : vector<16xi32>
      %and3A_3039 = arith.andi %and3A_3035, %ne3A_3038 : vector<16xi1>
      %ne3A_3040 = arith.constant 20 : i32
      %ne3A_3041 = vector.broadcast %ne3A_3040 : i32 to vector<16xi32>
      %ne3A_3042 = arith.cmpi ne, %select_n3A_1890, %ne3A_3041 : vector<16xi32>
      %and3A_3043 = arith.andi %and3A_3039, %ne3A_3042 : vector<16xi1>
      %ne3A_3044 = arith.constant 20 : i32
      %ne3A_3045 = vector.broadcast %ne3A_3044 : i32 to vector<16xi32>
      %ne3A_3046 = arith.cmpi ne, %select_n3A_2546, %ne3A_3045 : vector<16xi32>
      %and3A_3047 = arith.andi %and3A_3043, %ne3A_3046 : vector<16xi1>
      %select_n3A_3048 = arith.select %and3A_3047, %add3A_443, %select_n3A_3023 : vector<16xi1>, vector<16xf32>
      %broadcast_in_dim3A_3049 = arith.constant 20 : i32
      %broadcast_in_dim3A_3050 = vector.broadcast %broadcast_in_dim3A_3049 : i32 to vector<16xi32>
      %select_n3A_3051 = arith.select %and3A_3047, %broadcast_in_dim3A_3050, %select_n3A_3026 : vector<16xi1>, vector<16xi32>
      %gt3A_3052 = arith.cmpf ogt, %add3A_449, %select_n3A_3048 : vector<16xf32>
      %ne3A_3053 = arith.constant 21 : i32
      %ne3A_3054 = vector.broadcast %ne3A_3053 : i32 to vector<16xi32>
      %ne3A_3055 = arith.cmpi ne, %select_n3A_668, %ne3A_3054 : vector<16xi32>
      %and3A_3056 = arith.andi %gt3A_3052, %ne3A_3055 : vector<16xi1>
      %ne3A_3057 = arith.constant 21 : i32
      %ne3A_3058 = vector.broadcast %ne3A_3057 : i32 to vector<16xi32>
      %ne3A_3059 = arith.cmpi ne, %select_n3A_950, %ne3A_3058 : vector<16xi32>
      %and3A_3060 = arith.andi %and3A_3056, %ne3A_3059 : vector<16xi1>
      %ne3A_3061 = arith.constant 21 : i32
      %ne3A_3062 = vector.broadcast %ne3A_3061 : i32 to vector<16xi32>
      %ne3A_3063 = arith.cmpi ne, %select_n3A_1358, %ne3A_3062 : vector<16xi32>
      %and3A_3064 = arith.andi %and3A_3060, %ne3A_3063 : vector<16xi1>
      %ne3A_3065 = arith.constant 21 : i32
      %ne3A_3066 = vector.broadcast %ne3A_3065 : i32 to vector<16xi32>
      %ne3A_3067 = arith.cmpi ne, %select_n3A_1890, %ne3A_3066 : vector<16xi32>
      %and3A_3068 = arith.andi %and3A_3064, %ne3A_3067 : vector<16xi1>
      %ne3A_3069 = arith.constant 21 : i32
      %ne3A_3070 = vector.broadcast %ne3A_3069 : i32 to vector<16xi32>
      %ne3A_3071 = arith.cmpi ne, %select_n3A_2546, %ne3A_3070 : vector<16xi32>
      %and3A_3072 = arith.andi %and3A_3068, %ne3A_3071 : vector<16xi1>
      %select_n3A_3073 = arith.select %and3A_3072, %add3A_449, %select_n3A_3048 : vector<16xi1>, vector<16xf32>
      %broadcast_in_dim3A_3074 = arith.constant 21 : i32
      %broadcast_in_dim3A_3075 = vector.broadcast %broadcast_in_dim3A_3074 : i32 to vector<16xi32>
      %select_n3A_3076 = arith.select %and3A_3072, %broadcast_in_dim3A_3075, %select_n3A_3051 : vector<16xi1>, vector<16xi32>
      %gt3A_3077 = arith.cmpf ogt, %add3A_455, %select_n3A_3073 : vector<16xf32>
      %ne3A_3078 = arith.constant 22 : i32
      %ne3A_3079 = vector.broadcast %ne3A_3078 : i32 to vector<16xi32>
      %ne3A_3080 = arith.cmpi ne, %select_n3A_668, %ne3A_3079 : vector<16xi32>
      %and3A_3081 = arith.andi %gt3A_3077, %ne3A_3080 : vector<16xi1>
      %ne3A_3082 = arith.constant 22 : i32
      %ne3A_3083 = vector.broadcast %ne3A_3082 : i32 to vector<16xi32>
      %ne3A_3084 = arith.cmpi ne, %select_n3A_950, %ne3A_3083 : vector<16xi32>
      %and3A_3085 = arith.andi %and3A_3081, %ne3A_3084 : vector<16xi1>
      %ne3A_3086 = arith.constant 22 : i32
      %ne3A_3087 = vector.broadcast %ne3A_3086 : i32 to vector<16xi32>
      %ne3A_3088 = arith.cmpi ne, %select_n3A_1358, %ne3A_3087 : vector<16xi32>
      %and3A_3089 = arith.andi %and3A_3085, %ne3A_3088 : vector<16xi1>
      %ne3A_3090 = arith.constant 22 : i32
      %ne3A_3091 = vector.broadcast %ne3A_3090 : i32 to vector<16xi32>
      %ne3A_3092 = arith.cmpi ne, %select_n3A_1890, %ne3A_3091 : vector<16xi32>
      %and3A_3093 = arith.andi %and3A_3089, %ne3A_3092 : vector<16xi1>
      %ne3A_3094 = arith.constant 22 : i32
      %ne3A_3095 = vector.broadcast %ne3A_3094 : i32 to vector<16xi32>
      %ne3A_3096 = arith.cmpi ne, %select_n3A_2546, %ne3A_3095 : vector<16xi32>
      %and3A_3097 = arith.andi %and3A_3093, %ne3A_3096 : vector<16xi1>
      %select_n3A_3098 = arith.select %and3A_3097, %add3A_455, %select_n3A_3073 : vector<16xi1>, vector<16xf32>
      %broadcast_in_dim3A_3099 = arith.constant 22 : i32
      %broadcast_in_dim3A_3100 = vector.broadcast %broadcast_in_dim3A_3099 : i32 to vector<16xi32>
      %select_n3A_3101 = arith.select %and3A_3097, %broadcast_in_dim3A_3100, %select_n3A_3076 : vector<16xi1>, vector<16xi32>
      %gt3A_3102 = arith.cmpf ogt, %add3A_461, %select_n3A_3098 : vector<16xf32>
      %ne3A_3103 = arith.constant 23 : i32
      %ne3A_3104 = vector.broadcast %ne3A_3103 : i32 to vector<16xi32>
      %ne3A_3105 = arith.cmpi ne, %select_n3A_668, %ne3A_3104 : vector<16xi32>
      %and3A_3106 = arith.andi %gt3A_3102, %ne3A_3105 : vector<16xi1>
      %ne3A_3107 = arith.constant 23 : i32
      %ne3A_3108 = vector.broadcast %ne3A_3107 : i32 to vector<16xi32>
      %ne3A_3109 = arith.cmpi ne, %select_n3A_950, %ne3A_3108 : vector<16xi32>
      %and3A_3110 = arith.andi %and3A_3106, %ne3A_3109 : vector<16xi1>
      %ne3A_3111 = arith.constant 23 : i32
      %ne3A_3112 = vector.broadcast %ne3A_3111 : i32 to vector<16xi32>
      %ne3A_3113 = arith.cmpi ne, %select_n3A_1358, %ne3A_3112 : vector<16xi32>
      %and3A_3114 = arith.andi %and3A_3110, %ne3A_3113 : vector<16xi1>
      %ne3A_3115 = arith.constant 23 : i32
      %ne3A_3116 = vector.broadcast %ne3A_3115 : i32 to vector<16xi32>
      %ne3A_3117 = arith.cmpi ne, %select_n3A_1890, %ne3A_3116 : vector<16xi32>
      %and3A_3118 = arith.andi %and3A_3114, %ne3A_3117 : vector<16xi1>
      %ne3A_3119 = arith.constant 23 : i32
      %ne3A_3120 = vector.broadcast %ne3A_3119 : i32 to vector<16xi32>
      %ne3A_3121 = arith.cmpi ne, %select_n3A_2546, %ne3A_3120 : vector<16xi32>
      %and3A_3122 = arith.andi %and3A_3118, %ne3A_3121 : vector<16xi1>
      %select_n3A_3123 = arith.select %and3A_3122, %add3A_461, %select_n3A_3098 : vector<16xi1>, vector<16xf32>
      %broadcast_in_dim3A_3124 = arith.constant 23 : i32
      %broadcast_in_dim3A_3125 = vector.broadcast %broadcast_in_dim3A_3124 : i32 to vector<16xi32>
      %select_n3A_3126 = arith.select %and3A_3122, %broadcast_in_dim3A_3125, %select_n3A_3101 : vector<16xi1>, vector<16xi32>
      %gt3A_3127 = arith.cmpf ogt, %add3A_467, %select_n3A_3123 : vector<16xf32>
      %ne3A_3128 = arith.constant 24 : i32
      %ne3A_3129 = vector.broadcast %ne3A_3128 : i32 to vector<16xi32>
      %ne3A_3130 = arith.cmpi ne, %select_n3A_668, %ne3A_3129 : vector<16xi32>
      %and3A_3131 = arith.andi %gt3A_3127, %ne3A_3130 : vector<16xi1>
      %ne3A_3132 = arith.constant 24 : i32
      %ne3A_3133 = vector.broadcast %ne3A_3132 : i32 to vector<16xi32>
      %ne3A_3134 = arith.cmpi ne, %select_n3A_950, %ne3A_3133 : vector<16xi32>
      %and3A_3135 = arith.andi %and3A_3131, %ne3A_3134 : vector<16xi1>
      %ne3A_3136 = arith.constant 24 : i32
      %ne3A_3137 = vector.broadcast %ne3A_3136 : i32 to vector<16xi32>
      %ne3A_3138 = arith.cmpi ne, %select_n3A_1358, %ne3A_3137 : vector<16xi32>
      %and3A_3139 = arith.andi %and3A_3135, %ne3A_3138 : vector<16xi1>
      %ne3A_3140 = arith.constant 24 : i32
      %ne3A_3141 = vector.broadcast %ne3A_3140 : i32 to vector<16xi32>
      %ne3A_3142 = arith.cmpi ne, %select_n3A_1890, %ne3A_3141 : vector<16xi32>
      %and3A_3143 = arith.andi %and3A_3139, %ne3A_3142 : vector<16xi1>
      %ne3A_3144 = arith.constant 24 : i32
      %ne3A_3145 = vector.broadcast %ne3A_3144 : i32 to vector<16xi32>
      %ne3A_3146 = arith.cmpi ne, %select_n3A_2546, %ne3A_3145 : vector<16xi32>
      %and3A_3147 = arith.andi %and3A_3143, %ne3A_3146 : vector<16xi1>
      %select_n3A_3148 = arith.select %and3A_3147, %add3A_467, %select_n3A_3123 : vector<16xi1>, vector<16xf32>
      %broadcast_in_dim3A_3149 = arith.constant 24 : i32
      %broadcast_in_dim3A_3150 = vector.broadcast %broadcast_in_dim3A_3149 : i32 to vector<16xi32>
      %select_n3A_3151 = arith.select %and3A_3147, %broadcast_in_dim3A_3150, %select_n3A_3126 : vector<16xi1>, vector<16xi32>
      %gt3A_3152 = arith.cmpf ogt, %add3A_473, %select_n3A_3148 : vector<16xf32>
      %ne3A_3153 = arith.constant 25 : i32
      %ne3A_3154 = vector.broadcast %ne3A_3153 : i32 to vector<16xi32>
      %ne3A_3155 = arith.cmpi ne, %select_n3A_668, %ne3A_3154 : vector<16xi32>
      %and3A_3156 = arith.andi %gt3A_3152, %ne3A_3155 : vector<16xi1>
      %ne3A_3157 = arith.constant 25 : i32
      %ne3A_3158 = vector.broadcast %ne3A_3157 : i32 to vector<16xi32>
      %ne3A_3159 = arith.cmpi ne, %select_n3A_950, %ne3A_3158 : vector<16xi32>
      %and3A_3160 = arith.andi %and3A_3156, %ne3A_3159 : vector<16xi1>
      %ne3A_3161 = arith.constant 25 : i32
      %ne3A_3162 = vector.broadcast %ne3A_3161 : i32 to vector<16xi32>
      %ne3A_3163 = arith.cmpi ne, %select_n3A_1358, %ne3A_3162 : vector<16xi32>
      %and3A_3164 = arith.andi %and3A_3160, %ne3A_3163 : vector<16xi1>
      %ne3A_3165 = arith.constant 25 : i32
      %ne3A_3166 = vector.broadcast %ne3A_3165 : i32 to vector<16xi32>
      %ne3A_3167 = arith.cmpi ne, %select_n3A_1890, %ne3A_3166 : vector<16xi32>
      %and3A_3168 = arith.andi %and3A_3164, %ne3A_3167 : vector<16xi1>
      %ne3A_3169 = arith.constant 25 : i32
      %ne3A_3170 = vector.broadcast %ne3A_3169 : i32 to vector<16xi32>
      %ne3A_3171 = arith.cmpi ne, %select_n3A_2546, %ne3A_3170 : vector<16xi32>
      %and3A_3172 = arith.andi %and3A_3168, %ne3A_3171 : vector<16xi1>
      %select_n3A_3173 = arith.select %and3A_3172, %add3A_473, %select_n3A_3148 : vector<16xi1>, vector<16xf32>
      %broadcast_in_dim3A_3174 = arith.constant 25 : i32
      %broadcast_in_dim3A_3175 = vector.broadcast %broadcast_in_dim3A_3174 : i32 to vector<16xi32>
      %select_n3A_3176 = arith.select %and3A_3172, %broadcast_in_dim3A_3175, %select_n3A_3151 : vector<16xi1>, vector<16xi32>
      %gt3A_3177 = arith.cmpf ogt, %add3A_479, %select_n3A_3173 : vector<16xf32>
      %ne3A_3178 = arith.constant 26 : i32
      %ne3A_3179 = vector.broadcast %ne3A_3178 : i32 to vector<16xi32>
      %ne3A_3180 = arith.cmpi ne, %select_n3A_668, %ne3A_3179 : vector<16xi32>
      %and3A_3181 = arith.andi %gt3A_3177, %ne3A_3180 : vector<16xi1>
      %ne3A_3182 = arith.constant 26 : i32
      %ne3A_3183 = vector.broadcast %ne3A_3182 : i32 to vector<16xi32>
      %ne3A_3184 = arith.cmpi ne, %select_n3A_950, %ne3A_3183 : vector<16xi32>
      %and3A_3185 = arith.andi %and3A_3181, %ne3A_3184 : vector<16xi1>
      %ne3A_3186 = arith.constant 26 : i32
      %ne3A_3187 = vector.broadcast %ne3A_3186 : i32 to vector<16xi32>
      %ne3A_3188 = arith.cmpi ne, %select_n3A_1358, %ne3A_3187 : vector<16xi32>
      %and3A_3189 = arith.andi %and3A_3185, %ne3A_3188 : vector<16xi1>
      %ne3A_3190 = arith.constant 26 : i32
      %ne3A_3191 = vector.broadcast %ne3A_3190 : i32 to vector<16xi32>
      %ne3A_3192 = arith.cmpi ne, %select_n3A_1890, %ne3A_3191 : vector<16xi32>
      %and3A_3193 = arith.andi %and3A_3189, %ne3A_3192 : vector<16xi1>
      %ne3A_3194 = arith.constant 26 : i32
      %ne3A_3195 = vector.broadcast %ne3A_3194 : i32 to vector<16xi32>
      %ne3A_3196 = arith.cmpi ne, %select_n3A_2546, %ne3A_3195 : vector<16xi32>
      %and3A_3197 = arith.andi %and3A_3193, %ne3A_3196 : vector<16xi1>
      %select_n3A_3198 = arith.select %and3A_3197, %add3A_479, %select_n3A_3173 : vector<16xi1>, vector<16xf32>
      %broadcast_in_dim3A_3199 = arith.constant 26 : i32
      %broadcast_in_dim3A_3200 = vector.broadcast %broadcast_in_dim3A_3199 : i32 to vector<16xi32>
      %select_n3A_3201 = arith.select %and3A_3197, %broadcast_in_dim3A_3200, %select_n3A_3176 : vector<16xi1>, vector<16xi32>
      %gt3A_3202 = arith.cmpf ogt, %add3A_485, %select_n3A_3198 : vector<16xf32>
      %ne3A_3203 = arith.constant 27 : i32
      %ne3A_3204 = vector.broadcast %ne3A_3203 : i32 to vector<16xi32>
      %ne3A_3205 = arith.cmpi ne, %select_n3A_668, %ne3A_3204 : vector<16xi32>
      %and3A_3206 = arith.andi %gt3A_3202, %ne3A_3205 : vector<16xi1>
      %ne3A_3207 = arith.constant 27 : i32
      %ne3A_3208 = vector.broadcast %ne3A_3207 : i32 to vector<16xi32>
      %ne3A_3209 = arith.cmpi ne, %select_n3A_950, %ne3A_3208 : vector<16xi32>
      %and3A_3210 = arith.andi %and3A_3206, %ne3A_3209 : vector<16xi1>
      %ne3A_3211 = arith.constant 27 : i32
      %ne3A_3212 = vector.broadcast %ne3A_3211 : i32 to vector<16xi32>
      %ne3A_3213 = arith.cmpi ne, %select_n3A_1358, %ne3A_3212 : vector<16xi32>
      %and3A_3214 = arith.andi %and3A_3210, %ne3A_3213 : vector<16xi1>
      %ne3A_3215 = arith.constant 27 : i32
      %ne3A_3216 = vector.broadcast %ne3A_3215 : i32 to vector<16xi32>
      %ne3A_3217 = arith.cmpi ne, %select_n3A_1890, %ne3A_3216 : vector<16xi32>
      %and3A_3218 = arith.andi %and3A_3214, %ne3A_3217 : vector<16xi1>
      %ne3A_3219 = arith.constant 27 : i32
      %ne3A_3220 = vector.broadcast %ne3A_3219 : i32 to vector<16xi32>
      %ne3A_3221 = arith.cmpi ne, %select_n3A_2546, %ne3A_3220 : vector<16xi32>
      %and3A_3222 = arith.andi %and3A_3218, %ne3A_3221 : vector<16xi1>
      %select_n3A_3223 = arith.select %and3A_3222, %add3A_485, %select_n3A_3198 : vector<16xi1>, vector<16xf32>
      %broadcast_in_dim3A_3224 = arith.constant 27 : i32
      %broadcast_in_dim3A_3225 = vector.broadcast %broadcast_in_dim3A_3224 : i32 to vector<16xi32>
      %select_n3A_3226 = arith.select %and3A_3222, %broadcast_in_dim3A_3225, %select_n3A_3201 : vector<16xi1>, vector<16xi32>
      %gt3A_3227 = arith.cmpf ogt, %add3A_491, %select_n3A_3223 : vector<16xf32>
      %ne3A_3228 = arith.constant 28 : i32
      %ne3A_3229 = vector.broadcast %ne3A_3228 : i32 to vector<16xi32>
      %ne3A_3230 = arith.cmpi ne, %select_n3A_668, %ne3A_3229 : vector<16xi32>
      %and3A_3231 = arith.andi %gt3A_3227, %ne3A_3230 : vector<16xi1>
      %ne3A_3232 = arith.constant 28 : i32
      %ne3A_3233 = vector.broadcast %ne3A_3232 : i32 to vector<16xi32>
      %ne3A_3234 = arith.cmpi ne, %select_n3A_950, %ne3A_3233 : vector<16xi32>
      %and3A_3235 = arith.andi %and3A_3231, %ne3A_3234 : vector<16xi1>
      %ne3A_3236 = arith.constant 28 : i32
      %ne3A_3237 = vector.broadcast %ne3A_3236 : i32 to vector<16xi32>
      %ne3A_3238 = arith.cmpi ne, %select_n3A_1358, %ne3A_3237 : vector<16xi32>
      %and3A_3239 = arith.andi %and3A_3235, %ne3A_3238 : vector<16xi1>
      %ne3A_3240 = arith.constant 28 : i32
      %ne3A_3241 = vector.broadcast %ne3A_3240 : i32 to vector<16xi32>
      %ne3A_3242 = arith.cmpi ne, %select_n3A_1890, %ne3A_3241 : vector<16xi32>
      %and3A_3243 = arith.andi %and3A_3239, %ne3A_3242 : vector<16xi1>
      %ne3A_3244 = arith.constant 28 : i32
      %ne3A_3245 = vector.broadcast %ne3A_3244 : i32 to vector<16xi32>
      %ne3A_3246 = arith.cmpi ne, %select_n3A_2546, %ne3A_3245 : vector<16xi32>
      %and3A_3247 = arith.andi %and3A_3243, %ne3A_3246 : vector<16xi1>
      %select_n3A_3248 = arith.select %and3A_3247, %add3A_491, %select_n3A_3223 : vector<16xi1>, vector<16xf32>
      %broadcast_in_dim3A_3249 = arith.constant 28 : i32
      %broadcast_in_dim3A_3250 = vector.broadcast %broadcast_in_dim3A_3249 : i32 to vector<16xi32>
      %select_n3A_3251 = arith.select %and3A_3247, %broadcast_in_dim3A_3250, %select_n3A_3226 : vector<16xi1>, vector<16xi32>
      %gt3A_3252 = arith.cmpf ogt, %add3A_497, %select_n3A_3248 : vector<16xf32>
      %ne3A_3253 = arith.constant 29 : i32
      %ne3A_3254 = vector.broadcast %ne3A_3253 : i32 to vector<16xi32>
      %ne3A_3255 = arith.cmpi ne, %select_n3A_668, %ne3A_3254 : vector<16xi32>
      %and3A_3256 = arith.andi %gt3A_3252, %ne3A_3255 : vector<16xi1>
      %ne3A_3257 = arith.constant 29 : i32
      %ne3A_3258 = vector.broadcast %ne3A_3257 : i32 to vector<16xi32>
      %ne3A_3259 = arith.cmpi ne, %select_n3A_950, %ne3A_3258 : vector<16xi32>
      %and3A_3260 = arith.andi %and3A_3256, %ne3A_3259 : vector<16xi1>
      %ne3A_3261 = arith.constant 29 : i32
      %ne3A_3262 = vector.broadcast %ne3A_3261 : i32 to vector<16xi32>
      %ne3A_3263 = arith.cmpi ne, %select_n3A_1358, %ne3A_3262 : vector<16xi32>
      %and3A_3264 = arith.andi %and3A_3260, %ne3A_3263 : vector<16xi1>
      %ne3A_3265 = arith.constant 29 : i32
      %ne3A_3266 = vector.broadcast %ne3A_3265 : i32 to vector<16xi32>
      %ne3A_3267 = arith.cmpi ne, %select_n3A_1890, %ne3A_3266 : vector<16xi32>
      %and3A_3268 = arith.andi %and3A_3264, %ne3A_3267 : vector<16xi1>
      %ne3A_3269 = arith.constant 29 : i32
      %ne3A_3270 = vector.broadcast %ne3A_3269 : i32 to vector<16xi32>
      %ne3A_3271 = arith.cmpi ne, %select_n3A_2546, %ne3A_3270 : vector<16xi32>
      %and3A_3272 = arith.andi %and3A_3268, %ne3A_3271 : vector<16xi1>
      %select_n3A_3273 = arith.select %and3A_3272, %add3A_497, %select_n3A_3248 : vector<16xi1>, vector<16xf32>
      %broadcast_in_dim3A_3274 = arith.constant 29 : i32
      %broadcast_in_dim3A_3275 = vector.broadcast %broadcast_in_dim3A_3274 : i32 to vector<16xi32>
      %select_n3A_3276 = arith.select %and3A_3272, %broadcast_in_dim3A_3275, %select_n3A_3251 : vector<16xi1>, vector<16xi32>
      %gt3A_3277 = arith.cmpf ogt, %add3A_503, %select_n3A_3273 : vector<16xf32>
      %ne3A_3278 = arith.constant 30 : i32
      %ne3A_3279 = vector.broadcast %ne3A_3278 : i32 to vector<16xi32>
      %ne3A_3280 = arith.cmpi ne, %select_n3A_668, %ne3A_3279 : vector<16xi32>
      %and3A_3281 = arith.andi %gt3A_3277, %ne3A_3280 : vector<16xi1>
      %ne3A_3282 = arith.constant 30 : i32
      %ne3A_3283 = vector.broadcast %ne3A_3282 : i32 to vector<16xi32>
      %ne3A_3284 = arith.cmpi ne, %select_n3A_950, %ne3A_3283 : vector<16xi32>
      %and3A_3285 = arith.andi %and3A_3281, %ne3A_3284 : vector<16xi1>
      %ne3A_3286 = arith.constant 30 : i32
      %ne3A_3287 = vector.broadcast %ne3A_3286 : i32 to vector<16xi32>
      %ne3A_3288 = arith.cmpi ne, %select_n3A_1358, %ne3A_3287 : vector<16xi32>
      %and3A_3289 = arith.andi %and3A_3285, %ne3A_3288 : vector<16xi1>
      %ne3A_3290 = arith.constant 30 : i32
      %ne3A_3291 = vector.broadcast %ne3A_3290 : i32 to vector<16xi32>
      %ne3A_3292 = arith.cmpi ne, %select_n3A_1890, %ne3A_3291 : vector<16xi32>
      %and3A_3293 = arith.andi %and3A_3289, %ne3A_3292 : vector<16xi1>
      %ne3A_3294 = arith.constant 30 : i32
      %ne3A_3295 = vector.broadcast %ne3A_3294 : i32 to vector<16xi32>
      %ne3A_3296 = arith.cmpi ne, %select_n3A_2546, %ne3A_3295 : vector<16xi32>
      %and3A_3297 = arith.andi %and3A_3293, %ne3A_3296 : vector<16xi1>
      %select_n3A_3298 = arith.select %and3A_3297, %add3A_503, %select_n3A_3273 : vector<16xi1>, vector<16xf32>
      %broadcast_in_dim3A_3299 = arith.constant 30 : i32
      %broadcast_in_dim3A_3300 = vector.broadcast %broadcast_in_dim3A_3299 : i32 to vector<16xi32>
      %select_n3A_3301 = arith.select %and3A_3297, %broadcast_in_dim3A_3300, %select_n3A_3276 : vector<16xi1>, vector<16xi32>
      %gt3A_3302 = arith.cmpf ogt, %add3A_509, %select_n3A_3298 : vector<16xf32>
      %ne3A_3303 = arith.constant 31 : i32
      %ne3A_3304 = vector.broadcast %ne3A_3303 : i32 to vector<16xi32>
      %ne3A_3305 = arith.cmpi ne, %select_n3A_668, %ne3A_3304 : vector<16xi32>
      %and3A_3306 = arith.andi %gt3A_3302, %ne3A_3305 : vector<16xi1>
      %ne3A_3307 = arith.constant 31 : i32
      %ne3A_3308 = vector.broadcast %ne3A_3307 : i32 to vector<16xi32>
      %ne3A_3309 = arith.cmpi ne, %select_n3A_950, %ne3A_3308 : vector<16xi32>
      %and3A_3310 = arith.andi %and3A_3306, %ne3A_3309 : vector<16xi1>
      %ne3A_3311 = arith.constant 31 : i32
      %ne3A_3312 = vector.broadcast %ne3A_3311 : i32 to vector<16xi32>
      %ne3A_3313 = arith.cmpi ne, %select_n3A_1358, %ne3A_3312 : vector<16xi32>
      %and3A_3314 = arith.andi %and3A_3310, %ne3A_3313 : vector<16xi1>
      %ne3A_3315 = arith.constant 31 : i32
      %ne3A_3316 = vector.broadcast %ne3A_3315 : i32 to vector<16xi32>
      %ne3A_3317 = arith.cmpi ne, %select_n3A_1890, %ne3A_3316 : vector<16xi32>
      %and3A_3318 = arith.andi %and3A_3314, %ne3A_3317 : vector<16xi1>
      %ne3A_3319 = arith.constant 31 : i32
      %ne3A_3320 = vector.broadcast %ne3A_3319 : i32 to vector<16xi32>
      %ne3A_3321 = arith.cmpi ne, %select_n3A_2546, %ne3A_3320 : vector<16xi32>
      %and3A_3322 = arith.andi %and3A_3318, %ne3A_3321 : vector<16xi1>
      %select_n3A_3323 = arith.select %and3A_3322, %add3A_509, %select_n3A_3298 : vector<16xi1>, vector<16xf32>
      %broadcast_in_dim3A_3324 = arith.constant 31 : i32
      %broadcast_in_dim3A_3325 = vector.broadcast %broadcast_in_dim3A_3324 : i32 to vector<16xi32>
      %select_n3A_3326 = arith.select %and3A_3322, %broadcast_in_dim3A_3325, %select_n3A_3301 : vector<16xi1>, vector<16xi32>
      %add3A_3327 = arith.addf %add3A_2547, %select_n3A_3323 : vector<16xf32>
      %broadcast_in_dim3A_3328 = arith.constant -1.000000e+30 : f32
      %broadcast_in_dim3A_3329 = vector.broadcast %broadcast_in_dim3A_3328 : f32 to vector<16xf32>
      %broadcast_in_dim3A_3330 = arith.constant 0 : i32
      %broadcast_in_dim3A_3331 = vector.broadcast %broadcast_in_dim3A_3330 : i32 to vector<16xi32>
      %gt3A_3332 = arith.cmpf ogt, %add3A_329, %broadcast_in_dim3A_3329 : vector<16xf32>
      %ne3A_3333 = arith.constant 1 : i32
      %ne3A_3334 = vector.broadcast %ne3A_3333 : i32 to vector<16xi32>
      %ne3A_3335 = arith.cmpi ne, %select_n3A_668, %ne3A_3334 : vector<16xi32>
      %and3A_3336 = arith.andi %gt3A_3332, %ne3A_3335 : vector<16xi1>
      %ne3A_3337 = arith.constant 1 : i32
      %ne3A_3338 = vector.broadcast %ne3A_3337 : i32 to vector<16xi32>
      %ne3A_3339 = arith.cmpi ne, %select_n3A_950, %ne3A_3338 : vector<16xi32>
      %and3A_3340 = arith.andi %and3A_3336, %ne3A_3339 : vector<16xi1>
      %ne3A_3341 = arith.constant 1 : i32
      %ne3A_3342 = vector.broadcast %ne3A_3341 : i32 to vector<16xi32>
      %ne3A_3343 = arith.cmpi ne, %select_n3A_1358, %ne3A_3342 : vector<16xi32>
      %and3A_3344 = arith.andi %and3A_3340, %ne3A_3343 : vector<16xi1>
      %ne3A_3345 = arith.constant 1 : i32
      %ne3A_3346 = vector.broadcast %ne3A_3345 : i32 to vector<16xi32>
      %ne3A_3347 = arith.cmpi ne, %select_n3A_1890, %ne3A_3346 : vector<16xi32>
      %and3A_3348 = arith.andi %and3A_3344, %ne3A_3347 : vector<16xi1>
      %ne3A_3349 = arith.constant 1 : i32
      %ne3A_3350 = vector.broadcast %ne3A_3349 : i32 to vector<16xi32>
      %ne3A_3351 = arith.cmpi ne, %select_n3A_2546, %ne3A_3350 : vector<16xi32>
      %and3A_3352 = arith.andi %and3A_3348, %ne3A_3351 : vector<16xi1>
      %ne3A_3353 = arith.constant 1 : i32
      %ne3A_3354 = vector.broadcast %ne3A_3353 : i32 to vector<16xi32>
      %ne3A_3355 = arith.cmpi ne, %select_n3A_3326, %ne3A_3354 : vector<16xi32>
      %and3A_3356 = arith.andi %and3A_3352, %ne3A_3355 : vector<16xi1>
      %select_n3A_3357 = arith.select %and3A_3356, %add3A_329, %broadcast_in_dim3A_3329 : vector<16xi1>, vector<16xf32>
      %broadcast_in_dim3A_3358 = arith.constant 1 : i32
      %broadcast_in_dim3A_3359 = vector.broadcast %broadcast_in_dim3A_3358 : i32 to vector<16xi32>
      %select_n3A_3360 = arith.select %and3A_3356, %broadcast_in_dim3A_3359, %broadcast_in_dim3A_3331 : vector<16xi1>, vector<16xi32>
      %gt3A_3361 = arith.cmpf ogt, %add3A_335, %select_n3A_3357 : vector<16xf32>
      %ne3A_3362 = arith.constant 2 : i32
      %ne3A_3363 = vector.broadcast %ne3A_3362 : i32 to vector<16xi32>
      %ne3A_3364 = arith.cmpi ne, %select_n3A_668, %ne3A_3363 : vector<16xi32>
      %and3A_3365 = arith.andi %gt3A_3361, %ne3A_3364 : vector<16xi1>
      %ne3A_3366 = arith.constant 2 : i32
      %ne3A_3367 = vector.broadcast %ne3A_3366 : i32 to vector<16xi32>
      %ne3A_3368 = arith.cmpi ne, %select_n3A_950, %ne3A_3367 : vector<16xi32>
      %and3A_3369 = arith.andi %and3A_3365, %ne3A_3368 : vector<16xi1>
      %ne3A_3370 = arith.constant 2 : i32
      %ne3A_3371 = vector.broadcast %ne3A_3370 : i32 to vector<16xi32>
      %ne3A_3372 = arith.cmpi ne, %select_n3A_1358, %ne3A_3371 : vector<16xi32>
      %and3A_3373 = arith.andi %and3A_3369, %ne3A_3372 : vector<16xi1>
      %ne3A_3374 = arith.constant 2 : i32
      %ne3A_3375 = vector.broadcast %ne3A_3374 : i32 to vector<16xi32>
      %ne3A_3376 = arith.cmpi ne, %select_n3A_1890, %ne3A_3375 : vector<16xi32>
      %and3A_3377 = arith.andi %and3A_3373, %ne3A_3376 : vector<16xi1>
      %ne3A_3378 = arith.constant 2 : i32
      %ne3A_3379 = vector.broadcast %ne3A_3378 : i32 to vector<16xi32>
      %ne3A_3380 = arith.cmpi ne, %select_n3A_2546, %ne3A_3379 : vector<16xi32>
      %and3A_3381 = arith.andi %and3A_3377, %ne3A_3380 : vector<16xi1>
      %ne3A_3382 = arith.constant 2 : i32
      %ne3A_3383 = vector.broadcast %ne3A_3382 : i32 to vector<16xi32>
      %ne3A_3384 = arith.cmpi ne, %select_n3A_3326, %ne3A_3383 : vector<16xi32>
      %and3A_3385 = arith.andi %and3A_3381, %ne3A_3384 : vector<16xi1>
      %select_n3A_3386 = arith.select %and3A_3385, %add3A_335, %select_n3A_3357 : vector<16xi1>, vector<16xf32>
      %broadcast_in_dim3A_3387 = arith.constant 2 : i32
      %broadcast_in_dim3A_3388 = vector.broadcast %broadcast_in_dim3A_3387 : i32 to vector<16xi32>
      %select_n3A_3389 = arith.select %and3A_3385, %broadcast_in_dim3A_3388, %select_n3A_3360 : vector<16xi1>, vector<16xi32>
      %gt3A_3390 = arith.cmpf ogt, %add3A_341, %select_n3A_3386 : vector<16xf32>
      %ne3A_3391 = arith.constant 3 : i32
      %ne3A_3392 = vector.broadcast %ne3A_3391 : i32 to vector<16xi32>
      %ne3A_3393 = arith.cmpi ne, %select_n3A_668, %ne3A_3392 : vector<16xi32>
      %and3A_3394 = arith.andi %gt3A_3390, %ne3A_3393 : vector<16xi1>
      %ne3A_3395 = arith.constant 3 : i32
      %ne3A_3396 = vector.broadcast %ne3A_3395 : i32 to vector<16xi32>
      %ne3A_3397 = arith.cmpi ne, %select_n3A_950, %ne3A_3396 : vector<16xi32>
      %and3A_3398 = arith.andi %and3A_3394, %ne3A_3397 : vector<16xi1>
      %ne3A_3399 = arith.constant 3 : i32
      %ne3A_3400 = vector.broadcast %ne3A_3399 : i32 to vector<16xi32>
      %ne3A_3401 = arith.cmpi ne, %select_n3A_1358, %ne3A_3400 : vector<16xi32>
      %and3A_3402 = arith.andi %and3A_3398, %ne3A_3401 : vector<16xi1>
      %ne3A_3403 = arith.constant 3 : i32
      %ne3A_3404 = vector.broadcast %ne3A_3403 : i32 to vector<16xi32>
      %ne3A_3405 = arith.cmpi ne, %select_n3A_1890, %ne3A_3404 : vector<16xi32>
      %and3A_3406 = arith.andi %and3A_3402, %ne3A_3405 : vector<16xi1>
      %ne3A_3407 = arith.constant 3 : i32
      %ne3A_3408 = vector.broadcast %ne3A_3407 : i32 to vector<16xi32>
      %ne3A_3409 = arith.cmpi ne, %select_n3A_2546, %ne3A_3408 : vector<16xi32>
      %and3A_3410 = arith.andi %and3A_3406, %ne3A_3409 : vector<16xi1>
      %ne3A_3411 = arith.constant 3 : i32
      %ne3A_3412 = vector.broadcast %ne3A_3411 : i32 to vector<16xi32>
      %ne3A_3413 = arith.cmpi ne, %select_n3A_3326, %ne3A_3412 : vector<16xi32>
      %and3A_3414 = arith.andi %and3A_3410, %ne3A_3413 : vector<16xi1>
      %select_n3A_3415 = arith.select %and3A_3414, %add3A_341, %select_n3A_3386 : vector<16xi1>, vector<16xf32>
      %broadcast_in_dim3A_3416 = arith.constant 3 : i32
      %broadcast_in_dim3A_3417 = vector.broadcast %broadcast_in_dim3A_3416 : i32 to vector<16xi32>
      %select_n3A_3418 = arith.select %and3A_3414, %broadcast_in_dim3A_3417, %select_n3A_3389 : vector<16xi1>, vector<16xi32>
      %gt3A_3419 = arith.cmpf ogt, %add3A_347, %select_n3A_3415 : vector<16xf32>
      %ne3A_3420 = arith.constant 4 : i32
      %ne3A_3421 = vector.broadcast %ne3A_3420 : i32 to vector<16xi32>
      %ne3A_3422 = arith.cmpi ne, %select_n3A_668, %ne3A_3421 : vector<16xi32>
      %and3A_3423 = arith.andi %gt3A_3419, %ne3A_3422 : vector<16xi1>
      %ne3A_3424 = arith.constant 4 : i32
      %ne3A_3425 = vector.broadcast %ne3A_3424 : i32 to vector<16xi32>
      %ne3A_3426 = arith.cmpi ne, %select_n3A_950, %ne3A_3425 : vector<16xi32>
      %and3A_3427 = arith.andi %and3A_3423, %ne3A_3426 : vector<16xi1>
      %ne3A_3428 = arith.constant 4 : i32
      %ne3A_3429 = vector.broadcast %ne3A_3428 : i32 to vector<16xi32>
      %ne3A_3430 = arith.cmpi ne, %select_n3A_1358, %ne3A_3429 : vector<16xi32>
      %and3A_3431 = arith.andi %and3A_3427, %ne3A_3430 : vector<16xi1>
      %ne3A_3432 = arith.constant 4 : i32
      %ne3A_3433 = vector.broadcast %ne3A_3432 : i32 to vector<16xi32>
      %ne3A_3434 = arith.cmpi ne, %select_n3A_1890, %ne3A_3433 : vector<16xi32>
      %and3A_3435 = arith.andi %and3A_3431, %ne3A_3434 : vector<16xi1>
      %ne3A_3436 = arith.constant 4 : i32
      %ne3A_3437 = vector.broadcast %ne3A_3436 : i32 to vector<16xi32>
      %ne3A_3438 = arith.cmpi ne, %select_n3A_2546, %ne3A_3437 : vector<16xi32>
      %and3A_3439 = arith.andi %and3A_3435, %ne3A_3438 : vector<16xi1>
      %ne3A_3440 = arith.constant 4 : i32
      %ne3A_3441 = vector.broadcast %ne3A_3440 : i32 to vector<16xi32>
      %ne3A_3442 = arith.cmpi ne, %select_n3A_3326, %ne3A_3441 : vector<16xi32>
      %and3A_3443 = arith.andi %and3A_3439, %ne3A_3442 : vector<16xi1>
      %select_n3A_3444 = arith.select %and3A_3443, %add3A_347, %select_n3A_3415 : vector<16xi1>, vector<16xf32>
      %broadcast_in_dim3A_3445 = arith.constant 4 : i32
      %broadcast_in_dim3A_3446 = vector.broadcast %broadcast_in_dim3A_3445 : i32 to vector<16xi32>
      %select_n3A_3447 = arith.select %and3A_3443, %broadcast_in_dim3A_3446, %select_n3A_3418 : vector<16xi1>, vector<16xi32>
      %gt3A_3448 = arith.cmpf ogt, %add3A_353, %select_n3A_3444 : vector<16xf32>
      %ne3A_3449 = arith.constant 5 : i32
      %ne3A_3450 = vector.broadcast %ne3A_3449 : i32 to vector<16xi32>
      %ne3A_3451 = arith.cmpi ne, %select_n3A_668, %ne3A_3450 : vector<16xi32>
      %and3A_3452 = arith.andi %gt3A_3448, %ne3A_3451 : vector<16xi1>
      %ne3A_3453 = arith.constant 5 : i32
      %ne3A_3454 = vector.broadcast %ne3A_3453 : i32 to vector<16xi32>
      %ne3A_3455 = arith.cmpi ne, %select_n3A_950, %ne3A_3454 : vector<16xi32>
      %and3A_3456 = arith.andi %and3A_3452, %ne3A_3455 : vector<16xi1>
      %ne3A_3457 = arith.constant 5 : i32
      %ne3A_3458 = vector.broadcast %ne3A_3457 : i32 to vector<16xi32>
      %ne3A_3459 = arith.cmpi ne, %select_n3A_1358, %ne3A_3458 : vector<16xi32>
      %and3A_3460 = arith.andi %and3A_3456, %ne3A_3459 : vector<16xi1>
      %ne3A_3461 = arith.constant 5 : i32
      %ne3A_3462 = vector.broadcast %ne3A_3461 : i32 to vector<16xi32>
      %ne3A_3463 = arith.cmpi ne, %select_n3A_1890, %ne3A_3462 : vector<16xi32>
      %and3A_3464 = arith.andi %and3A_3460, %ne3A_3463 : vector<16xi1>
      %ne3A_3465 = arith.constant 5 : i32
      %ne3A_3466 = vector.broadcast %ne3A_3465 : i32 to vector<16xi32>
      %ne3A_3467 = arith.cmpi ne, %select_n3A_2546, %ne3A_3466 : vector<16xi32>
      %and3A_3468 = arith.andi %and3A_3464, %ne3A_3467 : vector<16xi1>
      %ne3A_3469 = arith.constant 5 : i32
      %ne3A_3470 = vector.broadcast %ne3A_3469 : i32 to vector<16xi32>
      %ne3A_3471 = arith.cmpi ne, %select_n3A_3326, %ne3A_3470 : vector<16xi32>
      %and3A_3472 = arith.andi %and3A_3468, %ne3A_3471 : vector<16xi1>
      %select_n3A_3473 = arith.select %and3A_3472, %add3A_353, %select_n3A_3444 : vector<16xi1>, vector<16xf32>
      %broadcast_in_dim3A_3474 = arith.constant 5 : i32
      %broadcast_in_dim3A_3475 = vector.broadcast %broadcast_in_dim3A_3474 : i32 to vector<16xi32>
      %select_n3A_3476 = arith.select %and3A_3472, %broadcast_in_dim3A_3475, %select_n3A_3447 : vector<16xi1>, vector<16xi32>
      %gt3A_3477 = arith.cmpf ogt, %add3A_359, %select_n3A_3473 : vector<16xf32>
      %ne3A_3478 = arith.constant 6 : i32
      %ne3A_3479 = vector.broadcast %ne3A_3478 : i32 to vector<16xi32>
      %ne3A_3480 = arith.cmpi ne, %select_n3A_668, %ne3A_3479 : vector<16xi32>
      %and3A_3481 = arith.andi %gt3A_3477, %ne3A_3480 : vector<16xi1>
      %ne3A_3482 = arith.constant 6 : i32
      %ne3A_3483 = vector.broadcast %ne3A_3482 : i32 to vector<16xi32>
      %ne3A_3484 = arith.cmpi ne, %select_n3A_950, %ne3A_3483 : vector<16xi32>
      %and3A_3485 = arith.andi %and3A_3481, %ne3A_3484 : vector<16xi1>
      %ne3A_3486 = arith.constant 6 : i32
      %ne3A_3487 = vector.broadcast %ne3A_3486 : i32 to vector<16xi32>
      %ne3A_3488 = arith.cmpi ne, %select_n3A_1358, %ne3A_3487 : vector<16xi32>
      %and3A_3489 = arith.andi %and3A_3485, %ne3A_3488 : vector<16xi1>
      %ne3A_3490 = arith.constant 6 : i32
      %ne3A_3491 = vector.broadcast %ne3A_3490 : i32 to vector<16xi32>
      %ne3A_3492 = arith.cmpi ne, %select_n3A_1890, %ne3A_3491 : vector<16xi32>
      %and3A_3493 = arith.andi %and3A_3489, %ne3A_3492 : vector<16xi1>
      %ne3A_3494 = arith.constant 6 : i32
      %ne3A_3495 = vector.broadcast %ne3A_3494 : i32 to vector<16xi32>
      %ne3A_3496 = arith.cmpi ne, %select_n3A_2546, %ne3A_3495 : vector<16xi32>
      %and3A_3497 = arith.andi %and3A_3493, %ne3A_3496 : vector<16xi1>
      %ne3A_3498 = arith.constant 6 : i32
      %ne3A_3499 = vector.broadcast %ne3A_3498 : i32 to vector<16xi32>
      %ne3A_3500 = arith.cmpi ne, %select_n3A_3326, %ne3A_3499 : vector<16xi32>
      %and3A_3501 = arith.andi %and3A_3497, %ne3A_3500 : vector<16xi1>
      %select_n3A_3502 = arith.select %and3A_3501, %add3A_359, %select_n3A_3473 : vector<16xi1>, vector<16xf32>
      %broadcast_in_dim3A_3503 = arith.constant 6 : i32
      %broadcast_in_dim3A_3504 = vector.broadcast %broadcast_in_dim3A_3503 : i32 to vector<16xi32>
      %select_n3A_3505 = arith.select %and3A_3501, %broadcast_in_dim3A_3504, %select_n3A_3476 : vector<16xi1>, vector<16xi32>
      %gt3A_3506 = arith.cmpf ogt, %add3A_365, %select_n3A_3502 : vector<16xf32>
      %ne3A_3507 = arith.constant 7 : i32
      %ne3A_3508 = vector.broadcast %ne3A_3507 : i32 to vector<16xi32>
      %ne3A_3509 = arith.cmpi ne, %select_n3A_668, %ne3A_3508 : vector<16xi32>
      %and3A_3510 = arith.andi %gt3A_3506, %ne3A_3509 : vector<16xi1>
      %ne3A_3511 = arith.constant 7 : i32
      %ne3A_3512 = vector.broadcast %ne3A_3511 : i32 to vector<16xi32>
      %ne3A_3513 = arith.cmpi ne, %select_n3A_950, %ne3A_3512 : vector<16xi32>
      %and3A_3514 = arith.andi %and3A_3510, %ne3A_3513 : vector<16xi1>
      %ne3A_3515 = arith.constant 7 : i32
      %ne3A_3516 = vector.broadcast %ne3A_3515 : i32 to vector<16xi32>
      %ne3A_3517 = arith.cmpi ne, %select_n3A_1358, %ne3A_3516 : vector<16xi32>
      %and3A_3518 = arith.andi %and3A_3514, %ne3A_3517 : vector<16xi1>
      %ne3A_3519 = arith.constant 7 : i32
      %ne3A_3520 = vector.broadcast %ne3A_3519 : i32 to vector<16xi32>
      %ne3A_3521 = arith.cmpi ne, %select_n3A_1890, %ne3A_3520 : vector<16xi32>
      %and3A_3522 = arith.andi %and3A_3518, %ne3A_3521 : vector<16xi1>
      %ne3A_3523 = arith.constant 7 : i32
      %ne3A_3524 = vector.broadcast %ne3A_3523 : i32 to vector<16xi32>
      %ne3A_3525 = arith.cmpi ne, %select_n3A_2546, %ne3A_3524 : vector<16xi32>
      %and3A_3526 = arith.andi %and3A_3522, %ne3A_3525 : vector<16xi1>
      %ne3A_3527 = arith.constant 7 : i32
      %ne3A_3528 = vector.broadcast %ne3A_3527 : i32 to vector<16xi32>
      %ne3A_3529 = arith.cmpi ne, %select_n3A_3326, %ne3A_3528 : vector<16xi32>
      %and3A_3530 = arith.andi %and3A_3526, %ne3A_3529 : vector<16xi1>
      %select_n3A_3531 = arith.select %and3A_3530, %add3A_365, %select_n3A_3502 : vector<16xi1>, vector<16xf32>
      %broadcast_in_dim3A_3532 = arith.constant 7 : i32
      %broadcast_in_dim3A_3533 = vector.broadcast %broadcast_in_dim3A_3532 : i32 to vector<16xi32>
      %select_n3A_3534 = arith.select %and3A_3530, %broadcast_in_dim3A_3533, %select_n3A_3505 : vector<16xi1>, vector<16xi32>
      %gt3A_3535 = arith.cmpf ogt, %add3A_371, %select_n3A_3531 : vector<16xf32>
      %ne3A_3536 = arith.constant 8 : i32
      %ne3A_3537 = vector.broadcast %ne3A_3536 : i32 to vector<16xi32>
      %ne3A_3538 = arith.cmpi ne, %select_n3A_668, %ne3A_3537 : vector<16xi32>
      %and3A_3539 = arith.andi %gt3A_3535, %ne3A_3538 : vector<16xi1>
      %ne3A_3540 = arith.constant 8 : i32
      %ne3A_3541 = vector.broadcast %ne3A_3540 : i32 to vector<16xi32>
      %ne3A_3542 = arith.cmpi ne, %select_n3A_950, %ne3A_3541 : vector<16xi32>
      %and3A_3543 = arith.andi %and3A_3539, %ne3A_3542 : vector<16xi1>
      %ne3A_3544 = arith.constant 8 : i32
      %ne3A_3545 = vector.broadcast %ne3A_3544 : i32 to vector<16xi32>
      %ne3A_3546 = arith.cmpi ne, %select_n3A_1358, %ne3A_3545 : vector<16xi32>
      %and3A_3547 = arith.andi %and3A_3543, %ne3A_3546 : vector<16xi1>
      %ne3A_3548 = arith.constant 8 : i32
      %ne3A_3549 = vector.broadcast %ne3A_3548 : i32 to vector<16xi32>
      %ne3A_3550 = arith.cmpi ne, %select_n3A_1890, %ne3A_3549 : vector<16xi32>
      %and3A_3551 = arith.andi %and3A_3547, %ne3A_3550 : vector<16xi1>
      %ne3A_3552 = arith.constant 8 : i32
      %ne3A_3553 = vector.broadcast %ne3A_3552 : i32 to vector<16xi32>
      %ne3A_3554 = arith.cmpi ne, %select_n3A_2546, %ne3A_3553 : vector<16xi32>
      %and3A_3555 = arith.andi %and3A_3551, %ne3A_3554 : vector<16xi1>
      %ne3A_3556 = arith.constant 8 : i32
      %ne3A_3557 = vector.broadcast %ne3A_3556 : i32 to vector<16xi32>
      %ne3A_3558 = arith.cmpi ne, %select_n3A_3326, %ne3A_3557 : vector<16xi32>
      %and3A_3559 = arith.andi %and3A_3555, %ne3A_3558 : vector<16xi1>
      %select_n3A_3560 = arith.select %and3A_3559, %add3A_371, %select_n3A_3531 : vector<16xi1>, vector<16xf32>
      %broadcast_in_dim3A_3561 = arith.constant 8 : i32
      %broadcast_in_dim3A_3562 = vector.broadcast %broadcast_in_dim3A_3561 : i32 to vector<16xi32>
      %select_n3A_3563 = arith.select %and3A_3559, %broadcast_in_dim3A_3562, %select_n3A_3534 : vector<16xi1>, vector<16xi32>
      %gt3A_3564 = arith.cmpf ogt, %add3A_377, %select_n3A_3560 : vector<16xf32>
      %ne3A_3565 = arith.constant 9 : i32
      %ne3A_3566 = vector.broadcast %ne3A_3565 : i32 to vector<16xi32>
      %ne3A_3567 = arith.cmpi ne, %select_n3A_668, %ne3A_3566 : vector<16xi32>
      %and3A_3568 = arith.andi %gt3A_3564, %ne3A_3567 : vector<16xi1>
      %ne3A_3569 = arith.constant 9 : i32
      %ne3A_3570 = vector.broadcast %ne3A_3569 : i32 to vector<16xi32>
      %ne3A_3571 = arith.cmpi ne, %select_n3A_950, %ne3A_3570 : vector<16xi32>
      %and3A_3572 = arith.andi %and3A_3568, %ne3A_3571 : vector<16xi1>
      %ne3A_3573 = arith.constant 9 : i32
      %ne3A_3574 = vector.broadcast %ne3A_3573 : i32 to vector<16xi32>
      %ne3A_3575 = arith.cmpi ne, %select_n3A_1358, %ne3A_3574 : vector<16xi32>
      %and3A_3576 = arith.andi %and3A_3572, %ne3A_3575 : vector<16xi1>
      %ne3A_3577 = arith.constant 9 : i32
      %ne3A_3578 = vector.broadcast %ne3A_3577 : i32 to vector<16xi32>
      %ne3A_3579 = arith.cmpi ne, %select_n3A_1890, %ne3A_3578 : vector<16xi32>
      %and3A_3580 = arith.andi %and3A_3576, %ne3A_3579 : vector<16xi1>
      %ne3A_3581 = arith.constant 9 : i32
      %ne3A_3582 = vector.broadcast %ne3A_3581 : i32 to vector<16xi32>
      %ne3A_3583 = arith.cmpi ne, %select_n3A_2546, %ne3A_3582 : vector<16xi32>
      %and3A_3584 = arith.andi %and3A_3580, %ne3A_3583 : vector<16xi1>
      %ne3A_3585 = arith.constant 9 : i32
      %ne3A_3586 = vector.broadcast %ne3A_3585 : i32 to vector<16xi32>
      %ne3A_3587 = arith.cmpi ne, %select_n3A_3326, %ne3A_3586 : vector<16xi32>
      %and3A_3588 = arith.andi %and3A_3584, %ne3A_3587 : vector<16xi1>
      %select_n3A_3589 = arith.select %and3A_3588, %add3A_377, %select_n3A_3560 : vector<16xi1>, vector<16xf32>
      %broadcast_in_dim3A_3590 = arith.constant 9 : i32
      %broadcast_in_dim3A_3591 = vector.broadcast %broadcast_in_dim3A_3590 : i32 to vector<16xi32>
      %select_n3A_3592 = arith.select %and3A_3588, %broadcast_in_dim3A_3591, %select_n3A_3563 : vector<16xi1>, vector<16xi32>
      %gt3A_3593 = arith.cmpf ogt, %add3A_383, %select_n3A_3589 : vector<16xf32>
      %ne3A_3594 = arith.constant 10 : i32
      %ne3A_3595 = vector.broadcast %ne3A_3594 : i32 to vector<16xi32>
      %ne3A_3596 = arith.cmpi ne, %select_n3A_668, %ne3A_3595 : vector<16xi32>
      %and3A_3597 = arith.andi %gt3A_3593, %ne3A_3596 : vector<16xi1>
      %ne3A_3598 = arith.constant 10 : i32
      %ne3A_3599 = vector.broadcast %ne3A_3598 : i32 to vector<16xi32>
      %ne3A_3600 = arith.cmpi ne, %select_n3A_950, %ne3A_3599 : vector<16xi32>
      %and3A_3601 = arith.andi %and3A_3597, %ne3A_3600 : vector<16xi1>
      %ne3A_3602 = arith.constant 10 : i32
      %ne3A_3603 = vector.broadcast %ne3A_3602 : i32 to vector<16xi32>
      %ne3A_3604 = arith.cmpi ne, %select_n3A_1358, %ne3A_3603 : vector<16xi32>
      %and3A_3605 = arith.andi %and3A_3601, %ne3A_3604 : vector<16xi1>
      %ne3A_3606 = arith.constant 10 : i32
      %ne3A_3607 = vector.broadcast %ne3A_3606 : i32 to vector<16xi32>
      %ne3A_3608 = arith.cmpi ne, %select_n3A_1890, %ne3A_3607 : vector<16xi32>
      %and3A_3609 = arith.andi %and3A_3605, %ne3A_3608 : vector<16xi1>
      %ne3A_3610 = arith.constant 10 : i32
      %ne3A_3611 = vector.broadcast %ne3A_3610 : i32 to vector<16xi32>
      %ne3A_3612 = arith.cmpi ne, %select_n3A_2546, %ne3A_3611 : vector<16xi32>
      %and3A_3613 = arith.andi %and3A_3609, %ne3A_3612 : vector<16xi1>
      %ne3A_3614 = arith.constant 10 : i32
      %ne3A_3615 = vector.broadcast %ne3A_3614 : i32 to vector<16xi32>
      %ne3A_3616 = arith.cmpi ne, %select_n3A_3326, %ne3A_3615 : vector<16xi32>
      %and3A_3617 = arith.andi %and3A_3613, %ne3A_3616 : vector<16xi1>
      %select_n3A_3618 = arith.select %and3A_3617, %add3A_383, %select_n3A_3589 : vector<16xi1>, vector<16xf32>
      %broadcast_in_dim3A_3619 = arith.constant 10 : i32
      %broadcast_in_dim3A_3620 = vector.broadcast %broadcast_in_dim3A_3619 : i32 to vector<16xi32>
      %select_n3A_3621 = arith.select %and3A_3617, %broadcast_in_dim3A_3620, %select_n3A_3592 : vector<16xi1>, vector<16xi32>
      %gt3A_3622 = arith.cmpf ogt, %add3A_389, %select_n3A_3618 : vector<16xf32>
      %ne3A_3623 = arith.constant 11 : i32
      %ne3A_3624 = vector.broadcast %ne3A_3623 : i32 to vector<16xi32>
      %ne3A_3625 = arith.cmpi ne, %select_n3A_668, %ne3A_3624 : vector<16xi32>
      %and3A_3626 = arith.andi %gt3A_3622, %ne3A_3625 : vector<16xi1>
      %ne3A_3627 = arith.constant 11 : i32
      %ne3A_3628 = vector.broadcast %ne3A_3627 : i32 to vector<16xi32>
      %ne3A_3629 = arith.cmpi ne, %select_n3A_950, %ne3A_3628 : vector<16xi32>
      %and3A_3630 = arith.andi %and3A_3626, %ne3A_3629 : vector<16xi1>
      %ne3A_3631 = arith.constant 11 : i32
      %ne3A_3632 = vector.broadcast %ne3A_3631 : i32 to vector<16xi32>
      %ne3A_3633 = arith.cmpi ne, %select_n3A_1358, %ne3A_3632 : vector<16xi32>
      %and3A_3634 = arith.andi %and3A_3630, %ne3A_3633 : vector<16xi1>
      %ne3A_3635 = arith.constant 11 : i32
      %ne3A_3636 = vector.broadcast %ne3A_3635 : i32 to vector<16xi32>
      %ne3A_3637 = arith.cmpi ne, %select_n3A_1890, %ne3A_3636 : vector<16xi32>
      %and3A_3638 = arith.andi %and3A_3634, %ne3A_3637 : vector<16xi1>
      %ne3A_3639 = arith.constant 11 : i32
      %ne3A_3640 = vector.broadcast %ne3A_3639 : i32 to vector<16xi32>
      %ne3A_3641 = arith.cmpi ne, %select_n3A_2546, %ne3A_3640 : vector<16xi32>
      %and3A_3642 = arith.andi %and3A_3638, %ne3A_3641 : vector<16xi1>
      %ne3A_3643 = arith.constant 11 : i32
      %ne3A_3644 = vector.broadcast %ne3A_3643 : i32 to vector<16xi32>
      %ne3A_3645 = arith.cmpi ne, %select_n3A_3326, %ne3A_3644 : vector<16xi32>
      %and3A_3646 = arith.andi %and3A_3642, %ne3A_3645 : vector<16xi1>
      %select_n3A_3647 = arith.select %and3A_3646, %add3A_389, %select_n3A_3618 : vector<16xi1>, vector<16xf32>
      %broadcast_in_dim3A_3648 = arith.constant 11 : i32
      %broadcast_in_dim3A_3649 = vector.broadcast %broadcast_in_dim3A_3648 : i32 to vector<16xi32>
      %select_n3A_3650 = arith.select %and3A_3646, %broadcast_in_dim3A_3649, %select_n3A_3621 : vector<16xi1>, vector<16xi32>
      %gt3A_3651 = arith.cmpf ogt, %add3A_395, %select_n3A_3647 : vector<16xf32>
      %ne3A_3652 = arith.constant 12 : i32
      %ne3A_3653 = vector.broadcast %ne3A_3652 : i32 to vector<16xi32>
      %ne3A_3654 = arith.cmpi ne, %select_n3A_668, %ne3A_3653 : vector<16xi32>
      %and3A_3655 = arith.andi %gt3A_3651, %ne3A_3654 : vector<16xi1>
      %ne3A_3656 = arith.constant 12 : i32
      %ne3A_3657 = vector.broadcast %ne3A_3656 : i32 to vector<16xi32>
      %ne3A_3658 = arith.cmpi ne, %select_n3A_950, %ne3A_3657 : vector<16xi32>
      %and3A_3659 = arith.andi %and3A_3655, %ne3A_3658 : vector<16xi1>
      %ne3A_3660 = arith.constant 12 : i32
      %ne3A_3661 = vector.broadcast %ne3A_3660 : i32 to vector<16xi32>
      %ne3A_3662 = arith.cmpi ne, %select_n3A_1358, %ne3A_3661 : vector<16xi32>
      %and3A_3663 = arith.andi %and3A_3659, %ne3A_3662 : vector<16xi1>
      %ne3A_3664 = arith.constant 12 : i32
      %ne3A_3665 = vector.broadcast %ne3A_3664 : i32 to vector<16xi32>
      %ne3A_3666 = arith.cmpi ne, %select_n3A_1890, %ne3A_3665 : vector<16xi32>
      %and3A_3667 = arith.andi %and3A_3663, %ne3A_3666 : vector<16xi1>
      %ne3A_3668 = arith.constant 12 : i32
      %ne3A_3669 = vector.broadcast %ne3A_3668 : i32 to vector<16xi32>
      %ne3A_3670 = arith.cmpi ne, %select_n3A_2546, %ne3A_3669 : vector<16xi32>
      %and3A_3671 = arith.andi %and3A_3667, %ne3A_3670 : vector<16xi1>
      %ne3A_3672 = arith.constant 12 : i32
      %ne3A_3673 = vector.broadcast %ne3A_3672 : i32 to vector<16xi32>
      %ne3A_3674 = arith.cmpi ne, %select_n3A_3326, %ne3A_3673 : vector<16xi32>
      %and3A_3675 = arith.andi %and3A_3671, %ne3A_3674 : vector<16xi1>
      %select_n3A_3676 = arith.select %and3A_3675, %add3A_395, %select_n3A_3647 : vector<16xi1>, vector<16xf32>
      %broadcast_in_dim3A_3677 = arith.constant 12 : i32
      %broadcast_in_dim3A_3678 = vector.broadcast %broadcast_in_dim3A_3677 : i32 to vector<16xi32>
      %select_n3A_3679 = arith.select %and3A_3675, %broadcast_in_dim3A_3678, %select_n3A_3650 : vector<16xi1>, vector<16xi32>
      %gt3A_3680 = arith.cmpf ogt, %add3A_401, %select_n3A_3676 : vector<16xf32>
      %ne3A_3681 = arith.constant 13 : i32
      %ne3A_3682 = vector.broadcast %ne3A_3681 : i32 to vector<16xi32>
      %ne3A_3683 = arith.cmpi ne, %select_n3A_668, %ne3A_3682 : vector<16xi32>
      %and3A_3684 = arith.andi %gt3A_3680, %ne3A_3683 : vector<16xi1>
      %ne3A_3685 = arith.constant 13 : i32
      %ne3A_3686 = vector.broadcast %ne3A_3685 : i32 to vector<16xi32>
      %ne3A_3687 = arith.cmpi ne, %select_n3A_950, %ne3A_3686 : vector<16xi32>
      %and3A_3688 = arith.andi %and3A_3684, %ne3A_3687 : vector<16xi1>
      %ne3A_3689 = arith.constant 13 : i32
      %ne3A_3690 = vector.broadcast %ne3A_3689 : i32 to vector<16xi32>
      %ne3A_3691 = arith.cmpi ne, %select_n3A_1358, %ne3A_3690 : vector<16xi32>
      %and3A_3692 = arith.andi %and3A_3688, %ne3A_3691 : vector<16xi1>
      %ne3A_3693 = arith.constant 13 : i32
      %ne3A_3694 = vector.broadcast %ne3A_3693 : i32 to vector<16xi32>
      %ne3A_3695 = arith.cmpi ne, %select_n3A_1890, %ne3A_3694 : vector<16xi32>
      %and3A_3696 = arith.andi %and3A_3692, %ne3A_3695 : vector<16xi1>
      %ne3A_3697 = arith.constant 13 : i32
      %ne3A_3698 = vector.broadcast %ne3A_3697 : i32 to vector<16xi32>
      %ne3A_3699 = arith.cmpi ne, %select_n3A_2546, %ne3A_3698 : vector<16xi32>
      %and3A_3700 = arith.andi %and3A_3696, %ne3A_3699 : vector<16xi1>
      %ne3A_3701 = arith.constant 13 : i32
      %ne3A_3702 = vector.broadcast %ne3A_3701 : i32 to vector<16xi32>
      %ne3A_3703 = arith.cmpi ne, %select_n3A_3326, %ne3A_3702 : vector<16xi32>
      %and3A_3704 = arith.andi %and3A_3700, %ne3A_3703 : vector<16xi1>
      %select_n3A_3705 = arith.select %and3A_3704, %add3A_401, %select_n3A_3676 : vector<16xi1>, vector<16xf32>
      %broadcast_in_dim3A_3706 = arith.constant 13 : i32
      %broadcast_in_dim3A_3707 = vector.broadcast %broadcast_in_dim3A_3706 : i32 to vector<16xi32>
      %select_n3A_3708 = arith.select %and3A_3704, %broadcast_in_dim3A_3707, %select_n3A_3679 : vector<16xi1>, vector<16xi32>
      %gt3A_3709 = arith.cmpf ogt, %add3A_407, %select_n3A_3705 : vector<16xf32>
      %ne3A_3710 = arith.constant 14 : i32
      %ne3A_3711 = vector.broadcast %ne3A_3710 : i32 to vector<16xi32>
      %ne3A_3712 = arith.cmpi ne, %select_n3A_668, %ne3A_3711 : vector<16xi32>
      %and3A_3713 = arith.andi %gt3A_3709, %ne3A_3712 : vector<16xi1>
      %ne3A_3714 = arith.constant 14 : i32
      %ne3A_3715 = vector.broadcast %ne3A_3714 : i32 to vector<16xi32>
      %ne3A_3716 = arith.cmpi ne, %select_n3A_950, %ne3A_3715 : vector<16xi32>
      %and3A_3717 = arith.andi %and3A_3713, %ne3A_3716 : vector<16xi1>
      %ne3A_3718 = arith.constant 14 : i32
      %ne3A_3719 = vector.broadcast %ne3A_3718 : i32 to vector<16xi32>
      %ne3A_3720 = arith.cmpi ne, %select_n3A_1358, %ne3A_3719 : vector<16xi32>
      %and3A_3721 = arith.andi %and3A_3717, %ne3A_3720 : vector<16xi1>
      %ne3A_3722 = arith.constant 14 : i32
      %ne3A_3723 = vector.broadcast %ne3A_3722 : i32 to vector<16xi32>
      %ne3A_3724 = arith.cmpi ne, %select_n3A_1890, %ne3A_3723 : vector<16xi32>
      %and3A_3725 = arith.andi %and3A_3721, %ne3A_3724 : vector<16xi1>
      %ne3A_3726 = arith.constant 14 : i32
      %ne3A_3727 = vector.broadcast %ne3A_3726 : i32 to vector<16xi32>
      %ne3A_3728 = arith.cmpi ne, %select_n3A_2546, %ne3A_3727 : vector<16xi32>
      %and3A_3729 = arith.andi %and3A_3725, %ne3A_3728 : vector<16xi1>
      %ne3A_3730 = arith.constant 14 : i32
      %ne3A_3731 = vector.broadcast %ne3A_3730 : i32 to vector<16xi32>
      %ne3A_3732 = arith.cmpi ne, %select_n3A_3326, %ne3A_3731 : vector<16xi32>
      %and3A_3733 = arith.andi %and3A_3729, %ne3A_3732 : vector<16xi1>
      %select_n3A_3734 = arith.select %and3A_3733, %add3A_407, %select_n3A_3705 : vector<16xi1>, vector<16xf32>
      %broadcast_in_dim3A_3735 = arith.constant 14 : i32
      %broadcast_in_dim3A_3736 = vector.broadcast %broadcast_in_dim3A_3735 : i32 to vector<16xi32>
      %select_n3A_3737 = arith.select %and3A_3733, %broadcast_in_dim3A_3736, %select_n3A_3708 : vector<16xi1>, vector<16xi32>
      %gt3A_3738 = arith.cmpf ogt, %add3A_413, %select_n3A_3734 : vector<16xf32>
      %ne3A_3739 = arith.constant 15 : i32
      %ne3A_3740 = vector.broadcast %ne3A_3739 : i32 to vector<16xi32>
      %ne3A_3741 = arith.cmpi ne, %select_n3A_668, %ne3A_3740 : vector<16xi32>
      %and3A_3742 = arith.andi %gt3A_3738, %ne3A_3741 : vector<16xi1>
      %ne3A_3743 = arith.constant 15 : i32
      %ne3A_3744 = vector.broadcast %ne3A_3743 : i32 to vector<16xi32>
      %ne3A_3745 = arith.cmpi ne, %select_n3A_950, %ne3A_3744 : vector<16xi32>
      %and3A_3746 = arith.andi %and3A_3742, %ne3A_3745 : vector<16xi1>
      %ne3A_3747 = arith.constant 15 : i32
      %ne3A_3748 = vector.broadcast %ne3A_3747 : i32 to vector<16xi32>
      %ne3A_3749 = arith.cmpi ne, %select_n3A_1358, %ne3A_3748 : vector<16xi32>
      %and3A_3750 = arith.andi %and3A_3746, %ne3A_3749 : vector<16xi1>
      %ne3A_3751 = arith.constant 15 : i32
      %ne3A_3752 = vector.broadcast %ne3A_3751 : i32 to vector<16xi32>
      %ne3A_3753 = arith.cmpi ne, %select_n3A_1890, %ne3A_3752 : vector<16xi32>
      %and3A_3754 = arith.andi %and3A_3750, %ne3A_3753 : vector<16xi1>
      %ne3A_3755 = arith.constant 15 : i32
      %ne3A_3756 = vector.broadcast %ne3A_3755 : i32 to vector<16xi32>
      %ne3A_3757 = arith.cmpi ne, %select_n3A_2546, %ne3A_3756 : vector<16xi32>
      %and3A_3758 = arith.andi %and3A_3754, %ne3A_3757 : vector<16xi1>
      %ne3A_3759 = arith.constant 15 : i32
      %ne3A_3760 = vector.broadcast %ne3A_3759 : i32 to vector<16xi32>
      %ne3A_3761 = arith.cmpi ne, %select_n3A_3326, %ne3A_3760 : vector<16xi32>
      %and3A_3762 = arith.andi %and3A_3758, %ne3A_3761 : vector<16xi1>
      %select_n3A_3763 = arith.select %and3A_3762, %add3A_413, %select_n3A_3734 : vector<16xi1>, vector<16xf32>
      %broadcast_in_dim3A_3764 = arith.constant 15 : i32
      %broadcast_in_dim3A_3765 = vector.broadcast %broadcast_in_dim3A_3764 : i32 to vector<16xi32>
      %select_n3A_3766 = arith.select %and3A_3762, %broadcast_in_dim3A_3765, %select_n3A_3737 : vector<16xi1>, vector<16xi32>
      %gt3A_3767 = arith.cmpf ogt, %add3A_419, %select_n3A_3763 : vector<16xf32>
      %ne3A_3768 = arith.constant 16 : i32
      %ne3A_3769 = vector.broadcast %ne3A_3768 : i32 to vector<16xi32>
      %ne3A_3770 = arith.cmpi ne, %select_n3A_668, %ne3A_3769 : vector<16xi32>
      %and3A_3771 = arith.andi %gt3A_3767, %ne3A_3770 : vector<16xi1>
      %ne3A_3772 = arith.constant 16 : i32
      %ne3A_3773 = vector.broadcast %ne3A_3772 : i32 to vector<16xi32>
      %ne3A_3774 = arith.cmpi ne, %select_n3A_950, %ne3A_3773 : vector<16xi32>
      %and3A_3775 = arith.andi %and3A_3771, %ne3A_3774 : vector<16xi1>
      %ne3A_3776 = arith.constant 16 : i32
      %ne3A_3777 = vector.broadcast %ne3A_3776 : i32 to vector<16xi32>
      %ne3A_3778 = arith.cmpi ne, %select_n3A_1358, %ne3A_3777 : vector<16xi32>
      %and3A_3779 = arith.andi %and3A_3775, %ne3A_3778 : vector<16xi1>
      %ne3A_3780 = arith.constant 16 : i32
      %ne3A_3781 = vector.broadcast %ne3A_3780 : i32 to vector<16xi32>
      %ne3A_3782 = arith.cmpi ne, %select_n3A_1890, %ne3A_3781 : vector<16xi32>
      %and3A_3783 = arith.andi %and3A_3779, %ne3A_3782 : vector<16xi1>
      %ne3A_3784 = arith.constant 16 : i32
      %ne3A_3785 = vector.broadcast %ne3A_3784 : i32 to vector<16xi32>
      %ne3A_3786 = arith.cmpi ne, %select_n3A_2546, %ne3A_3785 : vector<16xi32>
      %and3A_3787 = arith.andi %and3A_3783, %ne3A_3786 : vector<16xi1>
      %ne3A_3788 = arith.constant 16 : i32
      %ne3A_3789 = vector.broadcast %ne3A_3788 : i32 to vector<16xi32>
      %ne3A_3790 = arith.cmpi ne, %select_n3A_3326, %ne3A_3789 : vector<16xi32>
      %and3A_3791 = arith.andi %and3A_3787, %ne3A_3790 : vector<16xi1>
      %select_n3A_3792 = arith.select %and3A_3791, %add3A_419, %select_n3A_3763 : vector<16xi1>, vector<16xf32>
      %broadcast_in_dim3A_3793 = arith.constant 16 : i32
      %broadcast_in_dim3A_3794 = vector.broadcast %broadcast_in_dim3A_3793 : i32 to vector<16xi32>
      %select_n3A_3795 = arith.select %and3A_3791, %broadcast_in_dim3A_3794, %select_n3A_3766 : vector<16xi1>, vector<16xi32>
      %gt3A_3796 = arith.cmpf ogt, %add3A_425, %select_n3A_3792 : vector<16xf32>
      %ne3A_3797 = arith.constant 17 : i32
      %ne3A_3798 = vector.broadcast %ne3A_3797 : i32 to vector<16xi32>
      %ne3A_3799 = arith.cmpi ne, %select_n3A_668, %ne3A_3798 : vector<16xi32>
      %and3A_3800 = arith.andi %gt3A_3796, %ne3A_3799 : vector<16xi1>
      %ne3A_3801 = arith.constant 17 : i32
      %ne3A_3802 = vector.broadcast %ne3A_3801 : i32 to vector<16xi32>
      %ne3A_3803 = arith.cmpi ne, %select_n3A_950, %ne3A_3802 : vector<16xi32>
      %and3A_3804 = arith.andi %and3A_3800, %ne3A_3803 : vector<16xi1>
      %ne3A_3805 = arith.constant 17 : i32
      %ne3A_3806 = vector.broadcast %ne3A_3805 : i32 to vector<16xi32>
      %ne3A_3807 = arith.cmpi ne, %select_n3A_1358, %ne3A_3806 : vector<16xi32>
      %and3A_3808 = arith.andi %and3A_3804, %ne3A_3807 : vector<16xi1>
      %ne3A_3809 = arith.constant 17 : i32
      %ne3A_3810 = vector.broadcast %ne3A_3809 : i32 to vector<16xi32>
      %ne3A_3811 = arith.cmpi ne, %select_n3A_1890, %ne3A_3810 : vector<16xi32>
      %and3A_3812 = arith.andi %and3A_3808, %ne3A_3811 : vector<16xi1>
      %ne3A_3813 = arith.constant 17 : i32
      %ne3A_3814 = vector.broadcast %ne3A_3813 : i32 to vector<16xi32>
      %ne3A_3815 = arith.cmpi ne, %select_n3A_2546, %ne3A_3814 : vector<16xi32>
      %and3A_3816 = arith.andi %and3A_3812, %ne3A_3815 : vector<16xi1>
      %ne3A_3817 = arith.constant 17 : i32
      %ne3A_3818 = vector.broadcast %ne3A_3817 : i32 to vector<16xi32>
      %ne3A_3819 = arith.cmpi ne, %select_n3A_3326, %ne3A_3818 : vector<16xi32>
      %and3A_3820 = arith.andi %and3A_3816, %ne3A_3819 : vector<16xi1>
      %select_n3A_3821 = arith.select %and3A_3820, %add3A_425, %select_n3A_3792 : vector<16xi1>, vector<16xf32>
      %broadcast_in_dim3A_3822 = arith.constant 17 : i32
      %broadcast_in_dim3A_3823 = vector.broadcast %broadcast_in_dim3A_3822 : i32 to vector<16xi32>
      %select_n3A_3824 = arith.select %and3A_3820, %broadcast_in_dim3A_3823, %select_n3A_3795 : vector<16xi1>, vector<16xi32>
      %gt3A_3825 = arith.cmpf ogt, %add3A_431, %select_n3A_3821 : vector<16xf32>
      %ne3A_3826 = arith.constant 18 : i32
      %ne3A_3827 = vector.broadcast %ne3A_3826 : i32 to vector<16xi32>
      %ne3A_3828 = arith.cmpi ne, %select_n3A_668, %ne3A_3827 : vector<16xi32>
      %and3A_3829 = arith.andi %gt3A_3825, %ne3A_3828 : vector<16xi1>
      %ne3A_3830 = arith.constant 18 : i32
      %ne3A_3831 = vector.broadcast %ne3A_3830 : i32 to vector<16xi32>
      %ne3A_3832 = arith.cmpi ne, %select_n3A_950, %ne3A_3831 : vector<16xi32>
      %and3A_3833 = arith.andi %and3A_3829, %ne3A_3832 : vector<16xi1>
      %ne3A_3834 = arith.constant 18 : i32
      %ne3A_3835 = vector.broadcast %ne3A_3834 : i32 to vector<16xi32>
      %ne3A_3836 = arith.cmpi ne, %select_n3A_1358, %ne3A_3835 : vector<16xi32>
      %and3A_3837 = arith.andi %and3A_3833, %ne3A_3836 : vector<16xi1>
      %ne3A_3838 = arith.constant 18 : i32
      %ne3A_3839 = vector.broadcast %ne3A_3838 : i32 to vector<16xi32>
      %ne3A_3840 = arith.cmpi ne, %select_n3A_1890, %ne3A_3839 : vector<16xi32>
      %and3A_3841 = arith.andi %and3A_3837, %ne3A_3840 : vector<16xi1>
      %ne3A_3842 = arith.constant 18 : i32
      %ne3A_3843 = vector.broadcast %ne3A_3842 : i32 to vector<16xi32>
      %ne3A_3844 = arith.cmpi ne, %select_n3A_2546, %ne3A_3843 : vector<16xi32>
      %and3A_3845 = arith.andi %and3A_3841, %ne3A_3844 : vector<16xi1>
      %ne3A_3846 = arith.constant 18 : i32
      %ne3A_3847 = vector.broadcast %ne3A_3846 : i32 to vector<16xi32>
      %ne3A_3848 = arith.cmpi ne, %select_n3A_3326, %ne3A_3847 : vector<16xi32>
      %and3A_3849 = arith.andi %and3A_3845, %ne3A_3848 : vector<16xi1>
      %select_n3A_3850 = arith.select %and3A_3849, %add3A_431, %select_n3A_3821 : vector<16xi1>, vector<16xf32>
      %broadcast_in_dim3A_3851 = arith.constant 18 : i32
      %broadcast_in_dim3A_3852 = vector.broadcast %broadcast_in_dim3A_3851 : i32 to vector<16xi32>
      %select_n3A_3853 = arith.select %and3A_3849, %broadcast_in_dim3A_3852, %select_n3A_3824 : vector<16xi1>, vector<16xi32>
      %gt3A_3854 = arith.cmpf ogt, %add3A_437, %select_n3A_3850 : vector<16xf32>
      %ne3A_3855 = arith.constant 19 : i32
      %ne3A_3856 = vector.broadcast %ne3A_3855 : i32 to vector<16xi32>
      %ne3A_3857 = arith.cmpi ne, %select_n3A_668, %ne3A_3856 : vector<16xi32>
      %and3A_3858 = arith.andi %gt3A_3854, %ne3A_3857 : vector<16xi1>
      %ne3A_3859 = arith.constant 19 : i32
      %ne3A_3860 = vector.broadcast %ne3A_3859 : i32 to vector<16xi32>
      %ne3A_3861 = arith.cmpi ne, %select_n3A_950, %ne3A_3860 : vector<16xi32>
      %and3A_3862 = arith.andi %and3A_3858, %ne3A_3861 : vector<16xi1>
      %ne3A_3863 = arith.constant 19 : i32
      %ne3A_3864 = vector.broadcast %ne3A_3863 : i32 to vector<16xi32>
      %ne3A_3865 = arith.cmpi ne, %select_n3A_1358, %ne3A_3864 : vector<16xi32>
      %and3A_3866 = arith.andi %and3A_3862, %ne3A_3865 : vector<16xi1>
      %ne3A_3867 = arith.constant 19 : i32
      %ne3A_3868 = vector.broadcast %ne3A_3867 : i32 to vector<16xi32>
      %ne3A_3869 = arith.cmpi ne, %select_n3A_1890, %ne3A_3868 : vector<16xi32>
      %and3A_3870 = arith.andi %and3A_3866, %ne3A_3869 : vector<16xi1>
      %ne3A_3871 = arith.constant 19 : i32
      %ne3A_3872 = vector.broadcast %ne3A_3871 : i32 to vector<16xi32>
      %ne3A_3873 = arith.cmpi ne, %select_n3A_2546, %ne3A_3872 : vector<16xi32>
      %and3A_3874 = arith.andi %and3A_3870, %ne3A_3873 : vector<16xi1>
      %ne3A_3875 = arith.constant 19 : i32
      %ne3A_3876 = vector.broadcast %ne3A_3875 : i32 to vector<16xi32>
      %ne3A_3877 = arith.cmpi ne, %select_n3A_3326, %ne3A_3876 : vector<16xi32>
      %and3A_3878 = arith.andi %and3A_3874, %ne3A_3877 : vector<16xi1>
      %select_n3A_3879 = arith.select %and3A_3878, %add3A_437, %select_n3A_3850 : vector<16xi1>, vector<16xf32>
      %broadcast_in_dim3A_3880 = arith.constant 19 : i32
      %broadcast_in_dim3A_3881 = vector.broadcast %broadcast_in_dim3A_3880 : i32 to vector<16xi32>
      %select_n3A_3882 = arith.select %and3A_3878, %broadcast_in_dim3A_3881, %select_n3A_3853 : vector<16xi1>, vector<16xi32>
      %gt3A_3883 = arith.cmpf ogt, %add3A_443, %select_n3A_3879 : vector<16xf32>
      %ne3A_3884 = arith.constant 20 : i32
      %ne3A_3885 = vector.broadcast %ne3A_3884 : i32 to vector<16xi32>
      %ne3A_3886 = arith.cmpi ne, %select_n3A_668, %ne3A_3885 : vector<16xi32>
      %and3A_3887 = arith.andi %gt3A_3883, %ne3A_3886 : vector<16xi1>
      %ne3A_3888 = arith.constant 20 : i32
      %ne3A_3889 = vector.broadcast %ne3A_3888 : i32 to vector<16xi32>
      %ne3A_3890 = arith.cmpi ne, %select_n3A_950, %ne3A_3889 : vector<16xi32>
      %and3A_3891 = arith.andi %and3A_3887, %ne3A_3890 : vector<16xi1>
      %ne3A_3892 = arith.constant 20 : i32
      %ne3A_3893 = vector.broadcast %ne3A_3892 : i32 to vector<16xi32>
      %ne3A_3894 = arith.cmpi ne, %select_n3A_1358, %ne3A_3893 : vector<16xi32>
      %and3A_3895 = arith.andi %and3A_3891, %ne3A_3894 : vector<16xi1>
      %ne3A_3896 = arith.constant 20 : i32
      %ne3A_3897 = vector.broadcast %ne3A_3896 : i32 to vector<16xi32>
      %ne3A_3898 = arith.cmpi ne, %select_n3A_1890, %ne3A_3897 : vector<16xi32>
      %and3A_3899 = arith.andi %and3A_3895, %ne3A_3898 : vector<16xi1>
      %ne3A_3900 = arith.constant 20 : i32
      %ne3A_3901 = vector.broadcast %ne3A_3900 : i32 to vector<16xi32>
      %ne3A_3902 = arith.cmpi ne, %select_n3A_2546, %ne3A_3901 : vector<16xi32>
      %and3A_3903 = arith.andi %and3A_3899, %ne3A_3902 : vector<16xi1>
      %ne3A_3904 = arith.constant 20 : i32
      %ne3A_3905 = vector.broadcast %ne3A_3904 : i32 to vector<16xi32>
      %ne3A_3906 = arith.cmpi ne, %select_n3A_3326, %ne3A_3905 : vector<16xi32>
      %and3A_3907 = arith.andi %and3A_3903, %ne3A_3906 : vector<16xi1>
      %select_n3A_3908 = arith.select %and3A_3907, %add3A_443, %select_n3A_3879 : vector<16xi1>, vector<16xf32>
      %broadcast_in_dim3A_3909 = arith.constant 20 : i32
      %broadcast_in_dim3A_3910 = vector.broadcast %broadcast_in_dim3A_3909 : i32 to vector<16xi32>
      %select_n3A_3911 = arith.select %and3A_3907, %broadcast_in_dim3A_3910, %select_n3A_3882 : vector<16xi1>, vector<16xi32>
      %gt3A_3912 = arith.cmpf ogt, %add3A_449, %select_n3A_3908 : vector<16xf32>
      %ne3A_3913 = arith.constant 21 : i32
      %ne3A_3914 = vector.broadcast %ne3A_3913 : i32 to vector<16xi32>
      %ne3A_3915 = arith.cmpi ne, %select_n3A_668, %ne3A_3914 : vector<16xi32>
      %and3A_3916 = arith.andi %gt3A_3912, %ne3A_3915 : vector<16xi1>
      %ne3A_3917 = arith.constant 21 : i32
      %ne3A_3918 = vector.broadcast %ne3A_3917 : i32 to vector<16xi32>
      %ne3A_3919 = arith.cmpi ne, %select_n3A_950, %ne3A_3918 : vector<16xi32>
      %and3A_3920 = arith.andi %and3A_3916, %ne3A_3919 : vector<16xi1>
      %ne3A_3921 = arith.constant 21 : i32
      %ne3A_3922 = vector.broadcast %ne3A_3921 : i32 to vector<16xi32>
      %ne3A_3923 = arith.cmpi ne, %select_n3A_1358, %ne3A_3922 : vector<16xi32>
      %and3A_3924 = arith.andi %and3A_3920, %ne3A_3923 : vector<16xi1>
      %ne3A_3925 = arith.constant 21 : i32
      %ne3A_3926 = vector.broadcast %ne3A_3925 : i32 to vector<16xi32>
      %ne3A_3927 = arith.cmpi ne, %select_n3A_1890, %ne3A_3926 : vector<16xi32>
      %and3A_3928 = arith.andi %and3A_3924, %ne3A_3927 : vector<16xi1>
      %ne3A_3929 = arith.constant 21 : i32
      %ne3A_3930 = vector.broadcast %ne3A_3929 : i32 to vector<16xi32>
      %ne3A_3931 = arith.cmpi ne, %select_n3A_2546, %ne3A_3930 : vector<16xi32>
      %and3A_3932 = arith.andi %and3A_3928, %ne3A_3931 : vector<16xi1>
      %ne3A_3933 = arith.constant 21 : i32
      %ne3A_3934 = vector.broadcast %ne3A_3933 : i32 to vector<16xi32>
      %ne3A_3935 = arith.cmpi ne, %select_n3A_3326, %ne3A_3934 : vector<16xi32>
      %and3A_3936 = arith.andi %and3A_3932, %ne3A_3935 : vector<16xi1>
      %select_n3A_3937 = arith.select %and3A_3936, %add3A_449, %select_n3A_3908 : vector<16xi1>, vector<16xf32>
      %broadcast_in_dim3A_3938 = arith.constant 21 : i32
      %broadcast_in_dim3A_3939 = vector.broadcast %broadcast_in_dim3A_3938 : i32 to vector<16xi32>
      %select_n3A_3940 = arith.select %and3A_3936, %broadcast_in_dim3A_3939, %select_n3A_3911 : vector<16xi1>, vector<16xi32>
      %gt3A_3941 = arith.cmpf ogt, %add3A_455, %select_n3A_3937 : vector<16xf32>
      %ne3A_3942 = arith.constant 22 : i32
      %ne3A_3943 = vector.broadcast %ne3A_3942 : i32 to vector<16xi32>
      %ne3A_3944 = arith.cmpi ne, %select_n3A_668, %ne3A_3943 : vector<16xi32>
      %and3A_3945 = arith.andi %gt3A_3941, %ne3A_3944 : vector<16xi1>
      %ne3A_3946 = arith.constant 22 : i32
      %ne3A_3947 = vector.broadcast %ne3A_3946 : i32 to vector<16xi32>
      %ne3A_3948 = arith.cmpi ne, %select_n3A_950, %ne3A_3947 : vector<16xi32>
      %and3A_3949 = arith.andi %and3A_3945, %ne3A_3948 : vector<16xi1>
      %ne3A_3950 = arith.constant 22 : i32
      %ne3A_3951 = vector.broadcast %ne3A_3950 : i32 to vector<16xi32>
      %ne3A_3952 = arith.cmpi ne, %select_n3A_1358, %ne3A_3951 : vector<16xi32>
      %and3A_3953 = arith.andi %and3A_3949, %ne3A_3952 : vector<16xi1>
      %ne3A_3954 = arith.constant 22 : i32
      %ne3A_3955 = vector.broadcast %ne3A_3954 : i32 to vector<16xi32>
      %ne3A_3956 = arith.cmpi ne, %select_n3A_1890, %ne3A_3955 : vector<16xi32>
      %and3A_3957 = arith.andi %and3A_3953, %ne3A_3956 : vector<16xi1>
      %ne3A_3958 = arith.constant 22 : i32
      %ne3A_3959 = vector.broadcast %ne3A_3958 : i32 to vector<16xi32>
      %ne3A_3960 = arith.cmpi ne, %select_n3A_2546, %ne3A_3959 : vector<16xi32>
      %and3A_3961 = arith.andi %and3A_3957, %ne3A_3960 : vector<16xi1>
      %ne3A_3962 = arith.constant 22 : i32
      %ne3A_3963 = vector.broadcast %ne3A_3962 : i32 to vector<16xi32>
      %ne3A_3964 = arith.cmpi ne, %select_n3A_3326, %ne3A_3963 : vector<16xi32>
      %and3A_3965 = arith.andi %and3A_3961, %ne3A_3964 : vector<16xi1>
      %select_n3A_3966 = arith.select %and3A_3965, %add3A_455, %select_n3A_3937 : vector<16xi1>, vector<16xf32>
      %broadcast_in_dim3A_3967 = arith.constant 22 : i32
      %broadcast_in_dim3A_3968 = vector.broadcast %broadcast_in_dim3A_3967 : i32 to vector<16xi32>
      %select_n3A_3969 = arith.select %and3A_3965, %broadcast_in_dim3A_3968, %select_n3A_3940 : vector<16xi1>, vector<16xi32>
      %gt3A_3970 = arith.cmpf ogt, %add3A_461, %select_n3A_3966 : vector<16xf32>
      %ne3A_3971 = arith.constant 23 : i32
      %ne3A_3972 = vector.broadcast %ne3A_3971 : i32 to vector<16xi32>
      %ne3A_3973 = arith.cmpi ne, %select_n3A_668, %ne3A_3972 : vector<16xi32>
      %and3A_3974 = arith.andi %gt3A_3970, %ne3A_3973 : vector<16xi1>
      %ne3A_3975 = arith.constant 23 : i32
      %ne3A_3976 = vector.broadcast %ne3A_3975 : i32 to vector<16xi32>
      %ne3A_3977 = arith.cmpi ne, %select_n3A_950, %ne3A_3976 : vector<16xi32>
      %and3A_3978 = arith.andi %and3A_3974, %ne3A_3977 : vector<16xi1>
      %ne3A_3979 = arith.constant 23 : i32
      %ne3A_3980 = vector.broadcast %ne3A_3979 : i32 to vector<16xi32>
      %ne3A_3981 = arith.cmpi ne, %select_n3A_1358, %ne3A_3980 : vector<16xi32>
      %and3A_3982 = arith.andi %and3A_3978, %ne3A_3981 : vector<16xi1>
      %ne3A_3983 = arith.constant 23 : i32
      %ne3A_3984 = vector.broadcast %ne3A_3983 : i32 to vector<16xi32>
      %ne3A_3985 = arith.cmpi ne, %select_n3A_1890, %ne3A_3984 : vector<16xi32>
      %and3A_3986 = arith.andi %and3A_3982, %ne3A_3985 : vector<16xi1>
      %ne3A_3987 = arith.constant 23 : i32
      %ne3A_3988 = vector.broadcast %ne3A_3987 : i32 to vector<16xi32>
      %ne3A_3989 = arith.cmpi ne, %select_n3A_2546, %ne3A_3988 : vector<16xi32>
      %and3A_3990 = arith.andi %and3A_3986, %ne3A_3989 : vector<16xi1>
      %ne3A_3991 = arith.constant 23 : i32
      %ne3A_3992 = vector.broadcast %ne3A_3991 : i32 to vector<16xi32>
      %ne3A_3993 = arith.cmpi ne, %select_n3A_3326, %ne3A_3992 : vector<16xi32>
      %and3A_3994 = arith.andi %and3A_3990, %ne3A_3993 : vector<16xi1>
      %select_n3A_3995 = arith.select %and3A_3994, %add3A_461, %select_n3A_3966 : vector<16xi1>, vector<16xf32>
      %broadcast_in_dim3A_3996 = arith.constant 23 : i32
      %broadcast_in_dim3A_3997 = vector.broadcast %broadcast_in_dim3A_3996 : i32 to vector<16xi32>
      %select_n3A_3998 = arith.select %and3A_3994, %broadcast_in_dim3A_3997, %select_n3A_3969 : vector<16xi1>, vector<16xi32>
      %gt3A_3999 = arith.cmpf ogt, %add3A_467, %select_n3A_3995 : vector<16xf32>
      %ne3A_4000 = arith.constant 24 : i32
      %ne3A_4001 = vector.broadcast %ne3A_4000 : i32 to vector<16xi32>
      %ne3A_4002 = arith.cmpi ne, %select_n3A_668, %ne3A_4001 : vector<16xi32>
      %and3A_4003 = arith.andi %gt3A_3999, %ne3A_4002 : vector<16xi1>
      %ne3A_4004 = arith.constant 24 : i32
      %ne3A_4005 = vector.broadcast %ne3A_4004 : i32 to vector<16xi32>
      %ne3A_4006 = arith.cmpi ne, %select_n3A_950, %ne3A_4005 : vector<16xi32>
      %and3A_4007 = arith.andi %and3A_4003, %ne3A_4006 : vector<16xi1>
      %ne3A_4008 = arith.constant 24 : i32
      %ne3A_4009 = vector.broadcast %ne3A_4008 : i32 to vector<16xi32>
      %ne3A_4010 = arith.cmpi ne, %select_n3A_1358, %ne3A_4009 : vector<16xi32>
      %and3A_4011 = arith.andi %and3A_4007, %ne3A_4010 : vector<16xi1>
      %ne3A_4012 = arith.constant 24 : i32
      %ne3A_4013 = vector.broadcast %ne3A_4012 : i32 to vector<16xi32>
      %ne3A_4014 = arith.cmpi ne, %select_n3A_1890, %ne3A_4013 : vector<16xi32>
      %and3A_4015 = arith.andi %and3A_4011, %ne3A_4014 : vector<16xi1>
      %ne3A_4016 = arith.constant 24 : i32
      %ne3A_4017 = vector.broadcast %ne3A_4016 : i32 to vector<16xi32>
      %ne3A_4018 = arith.cmpi ne, %select_n3A_2546, %ne3A_4017 : vector<16xi32>
      %and3A_4019 = arith.andi %and3A_4015, %ne3A_4018 : vector<16xi1>
      %ne3A_4020 = arith.constant 24 : i32
      %ne3A_4021 = vector.broadcast %ne3A_4020 : i32 to vector<16xi32>
      %ne3A_4022 = arith.cmpi ne, %select_n3A_3326, %ne3A_4021 : vector<16xi32>
      %and3A_4023 = arith.andi %and3A_4019, %ne3A_4022 : vector<16xi1>
      %select_n3A_4024 = arith.select %and3A_4023, %add3A_467, %select_n3A_3995 : vector<16xi1>, vector<16xf32>
      %broadcast_in_dim3A_4025 = arith.constant 24 : i32
      %broadcast_in_dim3A_4026 = vector.broadcast %broadcast_in_dim3A_4025 : i32 to vector<16xi32>
      %select_n3A_4027 = arith.select %and3A_4023, %broadcast_in_dim3A_4026, %select_n3A_3998 : vector<16xi1>, vector<16xi32>
      %gt3A_4028 = arith.cmpf ogt, %add3A_473, %select_n3A_4024 : vector<16xf32>
      %ne3A_4029 = arith.constant 25 : i32
      %ne3A_4030 = vector.broadcast %ne3A_4029 : i32 to vector<16xi32>
      %ne3A_4031 = arith.cmpi ne, %select_n3A_668, %ne3A_4030 : vector<16xi32>
      %and3A_4032 = arith.andi %gt3A_4028, %ne3A_4031 : vector<16xi1>
      %ne3A_4033 = arith.constant 25 : i32
      %ne3A_4034 = vector.broadcast %ne3A_4033 : i32 to vector<16xi32>
      %ne3A_4035 = arith.cmpi ne, %select_n3A_950, %ne3A_4034 : vector<16xi32>
      %and3A_4036 = arith.andi %and3A_4032, %ne3A_4035 : vector<16xi1>
      %ne3A_4037 = arith.constant 25 : i32
      %ne3A_4038 = vector.broadcast %ne3A_4037 : i32 to vector<16xi32>
      %ne3A_4039 = arith.cmpi ne, %select_n3A_1358, %ne3A_4038 : vector<16xi32>
      %and3A_4040 = arith.andi %and3A_4036, %ne3A_4039 : vector<16xi1>
      %ne3A_4041 = arith.constant 25 : i32
      %ne3A_4042 = vector.broadcast %ne3A_4041 : i32 to vector<16xi32>
      %ne3A_4043 = arith.cmpi ne, %select_n3A_1890, %ne3A_4042 : vector<16xi32>
      %and3A_4044 = arith.andi %and3A_4040, %ne3A_4043 : vector<16xi1>
      %ne3A_4045 = arith.constant 25 : i32
      %ne3A_4046 = vector.broadcast %ne3A_4045 : i32 to vector<16xi32>
      %ne3A_4047 = arith.cmpi ne, %select_n3A_2546, %ne3A_4046 : vector<16xi32>
      %and3A_4048 = arith.andi %and3A_4044, %ne3A_4047 : vector<16xi1>
      %ne3A_4049 = arith.constant 25 : i32
      %ne3A_4050 = vector.broadcast %ne3A_4049 : i32 to vector<16xi32>
      %ne3A_4051 = arith.cmpi ne, %select_n3A_3326, %ne3A_4050 : vector<16xi32>
      %and3A_4052 = arith.andi %and3A_4048, %ne3A_4051 : vector<16xi1>
      %select_n3A_4053 = arith.select %and3A_4052, %add3A_473, %select_n3A_4024 : vector<16xi1>, vector<16xf32>
      %broadcast_in_dim3A_4054 = arith.constant 25 : i32
      %broadcast_in_dim3A_4055 = vector.broadcast %broadcast_in_dim3A_4054 : i32 to vector<16xi32>
      %select_n3A_4056 = arith.select %and3A_4052, %broadcast_in_dim3A_4055, %select_n3A_4027 : vector<16xi1>, vector<16xi32>
      %gt3A_4057 = arith.cmpf ogt, %add3A_479, %select_n3A_4053 : vector<16xf32>
      %ne3A_4058 = arith.constant 26 : i32
      %ne3A_4059 = vector.broadcast %ne3A_4058 : i32 to vector<16xi32>
      %ne3A_4060 = arith.cmpi ne, %select_n3A_668, %ne3A_4059 : vector<16xi32>
      %and3A_4061 = arith.andi %gt3A_4057, %ne3A_4060 : vector<16xi1>
      %ne3A_4062 = arith.constant 26 : i32
      %ne3A_4063 = vector.broadcast %ne3A_4062 : i32 to vector<16xi32>
      %ne3A_4064 = arith.cmpi ne, %select_n3A_950, %ne3A_4063 : vector<16xi32>
      %and3A_4065 = arith.andi %and3A_4061, %ne3A_4064 : vector<16xi1>
      %ne3A_4066 = arith.constant 26 : i32
      %ne3A_4067 = vector.broadcast %ne3A_4066 : i32 to vector<16xi32>
      %ne3A_4068 = arith.cmpi ne, %select_n3A_1358, %ne3A_4067 : vector<16xi32>
      %and3A_4069 = arith.andi %and3A_4065, %ne3A_4068 : vector<16xi1>
      %ne3A_4070 = arith.constant 26 : i32
      %ne3A_4071 = vector.broadcast %ne3A_4070 : i32 to vector<16xi32>
      %ne3A_4072 = arith.cmpi ne, %select_n3A_1890, %ne3A_4071 : vector<16xi32>
      %and3A_4073 = arith.andi %and3A_4069, %ne3A_4072 : vector<16xi1>
      %ne3A_4074 = arith.constant 26 : i32
      %ne3A_4075 = vector.broadcast %ne3A_4074 : i32 to vector<16xi32>
      %ne3A_4076 = arith.cmpi ne, %select_n3A_2546, %ne3A_4075 : vector<16xi32>
      %and3A_4077 = arith.andi %and3A_4073, %ne3A_4076 : vector<16xi1>
      %ne3A_4078 = arith.constant 26 : i32
      %ne3A_4079 = vector.broadcast %ne3A_4078 : i32 to vector<16xi32>
      %ne3A_4080 = arith.cmpi ne, %select_n3A_3326, %ne3A_4079 : vector<16xi32>
      %and3A_4081 = arith.andi %and3A_4077, %ne3A_4080 : vector<16xi1>
      %select_n3A_4082 = arith.select %and3A_4081, %add3A_479, %select_n3A_4053 : vector<16xi1>, vector<16xf32>
      %broadcast_in_dim3A_4083 = arith.constant 26 : i32
      %broadcast_in_dim3A_4084 = vector.broadcast %broadcast_in_dim3A_4083 : i32 to vector<16xi32>
      %select_n3A_4085 = arith.select %and3A_4081, %broadcast_in_dim3A_4084, %select_n3A_4056 : vector<16xi1>, vector<16xi32>
      %gt3A_4086 = arith.cmpf ogt, %add3A_485, %select_n3A_4082 : vector<16xf32>
      %ne3A_4087 = arith.constant 27 : i32
      %ne3A_4088 = vector.broadcast %ne3A_4087 : i32 to vector<16xi32>
      %ne3A_4089 = arith.cmpi ne, %select_n3A_668, %ne3A_4088 : vector<16xi32>
      %and3A_4090 = arith.andi %gt3A_4086, %ne3A_4089 : vector<16xi1>
      %ne3A_4091 = arith.constant 27 : i32
      %ne3A_4092 = vector.broadcast %ne3A_4091 : i32 to vector<16xi32>
      %ne3A_4093 = arith.cmpi ne, %select_n3A_950, %ne3A_4092 : vector<16xi32>
      %and3A_4094 = arith.andi %and3A_4090, %ne3A_4093 : vector<16xi1>
      %ne3A_4095 = arith.constant 27 : i32
      %ne3A_4096 = vector.broadcast %ne3A_4095 : i32 to vector<16xi32>
      %ne3A_4097 = arith.cmpi ne, %select_n3A_1358, %ne3A_4096 : vector<16xi32>
      %and3A_4098 = arith.andi %and3A_4094, %ne3A_4097 : vector<16xi1>
      %ne3A_4099 = arith.constant 27 : i32
      %ne3A_4100 = vector.broadcast %ne3A_4099 : i32 to vector<16xi32>
      %ne3A_4101 = arith.cmpi ne, %select_n3A_1890, %ne3A_4100 : vector<16xi32>
      %and3A_4102 = arith.andi %and3A_4098, %ne3A_4101 : vector<16xi1>
      %ne3A_4103 = arith.constant 27 : i32
      %ne3A_4104 = vector.broadcast %ne3A_4103 : i32 to vector<16xi32>
      %ne3A_4105 = arith.cmpi ne, %select_n3A_2546, %ne3A_4104 : vector<16xi32>
      %and3A_4106 = arith.andi %and3A_4102, %ne3A_4105 : vector<16xi1>
      %ne3A_4107 = arith.constant 27 : i32
      %ne3A_4108 = vector.broadcast %ne3A_4107 : i32 to vector<16xi32>
      %ne3A_4109 = arith.cmpi ne, %select_n3A_3326, %ne3A_4108 : vector<16xi32>
      %and3A_4110 = arith.andi %and3A_4106, %ne3A_4109 : vector<16xi1>
      %select_n3A_4111 = arith.select %and3A_4110, %add3A_485, %select_n3A_4082 : vector<16xi1>, vector<16xf32>
      %broadcast_in_dim3A_4112 = arith.constant 27 : i32
      %broadcast_in_dim3A_4113 = vector.broadcast %broadcast_in_dim3A_4112 : i32 to vector<16xi32>
      %select_n3A_4114 = arith.select %and3A_4110, %broadcast_in_dim3A_4113, %select_n3A_4085 : vector<16xi1>, vector<16xi32>
      %gt3A_4115 = arith.cmpf ogt, %add3A_491, %select_n3A_4111 : vector<16xf32>
      %ne3A_4116 = arith.constant 28 : i32
      %ne3A_4117 = vector.broadcast %ne3A_4116 : i32 to vector<16xi32>
      %ne3A_4118 = arith.cmpi ne, %select_n3A_668, %ne3A_4117 : vector<16xi32>
      %and3A_4119 = arith.andi %gt3A_4115, %ne3A_4118 : vector<16xi1>
      %ne3A_4120 = arith.constant 28 : i32
      %ne3A_4121 = vector.broadcast %ne3A_4120 : i32 to vector<16xi32>
      %ne3A_4122 = arith.cmpi ne, %select_n3A_950, %ne3A_4121 : vector<16xi32>
      %and3A_4123 = arith.andi %and3A_4119, %ne3A_4122 : vector<16xi1>
      %ne3A_4124 = arith.constant 28 : i32
      %ne3A_4125 = vector.broadcast %ne3A_4124 : i32 to vector<16xi32>
      %ne3A_4126 = arith.cmpi ne, %select_n3A_1358, %ne3A_4125 : vector<16xi32>
      %and3A_4127 = arith.andi %and3A_4123, %ne3A_4126 : vector<16xi1>
      %ne3A_4128 = arith.constant 28 : i32
      %ne3A_4129 = vector.broadcast %ne3A_4128 : i32 to vector<16xi32>
      %ne3A_4130 = arith.cmpi ne, %select_n3A_1890, %ne3A_4129 : vector<16xi32>
      %and3A_4131 = arith.andi %and3A_4127, %ne3A_4130 : vector<16xi1>
      %ne3A_4132 = arith.constant 28 : i32
      %ne3A_4133 = vector.broadcast %ne3A_4132 : i32 to vector<16xi32>
      %ne3A_4134 = arith.cmpi ne, %select_n3A_2546, %ne3A_4133 : vector<16xi32>
      %and3A_4135 = arith.andi %and3A_4131, %ne3A_4134 : vector<16xi1>
      %ne3A_4136 = arith.constant 28 : i32
      %ne3A_4137 = vector.broadcast %ne3A_4136 : i32 to vector<16xi32>
      %ne3A_4138 = arith.cmpi ne, %select_n3A_3326, %ne3A_4137 : vector<16xi32>
      %and3A_4139 = arith.andi %and3A_4135, %ne3A_4138 : vector<16xi1>
      %select_n3A_4140 = arith.select %and3A_4139, %add3A_491, %select_n3A_4111 : vector<16xi1>, vector<16xf32>
      %broadcast_in_dim3A_4141 = arith.constant 28 : i32
      %broadcast_in_dim3A_4142 = vector.broadcast %broadcast_in_dim3A_4141 : i32 to vector<16xi32>
      %select_n3A_4143 = arith.select %and3A_4139, %broadcast_in_dim3A_4142, %select_n3A_4114 : vector<16xi1>, vector<16xi32>
      %gt3A_4144 = arith.cmpf ogt, %add3A_497, %select_n3A_4140 : vector<16xf32>
      %ne3A_4145 = arith.constant 29 : i32
      %ne3A_4146 = vector.broadcast %ne3A_4145 : i32 to vector<16xi32>
      %ne3A_4147 = arith.cmpi ne, %select_n3A_668, %ne3A_4146 : vector<16xi32>
      %and3A_4148 = arith.andi %gt3A_4144, %ne3A_4147 : vector<16xi1>
      %ne3A_4149 = arith.constant 29 : i32
      %ne3A_4150 = vector.broadcast %ne3A_4149 : i32 to vector<16xi32>
      %ne3A_4151 = arith.cmpi ne, %select_n3A_950, %ne3A_4150 : vector<16xi32>
      %and3A_4152 = arith.andi %and3A_4148, %ne3A_4151 : vector<16xi1>
      %ne3A_4153 = arith.constant 29 : i32
      %ne3A_4154 = vector.broadcast %ne3A_4153 : i32 to vector<16xi32>
      %ne3A_4155 = arith.cmpi ne, %select_n3A_1358, %ne3A_4154 : vector<16xi32>
      %and3A_4156 = arith.andi %and3A_4152, %ne3A_4155 : vector<16xi1>
      %ne3A_4157 = arith.constant 29 : i32
      %ne3A_4158 = vector.broadcast %ne3A_4157 : i32 to vector<16xi32>
      %ne3A_4159 = arith.cmpi ne, %select_n3A_1890, %ne3A_4158 : vector<16xi32>
      %and3A_4160 = arith.andi %and3A_4156, %ne3A_4159 : vector<16xi1>
      %ne3A_4161 = arith.constant 29 : i32
      %ne3A_4162 = vector.broadcast %ne3A_4161 : i32 to vector<16xi32>
      %ne3A_4163 = arith.cmpi ne, %select_n3A_2546, %ne3A_4162 : vector<16xi32>
      %and3A_4164 = arith.andi %and3A_4160, %ne3A_4163 : vector<16xi1>
      %ne3A_4165 = arith.constant 29 : i32
      %ne3A_4166 = vector.broadcast %ne3A_4165 : i32 to vector<16xi32>
      %ne3A_4167 = arith.cmpi ne, %select_n3A_3326, %ne3A_4166 : vector<16xi32>
      %and3A_4168 = arith.andi %and3A_4164, %ne3A_4167 : vector<16xi1>
      %select_n3A_4169 = arith.select %and3A_4168, %add3A_497, %select_n3A_4140 : vector<16xi1>, vector<16xf32>
      %broadcast_in_dim3A_4170 = arith.constant 29 : i32
      %broadcast_in_dim3A_4171 = vector.broadcast %broadcast_in_dim3A_4170 : i32 to vector<16xi32>
      %select_n3A_4172 = arith.select %and3A_4168, %broadcast_in_dim3A_4171, %select_n3A_4143 : vector<16xi1>, vector<16xi32>
      %gt3A_4173 = arith.cmpf ogt, %add3A_503, %select_n3A_4169 : vector<16xf32>
      %ne3A_4174 = arith.constant 30 : i32
      %ne3A_4175 = vector.broadcast %ne3A_4174 : i32 to vector<16xi32>
      %ne3A_4176 = arith.cmpi ne, %select_n3A_668, %ne3A_4175 : vector<16xi32>
      %and3A_4177 = arith.andi %gt3A_4173, %ne3A_4176 : vector<16xi1>
      %ne3A_4178 = arith.constant 30 : i32
      %ne3A_4179 = vector.broadcast %ne3A_4178 : i32 to vector<16xi32>
      %ne3A_4180 = arith.cmpi ne, %select_n3A_950, %ne3A_4179 : vector<16xi32>
      %and3A_4181 = arith.andi %and3A_4177, %ne3A_4180 : vector<16xi1>
      %ne3A_4182 = arith.constant 30 : i32
      %ne3A_4183 = vector.broadcast %ne3A_4182 : i32 to vector<16xi32>
      %ne3A_4184 = arith.cmpi ne, %select_n3A_1358, %ne3A_4183 : vector<16xi32>
      %and3A_4185 = arith.andi %and3A_4181, %ne3A_4184 : vector<16xi1>
      %ne3A_4186 = arith.constant 30 : i32
      %ne3A_4187 = vector.broadcast %ne3A_4186 : i32 to vector<16xi32>
      %ne3A_4188 = arith.cmpi ne, %select_n3A_1890, %ne3A_4187 : vector<16xi32>
      %and3A_4189 = arith.andi %and3A_4185, %ne3A_4188 : vector<16xi1>
      %ne3A_4190 = arith.constant 30 : i32
      %ne3A_4191 = vector.broadcast %ne3A_4190 : i32 to vector<16xi32>
      %ne3A_4192 = arith.cmpi ne, %select_n3A_2546, %ne3A_4191 : vector<16xi32>
      %and3A_4193 = arith.andi %and3A_4189, %ne3A_4192 : vector<16xi1>
      %ne3A_4194 = arith.constant 30 : i32
      %ne3A_4195 = vector.broadcast %ne3A_4194 : i32 to vector<16xi32>
      %ne3A_4196 = arith.cmpi ne, %select_n3A_3326, %ne3A_4195 : vector<16xi32>
      %and3A_4197 = arith.andi %and3A_4193, %ne3A_4196 : vector<16xi1>
      %select_n3A_4198 = arith.select %and3A_4197, %add3A_503, %select_n3A_4169 : vector<16xi1>, vector<16xf32>
      %broadcast_in_dim3A_4199 = arith.constant 30 : i32
      %broadcast_in_dim3A_4200 = vector.broadcast %broadcast_in_dim3A_4199 : i32 to vector<16xi32>
      %select_n3A_4201 = arith.select %and3A_4197, %broadcast_in_dim3A_4200, %select_n3A_4172 : vector<16xi1>, vector<16xi32>
      %gt3A_4202 = arith.cmpf ogt, %add3A_509, %select_n3A_4198 : vector<16xf32>
      %ne3A_4203 = arith.constant 31 : i32
      %ne3A_4204 = vector.broadcast %ne3A_4203 : i32 to vector<16xi32>
      %ne3A_4205 = arith.cmpi ne, %select_n3A_668, %ne3A_4204 : vector<16xi32>
      %and3A_4206 = arith.andi %gt3A_4202, %ne3A_4205 : vector<16xi1>
      %ne3A_4207 = arith.constant 31 : i32
      %ne3A_4208 = vector.broadcast %ne3A_4207 : i32 to vector<16xi32>
      %ne3A_4209 = arith.cmpi ne, %select_n3A_950, %ne3A_4208 : vector<16xi32>
      %and3A_4210 = arith.andi %and3A_4206, %ne3A_4209 : vector<16xi1>
      %ne3A_4211 = arith.constant 31 : i32
      %ne3A_4212 = vector.broadcast %ne3A_4211 : i32 to vector<16xi32>
      %ne3A_4213 = arith.cmpi ne, %select_n3A_1358, %ne3A_4212 : vector<16xi32>
      %and3A_4214 = arith.andi %and3A_4210, %ne3A_4213 : vector<16xi1>
      %ne3A_4215 = arith.constant 31 : i32
      %ne3A_4216 = vector.broadcast %ne3A_4215 : i32 to vector<16xi32>
      %ne3A_4217 = arith.cmpi ne, %select_n3A_1890, %ne3A_4216 : vector<16xi32>
      %and3A_4218 = arith.andi %and3A_4214, %ne3A_4217 : vector<16xi1>
      %ne3A_4219 = arith.constant 31 : i32
      %ne3A_4220 = vector.broadcast %ne3A_4219 : i32 to vector<16xi32>
      %ne3A_4221 = arith.cmpi ne, %select_n3A_2546, %ne3A_4220 : vector<16xi32>
      %and3A_4222 = arith.andi %and3A_4218, %ne3A_4221 : vector<16xi1>
      %ne3A_4223 = arith.constant 31 : i32
      %ne3A_4224 = vector.broadcast %ne3A_4223 : i32 to vector<16xi32>
      %ne3A_4225 = arith.cmpi ne, %select_n3A_3326, %ne3A_4224 : vector<16xi32>
      %and3A_4226 = arith.andi %and3A_4222, %ne3A_4225 : vector<16xi1>
      %select_n3A_4227 = arith.select %and3A_4226, %add3A_509, %select_n3A_4198 : vector<16xi1>, vector<16xf32>
      %broadcast_in_dim3A_4228 = arith.constant 31 : i32
      %broadcast_in_dim3A_4229 = vector.broadcast %broadcast_in_dim3A_4228 : i32 to vector<16xi32>
      %select_n3A_4230 = arith.select %and3A_4226, %broadcast_in_dim3A_4229, %select_n3A_4201 : vector<16xi1>, vector<16xi32>
      %add3A_4231 = arith.addf %add3A_3327, %select_n3A_4227 : vector<16xf32>
      %div3A_4232 = arith.constant 8.750000e-01 : f32
      %div3A_4233 = vector.broadcast %div3A_4232 : f32 to vector<16xf32>
      %div3A_4234 = arith.divf %div3A_4233, %add3A_4231 : vector<16xf32>
      %mul3A_4235 = arith.constant 16 : i32
      %mul3A_4236 = arith.muli %scan3A_12, %mul3A_4235 : i32
      %add3A_4237 = vector.broadcast %mul3A_4236 : i32 to vector<16xi32>
      %add3A_4238 = arith.addi %add3A_4237, %iota3A : vector<16xi32>
      %mul3A_4239 = arith.constant 32 : i32
      %mul3A_4240 = vector.broadcast %mul3A_4239 : i32 to vector<16xi32>
      %mul3A_4241 = arith.muli %add3A_4238, %mul3A_4240 : vector<16xi32>
      %broadcast_in_dim3A_4242 = arith.constant 1.250000e-01 : f32
      %broadcast_in_dim3A_4243 = vector.broadcast %broadcast_in_dim3A_4242 : f32 to vector<16xf32>
      tpu.vector_store_idx %arg8[%mul3A_4241], %broadcast_in_dim3A_4243 : memref<8192xf32, #tpu.memory_space<vmem>>[vector<16xi32>], vector<16xf32>,
      %add3A_4244 = arith.addi %mul3A_4241, %select_n3A_668 : vector<16xi32>
      %mul3A_4245 = arith.mulf %select_n3A_665, %div3A_4234 : vector<16xf32>
      tpu.vector_store_idx %arg8[%add3A_4244], %mul3A_4245 : memref<8192xf32, #tpu.memory_space<vmem>>[vector<16xi32>], vector<16xf32>,
      %add3A_4246 = arith.addi %mul3A_4241, %select_n3A_950 : vector<16xi32>
      %mul3A_4247 = arith.mulf %select_n3A_947, %div3A_4234 : vector<16xf32>
      tpu.vector_store_idx %arg8[%add3A_4246], %mul3A_4247 : memref<8192xf32, #tpu.memory_space<vmem>>[vector<16xi32>], vector<16xf32>,
      %add3A_4248 = arith.addi %mul3A_4241, %select_n3A_1358 : vector<16xi32>
      %mul3A_4249 = arith.mulf %select_n3A_1355, %div3A_4234 : vector<16xf32>
      tpu.vector_store_idx %arg8[%add3A_4248], %mul3A_4249 : memref<8192xf32, #tpu.memory_space<vmem>>[vector<16xi32>], vector<16xf32>,
      %add3A_4250 = arith.addi %mul3A_4241, %select_n3A_1890 : vector<16xi32>
      %mul3A_4251 = arith.mulf %select_n3A_1887, %div3A_4234 : vector<16xf32>
      tpu.vector_store_idx %arg8[%add3A_4250], %mul3A_4251 : memref<8192xf32, #tpu.memory_space<vmem>>[vector<16xi32>], vector<16xf32>,
      %add3A_4252 = arith.addi %mul3A_4241, %select_n3A_2546 : vector<16xi32>
      %mul3A_4253 = arith.mulf %select_n3A_2543, %div3A_4234 : vector<16xf32>
      tpu.vector_store_idx %arg8[%add3A_4252], %mul3A_4253 : memref<8192xf32, #tpu.memory_space<vmem>>[vector<16xi32>], vector<16xf32>,
      %add3A_4254 = arith.addi %mul3A_4241, %select_n3A_3326 : vector<16xi32>
      %mul3A_4255 = arith.mulf %select_n3A_3323, %div3A_4234 : vector<16xf32>
      tpu.vector_store_idx %arg8[%add3A_4254], %mul3A_4255 : memref<8192xf32, #tpu.memory_space<vmem>>[vector<16xi32>], vector<16xf32>,
      %add3A_4256 = arith.addi %mul3A_4241, %select_n3A_4230 : vector<16xi32>
      %mul3A_4257 = arith.mulf %select_n3A_4227, %div3A_4234 : vector<16xf32>
      tpu.vector_store_idx %arg8[%add3A_4256], %mul3A_4257 : memref<8192xf32, #tpu.memory_space<vmem>>[vector<16xi32>], vector<16xf32>,
    }
    %scan3A_7 = arith.constant 16 : i32
    %mul3A_8 = arith.constant 256 : i32
    %mul3A_9 = arith.muli %add3A, %mul3A_8 : i32
    %mul3A_10 = arith.constant 32 : i32
    %mul3A_11 = arith.muli %mul3A_9, %mul3A_10 : i32
    "tpu.region"() ({
      %run_scoped3A = tpu.sem_alloc : memref<!tpu.dma_semaphore, #tpu.memory_space<semaphore_mem>>
      %dma_start3A = tpu.memref_slice %arg5[%mul3A_11] : memref<262144xf32, #tpu.memory_space<hbm>> -> memref<8192xf32, #tpu.memory_space<hbm>>
      %dma_start3A_12 = tpu.memref_slice %arg5[%mul3A_11] : memref<262144xf32, #tpu.memory_space<hbm>> -> memref<8192xf32, #tpu.memory_space<hbm>>
      tpu.enqueue_dma source(%arg8 : memref<8192xf32, #tpu.memory_space<vmem>>) target(%dma_start3A_12 : memref<8192xf32, #tpu.memory_space<hbm>>) target_semaphore(%run_scoped3A : memref<!tpu.dma_semaphore, #tpu.memory_space<semaphore_mem>>)
      %dma_wait3A = tpu.memref_slice %arg5[%mul3A_11] : memref<262144xf32, #tpu.memory_space<hbm>> -> memref<8192xf32, #tpu.memory_space<hbm>>
      %dma_wait3A_13 = tpu.memref_slice %arg5[%mul3A_11] : memref<262144xf32, #tpu.memory_space<hbm>> -> memref<8192xf32, #tpu.memory_space<hbm>>
      tpu.wait_dma2 semaphore(%run_scoped3A : memref<!tpu.dma_semaphore, #tpu.memory_space<semaphore_mem>>) src(%arg8 : memref<8192xf32, #tpu.memory_space<vmem>>) dst(%dma_wait3A_13 : memref<8192xf32, #tpu.memory_space<hbm>>)
      tpu.yield
    }) : () -> ()
    return
  }
}

module attributes {stable_mosaic.version = 14 : i64} {
  func.func @_logits_kernel(%arg0: i32, %arg1: memref<1024x256xf32, #tpu.memory_space<vmem>>, %arg2: memref<32x256xf32, #tpu.memory_space<vmem>>, %arg3: memref<32x1024xf32, #tpu.memory_space<vmem>>) attributes {dimension_semantics = [#tpu.dimension_semantics<arbitrary>], iteration_bounds = array<i64: 8>, scalar_prefetch = 0 : i64, scratch_operands = 0 : i64, tpu.core_type = #tpu.core_type<tc>, window_params = [{transform_indices = @transform_0, window_bounds = array<i64: 1024, 256>}, {pipeline_mode = #tpu.pipeline_mode<synchronous>, transform_indices = @transform_1, window_bounds = array<i64: 32, 256>}, {transform_indices = @transform_2, window_bounds = array<i64: 32, 1024>}]} {
    %get3A = arith.constant 0 : index
    %get3A_0 = arith.constant 0 : index
    %get3A_1 = vector.load %arg2[%get3A, %get3A_0] : memref<32x256xf32, #tpu.memory_space<vmem>>, vector<32x256xf32>
    %get3A_2 = arith.constant 0 : index
    %get3A_3 = arith.constant 0 : index
    %get3A_4 = vector.load %arg1[%get3A_2, %get3A_3] : memref<1024x256xf32, #tpu.memory_space<vmem>>, vector<1024x256xf32>
    %dot_general3A = arith.constant dense<0.000000e+00> : vector<32x1024xf32>
    %dot_general3A_5 = tpu.matmul %get3A_1, %get3A_4, %dot_general3A {dimension_numbers = #tpu.dot_dimension_numbers<[1], [1], [0], [0], [0, 0, 1, 0], [], []>, transpose_lhs_hint = false} : vector<32x256xf32>, vector<1024x256xf32>, vector<32x1024xf32> -> vector<32x1024xf32>
    %swap3A = arith.constant 0 : index
    %swap3A_6 = arith.constant 0 : index
    %swap3A_7 = vector.load %arg3[%swap3A, %swap3A_6] : memref<32x1024xf32, #tpu.memory_space<vmem>>, vector<32x1024xf32>
    tpu.vector_store %arg3[%swap3A, %swap3A_6], %dot_general3A_5 {strides = array<i32>} : memref<32x1024xf32, #tpu.memory_space<vmem>>, vector<32x1024xf32>,
    return
  }
  func.func @transform_0(%arg0: i32) -> (i32, i32) {
    %c0_i32 = arith.constant 0 : i32
    %c0_i32_0 = arith.constant 0 : i32
    return %arg0, %c0_i32 : i32, i32
  }
  func.func @transform_1(%arg0: i32) -> (i32, i32) {
    %c0_i32 = arith.constant 0 : i32
    %c0_i32_0 = arith.constant 0 : i32
    %c0_i32_1 = arith.constant 0 : i32
    return %c0_i32, %c0_i32_0 : i32, i32
  }
  func.func @transform_2(%arg0: i32) -> (i32, i32) {
    %c0_i32 = arith.constant 0 : i32
    %c0_i32_0 = arith.constant 0 : i32
    return %c0_i32, %arg0 : i32, i32
  }
}

module attributes {stable_mosaic.version = 14 : i64} {
  func.func @_expert01_kernel(%arg0: i32, %arg1: memref<8192x256xf32, #tpu.memory_space<vmem>>, %arg2: memref<2x1024x256xf32, #tpu.memory_space<vmem>>, %arg3: memref<2x256x1024xf32, #tpu.memory_space<vmem>>, %arg4: memref<8192x256xf32, #tpu.memory_space<vmem>>, %arg5: memref<8192x256xf32, #tpu.memory_space<vmem>>) attributes {dimension_semantics = [#tpu.dimension_semantics<arbitrary>], iteration_bounds = array<i64: 1>, scalar_prefetch = 0 : i64, scratch_operands = 0 : i64, tpu.core_type = #tpu.core_type<tc>, window_params = [{transform_indices = @transform_0, window_bounds = array<i64: 8192, 256>}, {transform_indices = @transform_1, window_bounds = array<i64: 2, 1024, 256>}, {transform_indices = @transform_2, window_bounds = array<i64: 2, 256, 1024>}, {transform_indices = @transform_3, window_bounds = array<i64: 8192, 256>}, {transform_indices = @transform_4, window_bounds = array<i64: 8192, 256>}]} {
    %get3A = arith.constant 0 : index
    %get3A_0 = arith.constant 0 : index
    %get3A_1 = vector.load %arg1[%get3A, %get3A_0] : memref<8192x256xf32, #tpu.memory_space<vmem>>, vector<8192x256xf32>
    %get3A_2 = arith.constant 0 : index
    %get3A_3 = arith.constant 0 : index
    %get3A_4 = arith.constant 0 : index
    %get3A_5 = vector.load %arg2[%get3A_2, %get3A_3, %get3A_4] : memref<2x1024x256xf32, #tpu.memory_space<vmem>>, vector<1x1024x256xf32>
    %get3A_6 = vector.shape_cast %get3A_5 : vector<1x1024x256xf32> to vector<1024x256xf32>
    %dot_general3A = arith.constant dense<0.000000e+00> : vector<8192x1024xf32>
    %dot_general3A_7 = tpu.matmul %get3A_1, %get3A_6, %dot_general3A {dimension_numbers = #tpu.dot_dimension_numbers<[1], [1], [0], [0], [0, 0, 1, 0], [], []>, transpose_lhs_hint = false} : vector<8192x256xf32>, vector<1024x256xf32>, vector<8192x1024xf32> -> vector<8192x1024xf32>
    %max3A = arith.constant 0.000000e+00 : f32
    %max3A_8 = vector.broadcast %max3A : f32 to vector<8192x1024xf32>
    %max3A_9 = arith.maximumf %dot_general3A_7, %max3A_8 : vector<8192x1024xf32>
    %square3A = arith.mulf %max3A_9, %max3A_9 : vector<8192x1024xf32>
    %get3A_10 = arith.constant 0 : index
    %get3A_11 = arith.constant 0 : index
    %get3A_12 = arith.constant 0 : index
    %get3A_13 = vector.load %arg3[%get3A_10, %get3A_11, %get3A_12] : memref<2x256x1024xf32, #tpu.memory_space<vmem>>, vector<1x256x1024xf32>
    %get3A_14 = vector.shape_cast %get3A_13 : vector<1x256x1024xf32> to vector<256x1024xf32>
    %dot_general3A_15 = arith.constant dense<0.000000e+00> : vector<8192x256xf32>
    %dot_general3A_16 = tpu.matmul %square3A, %get3A_14, %dot_general3A_15 {dimension_numbers = #tpu.dot_dimension_numbers<[1], [1], [0], [0], [0, 0, 1, 0], [], []>, transpose_lhs_hint = false} : vector<8192x1024xf32>, vector<256x1024xf32>, vector<8192x256xf32> -> vector<8192x256xf32>
    %mul3A = arith.constant 1.250000e-01 : f32
    %mul3A_17 = vector.broadcast %mul3A : f32 to vector<8192x256xf32>
    %mul3A_18 = arith.mulf %dot_general3A_16, %mul3A_17 : vector<8192x256xf32>
    %swap3A = arith.constant 0 : index
    %swap3A_19 = arith.constant 0 : index
    %swap3A_20 = vector.load %arg4[%swap3A, %swap3A_19] : memref<8192x256xf32, #tpu.memory_space<vmem>>, vector<8192x256xf32>
    tpu.vector_store %arg4[%swap3A, %swap3A_19], %mul3A_18 {strides = array<i32>} : memref<8192x256xf32, #tpu.memory_space<vmem>>, vector<8192x256xf32>,
    %get3A_21 = arith.constant 1 : index
    %get3A_22 = arith.constant 0 : index
    %get3A_23 = arith.constant 0 : index
    %get3A_24 = vector.load %arg2[%get3A_21, %get3A_22, %get3A_23] : memref<2x1024x256xf32, #tpu.memory_space<vmem>>, vector<1x1024x256xf32>
    %get3A_25 = vector.shape_cast %get3A_24 : vector<1x1024x256xf32> to vector<1024x256xf32>
    %dot_general3A_26 = arith.constant dense<0.000000e+00> : vector<8192x1024xf32>
    %dot_general3A_27 = tpu.matmul %get3A_1, %get3A_25, %dot_general3A_26 {dimension_numbers = #tpu.dot_dimension_numbers<[1], [1], [0], [0], [0, 0, 1, 0], [], []>, transpose_lhs_hint = false} : vector<8192x256xf32>, vector<1024x256xf32>, vector<8192x1024xf32> -> vector<8192x1024xf32>
    %max3A_28 = arith.constant 0.000000e+00 : f32
    %max3A_29 = vector.broadcast %max3A_28 : f32 to vector<8192x1024xf32>
    %max3A_30 = arith.maximumf %dot_general3A_27, %max3A_29 : vector<8192x1024xf32>
    %square3A_31 = arith.mulf %max3A_30, %max3A_30 : vector<8192x1024xf32>
    %get3A_32 = arith.constant 1 : index
    %get3A_33 = arith.constant 0 : index
    %get3A_34 = arith.constant 0 : index
    %get3A_35 = vector.load %arg3[%get3A_32, %get3A_33, %get3A_34] : memref<2x256x1024xf32, #tpu.memory_space<vmem>>, vector<1x256x1024xf32>
    %get3A_36 = vector.shape_cast %get3A_35 : vector<1x256x1024xf32> to vector<256x1024xf32>
    %dot_general3A_37 = arith.constant dense<0.000000e+00> : vector<8192x256xf32>
    %dot_general3A_38 = tpu.matmul %square3A_31, %get3A_36, %dot_general3A_37 {dimension_numbers = #tpu.dot_dimension_numbers<[1], [1], [0], [0], [0, 0, 1, 0], [], []>, transpose_lhs_hint = false} : vector<8192x1024xf32>, vector<256x1024xf32>, vector<8192x256xf32> -> vector<8192x256xf32>
    %mul3A_39 = arith.constant 1.000000e+00 : f32
    %mul3A_40 = vector.broadcast %mul3A_39 : f32 to vector<8192x256xf32>
    %mul3A_41 = arith.mulf %dot_general3A_38, %mul3A_40 : vector<8192x256xf32>
    %swap3A_42 = arith.constant 0 : index
    %swap3A_43 = arith.constant 0 : index
    %swap3A_44 = vector.load %arg5[%swap3A_42, %swap3A_43] : memref<8192x256xf32, #tpu.memory_space<vmem>>, vector<8192x256xf32>
    tpu.vector_store %arg5[%swap3A_42, %swap3A_43], %mul3A_41 {strides = array<i32>} : memref<8192x256xf32, #tpu.memory_space<vmem>>, vector<8192x256xf32>,
    return
  }
  func.func @transform_0(%arg0: i32) -> (i32, i32) {
    %c0_i32 = arith.constant 0 : i32
    %c0_i32_0 = arith.constant 0 : i32
    return %arg0, %c0_i32 : i32, i32
  }
  func.func @transform_1(%arg0: i32) -> (i32, i32, i32) {
    %c0_i32 = arith.constant 0 : i32
    %c0_i32_0 = arith.constant 0 : i32
    %c0_i32_1 = arith.constant 0 : i32
    %c0_i32_2 = arith.constant 0 : i32
    return %c0_i32, %c0_i32_0, %c0_i32_1 : i32, i32, i32
  }
  func.func @transform_2(%arg0: i32) -> (i32, i32, i32) {
    %c0_i32 = arith.constant 0 : i32
    %c0_i32_0 = arith.constant 0 : i32
    %c0_i32_1 = arith.constant 0 : i32
    %c0_i32_2 = arith.constant 0 : i32
    return %c0_i32, %c0_i32_0, %c0_i32_1 : i32, i32, i32
  }
  func.func @transform_3(%arg0: i32) -> (i32, i32) {
    %c0_i32 = arith.constant 0 : i32
    %c0_i32_0 = arith.constant 0 : i32
    return %arg0, %c0_i32 : i32, i32
  }
  func.func @transform_4(%arg0: i32) -> (i32, i32) {
    %c0_i32 = arith.constant 0 : i32
    %c0_i32_0 = arith.constant 0 : i32
    return %arg0, %c0_i32 : i32, i32
  }
}

module attributes {stable_mosaic.version = 14 : i64} {
  func.func @_expert_kernel(%arg0: i32, %arg1: i32, %arg2: memref<8192x32xf32, #tpu.memory_space<vmem>>, %arg3: memref<8192x256xf32, #tpu.memory_space<vmem>>, %arg4: memref<1x1024x256xf32, #tpu.memory_space<vmem>>, %arg5: memref<1x256x1024xf32, #tpu.memory_space<vmem>>, %arg6: memref<8192x256xf32, #tpu.memory_space<vmem>>, %arg7: memref<8192x256xf32, #tpu.memory_space<vmem>>, %arg8: memref<8192x256xf32, #tpu.memory_space<vmem>>) attributes {dimension_semantics = [#tpu.dimension_semantics<parallel>, #tpu.dimension_semantics<arbitrary>], iteration_bounds = array<i64: 1, 30>, scalar_prefetch = 0 : i64, scratch_operands = 0 : i64, tpu.core_type = #tpu.core_type<tc>, window_params = [{transform_indices = @transform_0, window_bounds = array<i64: 8192, 32>}, {transform_indices = @transform_1, window_bounds = array<i64: 8192, 256>}, {transform_indices = @transform_2, window_bounds = array<i64: 1, 1024, 256>}, {transform_indices = @transform_3, window_bounds = array<i64: 1, 256, 1024>}, {transform_indices = @transform_4, window_bounds = array<i64: 8192, 256>}, {transform_indices = @transform_5, window_bounds = array<i64: 8192, 256>}, {transform_indices = @transform_6, window_bounds = array<i64: 8192, 256>}]} {
    %add3A = arith.constant 2 : i32
    %add3A_0 = arith.addi %arg1, %add3A : i32
    %get3A = arith.constant 0 : index
    %get3A_1 = arith.constant 0 : index
    %get3A_2 = vector.load %arg3[%get3A, %get3A_1] : memref<8192x256xf32, #tpu.memory_space<vmem>>, vector<8192x256xf32>
    %get3A_3 = arith.constant 0 : index
    %get3A_4 = arith.constant 0 : index
    %get3A_5 = arith.constant 0 : index
    %get3A_6 = vector.load %arg4[%get3A_3, %get3A_4, %get3A_5] : memref<1x1024x256xf32, #tpu.memory_space<vmem>>, vector<1x1024x256xf32>
    %get3A_7 = vector.shape_cast %get3A_6 : vector<1x1024x256xf32> to vector<1024x256xf32>
    %dot_general3A = arith.constant dense<0.000000e+00> : vector<8192x1024xf32>
    %dot_general3A_8 = tpu.matmul %get3A_2, %get3A_7, %dot_general3A {dimension_numbers = #tpu.dot_dimension_numbers<[1], [1], [0], [0], [0, 0, 1, 0], [], []>, transpose_lhs_hint = false} : vector<8192x256xf32>, vector<1024x256xf32>, vector<8192x1024xf32> -> vector<8192x1024xf32>
    %max3A = arith.constant 0.000000e+00 : f32
    %max3A_9 = vector.broadcast %max3A : f32 to vector<8192x1024xf32>
    %max3A_10 = arith.maximumf %dot_general3A_8, %max3A_9 : vector<8192x1024xf32>
    %square3A = arith.mulf %max3A_10, %max3A_10 : vector<8192x1024xf32>
    %get3A_11 = arith.constant 0 : index
    %get3A_12 = arith.constant 0 : index
    %get3A_13 = arith.constant 0 : index
    %get3A_14 = vector.load %arg5[%get3A_11, %get3A_12, %get3A_13] : memref<1x256x1024xf32, #tpu.memory_space<vmem>>, vector<1x256x1024xf32>
    %get3A_15 = vector.shape_cast %get3A_14 : vector<1x256x1024xf32> to vector<256x1024xf32>
    %dot_general3A_16 = arith.constant dense<0.000000e+00> : vector<8192x256xf32>
    %dot_general3A_17 = tpu.matmul %square3A, %get3A_15, %dot_general3A_16 {dimension_numbers = #tpu.dot_dimension_numbers<[1], [1], [0], [0], [0, 0, 1, 0], [], []>, transpose_lhs_hint = false} : vector<8192x1024xf32>, vector<256x1024xf32>, vector<8192x256xf32> -> vector<8192x256xf32>
    %iota3A = tpu.iota {dimensions = array<i32: 1>} : vector<8192x32xi32>
    %get3A_18 = arith.constant 0 : index
    %get3A_19 = arith.constant 0 : index
    %get3A_20 = vector.load %arg2[%get3A_18, %get3A_19] : memref<8192x32xf32, #tpu.memory_space<vmem>>, vector<8192x32xf32>
    %eq3A = vector.broadcast %add3A_0 : i32 to vector<8192x32xi32>
    %eq3A_21 = arith.cmpi eq, %iota3A, %eq3A : vector<8192x32xi32>
    %convert_element_type3A = arith.extui %eq3A_21 : vector<8192x32xi1> to vector<8192x32xi32>
    %convert_element_type3A_22 = arith.sitofp %convert_element_type3A : vector<8192x32xi32> to vector<8192x32xf32>
    %mul3A = arith.mulf %get3A_20, %convert_element_type3A_22 : vector<8192x32xf32>
    %reduce_sum3A = arith.constant dense<0.000000e+00> : vector<8192xf32>
    %reduce_sum3A_23 = vector.multi_reduction <add>, %mul3A, %reduce_sum3A [1] : vector<8192x32xf32> to vector<8192xf32>
    %broadcast_in_dim3A = vector.shape_cast %reduce_sum3A_23 : vector<8192xf32> to vector<8192x1xf32>
    %mul3A_24 = vector.broadcast %broadcast_in_dim3A : vector<8192x1xf32> to vector<8192x256xf32>
    %mul3A_25 = arith.mulf %dot_general3A_17, %mul3A_24 : vector<8192x256xf32>
    %eq3A_26 = arith.constant 2 : i32
    %eq3A_27 = arith.cmpi eq, %add3A_0, %eq3A_26 : i32
    %convert_element_type3A_28 = arith.extui %eq3A_27 : i1 to i32
    %cond3A = arith.constant 0 : i32
    %cond3A_29 = arith.cmpi ne, %convert_element_type3A_28, %cond3A : i32
    scf.if %cond3A_29 {
      %eq3A_34 = arith.constant 1 : i32
      %eq3A_35 = vector.broadcast %eq3A_34 : i32 to vector<8192x32xi32>
      %eq3A_36 = arith.cmpi eq, %iota3A, %eq3A_35 : vector<8192x32xi32>
      %convert_element_type3A_37 = arith.extui %eq3A_36 : vector<8192x32xi1> to vector<8192x32xi32>
      %convert_element_type3A_38 = arith.sitofp %convert_element_type3A_37 : vector<8192x32xi32> to vector<8192x32xf32>
      %mul3A_39 = arith.mulf %get3A_20, %convert_element_type3A_38 : vector<8192x32xf32>
      %reduce_sum3A_40 = arith.constant dense<0.000000e+00> : vector<8192xf32>
      %reduce_sum3A_41 = vector.multi_reduction <add>, %mul3A_39, %reduce_sum3A_40 [1] : vector<8192x32xf32> to vector<8192xf32>
      %broadcast_in_dim3A_42 = vector.shape_cast %reduce_sum3A_41 : vector<8192xf32> to vector<8192x1xf32>
      %get3A_43 = arith.constant 0 : index
      %get3A_44 = arith.constant 0 : index
      %get3A_45 = vector.load %arg6[%get3A_43, %get3A_44] : memref<8192x256xf32, #tpu.memory_space<vmem>>, vector<8192x256xf32>
      %get3A_46 = arith.constant 0 : index
      %get3A_47 = arith.constant 0 : index
      %get3A_48 = vector.load %arg7[%get3A_46, %get3A_47] : memref<8192x256xf32, #tpu.memory_space<vmem>>, vector<8192x256xf32>
      %mul3A_49 = vector.broadcast %broadcast_in_dim3A_42 : vector<8192x1xf32> to vector<8192x256xf32>
      %mul3A_50 = arith.mulf %get3A_48, %mul3A_49 : vector<8192x256xf32>
      %add3A_51 = arith.addf %get3A_45, %mul3A_50 : vector<8192x256xf32>
      %add3A_52 = arith.addf %add3A_51, %mul3A_25 : vector<8192x256xf32>
      %swap3A = arith.constant 0 : index
      %swap3A_53 = arith.constant 0 : index
      %swap3A_54 = vector.load %arg8[%swap3A, %swap3A_53] : memref<8192x256xf32, #tpu.memory_space<vmem>>, vector<8192x256xf32>
      tpu.vector_store %arg8[%swap3A, %swap3A_53], %add3A_52 {strides = array<i32>} : memref<8192x256xf32, #tpu.memory_space<vmem>>, vector<8192x256xf32>,
    } else {
    }
    %ne3A = arith.constant 2 : i32
    %ne3A_30 = arith.cmpi ne, %add3A_0, %ne3A : i32
    %convert_element_type3A_31 = arith.extui %ne3A_30 : i1 to i32
    %cond3A_32 = arith.constant 0 : i32
    %cond3A_33 = arith.cmpi ne, %convert_element_type3A_31, %cond3A_32 : i32
    scf.if %cond3A_33 {
      %get3A_34 = arith.constant 0 : index
      %get3A_35 = arith.constant 0 : index
      %get3A_36 = vector.load %arg8[%get3A_34, %get3A_35] : memref<8192x256xf32, #tpu.memory_space<vmem>>, vector<8192x256xf32>
      %add3A_37 = arith.addf %get3A_36, %mul3A_25 : vector<8192x256xf32>
      %swap3A = arith.constant 0 : index
      %swap3A_38 = arith.constant 0 : index
      %swap3A_39 = vector.load %arg8[%swap3A, %swap3A_38] : memref<8192x256xf32, #tpu.memory_space<vmem>>, vector<8192x256xf32>
      tpu.vector_store %arg8[%swap3A, %swap3A_38], %add3A_37 {strides = array<i32>} : memref<8192x256xf32, #tpu.memory_space<vmem>>, vector<8192x256xf32>,
    } else {
    }
    return
  }
  func.func @transform_0(%arg0: i32, %arg1: i32) -> (i32, i32) {
    %c0_i32 = arith.constant 0 : i32
    %c0_i32_0 = arith.constant 0 : i32
    return %arg0, %c0_i32 : i32, i32
  }
  func.func @transform_1(%arg0: i32, %arg1: i32) -> (i32, i32) {
    %c0_i32 = arith.constant 0 : i32
    %c0_i32_0 = arith.constant 0 : i32
    return %arg0, %c0_i32 : i32, i32
  }
  func.func @transform_2(%arg0: i32, %arg1: i32) -> (i32, i32, i32) {
    %add3A = arith.constant 2 : i32
    %add3A_0 = arith.addi %arg1, %add3A : i32
    %c0_i32 = arith.constant 0 : i32
    %c0_i32_1 = arith.constant 0 : i32
    %c0_i32_2 = arith.constant 0 : i32
    return %add3A_0, %c0_i32, %c0_i32_1 : i32, i32, i32
  }
  func.func @transform_3(%arg0: i32, %arg1: i32) -> (i32, i32, i32) {
    %add3A = arith.constant 2 : i32
    %add3A_0 = arith.addi %arg1, %add3A : i32
    %c0_i32 = arith.constant 0 : i32
    %c0_i32_1 = arith.constant 0 : i32
    %c0_i32_2 = arith.constant 0 : i32
    return %add3A_0, %c0_i32, %c0_i32_1 : i32, i32, i32
  }
  func.func @transform_4(%arg0: i32, %arg1: i32) -> (i32, i32) {
    %c0_i32 = arith.constant 0 : i32
    %c0_i32_0 = arith.constant 0 : i32
    return %arg0, %c0_i32 : i32, i32
  }
  func.func @transform_5(%arg0: i32, %arg1: i32) -> (i32, i32) {
    %c0_i32 = arith.constant 0 : i32
    %c0_i32_0 = arith.constant 0 : i32
    return %arg0, %c0_i32 : i32, i32
  }
  func.func @transform_6(%arg0: i32, %arg1: i32) -> (i32, i32) {
    %c0_i32 = arith.constant 0 : i32
    %c0_i32_0 = arith.constant 0 : i32
    return %arg0, %c0_i32 : i32, i32
  }
}

</mosaic_0001>

<sc_bundles>
// kernel: kernel.6.cloned.1.call-start
scs
__scs_entry_jumppad:
0x0: {  	(pc) =	sbr.rel $0x88, $3  }
0x1: {  	(tag) =	ssettag $0x0;
	lr =	simm.s32 $0x1  }
0x2: {  	[smem:$0x3F9C] =	sst lr;
	_ =	strace $0xD0000000  }
0x3: {  	_ = 	snop  }
0x4: {  	_ = 	snop  }
0x5: {  	_ = 	snop  }
0x6: {  	_ = 	snop  }
0x7: {  	_ = 	snop  }
__scs_overlays_trampoline_lowered:
0x8: {  	[smem:$0x3FAB] =	sst s0  }
0x9: {  	[smem:$0x3FAC] =	sst s1  }
0xa: {  	[smem:$0x3FAD] =	sst s2  }
0xb: {  	[smem:$0x3FAE] =	sst s3  }
0xc: {  	[smem:$0x3FAF] =	sst s4  }
0xd: {  	[smem:$0x3FB0] =	sst s5  }
0xe: {  	[smem:$0x3FB1] =	sst s6  }
0xf: {  	[smem:$0x3FB2] =	sst s7  }
0x10: {  	[smem:$0x3FB3] =	sst s8  }
0x11: {  	[smem:$0x3FB4] =	sst s9;
	s0 =	simm.s32 @!p0 $0x0  }
0x12: {  	s1 =	sld [smem:$0x3F9A];
	s0 =	simm.s32 @p0 $0x1  }
0x13: {  	[smem:$0x3FB5] =	sst s0;
	s0 =	simm.s32 @!p1 $0x0  }
0x14: {  	s2 =	sld [smem:$0x3F99];
	s0 =	simm.s32 @p1 $0x1  }
0x15: {  	[smem:$0x3FB6] =	sst s0;
	s0 =	simm.s32 @!p2 $0x0  }
0x16: {  	s3 =	sld [smem:$0x3FDB];
	s0 =	simm.s32 @p2 $0x1  }
0x17: {  	s4 =	simm.s32 $0x1BF5;
	[smem:$0x3FB8] =	sst s0  }
0x18: {  	s0 =	sld [smem:$0x3F9B];
	_ =	swait.ge [sflag:s4], $0x0  }
0x19: {  	s7 =	sld [smem:$0x3F9C]  }
0x1a: {  	s8 =	sadd.s32 $0xFFFFE003, lr  }
0x1b: {  	s9 =	sadd.s32 $0xFFFFFEF7, lr;
	s5 =	simm.s32 $0xFFFFFFFF;
	p2 =	slt.u32 s8, $0xFFFFF086  }
0x1c: {  	p1 =	slt.u32 s9, $0xF7A;
	s5 =	simm.s32 @!p2 $0x0  }
0x1d: {  	s5 =	simm.s32 @p1 $0x1;
	p0 =	seq.s32 s7, s2  }
0x1e: {  	s7 =	smul.u32 @!p0 $0xF7A, s2;
	p2 =	seq.s32 @!p0 s5, $0x0  }
0x1f: {  	s9 =	smul.u32 $0xF7A, s1;
	s8 =	simm.s32 @!p0 $0x1BF5;
	p2 =	por !p2, p0  }
0x20: {  	[sflag:s8] =	ssyncset.s32 @!p0 $0xFFFFF086;
	s6 =	sadd.s32 @!p0 s3, s7;
	s7 =	simm.s32 @!p0 $0x108  }
0x21: {  	s3 =	sadd.s32 s3, s9;
	s6 =	sadd.s32 @!p0 $0x88, s6;
	s7 =	simm.s32 @p2 $0x1082  }
0x22: {  	[simem:s7], [sflag:s8] =	dma.local @!p0 [hbm:s6], $0xF7A  }
0x23: {  	s9 =	sor.u32 $0xD0000000, s2;
	s6 =	simm.s32 $0x108;
	_ =	swait.ge @!p0 [sflag:s8], $0x0  }
0x24: {  	s3 =	sadd.s32 $0x88, s3;
	s6 =	simm.s32 @!p1 $0x1082;
	[sflag:s4] =	ssyncset.s32 $0xFFFFF086  }
0x25: {  	[simem:s6], [sflag:s4] =	dma.local [hbm:s3], $0xF7A  }
0x26: {  	[smem:$0x3F9C] =	sst s1;
	(tag) =	ssettag s2;
	_ =	strace s9  }
0x27: {  	s1 =	sld [smem:$0x3FAC]  }
0x28: {  	s2 =	sld [smem:$0x3FAD]  }
0x29: {  	s4 =	sld [smem:$0x3FAF]  }
0x2a: {  	p0 =	seq.s32 s5, $0x0;
	s5 =	sld [smem:$0x3FB0]  }
0x2b: {  	s6 =	sld [smem:$0x3FB1]  }
0x2c: {  	s7 =	sld [smem:$0x3FB2]  }
0x2d: {  	s3 =	simm.s32 $0x108;
	s8 =	sld [smem:$0x3FB3]  }
0x2e: {  	s3 =	simm.s32 @!p0 $0x1082;
	s9 =	sld [smem:$0x3FB4]  }
0x2f: {  	lr =	sadd.s32 s0, s3;
	s0 =	sld [smem:$0x3FAB]  }
0x30: {  	s3 =	sld [smem:$0x3FAE]  }
0x31: {  	[smem:$0x3FB7] =	sst s10  }
0x32: {  	s10 =	sld [smem:$0x3FB5];
	_ =	sdelay $0x3  }
0x33: {  	p0 =	seq.s32 s10, $0x1;
	s10 =	sld [smem:$0x3FB7];
	_ =	sdelay $0x3  }
0x34: {  	[smem:$0x3FB7] =	sst s10  }
0x35: {  	s10 =	sld [smem:$0x3FB6];
	_ =	sdelay $0x3  }
0x36: {  	p1 =	seq.s32 s10, $0x1;
	s10 =	sld [smem:$0x3FB7];
	_ =	sdelay $0x3  }
0x37: {  	[smem:$0x3FB7] =	sst s10  }
0x38: {  	s10 =	sld [smem:$0x3FB8]  }
0x39: {  	_ = 	snop;
	(pc) =	sbr.ind lr, $3  }
0x3a: {  	_ = 	snop  }
0x3b: {  	_ = 	snop  }
0x3c: {  	p2 =	seq.s32 s10, $0x1;
	s10 =	sld [smem:$0x3FB7]  }
0x3d: {  	_ =	shalt  }
0x3e: {  	_ =	shalt  }
0x3f: {  	_ =	shalt  }
0x40: {  	_ =	shalt  }
0x41: {  	_ =	shalt  }
0x42: {  	_ =	shalt  }
0x43: {  	_ =	shalt  }
0x44: {  	_ =	shalt  }
0x45: {  	_ =	shalt  }
0x46: {  	_ =	shalt  }
0x47: {  	_ =	shalt  }
0x48: {  	_ =	shalt  }
0x49: {  	_ =	shalt  }
0x4a: {  	_ =	shalt  }
0x4b: {  	_ =	shalt  }
0x4c: {  	_ =	shalt  }
0x4d: {  	_ =	shalt  }
0x4e: {  	_ =	shalt  }
0x4f: {  	_ =	shalt  }
0x50: {  	_ =	shalt  }
0x51: {  	_ =	shalt  }
0x52: {  	_ =	shalt  }
0x53: {  	_ =	shalt  }
0x54: {  	_ =	shalt  }
0x55: {  	_ =	shalt  }
0x56: {  	_ =	shalt  }
0x57: {  	_ =	shalt  }
0x58: {  	_ =	shalt  }
0x59: {  	_ =	shalt  }
0x5a: {  	_ =	shalt  }
0x5b: {  	_ =	shalt  }
0x5c: {  	_ =	shalt  }
0x5d: {  	_ =	shalt  }
0x5e: {  	_ =	shalt  }
0x5f: {  	_ =	shalt  }
0x60: {  	_ =	shalt  }
0x61: {  	_ =	shalt  }
0x62: {  	_ =	shalt  }
0x63: {  	_ =	shalt  }
0x64: {  	_ =	shalt  }
0x65: {  	_ =	shalt  }
0x66: {  	_ =	shalt  }
0x67: {  	_ =	shalt  }
0x68: {  	_ =	shalt  }
0x69: {  	_ =	shalt  }
0x6a: {  	_ =	shalt  }
0x6b: {  	_ =	shalt  }
0x6c: {  	_ =	shalt  }
0x6d: {  	_ =	shalt  }
0x6e: {  	_ =	shalt  }
0x6f: {  	_ =	shalt  }
0x70: {  	_ =	shalt  }
0x71: {  	_ =	shalt  }
0x72: {  	_ =	shalt  }
0x73: {  	_ =	shalt  }
0x74: {  	_ =	shalt  }
0x75: {  	_ =	shalt  }
0x76: {  	_ =	shalt  }
0x77: {  	_ =	shalt  }
0x78: {  	_ =	shalt  }
0x79: {  	_ =	shalt  }
0x7a: {  	_ =	shalt  }
0x7b: {  	_ =	shalt  }
0x7c: {  	_ =	shalt  }
0x7d: {  	_ =	shalt  }
0x7e: {  	_ =	shalt  }
0x7f: {  	_ =	shalt  }
0x80: {  	_ =	shalt  }
0x81: {  	_ =	shalt  }
0x82: {  	_ =	shalt  }
0x83: {  	_ =	shalt  }
0x84: {  	_ =	shalt  }
0x85: {  	_ =	shalt  }
0x86: {  	_ =	shalt  }
0x87: {  	_ =	shalt  }
.Lfunc_end0:
.L_simem_size_0:
called_computation_lowered:
.L_overlay_start_0:
0x88: {  	s2 =	sld [smem:$0x3FD9]  }
0x89: {  	s3 =	sld [smem:$0x3FFE];
	_ =	sdelay $0x1  }
0x8a: {  	s1 =	srdreg.scid  }
0x8b: {  	s0 =	sand.u32 $0x1, s1  }
0x8c: {  	s14 =	sshll.u32 s0, $0xA;
	s2 =	sadd.s32 s3, s2  }
0x8d: {  	s2 =	sadd.s32 s2, s14  }
0x8e: {  	[smem:$0x3FC3] =	sst s2  }
0x8f: {  	_ = 	snop  }
0x90: {  	s2 =	sld [smem:$0x3FD0];
	_ =	sdelay $0x2  }
0x91: {  	s15 =	simm.s32 $0xA;
	s4 =	simm.s32 $0x10  }
0x92: {  	[smem:s4], [sflag:s15] =	dma.local [hbm:s2], $0x1  }
0x93: {  	_ =	swait.eq [sflag:s15], $0x1  }
0x94: {  	[sflag:s15] =	ssyncset.done $0x0  }
0x95: {  	[sflag:s15] =	ssyncadd.s32 $0xFFFFFFFF  }
0x96: {  	s16 =	sld [smem:$0x11];
	(tm) =	ssettm $0x1  }
0x97: {  	s17 =	sld [smem:$0x3FFB];
	_ =	sdelay $0x3  }
0x98: {  	_ =	strace s17  }
0x99: {  	s3 =	sld [smem:$0x3FFC];
	_ =	sdelay $0x3  }
0x9a: {  	_ =	strace s3  }
0x9b: {  	s3 =	sld [smem:$0x3FFD];
	_ =	sdelay $0x3  }
0x9c: {  	_ =	strace s3  }
0x9d: {  	_ =	strace $0x8FFFFFFF  }
0x9e: {  	s18 =	sld [smem:$0x3FDB];
	_ =	sdelay $0x1  }
0x9f: {  	s19 =	simm.s32 $_scs_section_size  }
0xa0: {  	s5 =	simm.s32 $_size__tile_overlayer_lowered;
	s6 =	simm.s32 $_tile_overlayer_lowered  }
0xa1: {  	s22 =	simm.s32 $0x1BFF;
	s21 =	sshll.u32 s6, $0x1;
	s3 =	sadd.s32 s19, s18  }
0xa2: {  	s7 =	simm.s32 $0x0;
	s20 =	sshll.u32 s5, $0x1;
	s5 =	sadd.s32 s21, s3  }
0xa3: {  	[timem:s7], [sflag:s22] =	dma.local [hbm:s5], s20  }
0xa4: {  	_ =	swait.ge [sflag:s22], s20  }
0xa5: {  	s4 =	ssub.s32 $0x0, s20;
	[sflag:s22] =	ssyncset.done $0x0  }
0xa6: {  	[sflag:s22] =	ssyncadd.s32 s4;
	_ =	sdelay $0x1  }
0xa7: {  	s23 =	simm.s32 $0x1B8B  }
0xa8: {  	_ =	swait.ge [sflag:s23], $0x1  }
0xa9: {  	[sflag:s23] =	ssyncset.done $0x0  }
0xaa: {  	s25 =	simm.s32 $0x1B8E;
	s24 =	sld [smem:$0x3FFE];
	[sflag:s23] =	ssyncadd.s32 $0xFFFFFFFF  }
0xab: {  	s26 =	simm.s32 $execute0_lowered;
	[smem:$0x3FD2] =	sst s25  }
0xac: {  	s5 =	sshll.u32 s26, $0x1;
	_ =	strace $0x80000046;
	[dreg:$0x1] =	wrdreg $0xFFFFFFFF  }
0xad: {  	s28 =	simm.s32 $_size_execute0_lowered;
	s3 =	sadd.s32 s3, s5;
	[dreg:$0x0] =	wrdreg $0x0  }
0xae: {  	s5 =	sshll.u32 s28, $0x1;
	[dreg:$0x2] =	wrdreg s3  }
0xaf: {  	[dreg:$0x3] =	wrdreg s5  }
0xb0: {  	[dreg:$0x4] =	wrdreg $0xC0  }
0xb1: {  	_ =	task [dreg:s7], $0x5FFFF  }
0xb2: {  	[dreg:$0x1] =	wrdreg $0xFFFFFFFF  }
0xb3: {  	[dreg:$0x0] =	wrdreg $0x60  }
0xb4: {  	[dreg:$0x2] =	wrdreg s16  }
0xb5: {  	[dreg:$0x3] =	wrdreg s24  }
0xb6: {  	[dreg:$0x4] =	wrdreg $0x9  }
0xb7: {  	_ =	task.clear_ibuf [dreg:s7], $0x5FFFF;
	_ =	strace $0x90000046  }
0xb8: {  	s29 =	simm.s32 $0x9;
	_ =	strace $0x80000048  }
0xb9: {  	_ =	swait.ge [sflag:s29], $0x1  }
0xba: {  	[sflag:s29] =	ssyncadd.s32 $0xFFFFFFFF  }
0xbb: {  	_ =	strace $0x90000048  }
0xbc: {  	_ =	sfence  }
0xbd: {  	s30 =	sld [smem:$0x0];
	_ =	sdelay $0x2  }
0xbe: {  	s31 =	sshll.u32 s1, $0xD;
	s1 =	sshrl.u32 s1, $0x2  }
0xbf: {  	s3 =	sand.u32 $0x4000, s31;
	s1 =	sadd.s32 s1, s30  }
0xc0: {  	s0 =	sor.u32 s3, s0;
	s1 =	sshll.u32 s1, $0x11  }
0xc1: {  	s0 =	sor.u32 s1, s0  }
0xc2: {  	s0 =	sadd.s32 $0x8F2B, s0  }
0xc3: {  	[sflag:s0] =	ssyncadd.remote.s32 $0x1  }
0xc4: {  	_ =	sfence.sel $0xFFFF  }
0xc5: {  	[dreg:$0x0] =	wrdreg $0xFFFFFFFF;
	(pc) =	sbr.abs _section_cstart, $3  }
0xc6: {  	[dreg:$0x1] =	wrdreg $0xFFFFFFFF  }
0xc7: {  	_ =	task.clear_ibuf [dreg:s7], $0x2FFFF;
	_ =	strace $0x9FFFFFFF  }
0xc8: {  	(tm) =	ssettm $0x7FFFFFFF  }
0xc9: {  	_ =	shalt  }
tec
execute0_lowered:
.L_overlay_start_1:
0x0: {  	(tag) =	ssettag $0x1  }
0x1: {  	s5 =	rddreg [dreg:$0x0]  }
0x2: {  	s6 =	rddreg [dreg:$0x1]  }
0x3: {  	s0 =	rddreg [dreg:$0x2];
	s2 =	simm.s32 $0x0  }
0x4: {  	s3 =	srdreg.scid;
	s1 =	stileid.u32;
	s11 =	simm.s32 $0x2000  }
0x5: {  	s12 =	simm.s32 $0x3000;
	s13 =	simm.s32 $0x0;
	[smem:$0x7FF] =	sst s2  }
0x6: {  	s4 =	sand.u32 $0x1, s3;
	s7 =	sshll.u32 s1, $0x1;
	s3 =	sadd.s32 $0x1A00, s6  }
0x7: {  	_ =	strace $0x80000047;
	s7 =	sor.u32 s4, s7;
	s8 =	ssub.s32 $0x2, s4  }
0x8: {  	s4 =	sadd.s32 $0x1C00, s6;
	s9 =	sshll.u32 s7, $0xA;
	s10 =	sshrl.u32 s8, $0x1  }
0x9: {  	s7 =	sshll.u32 s7, $0x8;
	s6 =	sadd.s32 s9, s6;
	s8 =	ssub.s32 s8, s10  }
0xa: {  	v1 =	vlaneseq.u32;
	s5 =	sadd.s32 s5, s7;
	s9 =	simm.s32 $0x10000;
	s10 =	simm.s32 $0x1  }
0xb: {  	v0 =	vimm.s32 $0x0;
	v2 =	vimm.f32 $1.250000000e-01;
	v1 =	vmul.u32 $0x20, v1;
	s6 =	sadd.s32 $0x2000, s6;
	s7 =	smax.u32 s8, $0x1;
	s8 =	simm.s32 $0x800  }
.LBB2_1:
0xc: {  	[tilespmem:s2], [sflag:$0x1] =	stream.strided.gather [hbm4b:s5+s8], $0x2000, s9, s8, $0x38;
	[tilespmem:$0x5000] =	vst v63  }
0xd: {  	_ =	swait.ge [sflag:s10], $0x2000  }
0xe: {  	[sflag:s10] =	ssyncset.done $0x0  }
0xf: {  	[sflag:s10] =	ssyncadd.s32 $0xFFFFE000  }
0x10: {  	[tilespmem:s11], [sflag:$0x1] =	stream.linear.gather [hbm4b:s3+s2], $0x1000, $0x38;
	[tilespmem:$0x5000] =	vst v63  }
0x11: {  	_ =	swait.ge [sflag:s10], $0x1000  }
0x12: {  	[sflag:s10] =	ssyncset.done $0x0  }
0x13: {  	[sflag:s10] =	ssyncadd.s32 $0xFFFFF000  }
0x14: {  	[tilespmem:s12], [sflag:$0x1] =	stream.linear.gather [hbm4b:s4+s2], $0x2000, $0x38;
	[tilespmem:$0x5000] =	vst v63  }
0x15: {  	_ =	swait.ge [sflag:s10], $0x2000  }
0x16: {  	[sflag:s10] =	ssyncset.done $0x0  }
0x17: {  	s14 =	simm.s32 $0x0;
	s15 =	simm.s32 $0x0;
	[sflag:s10] =	ssyncadd.s32 $0xFFFFE000  }
.LBB2_2:
0x18: {  	s16 =	sand.u32 $0x70, s15;
	s17 =	sand.u32 $0x400, s14  }
0x19: {  	s16 =	sor.u32 s16, s17  }
0x1a: {  	v10 =	vld [tilespmem:s16+$0x80]  }
0x1b: {  	v11 =	vld [tilespmem:s16+$0x100]  }
0x1c: {  	v12 =	vld [tilespmem:s16+$0x180]  }
0x1d: {  	v13 =	vld [tilespmem:s16+$0x200]  }
0x1e: {  	s31 =	sor.u32 s14, s15;
	v14 =	vld [tilespmem:s16+$0x280]  }
0x1f: {  	s17 =	sor.u32 $0x380, s31;
	v15 =	vld [tilespmem:s16+$0x300];
	v3 =	vmax.f32 v10, $-1.000000020e+30  }
0x20: {  	v16 =	vld [tilespmem:s17+$0x0];
	v3 =	vmax.f32 v3, v11  }
0x21: {  	v17 =	vld [tilespmem:s16+$0x800];
	v3 =	vmax.f32 v3, v12  }
0x22: {  	v18 =	vld [tilespmem:s16+$0x880];
	v3 =	vmax.f32 v3, v13  }
0x23: {  	v19 =	vld [tilespmem:s16+$0x900];
	v3 =	vmax.f32 v3, v14  }
0x24: {  	v20 =	vld [tilespmem:s16+$0x980];
	v3 =	vmax.f32 v3, v15  }
0x25: {  	v21 =	vld [tilespmem:s16+$0xA00];
	v3 =	vmax.f32 v3, v16  }
0x26: {  	v22 =	vld [tilespmem:s16+$0xA80];
	v3 =	vmax.f32 v3, v17  }
0x27: {  	v26 =	vld [tilespmem:s16+$0xB00];
	v3 =	vmax.f32 v3, v18  }
0x28: {  	v27 =	vld [tilespmem:s16+$0xB80];
	v3 =	vmax.f32 v3, v19  }
0x29: {  	v28 =	vld [tilespmem:s16+$0x1000];
	v3 =	vmax.f32 v3, v20  }
0x2a: {  	v29 =	vld [tilespmem:s16+$0x1080];
	v3 =	vmax.f32 v3, v21  }
0x2b: {  	v30 =	vld [tilespmem:s16+$0x1100];
	v3 =	vmax.f32 v3, v22  }
0x2c: {  	v31 =	vld [tilespmem:s16+$0x1180];
	v3 =	vmax.f32 v3, v26  }
0x2d: {  	v32 =	vld [tilespmem:s16+$0x1200];
	v3 =	vmax.f32 v3, v27  }
0x2e: {  	v33 =	vld [tilespmem:s16+$0x1280];
	v3 =	vmax.f32 v3, v28  }
0x2f: {  	v34 =	vld [tilespmem:s16+$0x1300];
	v3 =	vmax.f32 v3, v29  }
0x30: {  	v35 =	vld [tilespmem:s16+$0x1380];
	v3 =	vmax.f32 v3, v30  }
0x31: {  	v40 =	vld [tilespmem:s16+$0x1800];
	v3 =	vmax.f32 v3, v31  }
0x32: {  	v42 =	vld [tilespmem:s16+$0x1880];
	v3 =	vmax.f32 v3, v32  }
0x33: {  	v9 =	vld [tilespmem:s16+$0x1900];
	v3 =	vmax.f32 v3, v33  }
0x34: {  	v8 =	vld [tilespmem:s16+$0x1980];
	v3 =	vmax.f32 v3, v34  }
0x35: {  	v7 =	vld [tilespmem:s16+$0x1A00];
	v3 =	vmax.f32 v3, v35  }
0x36: {  	v5 =	vld [tilespmem:s16+$0x1A80];
	v3 =	vmax.f32 v3, v40  }
0x37: {  	v4 =	vld [tilespmem:s16+$0x1B00];
	v3 =	vmax.f32 v3, v42  }
0x38: {  	v6 =	vmax.f32 v3, v9;
	v3 =	vld [tilespmem:s16+$0x1B80]  }
0x39: {  	v6 =	vmax.f32 v6, v8  }
0x3a: {  	v6 =	vmax.f32 v6, v7  }
0x3b: {  	v6 =	vmax.f32 v6, v5  }
0x3c: {  	v6 =	vmax.f32 v6, v4  }
0x3d: {  	v6 =	vmax.f32 v6, v3  }
0x3e: {  	v10 =	vsub.f32 v10, v6;
	_ =	sdelay $0x1  }
0x3f: {  	v10 =	vmul.f32 $1.442695020e+00, v10  }
0x40: {  	v11 =	vsub.f32 v11, v6  }
0x41: {  	(erf) = vpow2.f32 v10  }
0x42: {  	v23 =	vsub.f32 v12, v6;
	v63 =	vmul.f32 $1.442695020e+00, v11;
	_ =	sdelay $0x1  }
0x43: {  	v24 =	vmul.f32 $1.442695020e+00, v23;
	(erf) = vpow2.f32 v63  }
0x44: {  	v25 =	vsub.f32 v13, v6  }
0x45: {  	v37 =	vsub.f32 v14, v6;
	(erf) = vpow2.f32 v24  }
0x46: {  	v36 =	vmul.f32 $1.442695020e+00, v25  }
0x47: {  	v38 =	vmul.f32 $1.442695020e+00, v37  }
0x48: {  	v39 =	vsub.f32 v15, v6;
	(erf) = vpow2.f32 v36  }
0x49: {  	v14 =	vpop (erf);
	(erf) = vpow2.f32 v38  }
0x4a: {  	v43 =	vsub.f32 v16, v6;
	v41 =	vmul.f32 $1.442695020e+00, v39  }
0x4b: {  	v46 =	vsub.f32 v17, v6  }
0x4c: {  	v45 =	vmul.f32 $1.442695020e+00, v43;
	v44 =	vadd.f32 $0.0e+00, v14;
	v16 =	vpop (erf);
	(erf) = vpow2.f32 v41  }
0x4d: {  	v48 =	vsub.f32 v18, v6;
	v50 =	vsub.f32 v19, v6  }
0x4e: {  	v47 =	vmul.f32 $1.442695020e+00, v46;
	v17 =	vpop (erf);
	(erf) = vpow2.f32 v45;
	v12 =	vadd.f32 v44, v16  }
0x4f: {  	v49 =	vmul.f32 $1.442695020e+00, v48  }
0x50: {  	v51 =	vmul.f32 $1.442695020e+00, v50;
	(erf) = vpow2.f32 v47;
	v12 =	vadd.f32 v12, v17  }
0x51: {  	v25 =	vpop (erf);
	(erf) = vpow2.f32 v49  }
0x52: {  	v52 =	vsub.f32 v20, v6;
	v12 =	vadd.f32 v12, v25;
	v24 =	vpop (erf);
	(erf) = vpow2.f32 v51;
	_ =	sdelay $0x1  }
0x53: {  	v54 =	vsub.f32 v21, v6;
	v53 =	vmul.f32 $1.442695020e+00, v52;
	v12 =	vadd.f32 v12, v24  }
0x54: {  	v56 =	vsub.f32 v22, v6;
	v23 =	vpop (erf)  }
0x55: {  	v55 =	vmul.f32 $1.442695020e+00, v54;
	(erf) = vpow2.f32 v53;
	v12 =	vadd.f32 v12, v23  }
0x56: {  	v58 =	vsub.f32 v26, v6;
	v18 =	vpop (erf)  }
0x57: {  	v57 =	vmul.f32 $1.442695020e+00, v56;
	(erf) = vpow2.f32 v55;
	v12 =	vadd.f32 v12, v18  }
0x58: {  	v59 =	vmul.f32 $1.442695020e+00, v58;
	v19 =	vpop (erf)  }
0x59: {  	v60 =	vsub.f32 v27, v6;
	v20 =	vpop (erf);
	(erf) = vpow2.f32 v57;
	v12 =	vadd.f32 v12, v19  }
0x5a: {  	v21 =	vpop (erf);
	(erf) = vpow2.f32 v59  }
0x5b: {  	v62 =	vsub.f32 v28, v6;
	v61 =	vmul.f32 $1.442695020e+00, v60;
	v12 =	vadd.f32 v12, v20  }
0x5c: {  	v22 =	vsub.f32 v29, v6  }
0x5d: {  	v63 =	vmul.f32 $1.442695020e+00, v62;
	(erf) = vpow2.f32 v61;
	v12 =	vadd.f32 v12, v21  }
0x5e: {  	v27 =	vsub.f32 v30, v6;
	v43 =	vpop (erf)  }
0x5f: {  	v26 =	vmul.f32 $1.442695020e+00, v22;
	(erf) = vpow2.f32 v63;
	v12 =	vadd.f32 v12, v43  }
0x60: {  	v29 =	vsub.f32 v31, v6;
	v41 =	vpop (erf)  }
0x61: {  	v28 =	vmul.f32 $1.442695020e+00, v27;
	(erf) = vpow2.f32 v26;
	v12 =	vadd.f32 v12, v41  }
0x62: {  	v39 =	vpop (erf)  }
0x63: {  	v30 =	vmul.f32 $1.442695020e+00, v29;
	v12 =	vadd.f32 v12, v39;
	v22 =	vpop (erf);
	(erf) = vpow2.f32 v28  }
0x64: {  	v31 =	vsub.f32 v32, v6  }
0x65: {  	v12 =	vadd.f32 v12, v22;
	(erf) = vpow2.f32 v30  }
0x66: {  	v33 =	vsub.f32 v33, v6;
	v32 =	vmul.f32 $1.442695020e+00, v31;
	v36 =	vpop (erf)  }
0x67: {  	v12 =	vadd.f32 v12, v36  }
0x68: {  	v45 =	vsub.f32 v34, v6;
	v44 =	vmul.f32 $1.442695020e+00, v33;
	v37 =	vpop (erf);
	(erf) = vpow2.f32 v32  }
0x69: {  	v47 =	vsub.f32 v35, v6;
	v12 =	vadd.f32 v12, v37  }
0x6a: {  	v46 =	vmul.f32 $1.442695020e+00, v45;
	v38 =	vpop (erf);
	(erf) = vpow2.f32 v44  }
0x6b: {  	v49 =	vsub.f32 v40, v6;
	v48 =	vmul.f32 $1.442695020e+00, v47;
	v12 =	vadd.f32 v12, v38  }
0x6c: {  	(erf) = vpow2.f32 v46;
	v44 =	vpop (erf)  }
0x6d: {  	v50 =	vmul.f32 $1.442695020e+00, v49;
	(erf) = vpow2.f32 v48;
	v12 =	vadd.f32 v12, v44  }
0x6e: {  	v51 =	vsub.f32 v42, v6;
	v40 =	vpop (erf)  }
0x6f: {  	(erf) = vpow2.f32 v50;
	v12 =	vadd.f32 v12, v40  }
0x70: {  	v9 =	vsub.f32 v9, v6;
	v52 =	vmul.f32 $1.442695020e+00, v51  }
0x71: {  	v8 =	vsub.f32 v8, v6;
	v42 =	vpop (erf)  }
0x72: {  	v9 =	vmul.f32 $1.442695020e+00, v9;
	(erf) = vpow2.f32 v52;
	v53 =	vadd.f32 v12, v42  }
0x73: {  	v7 =	vsub.f32 v7, v6;
	v12 =	vpop (erf)  }
0x74: {  	v8 =	vmul.f32 $1.442695020e+00, v8;
	(erf) = vpow2.f32 v9;
	v54 =	vadd.f32 v53, v12  }
0x75: {  	v5 =	vsub.f32 v5, v6;
	v15 =	vpop (erf)  }
0x76: {  	v7 =	vmul.f32 $1.442695020e+00, v7;
	v10 =	vpop (erf);
	(erf) = vpow2.f32 v8;
	v55 =	vadd.f32 v54, v15;
	_ =	sdelay $0x1  }
0x77: {  	v5 =	vmul.f32 $1.442695020e+00, v5;
	v13 =	vpop (erf);
	(erf) = vpow2.f32 v7;
	v56 =	vadd.f32 v55, v10  }
0x78: {  	v4 =	vsub.f32 v4, v6  }
0x79: {  	(erf) = vpow2.f32 v5;
	v57 =	vadd.f32 v56, v13  }
0x7a: {  	v3 =	vsub.f32 v3, v6;
	v4 =	vmul.f32 $1.442695020e+00, v4;
	v8 =	vpop (erf)  }
0x7b: {  	v58 =	vadd.f32 v57, v8  }
0x7c: {  	v3 =	vmul.f32 $1.442695020e+00, v3;
	(erf) = vpow2.f32 v4;
	v11 =	vpop (erf)  }
0x7d: {  	v59 =	vadd.f32 v58, v11  }
0x7e: {  	(erf) = vpow2.f32 v3;
	v9 =	vpop (erf)  }
0x7f: {  	v3 =	vadd.f32 v59, v9  }
0x80: {  	v7 =	vpop (erf)  }
0x81: {  	v3 =	vadd.f32 v3, v7  }
0x82: {  	v6 =	vpop (erf)  }
0x83: {  	v3 =	vadd.f32 v3, v6;
	_ =	sdelay $0x1  }
0x84: {  	v5 =	vpop (erf)  }
0x85: {  	v60 =	vadd.f32 v3, v5  }
0x86: {  	v3 =	vpop (erf)  }
0x87: {  	v4 =	vadd.f32 v60, v3;
	_ =	sdelay $0x1  }
0x88: {  	(erf) = vrcp.f32 v4;
	_ =	sdelay $0x6  }
0x89: {  	v61 =	vld [tilespmem:$0x2080];
	_ =	sdelay $0x1  }
0x8a: {  	v62 =	vld [tilespmem:$0x2100];
	v4 =	vpop (erf)  }
0x8b: {  	v14 =	vmul.f32 v4, v14  }
0x8c: {  	v63 =	vld [tilespmem:$0x2180]  }
0x8d: {  	v45 =	vmul.f32 v4, v16;
	v35 =	vadd.f32 v14, v61  }
0x8e: {  	v46 =	vld [tilespmem:$0x2200]  }
0x8f: {  	v47 =	vmul.f32 v4, v17;
	v34 =	vadd.f32 v45, v62;
	vm0 =	vgt.f32 v35, $-1.000000020e+30  }
0x90: {  	v48 =	vld [tilespmem:$0x2280];
	v26 =	vnsel vm0, $0xF149F2CA, v35  }
0x91: {  	v49 =	vmul.f32 v4, v25;
	v33 =	vadd.f32 v47, v63;
	vm1 =	vgt.f32 v34, v26  }
0x92: {  	v50 =	vld [tilespmem:$0x2300];
	v26 =	vsel vm1, v34, v26  }
0x93: {  	v51 =	vmul.f32 v4, v24;
	v32 =	vadd.f32 v49, v46;
	vm2 =	vgt.f32 v33, v26  }
0x94: {  	v52 =	vld [tilespmem:$0x2380];
	v53 =	vsel vm2, v33, v26  }
0x95: {  	v54 =	vmul.f32 v4, v23;
	v31 =	vadd.f32 v51, v48;
	vm3 =	vgt.f32 v32, v53  }
0x96: {  	v55 =	vld [tilespmem:$0x2400];
	v56 =	vsel vm3, v32, v53  }
0x97: {  	v57 =	vmul.f32 v4, v18;
	v30 =	vadd.f32 v54, v50;
	vm4 =	vgt.f32 v31, v56  }
0x98: {  	v58 =	vld [tilespmem:$0x2480];
	v23 =	vsel vm4, v31, v56  }
0x99: {  	v59 =	vmul.f32 v4, v19;
	v29 =	vadd.f32 v57, v52;
	vm5 =	vgt.f32 v30, v23  }
0x9a: {  	v60 =	vld [tilespmem:$0x2500];
	v61 =	vsel vm5, v30, v23  }
0x9b: {  	v28 =	vadd.f32 v59, v55;
	v62 =	vmul.f32 v4, v20;
	vm6 =	vgt.f32 v29, v61  }
0x9c: {  	v63 =	vld [tilespmem:$0x2580];
	v19 =	vsel vm6, v29, v61  }
0x9d: {  	v21 =	vmul.f32 v4, v21;
	v27 =	vadd.f32 v62, v58;
	vm7 =	vgt.f32 v28, v19  }
0x9e: {  	v23 =	vld [tilespmem:$0x2600];
	v19 =	vsel vm7, v28, v19  }
0x9f: {  	v43 =	vmul.f32 v4, v43;
	v26 =	vadd.f32 v21, v60;
	vm8 =	vgt.f32 v27, v19  }
0xa0: {  	v45 =	vld [tilespmem:$0x2680];
	v19 =	vsel vm8, v27, v19  }
0xa1: {  	v46 =	vmul.f32 v4, v41;
	v25 =	vadd.f32 v43, v63;
	vm9 =	vgt.f32 v26, v19  }
0xa2: {  	v47 =	vld [tilespmem:$0x2700];
	v19 =	vsel vm9, v26, v19  }
0xa3: {  	v48 =	vmul.f32 v4, v39;
	v24 =	vadd.f32 v46, v23;
	vm10 =	vgt.f32 v25, v19  }
0xa4: {  	v49 =	vld [tilespmem:$0x2780];
	v19 =	vsel vm10, v25, v19  }
0xa5: {  	v50 =	vmul.f32 v4, v22;
	v23 =	vadd.f32 v48, v45;
	vm11 =	vgt.f32 v24, v19  }
0xa6: {  	v51 =	vld [tilespmem:$0x2800];
	v19 =	vsel vm11, v24, v19  }
0xa7: {  	v52 =	vmul.f32 v4, v36;
	v22 =	vadd.f32 v50, v47;
	vm12 =	vgt.f32 v23, v19  }
0xa8: {  	v53 =	vld [tilespmem:$0x2880];
	v19 =	vsel vm12, v23, v19  }
0xa9: {  	v54 =	vmul.f32 v4, v37;
	v55 =	vld [tilespmem:$0x2900];
	v21 =	vadd.f32 v52, v49;
	vm13 =	vgt.f32 v22, v19  }
0xaa: {  	v19 =	vsel vm13, v22, v19  }
0xab: {  	v20 =	vadd.f32 v54, v51;
	v56 =	vmul.f32 v4, v38;
	vm14 =	vgt.f32 v21, v19  }
0xac: {  	v57 =	vmul.f32 v4, v44;
	v58 =	vld [tilespmem:$0x2980];
	v59 =	vsel vm14, v21, v19  }
0xad: {  	v61 =	vsel vm0, $0x1, v0;
	v19 =	vadd.f32 v56, v53;
	vm15 =	vgt.f32 v20, v59  }
0xae: {  	v17 =	vadd.f32 v57, v55;
	v60 =	vld [tilespmem:$0x2A00];
	v16 =	vsel vm1, $0x2, v61;
	v62 =	vsel vm15, v20, v59  }
0xaf: {  	v63 =	vmul.f32 v4, v40;
	v16 =	vsel vm2, $0x3, v16;
	vm1 =	vgt.f32 v19, v62  }
0xb0: {  	v44 =	vmul.f32 v4, v42;
	v45 =	vld [tilespmem:$0x2A80];
	v16 =	vsel vm3, $0x4, v16;
	v46 =	vsel vm1, v19, v62  }
0xb1: {  	v18 =	vadd.f32 v63, v58;
	v16 =	vsel vm4, $0x5, v16;
	vm2 =	vgt.f32 v17, v46  }
0xb2: {  	v12 =	vmul.f32 v4, v12;
	v47 =	vld [tilespmem:$0x2B00];
	v16 =	vsel vm5, $0x6, v16;
	v48 =	vsel vm2, v17, v46  }
0xb3: {  	v14 =	vadd.f32 v44, v60;
	v16 =	vsel vm6, $0x7, v16;
	vm3 =	vgt.f32 v18, v48  }
0xb4: {  	v50 =	vld [tilespmem:$0x2B80];
	v49 =	vmul.f32 v4, v15;
	v16 =	vsel vm7, $0x8, v16;
	v37 =	vsel vm3, v18, v48  }
0xb5: {  	v15 =	vadd.f32 v12, v45;
	v16 =	vsel vm8, $0x9, v16;
	vm4 =	vgt.f32 v14, v37  }
0xb6: {  	v10 =	vmul.f32 v4, v10;
	v51 =	vld [tilespmem:$0x2C00];
	v16 =	vsel vm9, $0xA, v16;
	v52 =	vsel vm4, v14, v37  }
0xb7: {  	v12 =	vadd.f32 v49, v47;
	v16 =	vsel vm10, $0xB, v16;
	vm5 =	vgt.f32 v15, v52  }
0xb8: {  	v54 =	vld [tilespmem:$0x2C80];
	v16 =	vsel vm11, $0xC, v16;
	v36 =	vsel vm5, v15, v52  }
0xb9: {  	v53 =	vmul.f32 v4, v13;
	v13 =	vadd.f32 v10, v50;
	vm6 =	vgt.f32 v12, v36  }
0xba: {  	v8 =	vmul.f32 v4, v8;
	v55 =	vld [tilespmem:$0x2D00];
	v16 =	vsel vm12, $0xD, v16;
	v36 =	vsel vm6, v12, v36  }
0xbb: {  	v16 =	vsel vm13, $0xE, v16;
	v10 =	vadd.f32 v53, v51;
	vm7 =	vgt.f32 v13, v36  }
0xbc: {  	v57 =	vld [tilespmem:$0x2D80];
	v56 =	vmul.f32 v4, v11;
	v16 =	vsel vm14, $0xF, v16;
	v36 =	vsel vm7, v13, v36  }
0xbd: {  	v11 =	vadd.f32 v8, v54;
	v16 =	vsel vm15, $0x10, v16;
	vm15 =	vgt.f32 v10, v36  }
0xbe: {  	v9 =	vmul.f32 v4, v9;
	v58 =	vld [tilespmem:$0x2E00];
	v16 =	vsel vm1, $0x11, v16;
	v36 =	vsel vm15, v10, v36  }
0xbf: {  	v8 =	vadd.f32 v56, v55;
	v16 =	vsel vm2, $0x12, v16;
	vm12 =	vgt.f32 v11, v36  }
0xc0: {  	v7 =	vmul.f32 v4, v7;
	v59 =	vld [tilespmem:$0x2E80];
	v16 =	vsel vm3, $0x13, v16;
	v36 =	vsel vm12, v11, v36  }
0xc1: {  	v9 =	vadd.f32 v9, v57;
	v16 =	vsel vm4, $0x14, v16;
	vm13 =	vgt.f32 v8, v36  }
0xc2: {  	v6 =	vmul.f32 v4, v6;
	v60 =	vld [tilespmem:$0x2F00];
	v16 =	vsel vm5, $0x15, v16;
	v36 =	vsel vm13, v8, v36  }
0xc3: {  	v7 =	vadd.f32 v7, v58;
	v16 =	vsel vm6, $0x16, v16;
	vm14 =	vgt.f32 v9, v36  }
0xc4: {  	v5 =	vmul.f32 v4, v5;
	v61 =	vld [tilespmem:$0x2F80];
	v16 =	vsel vm7, $0x17, v16;
	v36 =	vsel vm14, v9, v36  }
0xc5: {  	v6 =	vadd.f32 v6, v59;
	v16 =	vsel vm15, $0x18, v16;
	vm15 =	vgt.f32 v7, v36  }
0xc6: {  	v3 =	vmul.f32 v4, v3;
	v16 =	vsel vm12, $0x19, v16;
	v36 =	vsel vm15, v7, v36  }
0xc7: {  	v5 =	vadd.f32 v5, v60;
	v62 =	vsel vm13, $0x1A, v16;
	vm6 =	vgt.f32 v6, v36  }
0xc8: {  	v16 =	vsel vm14, $0x1B, v62;
	v36 =	vsel vm6, v6, v36  }
0xc9: {  	v4 =	vadd.f32 v3, v61;
	v3 =	vsel vm15, $0x1C, v16;
	vm7 =	vgt.f32 v5, v36  }
0xca: {  	v3 =	vsel vm6, $0x1D, v3;
	v16 =	vsel vm7, v5, v36  }
0xcb: {  	v3 =	vsel vm7, $0x1E, v3;
	vm8 =	vgt.f32 v4, v16  }
0xcc: {  	v3 =	vsel vm8, $0x1F, v3  }
0xcd: {  	vm1 =	vne.s32 v3, $0x1  }
0xce: {  	vm11 =	vmand vm0, vm1  }
0xcf: {  	v41 =	vimm.s32 $0x0;
	v63 =	vimm.s32 $0x0;
	v40 =	vnsel vm11, $0xF149F2CA, v35  }
0xd0: {  	v36 =	vsel vm8, $0xFFFFFFFF, v63;
	vm10 =	vne.s32 v3, $0x2;
	vm9 =	vgt.f32 v34, v40  }
0xd1: {  	v42 =	vimm.s32 $0x0;
	[tilespmem:$0x1FDF0] =	vst v36;
	v37 =	vsel vm11, $0xFFFFFFFF, v41;
	vm0 =	vmand vm10, vm9  }
0xd2: {  	v43 =	vimm.s32 $0x0;
	[tilespmem:$0x1F080] =	vst v37;
	v37 =	vsel vm10, $0xFFFFFFFF, v42;
	v36 =	vsel vm0, v34, v40  }
0xd3: {  	vm12 =	vne.s32 v3, $0x3;
	[tilespmem:$0x1F540] =	vst v37;
	v37 =	vsel vm0, $0xFFFFFFFF, v43;
	vm0 =	vgt.f32 v33, v36  }
0xd4: {  	v44 =	vimm.s32 $0x0;
	vm0 =	vmand vm12, vm0  }
0xd5: {  	v45 =	vimm.s32 $0x0;
	[tilespmem:$0x1EFF0] =	vst v37;
	v37 =	vsel vm12, $0xFFFFFFFF, v44;
	v36 =	vsel vm0, v33, v36  }
0xd6: {  	vm13 =	vne.s32 v3, $0x4;
	[tilespmem:$0x1F590] =	vst v37;
	v37 =	vsel vm0, $0xFFFFFFFF, v45;
	vm0 =	vgt.f32 v32, v36  }
0xd7: {  	v46 =	vimm.s32 $0x0;
	vm0 =	vmand vm13, vm0  }
0xd8: {  	v47 =	vimm.s32 $0x0;
	[tilespmem:$0x1F000] =	vst v37;
	v37 =	vsel vm13, $0xFFFFFFFF, v46;
	v36 =	vsel vm0, v32, v36  }
0xd9: {  	vm14 =	vne.s32 v3, $0x5;
	[tilespmem:$0x1F5E0] =	vst v37;
	v37 =	vsel vm0, $0xFFFFFFFF, v47;
	vm0 =	vgt.f32 v31, v36  }
0xda: {  	v48 =	vimm.s32 $0x0;
	vm0 =	vmand vm14, vm0  }
0xdb: {  	v49 =	vimm.s32 $0x0;
	[tilespmem:$0x1F010] =	vst v37;
	v37 =	vsel vm14, $0xFFFFFFFF, v48;
	v36 =	vsel vm0, v31, v36  }
0xdc: {  	vm15 =	vne.s32 v3, $0x6;
	[tilespmem:$0x1F630] =	vst v37;
	v37 =	vsel vm0, $0xFFFFFFFF, v49;
	vm0 =	vgt.f32 v30, v36  }
0xdd: {  	v50 =	vimm.s32 $0x0;
	vm0 =	vmand vm15, vm0  }
0xde: {  	v51 =	vimm.s32 $0x0;
	[tilespmem:$0x1F020] =	vst v37;
	v37 =	vsel vm15, $0xFFFFFFFF, v50;
	v36 =	vsel vm0, v30, v36  }
0xdf: {  	vm4 =	vne.s32 v3, $0x7;
	[tilespmem:$0x1F680] =	vst v37;
	v37 =	vsel vm0, $0xFFFFFFFF, v51;
	vm0 =	vgt.f32 v29, v36  }
0xe0: {  	v52 =	vimm.s32 $0x0;
	vm0 =	vmand vm4, vm0  }
0xe1: {  	v53 =	vimm.s32 $0x0;
	[tilespmem:$0x1F030] =	vst v37;
	v37 =	vsel vm4, $0xFFFFFFFF, v52;
	v36 =	vsel vm0, v29, v36  }
0xe2: {  	vm5 =	vne.s32 v3, $0x8;
	[tilespmem:$0x1F6D0] =	vst v37;
	v37 =	vsel vm0, $0xFFFFFFFF, v53;
	vm0 =	vgt.f32 v28, v36  }
0xe3: {  	v54 =	vimm.s32 $0x0;
	vm0 =	vmand vm5, vm0  }
0xe4: {  	v55 =	vimm.s32 $0x0;
	[tilespmem:$0x1F040] =	vst v37;
	v37 =	vsel vm5, $0xFFFFFFFF, v54;
	v36 =	vsel vm0, v28, v36  }
0xe5: {  	vm6 =	vne.s32 v3, $0x9;
	[tilespmem:$0x1F720] =	vst v37;
	v37 =	vsel vm0, $0xFFFFFFFF, v55;
	vm0 =	vgt.f32 v27, v36  }
0xe6: {  	v56 =	vimm.s32 $0x0;
	vm0 =	vmand vm6, vm0  }
0xe7: {  	v57 =	vimm.s32 $0x0;
	[tilespmem:$0x1F050] =	vst v37;
	v37 =	vsel vm6, $0xFFFFFFFF, v56;
	v36 =	vsel vm0, v27, v36  }
0xe8: {  	vm7 =	vne.s32 v3, $0xA;
	[tilespmem:$0x1F770] =	vst v37;
	v37 =	vsel vm0, $0xFFFFFFFF, v57;
	vm0 =	vgt.f32 v26, v36  }
0xe9: {  	v58 =	vimm.s32 $0x0;
	v60 =	vimm.s32 $0x0;
	vm0 =	vmand vm7, vm0  }
0xea: {  	v59 =	vimm.s32 $0x0;
	[tilespmem:$0x1F060] =	vst v37;
	v37 =	vsel vm7, $0xFFFFFFFF, v58;
	v36 =	vsel vm0, v26, v36  }
0xeb: {  	vm8 =	vne.s32 v3, $0xB;
	[tilespmem:$0x1F7C0] =	vst v37;
	v37 =	vsel vm0, $0xFFFFFFFF, v59;
	vm0 =	vgt.f32 v25, v36  }
0xec: {  	[tilespmem:$0x1F070] =	vst v37;
	v37 =	vsel vm8, $0xFFFFFFFF, v60;
	vm8 =	vmand vm8, vm0  }
0xed: {  	v36 =	vsel vm8, v25, v36  }
0xee: {  	v61 =	vimm.s32 $0x0;
	vm10 =	vne.s32 v3, $0xC;
	vm9 =	vgt.f32 v24, v36  }
0xef: {  	[tilespmem:$0x1F810] =	vst v37;
	v37 =	vsel vm10, $0xFFFFFFFF, v61;
	vm10 =	vmand vm10, vm9  }
0xf0: {  	v36 =	vsel vm10, v24, v36  }
0xf1: {  	vm13 =	vne.s32 v3, $0xD;
	vm12 =	vgt.f32 v23, v36  }
0xf2: {  	vm12 =	vmand vm13, vm12  }
0xf3: {  	v36 =	vsel vm12, v23, v36  }
0xf4: {  	v62 =	vimm.s32 $0x0;
	vm15 =	vne.s32 v3, $0xE;
	vm14 =	vgt.f32 v22, v36  }
0xf5: {  	[tilespmem:$0x1F860] =	vst v37;
	v37 =	vsel vm13, $0xFFFFFFFF, v62;
	vm13 =	vmand vm15, vm14  }
0xf6: {  	v63 =	vimm.s32 $0x0;
	vm1 =	vne.s32 v3, $0x16;
	v36 =	vsel vm13, v22, v36  }
0xf7: {  	v41 =	vimm.s32 $0x0;
	vm5 =	vne.s32 v3, $0xF;
	vm4 =	vgt.f32 v21, v36  }
0xf8: {  	v42 =	vimm.s32 $0x0;
	v40 =	vimm.s32 $0x0;
	vm14 =	vmand vm5, vm4  }
0xf9: {  	v43 =	vimm.s32 $0x0;
	v44 =	vimm.s32 $0x0;
	v48 =	vld [tilespmem:$0x1EFF0];
	v36 =	vsel vm14, v21, v36  }
0xfa: {  	v45 =	vimm.s32 $0x0;
	vm7 =	vne.s32 v3, $0x10;
	vm6 =	vgt.f32 v20, v36  }
0xfb: {  	v46 =	vimm.s32 $0x0;
	[tilespmem:$0x1F8B0] =	vst v37;
	v37 =	vsel vm15, $0xFFFFFFFF, v63;
	vm15 =	vmand vm7, vm6  }
0xfc: {  	v47 =	vsel vm11, $0x1, v0;
	v49 =	vimm.s32 $0x0;
	v36 =	vsel vm15, v20, v36  }
0xfd: {  	v38 =	vsel vm1, $0xFFFFFFFF, v49;
	vm4 =	vne.s32 v3, $0x11;
	vm9 =	vgt.f32 v19, v36  }
0xfe: {  	v49 =	vimm.s32 $0x0;
	vm11 =	vnez.u8 v48;
	vm6 =	vmand vm4, vm9  }
0xff: {  	v48 =	vimm.s32 $0x0;
	[tilespmem:$0x1F900] =	vst v37;
	v37 =	vsel vm5, $0xFFFFFFFF, v40;
	v36 =	vsel vm6, v19, v36  }
0x100: {  	[tilespmem:$0x1F950] =	vst v37;
	v37 =	vsel vm7, $0xFFFFFFFF, v41;
	vm7 =	vne.s32 v3, $0x12;
	vm5 =	vgt.f32 v17, v36  }
0x101: {  	v53 =	vimm.s32 $0x0;
	v57 =	vimm.s32 $0x0;
	vm5 =	vmand vm7, vm5  }
0x102: {  	v60 =	vimm.s32 $0x0;
	[tilespmem:$0x1F9A0] =	vst v37;
	v37 =	vsel vm4, $0xFFFFFFFF, v42;
	v36 =	vsel vm5, v17, v36  }
0x103: {  	[tilespmem:$0x1F9F0] =	vst v37;
	v37 =	vsel vm7, $0xFFFFFFFF, v43;
	vm4 =	vne.s32 v3, $0x13;
	vm9 =	vgt.f32 v18, v36  }
0x104: {  	v61 =	vimm.s32 $0x0;
	[tilespmem:$0x1FA40] =	vst v37;
	v37 =	vsel vm4, $0xFFFFFFFF, v44;
	vm4 =	vmand vm4, vm9  }
0x105: {  	v50 =	vld [tilespmem:$0x1F000];
	v62 =	vimm.s32 $0x0;
	v63 =	vimm.s32 $0x0;
	v36 =	vsel vm4, v18, v36  }
0x106: {  	v51 =	vld [tilespmem:$0x1F010];
	v40 =	vimm.s32 $0x0;
	vm9 =	vne.s32 v3, $0x14;
	vm7 =	vgt.f32 v14, v36  }
0x107: {  	v52 =	vld [tilespmem:$0x1F020];
	v41 =	vimm.s32 $0x0;
	v44 =	vimm.s32 $0x0;
	vm3 =	vmand vm9, vm7  }
0x108: {  	v54 =	vld [tilespmem:$0x1F030];
	[tilespmem:$0x1FA90] =	vst v37;
	v37 =	vsel vm9, $0xFFFFFFFF, v45;
	vm9 =	vne.s32 v3, $0x15;
	v36 =	vsel vm3, v14, v36  }
0x109: {  	v45 =	vimm.s32 $0x0;
	[tilespmem:$0x1FAE0] =	vst v37;
	v37 =	vsel vm9, $0xFFFFFFFF, v46;
	vm7 =	vgt.f32 v15, v36  }
0x10a: {  	v56 =	vld [tilespmem:$0x1F050];
	[tilespmem:$0x1FB30] =	vst v37;
	v37 =	vsel vm11, $0x2, v47;
	vm2 =	vmand vm9, vm7;
	vm7 =	vnez.u8 v50  }
0x10b: {  	vm9 =	vnez.u8 v51;
	v51 =	vimm.s32 $0x0;
	v36 =	vsel vm2, v15, v36  }
0x10c: {  	v55 =	vld [tilespmem:$0x1F040];
	v37 =	vsel vm7, $0x3, v37;
	vm7 =	vnez.u8 v52;
	v52 =	vimm.s32 $0x0  }
0x10d: {  	v58 =	vld [tilespmem:$0x1F060];
	vm0 =	vgt.f32 v12, v36;
	v37 =	vsel vm9, $0x4, v37;
	vm9 =	vnez.u8 v54  }
0x10e: {  	v54 =	vimm.s32 $0x0;
	vm11 =	vmand vm1, vm0;
	v37 =	vsel vm7, $0x5, v37  }
0x10f: {  	v59 =	vld [tilespmem:$0x1F070];
	vm0 =	vne.s32 v3, $0x17;
	vm7 =	vnez.u8 v56;
	v56 =	vimm.s32 $0x0  }
0x110: {  	[tilespmem:$0x1FB80] =	vst v38;
	v36 =	vsel vm11, v12, v36;
	v38 =	vsel vm0, $0xFFFFFFFF, v53;
	v37 =	vsel vm9, $0x6, v37  }
0x111: {  	vm9 =	vnez.u8 v55;
	v55 =	vimm.s32 $0x0;
	vm1 =	vgt.f32 v13, v36  }
0x112: {  	v37 =	vsel vm9, $0x7, v37;
	vm9 =	vnez.u8 v58;
	v58 =	vimm.s32 $0x0  }
0x113: {  	vm1 =	vmand vm0, vm1;
	v37 =	vsel vm7, $0x8, v37;
	vm0 =	vne.s32 v3, $0x18  }
0x114: {  	v36 =	vsel vm1, v13, v36;
	v37 =	vsel vm9, $0x9, v37;
	vm9 =	vnez.u8 v59  }
0x115: {  	[tilespmem:$0x1FBD0] =	vst v38;
	v38 =	vsel vm0, $0xFFFFFFFF, v57;
	vm7 =	vgt.f32 v10, v36;
	v37 =	vsel vm9, $0xA, v37  }
0x116: {  	v59 =	vimm.s32 $0x0;
	vm7 =	vmand vm0, vm7;
	v37 =	vsel vm8, $0xB, v37  }
0x117: {  	vm9 =	vne.s32 v3, $0x19;
	v36 =	vsel vm7, v10, v36;
	v37 =	vsel vm10, $0xC, v37  }
0x118: {  	[tilespmem:$0x1FC20] =	vst v38;
	v38 =	vsel vm9, $0xFFFFFFFF, v60;
	vm8 =	vgt.f32 v11, v36;
	v37 =	vsel vm12, $0xD, v37  }
0x119: {  	vm0 =	vne.s32 v3, $0x1A;
	vm8 =	vmand vm9, vm8;
	v37 =	vsel vm13, $0xE, v37  }
0x11a: {  	v46 =	vld [tilespmem:$0x1F080];
	v60 =	vimm.s32 $0x0;
	v36 =	vsel vm8, v11, v36;
	v37 =	vsel vm14, $0xF, v37  }
0x11b: {  	[tilespmem:$0x1FC70] =	vst v38;
	v38 =	vsel vm0, $0xFFFFFFFF, v61;
	vm13 =	vgt.f32 v8, v36;
	v37 =	vsel vm15, $0x10, v37  }
0x11c: {  	vm9 =	vmand vm0, vm13;
	v37 =	vsel vm6, $0x11, v37;
	vm13 =	vne.s32 v3, $0x1B  }
0x11d: {  	[tilespmem:$0x1FCC0] =	vst v38;
	vm0 =	vne.s32 v3, $0x1C;
	v36 =	vsel vm9, v8, v36;
	v38 =	vsel vm13, $0xFFFFFFFF, v62  }
0x11e: {  	v37 =	vsel vm5, $0x12, v37;
	v62 =	vimm.s32 $0x0;
	vm12 =	vgt.f32 v9, v36  }
0x11f: {  	[tilespmem:$0x1FD10] =	vst v38;
	v37 =	vsel vm4, $0x13, v37;
	v38 =	vsel vm0, $0xFFFFFFFF, v63;
	vm4 =	vnez.u8 v46  }
0x120: {  	v63 =	vimm.s32 $0x0;
	vm14 =	vmand vm13, vm12;
	v37 =	vsel vm3, $0x14, v37  }
0x121: {  	v50 =	vld [tilespmem:$0x1F540];
	v46 =	vimm.s32 $0x0;
	v36 =	vsel vm14, v9, v36;
	v37 =	vsel vm2, $0x15, v37  }
0x122: {  	vm13 =	vne.s32 v3, $0x1E;
	vm15 =	vgt.f32 v7, v36;
	v37 =	vsel vm11, $0x16, v37  }
0x123: {  	vm11 =	vne.s32 v3, $0x1D;
	vm6 =	vmand vm0, vm15;
	v37 =	vsel vm1, $0x17, v37  }
0x124: {  	v53 =	vld [tilespmem:$0x1F590];
	[tilespmem:$0x1FD60] =	vst v38;
	v38 =	vsel vm11, $0xFFFFFFFF, v40;
	vm15 =	vne.s32 v3, $0x1F;
	v36 =	vsel vm6, v7, v36  }
0x125: {  	[tilespmem:$0x1FDB0] =	vst v38;
	v37 =	vsel vm7, $0x18, v37;
	v38 =	vsel vm13, $0xFFFFFFFF, v41;
	vm10 =	vgt.f32 v6, v36  }
0x126: {  	vm7 =	vnez.u8 v50;
	v50 =	vimm.s32 $0x0;
	vm0 =	vmand vm11, vm10  }
0x127: {  	v57 =	vld [tilespmem:$0x1F5E0];
	v37 =	vsel vm8, $0x19, v37;
	[tilespmem:$0x1FE20] =	vst v38;
	v38 =	vsel vm15, $0xFFFFFFFF, v44;
	v36 =	vsel vm0, v6, v36  }
0x128: {  	v44 =	vimm.s32 $0x0;
	v37 =	vsel vm9, $0x1A, v37;
	vm12 =	vgt.f32 v5, v36  }
0x129: {  	vm11 =	vnez.u8 v53;
	v37 =	vsel vm14, $0x1B, v37;
	vm1 =	vmand vm13, vm12  }
0x12a: {  	v53 =	vimm.s32 $0x0;
	v42 =	vsel vm6, $0x1C, v37;
	v37 =	vsel vm1, v5, v36  }
0x12b: {  	v43 =	vsel vm0, $0x1D, v42;
	v42 =	vimm.s32 $0x0;
	vm14 =	vgt.f32 v4, v37  }
0x12c: {  	v61 =	vld [tilespmem:$0x1F630];
	v36 =	vsel vm1, $0x1E, v43;
	vm0 =	vmand vm15, vm14;
	vm14 =	vnez.u8 v57  }
0x12d: {  	[tilespmem:$0x1FF00] =	vst v38;
	v57 =	vimm.s32 $0x0;
	v38 =	vsel vm0, $0xFFFFFFFF, v45;
	v36 =	vsel vm0, $0x1F, v36  }
0x12e: {  	v45 =	vimm.s32 $0x0;
	vm0 =	vne.s32 v36, $0x1;
	vm5 =	vne.s32 v36, $0x2  }
0x12f: {  	vm9 =	vne.s32 v36, $0x3;
	vm13 =	vne.s32 v36, $0x4;
	vm15 =	vne.s32 v36, $0x5  }
0x130: {  	v43 =	vld [tilespmem:$0x1F680];
	vm2 =	vne.s32 v36, $0x12;
	vm8 =	vmand vm4, vm0;
	vm1 =	vmand vm7, vm5  }
0x131: {  	vm4 =	vnez.u8 v61;
	vm7 =	vne.s32 v36, $0x7;
	v61 =	vimm.s32 $0x0  }
0x132: {  	v47 =	vnsel vm8, $0xF149F2CA, v35;
	v39 =	vsel vm8, $0xFFFFFFFF, v48;
	v48 =	vimm.s32 $0x0  }
0x133: {  	[tilespmem:$0x1F100] =	vst v39;
	v39 =	vsel vm5, $0xFFFFFFFF, v49;
	vm6 =	vgt.f32 v34, v47;
	vm5 =	vne.s32 v36, $0x6  }
0x134: {  	v49 =	vimm.s32 $0x0;
	[tilespmem:$0x1F550] =	vst v39;
	v39 =	vsel vm1, $0xFFFFFFFF, v51;
	vm12 =	vmand vm1, vm6  }
0x135: {  	[tilespmem:$0x1FE30] =	vst v38;
	vm1 =	vmand vm11, vm9;
	vm6 =	vnez.u8 v43;
	v51 =	vld [tilespmem:$0x1F720];
	v38 =	vsel vm12, v34, v47  }
0x136: {  	[tilespmem:$0x1F280] =	vst v39;
	v39 =	vsel vm9, $0xFFFFFFFF, v52;
	v52 =	vimm.s32 $0x0;
	vm10 =	vgt.f32 v33, v38  }
0x137: {  	v47 =	vld [tilespmem:$0x1F6D0];
	[tilespmem:$0x1F5A0] =	vst v39;
	v39 =	vsel vm1, $0xFFFFFFFF, v54;
	vm0 =	vmand vm1, vm10;
	vm1 =	vmand vm14, vm13  }
0x138: {  	[tilespmem:$0x1F290] =	vst v39;
	vm10 =	vne.s32 v36, $0x8;
	v39 =	vsel vm0, $0xFFFFFFFF, v55;
	v38 =	vsel vm0, v33, v38  }
0x139: {  	v55 =	vimm.s32 $0x0;
	[tilespmem:$0x1F090] =	vst v39;
	v39 =	vsel vm13, $0xFFFFFFFF, v56;
	vm0 =	vgt.f32 v32, v38  }
0x13a: {  	v54 =	vld [tilespmem:$0x1F770];
	vm11 =	vnez.u8 v51;
	vm13 =	vne.s32 v36, $0x9;
	v56 =	vimm.s32 $0x0  }
0x13b: {  	v51 =	vimm.s32 $0x0;
	[tilespmem:$0x1F5F0] =	vst v39;
	v39 =	vsel vm1, $0xFFFFFFFF, v58;
	vm0 =	vmand vm1, vm0  }
0x13c: {  	vm1 =	vmand vm4, vm15;
	vm9 =	vnez.u8 v47;
	vm4 =	vne.s32 v36, $0xA  }
0x13d: {  	v47 =	vimm.s32 $0x0;
	[tilespmem:$0x1F2A0] =	vst v39;
	v39 =	vsel vm0, $0xFFFFFFFF, v59;
	v38 =	vsel vm0, v32, v38  }
0x13e: {  	v58 =	vld [tilespmem:$0x1F7C0];
	v59 =	vimm.s32 $0x0;
	[tilespmem:$0x1F0A0] =	vst v39;
	v39 =	vsel vm15, $0xFFFFFFFF, v60;
	vm0 =	vgt.f32 v31, v38  }
0x13f: {  	vm15 =	vnez.u8 v54;
	v60 =	vimm.s32 $0x0;
	v54 =	vimm.s32 $0x0  }
0x140: {  	[tilespmem:$0x1F640] =	vst v39;
	v39 =	vsel vm1, $0xFFFFFFFF, v62;
	vm0 =	vmand vm1, vm0;
	vm1 =	vmand vm6, vm5  }
0x141: {  	vm6 =	vne.s32 v36, $0xB;
	v62 =	vld [tilespmem:$0x1F810];
	[tilespmem:$0x1F2B0] =	vst v39;
	v39 =	vsel vm0, $0xFFFFFFFF, v63;
	v38 =	vsel vm0, v31, v38  }
0x142: {  	v63 =	vimm.s32 $0x0;
	[tilespmem:$0x1F0B0] =	vst v39;
	v39 =	vsel vm5, $0xFFFFFFFF, v42;
	vm0 =	vgt.f32 v30, v38  }
0x143: {  	vm5 =	vnez.u8 v58;
	v42 =	vimm.s32 $0x0;
	[tilespmem:$0x1F690] =	vst v39;
	v39 =	vsel vm1, $0xFFFFFFFF, v44  }
0x144: {  	vm0 =	vmand vm1, vm0;
	vm1 =	vmand vm9, vm7;
	v44 =	vimm.s32 $0x0  }
0x145: {  	[tilespmem:$0x1F2C0] =	vst v39;
	v39 =	vsel vm0, $0xFFFFFFFF, v45;
	v38 =	vsel vm0, v30, v38;
	v45 =	vimm.s32 $0x0  }
0x146: {  	[tilespmem:$0x1F0C0] =	vst v39;
	v39 =	vsel vm7, $0xFFFFFFFF, v46;
	vm0 =	vgt.f32 v29, v38;
	vm9 =	vnez.u8 v62  }
0x147: {  	v43 =	vld [tilespmem:$0x1F860];
	v62 =	vimm.s32 $0x0;
	[tilespmem:$0x1F6E0] =	vst v39;
	v39 =	vsel vm1, $0xFFFFFFFF, v48;
	vm0 =	vmand vm1, vm0  }
0x148: {  	vm1 =	vmand vm11, vm10;
	[tilespmem:$0x1F2D0] =	vst v39;
	v39 =	vsel vm0, $0xFFFFFFFF, v49;
	v38 =	vsel vm0, v29, v38  }
0x149: {  	v48 =	vimm.s32 $0x0;
	[tilespmem:$0x1F0D0] =	vst v39;
	v39 =	vsel vm10, $0xFFFFFFFF, v50;
	vm0 =	vgt.f32 v28, v38  }
0x14a: {  	vm10 =	vne.s32 v36, $0xC;
	v50 =	vimm.s32 $0x0;
	vm7 =	vmand vm1, vm0  }
0x14b: {  	[tilespmem:$0x1F730] =	vst v39;
	v39 =	vsel vm1, $0xFFFFFFFF, v52;
	vm1 =	vmand vm15, vm13;
	v38 =	vsel vm7, v28, v38  }
0x14c: {  	v46 =	vld [tilespmem:$0x1F8B0];
	[tilespmem:$0x1F2E0] =	vst v39;
	v39 =	vsel vm13, $0xFFFFFFFF, v53;
	vm13 =	vnez.u8 v43;
	v53 =	vimm.s32 $0x0  }
0x14d: {  	v43 =	vimm.s32 $0x0;
	[tilespmem:$0x1F780] =	vst v39;
	vm14 =	vgt.f32 v27, v38;
	v39 =	vsel vm1, $0xFFFFFFFF, v55  }
0x14e: {  	vm0 =	vmand vm1, vm14;
	vm1 =	vmand vm5, vm4;
	vm14 =	vne.s32 v36, $0xD  }
0x14f: {  	[tilespmem:$0x1F2F0] =	vst v39;
	vm5 =	vne.s32 v36, $0xE;
	v39 =	vsel vm0, $0xFFFFFFFF, v56;
	v38 =	vsel vm0, v27, v38  }
0x150: {  	v56 =	vimm.s32 $0x0;
	[tilespmem:$0x1F0E0] =	vst v39;
	v39 =	vsel vm4, $0xFFFFFFFF, v57;
	vm0 =	vgt.f32 v26, v38  }
0x151: {  	v49 =	vld [tilespmem:$0x1F900];
	vm4 =	vnez.u8 v46;
	v57 =	vimm.s32 $0x0;
	v46 =	vimm.s32 $0x0  }
0x152: {  	[tilespmem:$0x1F7D0] =	vst v39;
	v39 =	vsel vm1, $0xFFFFFFFF, v59;
	vm0 =	vmand vm1, vm0;
	vm1 =	vmand vm9, vm6  }
0x153: {  	v59 =	vimm.s32 $0x0;
	[tilespmem:$0x1F300] =	vst v39;
	v39 =	vsel vm0, $0xFFFFFFFF, v60;
	v38 =	vsel vm0, v26, v38  }
0x154: {  	v60 =	vimm.s32 $0x0;
	[tilespmem:$0x1F0F0] =	vst v39;
	v39 =	vsel vm6, $0xFFFFFFFF, v61;
	vm0 =	vgt.f32 v25, v38  }
0x155: {  	v52 =	vld [tilespmem:$0x1F950];
	[tilespmem:$0x1F820] =	vst v39;
	v39 =	vsel vm1, $0xFFFFFFFF, v63;
	vm9 =	vmand vm1, vm0;
	vm1 =	vmand vm13, vm10  }
0x156: {  	vm13 =	vnez.u8 v49;
	v63 =	vimm.s32 $0x0;
	v38 =	vsel vm9, v25, v38  }
0x157: {  	v49 =	vimm.s32 $0x0;
	[tilespmem:$0x1F310] =	vst v39;
	v39 =	vsel vm10, $0xFFFFFFFF, v42;
	vm11 =	vgt.f32 v24, v38  }
0x158: {  	[tilespmem:$0x1F870] =	vst v39;
	v39 =	vsel vm1, $0xFFFFFFFF, v44;
	v44 =	vimm.s32 $0x0;
	vm11 =	vmand vm1, vm11  }
0x159: {  	[tilespmem:$0x1F320] =	vst v39;
	v39 =	vsel vm14, $0xFFFFFFFF, v45;
	vm1 =	vmand vm4, vm14;
	v38 =	vsel vm11, v24, v38  }
0x15a: {  	vm14 =	vne.s32 v36, $0xF;
	vm4 =	vnez.u8 v52;
	vm15 =	vgt.f32 v23, v38  }
0x15b: {  	[tilespmem:$0x1F8C0] =	vst v39;
	v39 =	vsel vm1, $0xFFFFFFFF, v47;
	v47 =	vimm.s32 $0x0;
	vm10 =	vmand vm1, vm15  }
0x15c: {  	[tilespmem:$0x1F330] =	vst v39;
	v39 =	vsel vm5, $0xFFFFFFFF, v48;
	vm1 =	vmand vm13, vm5;
	v38 =	vsel vm10, v23, v38  }
0x15d: {  	v55 =	vld [tilespmem:$0x1F9A0];
	[tilespmem:$0x1F910] =	vst v39;
	vm5 =	vne.s32 v36, $0x10;
	v39 =	vsel vm1, $0xFFFFFFFF, v50;
	vm6 =	vgt.f32 v22, v38  }
0x15e: {  	v50 =	vsel vm8, $0x1, v0;
	vm8 =	vne.s32 v36, $0x16;
	vm13 =	vmand vm1, vm6  }
0x15f: {  	v58 =	vld [tilespmem:$0x1F9F0];
	[tilespmem:$0x1F340] =	vst v39;
	v39 =	vsel vm14, $0xFFFFFFFF, v51;
	v51 =	vimm.s32 $0x0;
	v38 =	vsel vm13, v22, v38  }
0x160: {  	vm1 =	vmand vm4, vm14;
	vm4 =	vne.s32 v36, $0x11;
	vm15 =	vgt.f32 v21, v38  }
0x161: {  	[tilespmem:$0x1F960] =	vst v39;
	v40 =	vsel vm8, $0xFFFFFFFF, v51;
	v39 =	vsel vm1, $0xFFFFFFFF, v53;
	vm14 =	vmand vm1, vm15  }
0x162: {  	v61 =	vld [tilespmem:$0x1FA40];
	v53 =	vimm.s32 $0x0;
	vm15 =	vnez.u8 v55;
	v38 =	vsel vm14, v21, v38  }
0x163: {  	[tilespmem:$0x1F350] =	vst v39;
	v39 =	vsel vm5, $0xFFFFFFFF, v54;
	vm1 =	vmand vm15, vm5;
	vm6 =	vgt.f32 v20, v38  }
0x164: {  	[tilespmem:$0x1F9B0] =	vst v39;
	v39 =	vsel vm1, $0xFFFFFFFF, v56;
	vm15 =	vmand vm1, vm6;
	vm6 =	vnez.u8 v58  }
0x165: {  	v42 =	vld [tilespmem:$0x1FA90];
	[tilespmem:$0x1F360] =	vst v39;
	v39 =	vsel vm4, $0xFFFFFFFF, v57;
	v38 =	vsel vm15, v20, v38;
	vm1 =	vmand vm6, vm4  }
0x166: {  	v56 =	vimm.s32 $0x0;
	[tilespmem:$0x1FA00] =	vst v39;
	vm5 =	vgt.f32 v19, v38;
	v39 =	vsel vm1, $0xFFFFFFFF, v59  }
0x167: {  	v59 =	vimm.s32 $0x0;
	vm6 =	vmand vm1, vm5;
	vm5 =	vnez.u8 v61  }
0x168: {  	v45 =	vld [tilespmem:$0x1FAE0];
	[tilespmem:$0x1F370] =	vst v39;
	v39 =	vsel vm2, $0xFFFFFFFF, v60;
	v38 =	vsel vm6, v19, v38;
	vm1 =	vmand vm5, vm2  }
0x169: {  	[tilespmem:$0x1FA50] =	vst v39;
	vm2 =	vne.s32 v36, $0x13;
	vm4 =	vgt.f32 v17, v38;
	v39 =	vsel vm1, $0xFFFFFFFF, v62  }
0x16a: {  	v62 =	vimm.s32 $0x0;
	vm5 =	vmand vm1, vm4;
	vm4 =	vnez.u8 v42  }
0x16b: {  	v48 =	vld [tilespmem:$0x1FB30];
	[tilespmem:$0x1F380] =	vst v39;
	v39 =	vsel vm2, $0xFFFFFFFF, v63;
	v38 =	vsel vm5, v17, v38;
	vm1 =	vmand vm4, vm2  }
0x16c: {  	[tilespmem:$0x1FAA0] =	vst v39;
	vm2 =	vne.s32 v36, $0x14;
	vm0 =	vgt.f32 v18, v38;
	v39 =	vsel vm1, $0xFFFFFFFF, v43  }
0x16d: {  	[tilespmem:$0x1F390] =	vst v39;
	vm4 =	vmand vm1, vm0;
	v39 =	vsel vm2, $0xFFFFFFFF, v44;
	vm1 =	vnez.u8 v45  }
0x16e: {  	v52 =	vld [tilespmem:$0x1FB80];
	v44 =	vimm.s32 $0x0;
	v38 =	vsel vm4, v18, v38;
	vm1 =	vmand vm1, vm2  }
0x16f: {  	v54 =	vld [tilespmem:$0x1F090];
	[tilespmem:$0x1FAF0] =	vst v39;
	vm2 =	vne.s32 v36, $0x15;
	vm0 =	vgt.f32 v14, v38;
	v39 =	vsel vm1, $0xFFFFFFFF, v46  }
0x170: {  	v55 =	vld [tilespmem:$0x1F0A0];
	[tilespmem:$0x1F3A0] =	vst v39;
	vm3 =	vmand vm1, vm0;
	v39 =	vsel vm2, $0xFFFFFFFF, v47;
	vm1 =	vnez.u8 v48  }
0x171: {  	v47 =	vimm.s32 $0x0;
	v38 =	vsel vm3, v14, v38;
	vm1 =	vmand vm1, vm2  }
0x172: {  	[tilespmem:$0x1FB40] =	vst v39;
	vm0 =	vgt.f32 v15, v38;
	v39 =	vsel vm1, $0xFFFFFFFF, v49;
	v49 =	vimm.s32 $0x0  }
0x173: {  	v57 =	vld [tilespmem:$0x1F0B0];
	[tilespmem:$0x1F3B0] =	vst v39;
	vm2 =	vmand vm1, vm0;
	v39 =	vsel vm12, $0x2, v50;
	vm12 =	vnez.u8 v52  }
0x174: {  	v50 =	vimm.s32 $0x0;
	v52 =	vimm.s32 $0x0;
	v38 =	vsel vm2, v15, v38  }
0x175: {  	v58 =	vld [tilespmem:$0x1FBD0];
	vm1 =	vmand vm12, vm8;
	vm12 =	vnez.u8 v54;
	vm8 =	vnez.u8 v55  }
0x176: {  	[tilespmem:$0x1FB90] =	vst v40;
	v60 =	vld [tilespmem:$0x1F0C0];
	v55 =	vimm.s32 $0x0;
	vm0 =	vgt.f32 v12, v38;
	v40 =	vsel vm1, $0xFFFFFFFF, v53  }
0x177: {  	v39 =	vsel vm12, $0x3, v39;
	v53 =	vimm.s32 $0x0;
	vm12 =	vmand vm1, vm0  }
0x178: {  	v61 =	vld [tilespmem:$0x1F0D0];
	v39 =	vsel vm8, $0x4, v39;
	vm1 =	vne.s32 v36, $0x17;
	vm8 =	vnez.u8 v57  }
0x179: {  	[tilespmem:$0x1F3C0] =	vst v40;
	v38 =	vsel vm12, v12, v38;
	v40 =	vsel vm1, $0xFFFFFFFF, v56;
	v39 =	vsel vm8, $0x5, v39  }
0x17a: {  	v63 =	vld [tilespmem:$0x1FC20];
	vm8 =	vnez.u8 v58;
	v56 =	vimm.s32 $0x0;
	v58 =	vimm.s32 $0x0  }
0x17b: {  	v45 =	vld [tilespmem:$0x1F0E0];
	vm0 =	vgt.f32 v13, v38;
	vm1 =	vmand vm8, vm1;
	vm8 =	vnez.u8 v60  }
0x17c: {  	[tilespmem:$0x1FBE0] =	vst v40;
	v40 =	vsel vm1, $0xFFFFFFFF, v59;
	v39 =	vsel vm8, $0x6, v39;
	vm1 =	vmand vm1, vm0  }
0x17d: {  	v46 =	vld [tilespmem:$0x1F0F0];
	vm8 =	vnez.u8 v61;
	vm0 =	vne.s32 v36, $0x18;
	v59 =	vimm.s32 $0x0  }
0x17e: {  	v61 =	vimm.s32 $0x0;
	v39 =	vsel vm8, $0x7, v39;
	v38 =	vsel vm1, v13, v38  }
0x17f: {  	v48 =	vld [tilespmem:$0x1FC70];
	[tilespmem:$0x1F3D0] =	vst v40;
	v40 =	vsel vm0, $0xFFFFFFFF, v62;
	vm8 =	vnez.u8 v63;
	v62 =	vimm.s32 $0x0  }
0x180: {  	v39 =	vsel vm7, $0x8, v39;
	vm0 =	vmand vm8, vm0;
	vm8 =	vnez.u8 v45  }
0x181: {  	[tilespmem:$0x1FC30] =	vst v40;
	vm7 =	vgt.f32 v10, v38;
	v40 =	vsel vm0, $0xFFFFFFFF, v44;
	v39 =	vsel vm8, $0x9, v39  }
0x182: {  	vm7 =	vmand vm0, vm7;
	vm8 =	vnez.u8 v46;
	vm0 =	vne.s32 v36, $0x19  }
0x183: {  	v44 =	vimm.s32 $0x0;
	v46 =	vimm.s32 $0x0;
	v39 =	vsel vm8, $0xA, v39  }
0x184: {  	v51 =	vld [tilespmem:$0x1FCC0];
	v38 =	vsel vm7, v10, v38;
	v39 =	vsel vm9, $0xB, v39;
	vm9 =	vnez.u8 v48  }
0x185: {  	[tilespmem:$0x1F3E0] =	vst v40;
	v40 =	vsel vm0, $0xFFFFFFFF, v47;
	vm8 =	vgt.f32 v11, v38;
	vm0 =	vmand vm9, vm0  }
0x186: {  	[tilespmem:$0x1FC80] =	vst v40;
	v39 =	vsel vm11, $0xC, v39;
	v40 =	vsel vm0, $0xFFFFFFFF, v49;
	vm8 =	vmand vm0, vm8  }
0x187: {  	v54 =	vld [tilespmem:$0x1FD10];
	v39 =	vsel vm10, $0xD, v39;
	vm0 =	vne.s32 v36, $0x1A;
	vm10 =	vne.s32 v36, $0x1C  }
0x188: {  	v57 =	vld [tilespmem:$0x1FD60];
	v49 =	vimm.s32 $0x0;
	[tilespmem:$0x1F3F0] =	vst v40;
	v38 =	vsel vm8, v11, v38;
	v40 =	vsel vm0, $0xFFFFFFFF, v50  }
0x189: {  	v39 =	vsel vm13, $0xE, v39;
	vm13 =	vnez.u8 v51;
	vm9 =	vgt.f32 v8, v38  }
0x18a: {  	vm0 =	vmand vm13, vm0;
	v39 =	vsel vm14, $0xF, v39;
	vm13 =	vne.s32 v36, $0x1B  }
0x18b: {  	v60 =	vld [tilespmem:$0x1FDB0];
	[tilespmem:$0x1FCD0] =	vst v40;
	v40 =	vsel vm0, $0xFFFFFFFF, v52;
	vm9 =	vmand vm0, vm9;
	v39 =	vsel vm15, $0x10, v39  }
0x18c: {  	v63 =	vld [tilespmem:$0x1FE20];
	vm15 =	vnez.u8 v54;
	[tilespmem:$0x1F400] =	vst v40;
	v38 =	vsel vm9, v8, v38;
	v40 =	vsel vm13, $0xFFFFFFFF, v53  }
0x18d: {  	v48 =	vld [tilespmem:$0x1FF00];
	v39 =	vsel vm6, $0x11, v39;
	vm0 =	vmand vm15, vm13;
	vm13 =	vnez.u8 v57  }
0x18e: {  	vm15 =	vne.s32 v36, $0x1D;
	vm14 =	vgt.f32 v9, v38;
	v39 =	vsel vm5, $0x12, v39  }
0x18f: {  	[tilespmem:$0x1FD20] =	vst v40;
	v40 =	vsel vm0, $0xFFFFFFFF, v55;
	vm5 =	vmand vm0, vm14;
	v39 =	vsel vm4, $0x13, v39  }
0x190: {  	[tilespmem:$0x1F430] =	vst v40;
	v40 =	vsel vm10, $0xFFFFFFFF, v56;
	vm0 =	vmand vm13, vm10;
	vm10 =	vnez.u8 v60  }
0x191: {  	vm13 =	vnez.u8 v63;
	v38 =	vsel vm5, v9, v38;
	v39 =	vsel vm3, $0x14, v39  }
0x192: {  	vm4 =	vnez.u8 v48;
	vm11 =	vgt.f32 v7, v38;
	v39 =	vsel vm2, $0x15, v39  }
0x193: {  	[tilespmem:$0x1FD70] =	vst v40;
	v40 =	vsel vm0, $0xFFFFFFFF, v58;
	vm14 =	vmand vm0, vm11;
	v39 =	vsel vm12, $0x16, v39  }
0x194: {  	[tilespmem:$0x1F4A0] =	vst v40;
	v40 =	vsel vm15, $0xFFFFFFFF, v59;
	v38 =	vsel vm14, v7, v38;
	v39 =	vsel vm1, $0x17, v39  }
0x195: {  	vm1 =	vmand vm10, vm15;
	vm6 =	vgt.f32 v6, v38;
	v39 =	vsel vm7, $0x18, v39  }
0x196: {  	vm11 =	vne.s32 v36, $0x1E;
	vm0 =	vmand vm1, vm6;
	v39 =	vsel vm8, $0x19, v39  }
0x197: {  	vm3 =	vmand vm13, vm11;
	v38 =	vsel vm0, v6, v38;
	v39 =	vsel vm9, $0x1A, v39  }
0x198: {  	[tilespmem:$0x1FDC0] =	vst v40;
	v40 =	vsel vm1, $0xFFFFFFFF, v61;
	vm12 =	vgt.f32 v5, v38;
	v39 =	vsel vm5, $0x1B, v39  }
0x199: {  	v51 =	vld [tilespmem:$0x1F100];
	vm1 =	vmand vm3, vm12;
	v45 =	vsel vm14, $0x1C, v39;
	vm14 =	vne.s32 v36, $0x1F  }
0x19a: {  	[tilespmem:$0x1F510] =	vst v40;
	v40 =	vsel vm11, $0xFFFFFFFF, v62;
	v39 =	vsel vm1, v5, v38;
	v38 =	vsel vm14, $0xFFFFFFFF, v46  }
0x19b: {  	[tilespmem:$0x1FE60] =	vst v40;
	v47 =	vsel vm0, $0x1D, v45;
	vm2 =	vmand vm4, vm14;
	vm15 =	vgt.f32 v4, v39  }
0x19c: {  	v54 =	vld [tilespmem:$0x1F280];
	v40 =	vsel vm3, $0xFFFFFFFF, v44;
	[tilespmem:$0x1FF40] =	vst v38;
	v38 =	vsel vm1, $0x1E, v47;
	vm0 =	vmand vm2, vm15  }
0x19d: {  	v50 =	vimm.s32 $0x0;
	[tilespmem:$0x1F520] =	vst v40;
	v40 =	vsel vm2, $0xFFFFFFFF, v49;
	v38 =	vsel vm0, $0x1F, v38  }
0x19e: {  	vm5 =	vnez.u8 v51;
	[tilespmem:$0x1F530] =	vst v40;
	v40 =	vsel vm0, $0xFFFFFFFF, v50;
	vm0 =	vne.s32 v38, $0x1  }
0x19f: {  	vm2 =	vmand vm5, vm0  }
0x1a0: {  	v56 =	vld [tilespmem:$0x1F290];
	v52 =	vnsel vm2, $0xF149F2CA, v35  }
0x1a1: {  	vm7 =	vnez.u8 v54;
	vm6 =	vgt.f32 v34, v52  }
0x1a2: {  	vm8 =	vne.s32 v38, $0x2;
	vm0 =	vmand vm7, vm6  }
0x1a3: {  	vm3 =	vmand vm8, vm0  }
0x1a4: {  	v53 =	vimm.s32 $0x0;
	v59 =	vld [tilespmem:$0x1F2A0];
	[tilespmem:$0x1FE70] =	vst v40;
	v40 =	vsel vm3, v34, v52  }
0x1a5: {  	v55 =	vimm.s32 $0x0;
	vm10 =	vnez.u8 v56;
	vm9 =	vgt.f32 v33, v40  }
0x1a6: {  	vm11 =	vne.s32 v38, $0x3;
	v41 =	vsel vm2, $0xFFFFFFFF, v53;
	vm0 =	vmand vm10, vm9  }
0x1a7: {  	v57 =	vimm.s32 $0x0;
	[tilespmem:$0x1F1A0] =	vst v41;
	v41 =	vsel vm8, $0xFFFFFFFF, v55;
	vm0 =	vmand vm11, vm0  }
0x1a8: {  	v58 =	vimm.s32 $0x0;
	v62 =	vld [tilespmem:$0x1F2B0];
	[tilespmem:$0x1F560] =	vst v41;
	v41 =	vsel vm11, $0xFFFFFFFF, v57;
	v40 =	vsel vm0, v33, v40  }
0x1a9: {  	vm12 =	vnez.u8 v59;
	[tilespmem:$0x1F5B0] =	vst v41;
	v41 =	vsel vm0, $0xFFFFFFFF, v58;
	vm0 =	vgt.f32 v32, v40  }
0x1aa: {  	vm13 =	vne.s32 v38, $0x4;
	vm0 =	vmand vm12, vm0  }
0x1ab: {  	v60 =	vimm.s32 $0x0;
	vm0 =	vmand vm13, vm0  }
0x1ac: {  	v61 =	vimm.s32 $0x0;
	v45 =	vld [tilespmem:$0x1F2C0];
	[tilespmem:$0x1F110] =	vst v41;
	v41 =	vsel vm13, $0xFFFFFFFF, v60;
	v40 =	vsel vm0, v32, v40  }
0x1ad: {  	vm14 =	vnez.u8 v62;
	[tilespmem:$0x1F600] =	vst v41;
	v41 =	vsel vm0, $0xFFFFFFFF, v61;
	vm0 =	vgt.f32 v31, v40  }
0x1ae: {  	vm15 =	vne.s32 v38, $0x5;
	vm0 =	vmand vm14, vm0  }
0x1af: {  	v63 =	vimm.s32 $0x0;
	vm0 =	vmand vm15, vm0  }
0x1b0: {  	v48 =	vld [tilespmem:$0x1F2D0];
	v44 =	vimm.s32 $0x0;
	[tilespmem:$0x1F120] =	vst v41;
	v41 =	vsel vm15, $0xFFFFFFFF, v63;
	v40 =	vsel vm0, v31, v40  }
0x1b1: {  	vm4 =	vnez.u8 v45;
	[tilespmem:$0x1F650] =	vst v41;
	v41 =	vsel vm0, $0xFFFFFFFF, v44;
	vm0 =	vgt.f32 v30, v40  }
0x1b2: {  	vm5 =	vne.s32 v38, $0x6;
	vm0 =	vmand vm4, vm0  }
0x1b3: {  	v46 =	vimm.s32 $0x0;
	vm0 =	vmand vm5, vm0  }
0x1b4: {  	v51 =	vld [tilespmem:$0x1F2E0];
	v47 =	vimm.s32 $0x0;
	[tilespmem:$0x1F130] =	vst v41;
	v41 =	vsel vm5, $0xFFFFFFFF, v46;
	v40 =	vsel vm0, v30, v40  }
0x1b5: {  	vm6 =	vnez.u8 v48;
	[tilespmem:$0x1F6A0] =	vst v41;
	v41 =	vsel vm0, $0xFFFFFFFF, v47;
	vm0 =	vgt.f32 v29, v40  }
0x1b6: {  	vm7 =	vne.s32 v38, $0x7;
	vm0 =	vmand vm6, vm0  }
0x1b7: {  	v49 =	vimm.s32 $0x0;
	vm0 =	vmand vm7, vm0  }
0x1b8: {  	v54 =	vld [tilespmem:$0x1F2F0];
	v50 =	vimm.s32 $0x0;
	[tilespmem:$0x1F140] =	vst v41;
	v41 =	vsel vm7, $0xFFFFFFFF, v49;
	v40 =	vsel vm0, v29, v40  }
0x1b9: {  	vm8 =	vnez.u8 v51;
	[tilespmem:$0x1F6F0] =	vst v41;
	v41 =	vsel vm0, $0xFFFFFFFF, v50;
	vm0 =	vgt.f32 v28, v40  }
0x1ba: {  	vm9 =	vne.s32 v38, $0x8;
	vm0 =	vmand vm8, vm0  }
0x1bb: {  	v52 =	vimm.s32 $0x0;
	vm0 =	vmand vm9, vm0  }
0x1bc: {  	v53 =	vimm.s32 $0x0;
	v57 =	vld [tilespmem:$0x1F300];
	[tilespmem:$0x1F150] =	vst v41;
	v41 =	vsel vm9, $0xFFFFFFFF, v52;
	v40 =	vsel vm0, v28, v40  }
0x1bd: {  	vm10 =	vnez.u8 v54;
	[tilespmem:$0x1F740] =	vst v41;
	v41 =	vsel vm0, $0xFFFFFFFF, v53;
	vm0 =	vgt.f32 v27, v40  }
0x1be: {  	vm11 =	vne.s32 v38, $0x9;
	vm0 =	vmand vm10, vm0  }
0x1bf: {  	v55 =	vimm.s32 $0x0;
	vm0 =	vmand vm11, vm0  }
0x1c0: {  	v56 =	vimm.s32 $0x0;
	v59 =	vld [tilespmem:$0x1F310];
	[tilespmem:$0x1F160] =	vst v41;
	v41 =	vsel vm11, $0xFFFFFFFF, v55;
	v40 =	vsel vm0, v27, v40  }
0x1c1: {  	vm12 =	vnez.u8 v57;
	[tilespmem:$0x1F790] =	vst v41;
	v41 =	vsel vm0, $0xFFFFFFFF, v56;
	vm0 =	vgt.f32 v26, v40  }
0x1c2: {  	vm13 =	vne.s32 v38, $0xA;
	vm0 =	vmand vm12, vm0  }
0x1c3: {  	vm10 =	vmand vm13, vm0  }
0x1c4: {  	v62 =	vld [tilespmem:$0x1F320];
	v40 =	vsel vm10, v26, v40  }
0x1c5: {  	vm15 =	vnez.u8 v59;
	vm14 =	vgt.f32 v25, v40  }
0x1c6: {  	v58 =	vimm.s32 $0x0;
	vm4 =	vne.s32 v38, $0xB;
	vm0 =	vmand vm15, vm14  }
0x1c7: {  	v60 =	vimm.s32 $0x0;
	[tilespmem:$0x1F170] =	vst v41;
	v41 =	vsel vm13, $0xFFFFFFFF, v58;
	vm0 =	vmand vm4, vm0  }
0x1c8: {  	v45 =	vld [tilespmem:$0x1F330];
	v61 =	vimm.s32 $0x0;
	[tilespmem:$0x1F7E0] =	vst v41;
	v41 =	vsel vm4, $0xFFFFFFFF, v60;
	v40 =	vsel vm0, v25, v40  }
0x1c9: {  	vm5 =	vnez.u8 v62;
	[tilespmem:$0x1F830] =	vst v41;
	v41 =	vsel vm0, $0xFFFFFFFF, v61;
	vm0 =	vgt.f32 v24, v40  }
0x1ca: {  	vm6 =	vne.s32 v38, $0xC;
	vm0 =	vmand vm5, vm0  }
0x1cb: {  	v63 =	vimm.s32 $0x0;
	vm0 =	vmand vm6, vm0  }
0x1cc: {  	v44 =	vimm.s32 $0x0;
	v47 =	vld [tilespmem:$0x1F340];
	[tilespmem:$0x1F180] =	vst v41;
	v41 =	vsel vm6, $0xFFFFFFFF, v63;
	v40 =	vsel vm0, v24, v40  }
0x1cd: {  	vm7 =	vnez.u8 v45;
	[tilespmem:$0x1F880] =	vst v41;
	v41 =	vsel vm0, $0xFFFFFFFF, v44;
	vm0 =	vgt.f32 v23, v40  }
0x1ce: {  	vm8 =	vne.s32 v38, $0xD;
	vm0 =	vmand vm7, vm0  }
0x1cf: {  	vm11 =	vmand vm8, vm0  }
0x1d0: {  	v48 =	vimm.s32 $0x0;
	v49 =	vld [tilespmem:$0x1F350];
	v40 =	vsel vm11, v23, v40  }
0x1d1: {  	v46 =	vimm.s32 $0x0;
	vm12 =	vnez.u8 v47;
	vm9 =	vgt.f32 v22, v40  }
0x1d2: {  	vm13 =	vne.s32 v38, $0xE;
	[tilespmem:$0x1F190] =	vst v41;
	v41 =	vsel vm8, $0xFFFFFFFF, v46;
	vm0 =	vmand vm12, vm9  }
0x1d3: {  	[tilespmem:$0x1F8D0] =	vst v41;
	v41 =	vsel vm13, $0xFFFFFFFF, v48;
	vm13 =	vmand vm13, vm0  }
0x1d4: {  	v51 =	vld [tilespmem:$0x1F360];
	v40 =	vsel vm13, v22, v40  }
0x1d5: {  	vm15 =	vnez.u8 v49;
	vm14 =	vgt.f32 v21, v40  }
0x1d6: {  	vm4 =	vne.s32 v38, $0xF;
	vm0 =	vmand vm15, vm14  }
0x1d7: {  	vm14 =	vmand vm4, vm0  }
0x1d8: {  	v53 =	vld [tilespmem:$0x1F370];
	v40 =	vsel vm14, v21, v40  }
0x1d9: {  	vm6 =	vnez.u8 v51;
	vm5 =	vgt.f32 v20, v40  }
0x1da: {  	vm7 =	vne.s32 v38, $0x10;
	vm0 =	vmand vm6, vm5  }
0x1db: {  	vm15 =	vmand vm7, vm0  }
0x1dc: {  	v54 =	vimm.s32 $0x0;
	v50 =	vimm.s32 $0x0;
	v55 =	vld [tilespmem:$0x1F380];
	v40 =	vsel vm15, v20, v40  }
0x1dd: {  	v52 =	vimm.s32 $0x0;
	vm9 =	vnez.u8 v53;
	vm8 =	vgt.f32 v19, v40  }
0x1de: {  	[tilespmem:$0x1F920] =	vst v41;
	v41 =	vsel vm4, $0xFFFFFFFF, v50;
	vm12 =	vne.s32 v38, $0x11;
	vm0 =	vmand vm9, vm8  }
0x1df: {  	v56 =	vimm.s32 $0x0;
	[tilespmem:$0x1F970] =	vst v41;
	v41 =	vsel vm7, $0xFFFFFFFF, v52;
	vm9 =	vmand vm12, vm0  }
0x1e0: {  	v58 =	vimm.s32 $0x0;
	[tilespmem:$0x1F9C0] =	vst v41;
	v41 =	vsel vm12, $0xFFFFFFFF, v54;
	v40 =	vsel vm9, v19, v40  }
0x1e1: {  	v57 =	vld [tilespmem:$0x1F390];
	vm5 =	vnez.u8 v55;
	vm6 =	vne.s32 v38, $0x12;
	vm4 =	vgt.f32 v17, v40  }
0x1e2: {  	[tilespmem:$0x1FA10] =	vst v41;
	v41 =	vsel vm6, $0xFFFFFFFF, v56;
	vm0 =	vmand vm5, vm4;
	vm4 =	vne.s32 v38, $0x13  }
0x1e3: {  	[tilespmem:$0x1FA60] =	vst v41;
	v41 =	vsel vm4, $0xFFFFFFFF, v58  }
0x1e4: {  	vm8 =	vmand vm6, vm0;
	[tilespmem:$0x1FAB0] =	vst v41  }
0x1e5: {  	v40 =	vsel vm8, v17, v40;
	v41 =	vld [tilespmem:$0x1F3A0]  }
0x1e6: {  	vm12 =	vnez.u8 v57;
	vm7 =	vgt.f32 v18, v40  }
0x1e7: {  	vm0 =	vmand vm12, vm7  }
0x1e8: {  	vm12 =	vmand vm4, vm0  }
0x1e9: {  	v60 =	vld [tilespmem:$0x1F3B0];
	v40 =	vsel vm12, v18, v40  }
0x1ea: {  	vm5 =	vgt.f32 v14, v40;
	vm6 =	vnez.u8 v41  }
0x1eb: {  	vm7 =	vne.s32 v38, $0x14;
	vm0 =	vmand vm6, vm5  }
0x1ec: {  	vm6 =	vmand vm7, vm0  }
0x1ed: {  	v62 =	vld [tilespmem:$0x1F3C0];
	v40 =	vsel vm6, v14, v40  }
0x1ee: {  	v59 =	vimm.s32 $0x0;
	vm5 =	vnez.u8 v60;
	vm4 =	vgt.f32 v15, v40  }
0x1ef: {  	v41 =	vsel vm7, $0xFFFFFFFF, v59;
	vm7 =	vne.s32 v38, $0x15;
	vm0 =	vmand vm5, vm4  }
0x1f0: {  	vm5 =	vmand vm7, vm0  }
0x1f1: {  	v61 =	vimm.s32 $0x0;
	v44 =	vld [tilespmem:$0x1F3D0];
	v40 =	vsel vm5, v15, v40  }
0x1f2: {  	[tilespmem:$0x1FB00] =	vst v41;
	v41 =	vsel vm7, $0xFFFFFFFF, v61;
	vm7 =	vnez.u8 v62;
	vm4 =	vgt.f32 v12, v40  }
0x1f3: {  	v63 =	vimm.s32 $0x0;
	vm0 =	vmand vm7, vm4;
	vm4 =	vne.s32 v38, $0x16  }
0x1f4: {  	[tilespmem:$0x1FB50] =	vst v41;
	v41 =	vsel vm4, $0xFFFFFFFF, v63;
	vm4 =	vmand vm4, vm0  }
0x1f5: {  	v46 =	vld [tilespmem:$0x1F3E0];
	v40 =	vsel vm4, v12, v40  }
0x1f6: {  	v49 =	vld [tilespmem:$0x1F110];
	vm7 =	vnez.u8 v44;
	vm0 =	vgt.f32 v13, v40  }
0x1f7: {  	v45 =	vimm.s32 $0x0;
	v54 =	vld [tilespmem:$0x1F140];
	vm0 =	vmand vm7, vm0;
	vm7 =	vne.s32 v38, $0x17  }
0x1f8: {  	v50 =	vld [tilespmem:$0x1F120];
	[tilespmem:$0x1FBA0] =	vst v41;
	v41 =	vsel vm7, $0xFFFFFFFF, v45;
	vm7 =	vmand vm7, vm0  }
0x1f9: {  	v47 =	vsel vm2, $0x1, v0;
	v48 =	vimm.s32 $0x0;
	v51 =	vld [tilespmem:$0x1F130];
	v40 =	vsel vm7, v13, v40  }
0x1fa: {  	v53 =	vimm.s32 $0x0;
	v52 =	vld [tilespmem:$0x1F3F0];
	vm1 =	vnez.u8 v46;
	vm0 =	vgt.f32 v10, v40  }
0x1fb: {  	[tilespmem:$0x1FBF0] =	vst v41;
	v41 =	vsel vm3, $0x2, v47;
	vm0 =	vmand vm1, vm0;
	vm1 =	vne.s32 v38, $0x18  }
0x1fc: {  	v55 =	vld [tilespmem:$0x1F150];
	vm3 =	vnez.u8 v54;
	vm2 =	vmand vm1, vm0;
	vm0 =	vnez.u8 v49  }
0x1fd: {  	v56 =	vld [tilespmem:$0x1F160];
	v42 =	vsel vm1, $0xFFFFFFFF, v48;
	v41 =	vsel vm0, $0x3, v41;
	vm0 =	vnez.u8 v50  }
0x1fe: {  	v57 =	vld [tilespmem:$0x1F170];
	vm1 =	vnez.u8 v51;
	v40 =	vsel vm2, v10, v40;
	v41 =	vsel vm0, $0x4, v41  }
0x1ff: {  	v58 =	vld [tilespmem:$0x1F400];
	vm0 =	vgt.f32 v11, v40;
	v41 =	vsel vm1, $0x5, v41;
	vm1 =	vnez.u8 v52  }
0x200: {  	vm1 =	vmand vm1, vm0;
	vm0 =	vne.s32 v38, $0x19;
	v41 =	vsel vm3, $0x6, v41  }
0x201: {  	v60 =	vld [tilespmem:$0x1F180];
	[tilespmem:$0x1FC40] =	vst v42;
	v42 =	vsel vm0, $0xFFFFFFFF, v53;
	vm3 =	vmand vm0, vm1;
	vm0 =	vnez.u8 v55  }
0x202: {  	v59 =	vimm.s32 $0x0;
	v61 =	vld [tilespmem:$0x1F190];
	v41 =	vsel vm0, $0x7, v41;
	vm0 =	vnez.u8 v56  }
0x203: {  	vm1 =	vnez.u8 v57;
	v40 =	vsel vm3, v11, v40;
	v41 =	vsel vm0, $0x8, v41  }
0x204: {  	v62 =	vld [tilespmem:$0x1F430];
	vm0 =	vgt.f32 v8, v40;
	v41 =	vsel vm1, $0x9, v41;
	vm1 =	vnez.u8 v58  }
0x205: {  	vm1 =	vmand vm1, vm0;
	vm0 =	vne.s32 v38, $0x1A;
	v41 =	vsel vm10, $0xA, v41  }
0x206: {  	[tilespmem:$0x1FC90] =	vst v42;
	v42 =	vsel vm0, $0xFFFFFFFF, v59;
	vm10 =	vmand vm0, vm1;
	vm0 =	vnez.u8 v60  }
0x207: {  	v41 =	vsel vm0, $0xB, v41;
	vm0 =	vnez.u8 v61  }
0x208: {  	v45 =	vld [tilespmem:$0x1F4A0];
	v40 =	vsel vm10, v8, v40;
	v41 =	vsel vm0, $0xC, v41  }
0x209: {  	vm0 =	vgt.f32 v9, v40;
	v41 =	vsel vm11, $0xD, v41;
	vm11 =	vnez.u8 v62  }
0x20a: {  	vm0 =	vmand vm11, vm0;
	vm11 =	vne.s32 v38, $0x1B  }
0x20b: {  	v46 =	vimm.s32 $0x0;
	v41 =	vsel vm13, $0xE, v41;
	vm0 =	vmand vm11, vm0  }
0x20c: {  	v63 =	vimm.s32 $0x0;
	v47 =	vld [tilespmem:$0x1F510];
	v41 =	vsel vm14, $0xF, v41;
	v40 =	vsel vm0, v9, v40  }
0x20d: {  	vm13 =	vnez.u8 v45;
	v41 =	vsel vm15, $0x10, v41;
	vm15 =	vgt.f32 v7, v40  }
0x20e: {  	v41 =	vsel vm9, $0x11, v41;
	vm14 =	vmand vm13, vm15;
	vm15 =	vne.s32 v38, $0x1C  }
0x20f: {  	v54 =	vimm.s32 $0x0;
	v41 =	vsel vm8, $0x12, v41;
	vm8 =	vmand vm15, vm14  }
0x210: {  	v49 =	vld [tilespmem:$0x1F520];
	[tilespmem:$0x1FCE0] =	vst v42;
	v42 =	vsel vm11, $0xFFFFFFFF, v63;
	v41 =	vsel vm12, $0x13, v41;
	v40 =	vsel vm8, v7, v40  }
0x211: {  	vm12 =	vnez.u8 v47;
	v41 =	vsel vm6, $0x14, v41;
	vm11 =	vgt.f32 v6, v40  }
0x212: {  	vm14 =	vne.s32 v38, $0x1D;
	v41 =	vsel vm5, $0x15, v41;
	vm13 =	vmand vm12, vm11  }
0x213: {  	[tilespmem:$0x1FD30] =	vst v42;
	v42 =	vsel vm15, $0xFFFFFFFF, v46;
	v41 =	vsel vm4, $0x16, v41;
	vm15 =	vmand vm14, vm13  }
0x214: {  	v48 =	vimm.s32 $0x0;
	v53 =	vld [tilespmem:$0x1F530];
	v41 =	vsel vm7, $0x17, v41;
	v40 =	vsel vm15, v6, v40  }
0x215: {  	vm7 =	vnez.u8 v49;
	v41 =	vsel vm2, $0x18, v41;
	vm6 =	vgt.f32 v5, v40  }
0x216: {  	vm9 =	vne.s32 v38, $0x1E;
	v41 =	vsel vm3, $0x19, v41;
	vm1 =	vmand vm7, vm6  }
0x217: {  	v50 =	vimm.s32 $0x0;
	v41 =	vsel vm10, $0x1A, v41;
	vm1 =	vmand vm9, vm1  }
0x218: {  	v56 =	vld [tilespmem:$0x1F1A0];
	[tilespmem:$0x1FD80] =	vst v42;
	v42 =	vsel vm14, $0xFFFFFFFF, v48;
	v51 =	vsel vm0, $0x1B, v41;
	v41 =	vsel vm1, v5, v40  }
0x219: {  	vm12 =	vnez.u8 v53;
	v52 =	vsel vm8, $0x1C, v51;
	vm11 =	vgt.f32 v4, v41  }
0x21a: {  	vm13 =	vne.s32 v38, $0x1F;
	v40 =	vsel vm15, $0x1D, v52;
	vm0 =	vmand vm12, vm11  }
0x21b: {  	v59 =	vld [tilespmem:$0x1F280];
	[tilespmem:$0x1FDD0] =	vst v42;
	v42 =	vsel vm9, $0xFFFFFFFF, v50;
	v40 =	vsel vm1, $0x1E, v40;
	vm0 =	vmand vm13, vm0  }
0x21c: {  	v55 =	vimm.s32 $0x0;
	v60 =	vld [tilespmem:$0x1F560];
	[tilespmem:$0x1FE90] =	vst v42;
	v42 =	vsel vm13, $0xFFFFFFFF, v54;
	v40 =	vsel vm0, $0x1F, v40  }
0x21d: {  	vm14 =	vnez.u8 v56;
	[tilespmem:$0x1FF60] =	vst v42;
	v42 =	vsel vm0, $0xFFFFFFFF, v55;
	vm0 =	vne.s32 v40, $0x1  }
0x21e: {  	vm14 =	vmand vm14, vm0  }
0x21f: {  	v57 =	vnsel vm14, $0xF149F2CA, v35  }
0x220: {  	v63 =	vld [tilespmem:$0x1F290];
	vm4 =	vnez.u8 v59;
	vm15 =	vgt.f32 v34, v57  }
0x221: {  	v45 =	vld [tilespmem:$0x1F5B0];
	vm5 =	vnez.u8 v60;
	vm0 =	vmand vm4, vm15  }
0x222: {  	v58 =	vimm.s32 $0x0;
	vm6 =	vne.s32 v40, $0x2;
	vm0 =	vmand vm5, vm0  }
0x223: {  	v61 =	vimm.s32 $0x0;
	[tilespmem:$0x1FEC0] =	vst v42;
	v43 =	vsel vm14, $0xFFFFFFFF, v58;
	vm0 =	vmand vm6, vm0  }
0x224: {  	v62 =	vimm.s32 $0x0;
	[tilespmem:$0x1F270] =	vst v43;
	v43 =	vsel vm6, $0xFFFFFFFF, v61;
	v42 =	vsel vm0, v34, v57  }
0x225: {  	v48 =	vld [tilespmem:$0x1F2A0];
	vm7 =	vnez.u8 v63;
	[tilespmem:$0x1F570] =	vst v43;
	v43 =	vsel vm0, $0xFFFFFFFF, v62;
	vm0 =	vgt.f32 v33, v42  }
0x226: {  	v49 =	vld [tilespmem:$0x1F600];
	vm8 =	vnez.u8 v45;
	vm0 =	vmand vm7, vm0  }
0x227: {  	vm9 =	vne.s32 v40, $0x3;
	vm0 =	vmand vm8, vm0  }
0x228: {  	v46 =	vimm.s32 $0x0;
	vm0 =	vmand vm9, vm0  }
0x229: {  	v47 =	vimm.s32 $0x0;
	[tilespmem:$0x1F1B0] =	vst v43;
	v43 =	vsel vm9, $0xFFFFFFFF, v46;
	v42 =	vsel vm0, v33, v42  }
0x22a: {  	vm10 =	vnez.u8 v48;
	v52 =	vld [tilespmem:$0x1F2B0];
	[tilespmem:$0x1F5C0] =	vst v43;
	v43 =	vsel vm0, $0xFFFFFFFF, v47;
	vm0 =	vgt.f32 v32, v42  }
0x22b: {  	v53 =	vld [tilespmem:$0x1F650];
	vm11 =	vnez.u8 v49;
	vm0 =	vmand vm10, vm0  }
0x22c: {  	vm12 =	vne.s32 v40, $0x4;
	vm0 =	vmand vm11, vm0  }
0x22d: {  	v50 =	vimm.s32 $0x0;
	vm0 =	vmand vm12, vm0  }
0x22e: {  	v51 =	vimm.s32 $0x0;
	[tilespmem:$0x1F1C0] =	vst v43;
	v43 =	vsel vm12, $0xFFFFFFFF, v50;
	v42 =	vsel vm0, v32, v42  }
0x22f: {  	v56 =	vld [tilespmem:$0x1F2C0];
	vm13 =	vnez.u8 v52;
	[tilespmem:$0x1F610] =	vst v43;
	v43 =	vsel vm0, $0xFFFFFFFF, v51;
	vm0 =	vgt.f32 v31, v42  }
0x230: {  	vm15 =	vnez.u8 v53;
	v57 =	vld [tilespmem:$0x1F6A0];
	vm0 =	vmand vm13, vm0  }
0x231: {  	vm4 =	vne.s32 v40, $0x5;
	vm0 =	vmand vm15, vm0  }
0x232: {  	v54 =	vimm.s32 $0x0;
	vm0 =	vmand vm4, vm0  }
0x233: {  	v55 =	vimm.s32 $0x0;
	[tilespmem:$0x1F1D0] =	vst v43;
	v43 =	vsel vm4, $0xFFFFFFFF, v54;
	v42 =	vsel vm0, v31, v42  }
0x234: {  	v60 =	vld [tilespmem:$0x1F2D0];
	vm5 =	vnez.u8 v56;
	[tilespmem:$0x1F660] =	vst v43;
	v43 =	vsel vm0, $0xFFFFFFFF, v55;
	vm0 =	vgt.f32 v30, v42  }
0x235: {  	v61 =	vld [tilespmem:$0x1F6F0];
	vm6 =	vnez.u8 v57;
	vm0 =	vmand vm5, vm0  }
0x236: {  	vm7 =	vne.s32 v40, $0x6;
	vm0 =	vmand vm6, vm0  }
0x237: {  	v58 =	vimm.s32 $0x0;
	vm0 =	vmand vm7, vm0  }
0x238: {  	v59 =	vimm.s32 $0x0;
	[tilespmem:$0x1F1E0] =	vst v43;
	v43 =	vsel vm7, $0xFFFFFFFF, v58;
	v42 =	vsel vm0, v30, v42  }
0x239: {  	v45 =	vld [tilespmem:$0x1F2E0];
	vm8 =	vnez.u8 v60;
	[tilespmem:$0x1F6B0] =	vst v43;
	v43 =	vsel vm0, $0xFFFFFFFF, v59;
	vm0 =	vgt.f32 v29, v42  }
0x23a: {  	v46 =	vld [tilespmem:$0x1F740];
	vm9 =	vnez.u8 v61;
	vm0 =	vmand vm8, vm0  }
0x23b: {  	vm10 =	vne.s32 v40, $0x7;
	vm0 =	vmand vm9, vm0  }
0x23c: {  	v62 =	vimm.s32 $0x0;
	vm0 =	vmand vm10, vm0  }
0x23d: {  	v63 =	vimm.s32 $0x0;
	[tilespmem:$0x1F1F0] =	vst v43;
	v43 =	vsel vm10, $0xFFFFFFFF, v62;
	v42 =	vsel vm0, v29, v42  }
0x23e: {  	v49 =	vld [tilespmem:$0x1F2F0];
	vm11 =	vnez.u8 v45;
	[tilespmem:$0x1F700] =	vst v43;
	v43 =	vsel vm0, $0xFFFFFFFF, v63;
	vm0 =	vgt.f32 v28, v42  }
0x23f: {  	v50 =	vld [tilespmem:$0x1F790];
	vm12 =	vnez.u8 v46;
	vm0 =	vmand vm11, vm0  }
0x240: {  	vm13 =	vne.s32 v40, $0x8;
	vm0 =	vmand vm12, vm0  }
0x241: {  	v47 =	vimm.s32 $0x0;
	vm0 =	vmand vm13, vm0  }
0x242: {  	v48 =	vimm.s32 $0x0;
	[tilespmem:$0x1F200] =	vst v43;
	v43 =	vsel vm13, $0xFFFFFFFF, v47;
	v42 =	vsel vm0, v28, v42  }
0x243: {  	v53 =	vld [tilespmem:$0x1F300];
	vm15 =	vnez.u8 v49;
	[tilespmem:$0x1F750] =	vst v43;
	v43 =	vsel vm0, $0xFFFFFFFF, v48;
	vm0 =	vgt.f32 v27, v42  }
0x244: {  	v54 =	vld [tilespmem:$0x1F7E0];
	vm4 =	vnez.u8 v50;
	vm0 =	vmand vm15, vm0  }
0x245: {  	vm5 =	vne.s32 v40, $0x9;
	vm0 =	vmand vm4, vm0  }
0x246: {  	v51 =	vimm.s32 $0x0;
	vm0 =	vmand vm5, vm0  }
0x247: {  	v52 =	vimm.s32 $0x0;
	[tilespmem:$0x1F210] =	vst v43;
	v43 =	vsel vm5, $0xFFFFFFFF, v51;
	v42 =	vsel vm0, v27, v42  }
0x248: {  	v57 =	vld [tilespmem:$0x1F310];
	vm6 =	vnez.u8 v53;
	[tilespmem:$0x1F7A0] =	vst v43;
	v43 =	vsel vm0, $0xFFFFFFFF, v52;
	vm0 =	vgt.f32 v26, v42  }
0x249: {  	v58 =	vld [tilespmem:$0x1F830];
	vm7 =	vnez.u8 v54;
	vm0 =	vmand vm6, vm0  }
0x24a: {  	vm8 =	vne.s32 v40, $0xA;
	vm0 =	vmand vm7, vm0  }
0x24b: {  	v55 =	vimm.s32 $0x0;
	vm0 =	vmand vm8, vm0  }
0x24c: {  	v56 =	vimm.s32 $0x0;
	[tilespmem:$0x1F220] =	vst v43;
	v43 =	vsel vm8, $0xFFFFFFFF, v55;
	v42 =	vsel vm0, v26, v42  }
0x24d: {  	v61 =	vld [tilespmem:$0x1F320];
	vm9 =	vnez.u8 v57;
	[tilespmem:$0x1F7F0] =	vst v43;
	v43 =	vsel vm0, $0xFFFFFFFF, v56;
	vm0 =	vgt.f32 v25, v42  }
0x24e: {  	v62 =	vld [tilespmem:$0x1F880];
	vm10 =	vnez.u8 v58;
	vm0 =	vmand vm9, vm0  }
0x24f: {  	vm11 =	vne.s32 v40, $0xB;
	vm0 =	vmand vm10, vm0  }
0x250: {  	v59 =	vimm.s32 $0x0;
	vm0 =	vmand vm11, vm0  }
0x251: {  	v60 =	vimm.s32 $0x0;
	[tilespmem:$0x1F230] =	vst v43;
	v43 =	vsel vm11, $0xFFFFFFFF, v59;
	v42 =	vsel vm0, v25, v42  }
0x252: {  	v46 =	vld [tilespmem:$0x1F330];
	vm12 =	vnez.u8 v61;
	[tilespmem:$0x1F840] =	vst v43;
	v43 =	vsel vm0, $0xFFFFFFFF, v60;
	vm0 =	vgt.f32 v24, v42  }
0x253: {  	v47 =	vld [tilespmem:$0x1F8D0];
	vm13 =	vnez.u8 v62;
	vm0 =	vmand vm12, vm0  }
0x254: {  	vm15 =	vne.s32 v40, $0xC;
	vm0 =	vmand vm13, vm0  }
0x255: {  	v63 =	vimm.s32 $0x0;
	vm0 =	vmand vm15, vm0  }
0x256: {  	v45 =	vimm.s32 $0x0;
	[tilespmem:$0x1F240] =	vst v43;
	v43 =	vsel vm15, $0xFFFFFFFF, v63;
	v42 =	vsel vm0, v24, v42  }
0x257: {  	v50 =	vld [tilespmem:$0x1F340];
	vm4 =	vnez.u8 v46;
	[tilespmem:$0x1F890] =	vst v43;
	v43 =	vsel vm0, $0xFFFFFFFF, v45;
	vm0 =	vgt.f32 v23, v42  }
0x258: {  	v51 =	vld [tilespmem:$0x1F920];
	vm5 =	vnez.u8 v47;
	vm0 =	vmand vm4, vm0  }
0x259: {  	vm6 =	vne.s32 v40, $0xD;
	vm0 =	vmand vm5, vm0  }
0x25a: {  	v48 =	vimm.s32 $0x0;
	vm0 =	vmand vm6, vm0  }
0x25b: {  	v49 =	vimm.s32 $0x0;
	[tilespmem:$0x1F250] =	vst v43;
	v43 =	vsel vm6, $0xFFFFFFFF, v48;
	v42 =	vsel vm0, v23, v42  }
0x25c: {  	v53 =	vld [tilespmem:$0x1F350];
	vm7 =	vnez.u8 v50;
	[tilespmem:$0x1F8E0] =	vst v43;
	v43 =	vsel vm0, $0xFFFFFFFF, v49;
	vm0 =	vgt.f32 v22, v42  }
0x25d: {  	v54 =	vld [tilespmem:$0x1F970];
	vm8 =	vnez.u8 v51;
	vm0 =	vmand vm7, vm0  }
0x25e: {  	vm9 =	vne.s32 v40, $0xE;
	vm0 =	vmand vm8, vm0  }
0x25f: {  	vm13 =	vmand vm9, vm0  }
0x260: {  	v42 =	vsel vm13, v22, v42  }
0x261: {  	v56 =	vld [tilespmem:$0x1F360];
	vm11 =	vnez.u8 v53;
	vm10 =	vgt.f32 v21, v42  }
0x262: {  	v57 =	vld [tilespmem:$0x1F9C0];
	vm12 =	vnez.u8 v54;
	vm0 =	vmand vm11, vm10  }
0x263: {  	vm15 =	vne.s32 v40, $0xF;
	vm0 =	vmand vm12, vm0  }
0x264: {  	vm12 =	vmand vm15, vm0  }
0x265: {  	v42 =	vsel vm12, v21, v42  }
0x266: {  	v59 =	vld [tilespmem:$0x1F370];
	vm5 =	vnez.u8 v56;
	vm4 =	vgt.f32 v20, v42  }
0x267: {  	v60 =	vld [tilespmem:$0x1FA10];
	vm6 =	vnez.u8 v57;
	vm0 =	vmand vm5, vm4  }
0x268: {  	vm7 =	vne.s32 v40, $0x10;
	vm0 =	vmand vm6, vm0  }
0x269: {  	vm11 =	vmand vm7, vm0  }
0x26a: {  	v52 =	vimm.s32 $0x0;
	v42 =	vsel vm11, v20, v42  }
0x26b: {  	v62 =	vld [tilespmem:$0x1F380];
	[tilespmem:$0x1F260] =	vst v43;
	v43 =	vsel vm9, $0xFFFFFFFF, v52;
	vm9 =	vnez.u8 v59;
	vm8 =	vgt.f32 v19, v42  }
0x26c: {  	v55 =	vimm.s32 $0x0;
	v63 =	vld [tilespmem:$0x1FA60];
	vm10 =	vnez.u8 v60;
	vm0 =	vmand vm9, vm8  }
0x26d: {  	[tilespmem:$0x1F930] =	vst v43;
	v43 =	vsel vm15, $0xFFFFFFFF, v55;
	vm15 =	vne.s32 v40, $0x11;
	vm0 =	vmand vm10, vm0  }
0x26e: {  	vm10 =	vmand vm15, vm0  }
0x26f: {  	v42 =	vsel vm10, v19, v42  }
0x270: {  	v46 =	vld [tilespmem:$0x1F390];
	vm5 =	vnez.u8 v62;
	vm4 =	vgt.f32 v17, v42  }
0x271: {  	v58 =	vimm.s32 $0x0;
	v47 =	vld [tilespmem:$0x1FAB0];
	vm6 =	vnez.u8 v63;
	vm0 =	vmand vm5, vm4  }
0x272: {  	[tilespmem:$0x1F980] =	vst v43;
	v43 =	vsel vm7, $0xFFFFFFFF, v58;
	vm7 =	vne.s32 v40, $0x12;
	vm0 =	vmand vm6, vm0  }
0x273: {  	vm9 =	vmand vm7, vm0  }
0x274: {  	v61 =	vimm.s32 $0x0;
	v42 =	vsel vm9, v17, v42  }
0x275: {  	v49 =	vld [tilespmem:$0x1F3A0];
	[tilespmem:$0x1F9D0] =	vst v43;
	v43 =	vsel vm15, $0xFFFFFFFF, v61;
	vm15 =	vnez.u8 v46;
	vm8 =	vgt.f32 v18, v42  }
0x276: {  	v50 =	vld [tilespmem:$0x1FB00];
	vm4 =	vnez.u8 v47;
	vm0 =	vmand vm15, vm8  }
0x277: {  	vm5 =	vne.s32 v40, $0x13;
	vm0 =	vmand vm4, vm0  }
0x278: {  	vm8 =	vmand vm5, vm0  }
0x279: {  	v45 =	vimm.s32 $0x0;
	v42 =	vsel vm8, v18, v42  }
0x27a: {  	v52 =	vld [tilespmem:$0x1F3B0];
	[tilespmem:$0x1FA20] =	vst v43;
	v43 =	vsel vm7, $0xFFFFFFFF, v45;
	vm7 =	vnez.u8 v49;
	vm6 =	vgt.f32 v14, v42  }
0x27b: {  	v53 =	vld [tilespmem:$0x1FB50];
	vm15 =	vnez.u8 v50;
	vm0 =	vmand vm7, vm6  }
0x27c: {  	vm4 =	vne.s32 v40, $0x14;
	vm0 =	vmand vm15, vm0  }
0x27d: {  	vm7 =	vmand vm4, vm0  }
0x27e: {  	v48 =	vimm.s32 $0x0;
	v42 =	vsel vm7, v14, v42  }
0x27f: {  	v55 =	vld [tilespmem:$0x1F3C0];
	[tilespmem:$0x1FA70] =	vst v43;
	v43 =	vsel vm5, $0xFFFFFFFF, v48;
	vm6 =	vnez.u8 v52;
	vm5 =	vgt.f32 v15, v42  }
0x280: {  	v51 =	vimm.s32 $0x0;
	v56 =	vld [tilespmem:$0x1FBA0];
	vm15 =	vnez.u8 v53;
	vm0 =	vmand vm6, vm5  }
0x281: {  	[tilespmem:$0x1FAC0] =	vst v43;
	v43 =	vsel vm4, $0xFFFFFFFF, v51;
	vm4 =	vne.s32 v40, $0x15;
	vm0 =	vmand vm15, vm0  }
0x282: {  	vm6 =	vmand vm4, vm0  }
0x283: {  	v42 =	vsel vm6, v15, v42  }
0x284: {  	v54 =	vimm.s32 $0x0;
	v58 =	vld [tilespmem:$0x1F3D0];
	vm15 =	vnez.u8 v55;
	vm5 =	vgt.f32 v12, v42  }
0x285: {  	v59 =	vld [tilespmem:$0x1FBF0];
	[tilespmem:$0x1FB10] =	vst v43;
	v43 =	vsel vm4, $0xFFFFFFFF, v54;
	vm4 =	vnez.u8 v56;
	vm0 =	vmand vm15, vm5  }
0x286: {  	v57 =	vimm.s32 $0x0;
	vm5 =	vne.s32 v40, $0x16;
	vm0 =	vmand vm4, vm0  }
0x287: {  	[tilespmem:$0x1FB60] =	vst v43;
	v43 =	vsel vm5, $0xFFFFFFFF, v57;
	vm5 =	vmand vm5, vm0  }
0x288: {  	v42 =	vsel vm5, v12, v42  }
0x289: {  	v61 =	vld [tilespmem:$0x1F3E0];
	vm4 =	vnez.u8 v58;
	vm15 =	vgt.f32 v13, v42  }
0x28a: {  	v62 =	vld [tilespmem:$0x1FC40];
	vm0 =	vmand vm4, vm15;
	vm15 =	vnez.u8 v59  }
0x28b: {  	v60 =	vimm.s32 $0x0;
	vm4 =	vne.s32 v40, $0x17;
	vm0 =	vmand vm15, vm0  }
0x28c: {  	[tilespmem:$0x1FBB0] =	vst v43;
	v43 =	vsel vm4, $0xFFFFFFFF, v60;
	vm4 =	vmand vm4, vm0  }
0x28d: {  	v45 =	vld [tilespmem:$0x1F3F0];
	v42 =	vsel vm4, v13, v42  }
0x28e: {  	v46 =	vld [tilespmem:$0x1FC90];
	vm15 =	vnez.u8 v61;
	vm0 =	vgt.f32 v10, v42  }
0x28f: {  	v49 =	vld [tilespmem:$0x1F1B0];
	vm0 =	vmand vm15, vm0;
	vm15 =	vnez.u8 v62  }
0x290: {  	v50 =	vld [tilespmem:$0x1F1C0];
	vm0 =	vmand vm15, vm0;
	vm15 =	vne.s32 v40, $0x18  }
0x291: {  	vm1 =	vne.s32 v40, $0x1A;
	v51 =	vld [tilespmem:$0x1F400];
	vm3 =	vmand vm15, vm0  }
0x292: {  	v63 =	vimm.s32 $0x0;
	v47 =	vimm.s32 $0x0;
	v52 =	vld [tilespmem:$0x1F1D0];
	v42 =	vsel vm3, v10, v42  }
0x293: {  	v53 =	vld [tilespmem:$0x1FCE0];
	[tilespmem:$0x1FC00] =	vst v43;
	v43 =	vsel vm15, $0xFFFFFFFF, v63;
	vm15 =	vnez.u8 v45;
	vm0 =	vgt.f32 v11, v42  }
0x294: {  	v48 =	vsel vm14, $0x1, v0;
	v55 =	vld [tilespmem:$0x1F1E0];
	vm0 =	vmand vm15, vm0;
	vm15 =	vnez.u8 v46  }
0x295: {  	vm14 =	vnez.u8 v49;
	v56 =	vld [tilespmem:$0x1F1F0];
	vm0 =	vmand vm15, vm0;
	vm15 =	vne.s32 v40, $0x19  }
0x296: {  	v54 =	vimm.s32 $0x0;
	v57 =	vld [tilespmem:$0x1F200];
	[tilespmem:$0x1FC50] =	vst v43;
	v43 =	vsel vm15, $0xFFFFFFFF, v47;
	vm2 =	vmand vm15, vm0  }
0x297: {  	v58 =	vld [tilespmem:$0x1F210];
	vm15 =	vnez.u8 v50;
	[tilespmem:$0x1FCA0] =	vst v43;
	v42 =	vsel vm2, v11, v42;
	v43 =	vsel vm14, $0x2, v48  }
0x298: {  	v59 =	vld [tilespmem:$0x1F430];
	vm14 =	vnez.u8 v51;
	vm0 =	vgt.f32 v8, v42;
	v43 =	vsel vm15, $0x3, v43  }
0x299: {  	v60 =	vld [tilespmem:$0x1F220];
	vm15 =	vnez.u8 v52;
	vm0 =	vmand vm14, vm0;
	vm14 =	vnez.u8 v53  }
0x29a: {  	v61 =	vld [tilespmem:$0x1FD30];
	v43 =	vsel vm15, $0x4, v43;
	vm0 =	vmand vm14, vm0;
	vm14 =	vnez.u8 v55  }
0x29b: {  	v44 =	vsel vm1, $0xFFFFFFFF, v54;
	v63 =	vld [tilespmem:$0x1F230];
	vm15 =	vnez.u8 v56;
	v43 =	vsel vm14, $0x5, v43  }
0x29c: {  	vm1 =	vmand vm1, vm0;
	vm14 =	vnez.u8 v57;
	v43 =	vsel vm15, $0x6, v43  }
0x29d: {  	v48 =	vld [tilespmem:$0x1F240];
	v42 =	vsel vm1, v8, v42;
	v43 =	vsel vm14, $0x7, v43;
	vm14 =	vnez.u8 v58  }
0x29e: {  	v49 =	vld [tilespmem:$0x1F250];
	vm0 =	vgt.f32 v9, v42;
	v43 =	vsel vm14, $0x8, v43;
	vm14 =	vnez.u8 v59  }
0x29f: {  	v62 =	vimm.s32 $0x0;
	v50 =	vld [tilespmem:$0x1F260];
	vm0 =	vmand vm14, vm0;
	vm14 =	vnez.u8 v60  }
0x2a0: {  	v51 =	vld [tilespmem:$0x1F4A0];
	vm15 =	vnez.u8 v63;
	v43 =	vsel vm14, $0x9, v43;
	vm14 =	vnez.u8 v61  }
0x2a1: {  	v52 =	vld [tilespmem:$0x1FD80];
	vm0 =	vmand vm14, vm0;
	vm14 =	vne.s32 v40, $0x1B;
	v43 =	vsel vm15, $0xA, v43  }
0x2a2: {  	[tilespmem:$0x1FCF0] =	vst v44;
	v44 =	vsel vm14, $0xFFFFFFFF, v62;
	vm0 =	vmand vm14, vm0;
	vm14 =	vnez.u8 v48  }
0x2a3: {  	v43 =	vsel vm14, $0xB, v43;
	vm14 =	vnez.u8 v49  }
0x2a4: {  	vm15 =	vnez.u8 v50;
	v42 =	vsel vm0, v9, v42;
	v43 =	vsel vm14, $0xC, v43  }
0x2a5: {  	v54 =	vld [tilespmem:$0x1F510];
	vm14 =	vgt.f32 v7, v42;
	v43 =	vsel vm15, $0xD, v43;
	vm15 =	vnez.u8 v51  }
0x2a6: {  	v55 =	vld [tilespmem:$0x1FDD0];
	vm14 =	vmand vm15, vm14;
	v43 =	vsel vm13, $0xE, v43;
	vm13 =	vnez.u8 v52  }
0x2a7: {  	vm13 =	vmand vm13, vm14;
	vm14 =	vne.s32 v40, $0x1C  }
0x2a8: {  	v53 =	vimm.s32 $0x0;
	v43 =	vsel vm12, $0xF, v43;
	vm12 =	vmand vm14, vm13  }
0x2a9: {  	[tilespmem:$0x1FD40] =	vst v44;
	v44 =	vsel vm14, $0xFFFFFFFF, v53;
	v43 =	vsel vm11, $0x10, v43;
	v42 =	vsel vm12, v7, v42  }
0x2aa: {  	v57 =	vld [tilespmem:$0x1F520];
	vm13 =	vnez.u8 v54;
	v43 =	vsel vm10, $0x11, v43;
	vm15 =	vgt.f32 v6, v42  }
0x2ab: {  	v58 =	vld [tilespmem:$0x1FE90];
	vm14 =	vnez.u8 v55;
	v43 =	vsel vm9, $0x12, v43;
	vm9 =	vmand vm13, vm15  }
0x2ac: {  	v43 =	vsel vm8, $0x13, v43;
	vm15 =	vne.s32 v40, $0x1D;
	vm8 =	vmand vm14, vm9  }
0x2ad: {  	v56 =	vimm.s32 $0x0;
	v43 =	vsel vm7, $0x14, v43;
	vm13 =	vmand vm15, vm8  }
0x2ae: {  	[tilespmem:$0x1FD90] =	vst v44;
	v44 =	vsel vm15, $0xFFFFFFFF, v56;
	v43 =	vsel vm6, $0x15, v43;
	v42 =	vsel vm13, v6, v42  }
0x2af: {  	v62 =	vld [tilespmem:$0x1F530];
	vm15 =	vnez.u8 v57;
	v43 =	vsel vm5, $0x16, v43;
	vm14 =	vgt.f32 v5, v42  }
0x2b0: {  	v63 =	vld [tilespmem:$0x1FF60];
	vm6 =	vnez.u8 v58;
	v43 =	vsel vm4, $0x17, v43;
	vm4 =	vmand vm15, vm14  }
0x2b1: {  	vm8 =	vne.s32 v40, $0x1E;
	v43 =	vsel vm3, $0x18, v43;
	vm3 =	vmand vm6, vm4  }
0x2b2: {  	v59 =	vimm.s32 $0x0;
	v43 =	vsel vm2, $0x19, v43;
	vm9 =	vmand vm8, vm3  }
0x2b3: {  	v48 =	vimm.s32 $0x0;
	v60 =	vsel vm1, $0x1A, v43;
	v43 =	vsel vm9, v5, v42  }
0x2b4: {  	v50 =	vld [tilespmem:$0x1F270];
	vm11 =	vnez.u8 v62;
	v61 =	vsel vm0, $0x1B, v60;
	vm10 =	vgt.f32 v4, v43  }
0x2b5: {  	v42 =	vsel vm12, $0x1C, v61;
	vm12 =	vnez.u8 v63;
	vm0 =	vmand vm11, vm10  }
0x2b6: {  	v42 =	vsel vm13, $0x1D, v42;
	vm13 =	vne.s32 v40, $0x1F;
	vm0 =	vmand vm12, vm0  }
0x2b7: {  	v45 =	vld [tilespmem:$0x1F280];
	[tilespmem:$0x1FDE0] =	vst v44;
	v44 =	vsel vm8, $0xFFFFFFFF, v59;
	v42 =	vsel vm9, $0x1E, v42;
	vm0 =	vmand vm13, vm0  }
0x2b8: {  	v49 =	vimm.s32 $0x0;
	v52 =	vld [tilespmem:$0x1F560];
	[tilespmem:$0x1FEB0] =	vst v44;
	v44 =	vsel vm13, $0xFFFFFFFF, v48;
	v42 =	vsel vm0, $0x1F, v42  }
0x2b9: {  	v53 =	vld [tilespmem:$0x1F570];
	vm14 =	vnez.u8 v50;
	[tilespmem:$0x1FF90] =	vst v44;
	v44 =	vsel vm0, $0xFFFFFFFF, v49;
	vm0 =	vne.s32 v42, $0x1  }
0x2ba: {  	vm9 =	vmand vm14, vm0  }
0x2bb: {  	v51 =	vnsel vm9, $0xF149F2CA, v35  }
0x2bc: {  	vm4 =	vnez.u8 v45;
	vm15 =	vgt.f32 v34, v51  }
0x2bd: {  	v56 =	vld [tilespmem:$0x1F290];
	vm5 =	vnez.u8 v52;
	vm0 =	vmand vm4, vm15  }
0x2be: {  	v57 =	vld [tilespmem:$0x1F5B0];
	vm6 =	vnez.u8 v53;
	vm0 =	vmand vm5, vm0  }
0x2bf: {  	v58 =	vld [tilespmem:$0x1F5C0];
	vm7 =	vne.s32 v42, $0x2;
	vm0 =	vmand vm6, vm0  }
0x2c0: {  	v54 =	vimm.s32 $0x0;
	vm0 =	vmand vm7, vm0  }
0x2c1: {  	v55 =	vimm.s32 $0x0;
	[tilespmem:$0x1FF20] =	vst v44;
	v45 =	vsel vm7, $0xFFFFFFFF, v54;
	v44 =	vsel vm0, v34, v51  }
0x2c2: {  	vm8 =	vnez.u8 v56;
	[tilespmem:$0x1F580] =	vst v45;
	v45 =	vsel vm0, $0xFFFFFFFF, v55;
	vm0 =	vgt.f32 v33, v44  }
0x2c3: {  	v61 =	vld [tilespmem:$0x1F2A0];
	vm10 =	vnez.u8 v57;
	vm0 =	vmand vm8, vm0  }
0x2c4: {  	v62 =	vld [tilespmem:$0x1F600];
	vm11 =	vnez.u8 v58;
	vm0 =	vmand vm10, vm0  }
0x2c5: {  	v63 =	vld [tilespmem:$0x1F610];
	vm12 =	vne.s32 v42, $0x3;
	vm0 =	vmand vm11, vm0  }
0x2c6: {  	v59 =	vimm.s32 $0x0;
	vm0 =	vmand vm12, vm0  }
0x2c7: {  	v60 =	vimm.s32 $0x0;
	[tilespmem:$0x1F410] =	vst v45;
	v45 =	vsel vm12, $0xFFFFFFFF, v59;
	v44 =	vsel vm0, v33, v44  }
0x2c8: {  	vm13 =	vnez.u8 v61;
	[tilespmem:$0x1F5D0] =	vst v45;
	v45 =	vsel vm0, $0xFFFFFFFF, v60;
	vm0 =	vgt.f32 v32, v44  }
0x2c9: {  	v50 =	vld [tilespmem:$0x1F2B0];
	vm14 =	vnez.u8 v62;
	vm0 =	vmand vm13, vm0  }
0x2ca: {  	vm15 =	vnez.u8 v63;
	v51 =	vld [tilespmem:$0x1F650];
	vm0 =	vmand vm14, vm0  }
0x2cb: {  	v52 =	vld [tilespmem:$0x1F660];
	vm4 =	vne.s32 v42, $0x4;
	vm0 =	vmand vm15, vm0  }
0x2cc: {  	v48 =	vimm.s32 $0x0;
	vm0 =	vmand vm4, vm0  }
0x2cd: {  	v49 =	vimm.s32 $0x0;
	[tilespmem:$0x1F420] =	vst v45;
	v45 =	vsel vm4, $0xFFFFFFFF, v48;
	v44 =	vsel vm0, v32, v44  }
0x2ce: {  	vm5 =	vnez.u8 v50;
	[tilespmem:$0x1F620] =	vst v45;
	v45 =	vsel vm0, $0xFFFFFFFF, v49;
	vm0 =	vgt.f32 v31, v44  }
0x2cf: {  	v55 =	vld [tilespmem:$0x1F2C0];
	vm6 =	vnez.u8 v51;
	vm0 =	vmand vm5, vm0  }
0x2d0: {  	v56 =	vld [tilespmem:$0x1F6A0];
	vm7 =	vnez.u8 v52;
	vm0 =	vmand vm6, vm0  }
0x2d1: {  	v57 =	vld [tilespmem:$0x1F6B0];
	vm8 =	vne.s32 v42, $0x5;
	vm0 =	vmand vm7, vm0  }
0x2d2: {  	v53 =	vimm.s32 $0x0;
	vm0 =	vmand vm8, vm0  }
0x2d3: {  	v54 =	vimm.s32 $0x0;
	[tilespmem:$0x1F440] =	vst v45;
	v45 =	vsel vm8, $0xFFFFFFFF, v53;
	v44 =	vsel vm0, v31, v44  }
0x2d4: {  	vm10 =	vnez.u8 v55;
	[tilespmem:$0x1F670] =	vst v45;
	v45 =	vsel vm0, $0xFFFFFFFF, v54;
	vm0 =	vgt.f32 v30, v44  }
0x2d5: {  	vm11 =	vnez.u8 v56;
	v60 =	vld [tilespmem:$0x1F2D0];
	vm0 =	vmand vm10, vm0  }
0x2d6: {  	v61 =	vld [tilespmem:$0x1F6F0];
	vm12 =	vnez.u8 v57;
	vm0 =	vmand vm11, vm0  }
0x2d7: {  	v62 =	vld [tilespmem:$0x1F700];
	vm13 =	vne.s32 v42, $0x6;
	vm0 =	vmand vm12, vm0  }
0x2d8: {  	v58 =	vimm.s32 $0x0;
	vm0 =	vmand vm13, vm0  }
0x2d9: {  	v59 =	vimm.s32 $0x0;
	[tilespmem:$0x1F450] =	vst v45;
	v45 =	vsel vm13, $0xFFFFFFFF, v58;
	v44 =	vsel vm0, v30, v44  }
0x2da: {  	vm14 =	vnez.u8 v60;
	[tilespmem:$0x1F6C0] =	vst v45;
	v45 =	vsel vm0, $0xFFFFFFFF, v59;
	vm0 =	vgt.f32 v29, v44  }
0x2db: {  	vm15 =	vnez.u8 v61;
	v49 =	vld [tilespmem:$0x1F2E0];
	vm0 =	vmand vm14, vm0  }
0x2dc: {  	v50 =	vld [tilespmem:$0x1F740];
	vm4 =	vnez.u8 v62;
	vm0 =	vmand vm15, vm0  }
0x2dd: {  	v51 =	vld [tilespmem:$0x1F750];
	vm5 =	vne.s32 v42, $0x7;
	vm0 =	vmand vm4, vm0  }
0x2de: {  	v63 =	vimm.s32 $0x0;
	vm0 =	vmand vm5, vm0  }
0x2df: {  	v48 =	vimm.s32 $0x0;
	[tilespmem:$0x1F460] =	vst v45;
	v45 =	vsel vm5, $0xFFFFFFFF, v63;
	v44 =	vsel vm0, v29, v44  }
0x2e0: {  	vm6 =	vnez.u8 v49;
	[tilespmem:$0x1F710] =	vst v45;
	v45 =	vsel vm0, $0xFFFFFFFF, v48;
	vm0 =	vgt.f32 v28, v44  }
0x2e1: {  	vm7 =	vnez.u8 v50;
	v54 =	vld [tilespmem:$0x1F2F0];
	vm0 =	vmand vm6, vm0  }
0x2e2: {  	v55 =	vld [tilespmem:$0x1F790];
	vm8 =	vnez.u8 v51;
	vm0 =	vmand vm7, vm0  }
0x2e3: {  	v56 =	vld [tilespmem:$0x1F7A0];
	vm10 =	vne.s32 v42, $0x8;
	vm0 =	vmand vm8, vm0  }
0x2e4: {  	v52 =	vimm.s32 $0x0;
	vm0 =	vmand vm10, vm0  }
0x2e5: {  	v53 =	vimm.s32 $0x0;
	[tilespmem:$0x1F470] =	vst v45;
	v45 =	vsel vm10, $0xFFFFFFFF, v52;
	v44 =	vsel vm0, v28, v44  }
0x2e6: {  	vm11 =	vnez.u8 v54;
	[tilespmem:$0x1F760] =	vst v45;
	v45 =	vsel vm0, $0xFFFFFFFF, v53;
	vm0 =	vgt.f32 v27, v44  }
0x2e7: {  	vm12 =	vnez.u8 v55;
	v59 =	vld [tilespmem:$0x1F300];
	vm0 =	vmand vm11, vm0  }
0x2e8: {  	v60 =	vld [tilespmem:$0x1F7E0];
	vm13 =	vnez.u8 v56;
	vm0 =	vmand vm12, vm0  }
0x2e9: {  	v61 =	vld [tilespmem:$0x1F7F0];
	vm14 =	vne.s32 v42, $0x9;
	vm0 =	vmand vm13, vm0  }
0x2ea: {  	v57 =	vimm.s32 $0x0;
	vm0 =	vmand vm14, vm0  }
0x2eb: {  	v58 =	vimm.s32 $0x0;
	[tilespmem:$0x1F480] =	vst v45;
	v45 =	vsel vm14, $0xFFFFFFFF, v57;
	v44 =	vsel vm0, v27, v44  }
0x2ec: {  	vm15 =	vnez.u8 v59;
	[tilespmem:$0x1F7B0] =	vst v45;
	v45 =	vsel vm0, $0xFFFFFFFF, v58;
	vm0 =	vgt.f32 v26, v44  }
0x2ed: {  	vm4 =	vnez.u8 v60;
	v48 =	vld [tilespmem:$0x1F310];
	vm0 =	vmand vm15, vm0  }
0x2ee: {  	v49 =	vld [tilespmem:$0x1F830];
	vm5 =	vnez.u8 v61;
	vm0 =	vmand vm4, vm0  }
0x2ef: {  	v50 =	vld [tilespmem:$0x1F840];
	vm6 =	vne.s32 v42, $0xA;
	vm0 =	vmand vm5, vm0  }
0x2f0: {  	v62 =	vimm.s32 $0x0;
	vm0 =	vmand vm6, vm0  }
0x2f1: {  	v63 =	vimm.s32 $0x0;
	[tilespmem:$0x1F490] =	vst v45;
	v45 =	vsel vm6, $0xFFFFFFFF, v62;
	v44 =	vsel vm0, v26, v44  }
0x2f2: {  	vm7 =	vnez.u8 v48;
	[tilespmem:$0x1F800] =	vst v45;
	v45 =	vsel vm0, $0xFFFFFFFF, v63;
	vm0 =	vgt.f32 v25, v44  }
0x2f3: {  	vm8 =	vnez.u8 v49;
	v53 =	vld [tilespmem:$0x1F320];
	vm0 =	vmand vm7, vm0  }
0x2f4: {  	v54 =	vld [tilespmem:$0x1F880];
	vm10 =	vnez.u8 v50;
	vm0 =	vmand vm8, vm0  }
0x2f5: {  	v55 =	vld [tilespmem:$0x1F890];
	vm11 =	vne.s32 v42, $0xB;
	vm0 =	vmand vm10, vm0  }
0x2f6: {  	v51 =	vimm.s32 $0x0;
	vm0 =	vmand vm11, vm0  }
0x2f7: {  	v52 =	vimm.s32 $0x0;
	[tilespmem:$0x1F4B0] =	vst v45;
	v45 =	vsel vm11, $0xFFFFFFFF, v51;
	v44 =	vsel vm0, v25, v44  }
0x2f8: {  	vm12 =	vnez.u8 v53;
	[tilespmem:$0x1F850] =	vst v45;
	v45 =	vsel vm0, $0xFFFFFFFF, v52;
	vm0 =	vgt.f32 v24, v44  }
0x2f9: {  	vm13 =	vnez.u8 v54;
	v58 =	vld [tilespmem:$0x1F330];
	vm0 =	vmand vm12, vm0  }
0x2fa: {  	v59 =	vld [tilespmem:$0x1F8D0];
	vm14 =	vnez.u8 v55;
	vm0 =	vmand vm13, vm0  }
0x2fb: {  	v60 =	vld [tilespmem:$0x1F8E0];
	vm15 =	vne.s32 v42, $0xC;
	vm0 =	vmand vm14, vm0  }
0x2fc: {  	v56 =	vimm.s32 $0x0;
	vm0 =	vmand vm15, vm0  }
0x2fd: {  	v57 =	vimm.s32 $0x0;
	[tilespmem:$0x1F4C0] =	vst v45;
	v45 =	vsel vm15, $0xFFFFFFFF, v56;
	v44 =	vsel vm0, v24, v44  }
0x2fe: {  	vm4 =	vnez.u8 v58;
	[tilespmem:$0x1F8A0] =	vst v45;
	v45 =	vsel vm0, $0xFFFFFFFF, v57;
	vm0 =	vgt.f32 v23, v44  }
0x2ff: {  	vm5 =	vnez.u8 v59;
	v63 =	vld [tilespmem:$0x1F340];
	vm0 =	vmand vm4, vm0  }
0x300: {  	v48 =	vld [tilespmem:$0x1F920];
	vm6 =	vnez.u8 v60;
	vm0 =	vmand vm5, vm0  }
0x301: {  	v49 =	vld [tilespmem:$0x1F930];
	vm7 =	vne.s32 v42, $0xD;
	vm0 =	vmand vm6, vm0  }
0x302: {  	v61 =	vimm.s32 $0x0;
	vm0 =	vmand vm7, vm0  }
0x303: {  	v62 =	vimm.s32 $0x0;
	[tilespmem:$0x1F4D0] =	vst v45;
	v45 =	vsel vm7, $0xFFFFFFFF, v61;
	v44 =	vsel vm0, v23, v44  }
0x304: {  	vm8 =	vnez.u8 v63;
	[tilespmem:$0x1F8F0] =	vst v45;
	v45 =	vsel vm0, $0xFFFFFFFF, v62;
	vm0 =	vgt.f32 v22, v44  }
0x305: {  	vm10 =	vnez.u8 v48;
	v52 =	vld [tilespmem:$0x1F350];
	vm0 =	vmand vm8, vm0  }
0x306: {  	v53 =	vld [tilespmem:$0x1F970];
	vm11 =	vnez.u8 v49;
	vm0 =	vmand vm10, vm0  }
0x307: {  	v54 =	vld [tilespmem:$0x1F980];
	vm12 =	vne.s32 v42, $0xE;
	vm0 =	vmand vm11, vm0  }
0x308: {  	v50 =	vimm.s32 $0x0;
	vm0 =	vmand vm12, vm0  }
0x309: {  	v51 =	vimm.s32 $0x0;
	[tilespmem:$0x1F4E0] =	vst v45;
	v45 =	vsel vm12, $0xFFFFFFFF, v50;
	v44 =	vsel vm0, v22, v44  }
0x30a: {  	vm13 =	vnez.u8 v52;
	[tilespmem:$0x1F940] =	vst v45;
	v45 =	vsel vm0, $0xFFFFFFFF, v51;
	vm0 =	vgt.f32 v21, v44  }
0x30b: {  	vm14 =	vnez.u8 v53;
	v57 =	vld [tilespmem:$0x1F360];
	vm0 =	vmand vm13, vm0  }
0x30c: {  	v58 =	vld [tilespmem:$0x1F9C0];
	vm15 =	vnez.u8 v54;
	vm0 =	vmand vm14, vm0  }
0x30d: {  	v59 =	vld [tilespmem:$0x1F9D0];
	vm4 =	vne.s32 v42, $0xF;
	vm0 =	vmand vm15, vm0  }
0x30e: {  	v55 =	vimm.s32 $0x0;
	vm0 =	vmand vm4, vm0  }
0x30f: {  	v56 =	vimm.s32 $0x0;
	[tilespmem:$0x1F4F0] =	vst v45;
	v45 =	vsel vm4, $0xFFFFFFFF, v55;
	v44 =	vsel vm0, v21, v44  }
0x310: {  	vm5 =	vnez.u8 v57;
	[tilespmem:$0x1F990] =	vst v45;
	v45 =	vsel vm0, $0xFFFFFFFF, v56;
	vm0 =	vgt.f32 v20, v44  }
0x311: {  	v61 =	vld [tilespmem:$0x1F370];
	vm6 =	vnez.u8 v58;
	vm0 =	vmand vm5, vm0  }
0x312: {  	vm7 =	vnez.u8 v59;
	v62 =	vld [tilespmem:$0x1FA10];
	vm0 =	vmand vm6, vm0  }
0x313: {  	v63 =	vld [tilespmem:$0x1FA20];
	vm8 =	vne.s32 v42, $0x10;
	vm0 =	vmand vm7, vm0  }
0x314: {  	vm12 =	vmand vm8, vm0  }
0x315: {  	v44 =	vsel vm12, v20, v44  }
0x316: {  	vm11 =	vnez.u8 v61;
	vm10 =	vgt.f32 v19, v44  }
0x317: {  	v49 =	vld [tilespmem:$0x1F380];
	vm13 =	vnez.u8 v62;
	vm0 =	vmand vm11, vm10  }
0x318: {  	v50 =	vld [tilespmem:$0x1FA60];
	vm14 =	vnez.u8 v63;
	vm0 =	vmand vm13, vm0  }
0x319: {  	v51 =	vld [tilespmem:$0x1FA70];
	vm15 =	vne.s32 v42, $0x11;
	vm0 =	vmand vm14, vm0  }
0x31a: {  	vm11 =	vmand vm15, vm0  }
0x31b: {  	v44 =	vsel vm11, v19, v44  }
0x31c: {  	vm5 =	vnez.u8 v49;
	vm4 =	vgt.f32 v17, v44  }
0x31d: {  	v53 =	vld [tilespmem:$0x1F390];
	vm6 =	vnez.u8 v50;
	vm0 =	vmand vm5, vm4  }
0x31e: {  	v60 =	vimm.s32 $0x0;
	v54 =	vld [tilespmem:$0x1FAB0];
	vm7 =	vnez.u8 v51;
	vm0 =	vmand vm6, vm0  }
0x31f: {  	v55 =	vld [tilespmem:$0x1FAC0];
	[tilespmem:$0x1F500] =	vst v45;
	v45 =	vsel vm8, $0xFFFFFFFF, v60;
	vm8 =	vne.s32 v42, $0x12;
	vm0 =	vmand vm7, vm0  }
0x320: {  	vm14 =	vmand vm8, vm0  }
0x321: {  	v44 =	vsel vm14, v17, v44  }
0x322: {  	v48 =	vimm.s32 $0x0;
	vm13 =	vnez.u8 v53;
	vm10 =	vgt.f32 v18, v44  }
0x323: {  	v57 =	vld [tilespmem:$0x1F3A0];
	[tilespmem:$0x1F9E0] =	vst v45;
	v45 =	vsel vm15, $0xFFFFFFFF, v48;
	vm15 =	vnez.u8 v54;
	vm0 =	vmand vm13, vm10  }
0x324: {  	v58 =	vld [tilespmem:$0x1FB00];
	vm4 =	vnez.u8 v55;
	vm0 =	vmand vm15, vm0  }
0x325: {  	v59 =	vld [tilespmem:$0x1FB10];
	vm5 =	vne.s32 v42, $0x13;
	vm0 =	vmand vm4, vm0  }
0x326: {  	vm10 =	vmand vm5, vm0  }
0x327: {  	v44 =	vsel vm10, v18, v44  }
0x328: {  	v52 =	vimm.s32 $0x0;
	vm7 =	vnez.u8 v57;
	vm6 =	vgt.f32 v14, v44  }
0x329: {  	v61 =	vld [tilespmem:$0x1F3B0];
	[tilespmem:$0x1FA30] =	vst v45;
	v45 =	vsel vm8, $0xFFFFFFFF, v52;
	vm8 =	vnez.u8 v58;
	vm0 =	vmand vm7, vm6  }
0x32a: {  	v62 =	vld [tilespmem:$0x1FB50];
	vm13 =	vnez.u8 v59;
	vm0 =	vmand vm8, vm0  }
0x32b: {  	v63 =	vld [tilespmem:$0x1FB60];
	vm15 =	vne.s32 v42, $0x14;
	vm0 =	vmand vm13, vm0  }
0x32c: {  	vm8 =	vmand vm15, vm0  }
0x32d: {  	v56 =	vimm.s32 $0x0;
	v44 =	vsel vm8, v14, v44  }
0x32e: {  	[tilespmem:$0x1FA80] =	vst v45;
	v45 =	vsel vm5, $0xFFFFFFFF, v56;
	vm5 =	vnez.u8 v61;
	vm4 =	vgt.f32 v15, v44  }
0x32f: {  	v49 =	vld [tilespmem:$0x1F3C0];
	vm6 =	vnez.u8 v62;
	vm0 =	vmand vm5, vm4  }
0x330: {  	v50 =	vld [tilespmem:$0x1FBA0];
	vm7 =	vnez.u8 v63;
	vm0 =	vmand vm6, vm0  }
0x331: {  	v51 =	vld [tilespmem:$0x1FBB0];
	vm13 =	vne.s32 v42, $0x15;
	vm0 =	vmand vm7, vm0  }
0x332: {  	vm7 =	vmand vm13, vm0  }
0x333: {  	v60 =	vimm.s32 $0x0;
	v44 =	vsel vm7, v15, v44  }
0x334: {  	[tilespmem:$0x1FAD0] =	vst v45;
	v45 =	vsel vm15, $0xFFFFFFFF, v60;
	vm4 =	vnez.u8 v49;
	vm15 =	vgt.f32 v12, v44  }
0x335: {  	v53 =	vld [tilespmem:$0x1F3D0];
	vm5 =	vnez.u8 v50;
	vm0 =	vmand vm4, vm15  }
0x336: {  	v48 =	vimm.s32 $0x0;
	v54 =	vld [tilespmem:$0x1FBF0];
	vm6 =	vnez.u8 v51;
	vm0 =	vmand vm5, vm0  }
0x337: {  	v55 =	vld [tilespmem:$0x1FC00];
	[tilespmem:$0x1FB20] =	vst v45;
	v45 =	vsel vm13, $0xFFFFFFFF, v48;
	vm13 =	vne.s32 v42, $0x16;
	vm0 =	vmand vm6, vm0  }
0x338: {  	vm6 =	vmand vm13, vm0  }
0x339: {  	v44 =	vsel vm6, v12, v44  }
0x33a: {  	vm4 =	vnez.u8 v53;
	vm15 =	vgt.f32 v13, v44  }
0x33b: {  	v52 =	vimm.s32 $0x0;
	v57 =	vld [tilespmem:$0x1F3E0];
	vm5 =	vnez.u8 v54;
	vm0 =	vmand vm4, vm15  }
0x33c: {  	v58 =	vld [tilespmem:$0x1FC40];
	[tilespmem:$0x1FB70] =	vst v45;
	v45 =	vsel vm13, $0xFFFFFFFF, v52;
	vm13 =	vnez.u8 v55;
	vm0 =	vmand vm5, vm0  }
0x33d: {  	v59 =	vld [tilespmem:$0x1FC50];
	vm15 =	vne.s32 v42, $0x17;
	vm0 =	vmand vm13, vm0  }
0x33e: {  	vm5 =	vmand vm15, vm0  }
0x33f: {  	v44 =	vsel vm5, v13, v44  }
0x340: {  	v56 =	vimm.s32 $0x0;
	vm13 =	vnez.u8 v57;
	vm4 =	vgt.f32 v10, v44  }
0x341: {  	v61 =	vld [tilespmem:$0x1F3F0];
	[tilespmem:$0x1FBC0] =	vst v45;
	v45 =	vsel vm15, $0xFFFFFFFF, v56;
	vm15 =	vnez.u8 v58;
	vm0 =	vmand vm13, vm4  }
0x342: {  	v62 =	vld [tilespmem:$0x1FC90];
	vm4 =	vnez.u8 v59;
	vm0 =	vmand vm15, vm0  }
0x343: {  	v63 =	vld [tilespmem:$0x1FCA0];
	vm13 =	vne.s32 v42, $0x18;
	vm0 =	vmand vm4, vm0  }
0x344: {  	vm4 =	vmand vm13, vm0  }
0x345: {  	v60 =	vimm.s32 $0x0;
	v44 =	vsel vm4, v10, v44  }
0x346: {  	v46 =	vld [tilespmem:$0x1F410];
	[tilespmem:$0x1FC10] =	vst v45;
	v45 =	vsel vm13, $0xFFFFFFFF, v60;
	vm13 =	vnez.u8 v61;
	vm15 =	vgt.f32 v11, v44  }
0x347: {  	v49 =	vld [tilespmem:$0x1F400];
	vm0 =	vmand vm13, vm15;
	vm15 =	vnez.u8 v62  }
0x348: {  	v50 =	vld [tilespmem:$0x1FCE0];
	vm13 =	vnez.u8 v63;
	vm0 =	vmand vm15, vm0  }
0x349: {  	v51 =	vld [tilespmem:$0x1FCF0];
	vm15 =	vne.s32 v42, $0x19;
	vm0 =	vmand vm13, vm0  }
0x34a: {  	v48 =	vimm.s32 $0x0;
	v54 =	vld [tilespmem:$0x1F420];
	vm3 =	vmand vm15, vm0  }
0x34b: {  	v52 =	vimm.s32 $0x0;
	v53 =	vsel vm9, $0x1, v0;
	v55 =	vld [tilespmem:$0x1F430];
	v44 =	vsel vm3, v11, v44  }
0x34c: {  	v56 =	vld [tilespmem:$0x1F440];
	[tilespmem:$0x1FC60] =	vst v45;
	v45 =	vsel vm15, $0xFFFFFFFF, v48;
	vm15 =	vnez.u8 v49;
	vm13 =	vgt.f32 v8, v44  }
0x34d: {  	v57 =	vld [tilespmem:$0x1FD30];
	v60 =	vimm.s32 $0x0;
	vm0 =	vmand vm15, vm13;
	vm13 =	vnez.u8 v50  }
0x34e: {  	v58 =	vld [tilespmem:$0x1F450];
	vm15 =	vnez.u8 v51;
	vm0 =	vmand vm13, vm0;
	vm13 =	vne.s32 v42, $0x1A  }
0x34f: {  	v59 =	vld [tilespmem:$0x1FD40];
	[tilespmem:$0x1FCB0] =	vst v45;
	vm0 =	vmand vm15, vm0;
	v45 =	vsel vm13, $0xFFFFFFFF, v52;
	vm15 =	vnez.u8 v46  }
0x350: {  	v61 =	vld [tilespmem:$0x1F460];
	[tilespmem:$0x1FD00] =	vst v45;
	vm2 =	vmand vm13, vm0;
	v45 =	vsel vm15, $0x2, v53;
	vm13 =	vnez.u8 v54  }
0x351: {  	v62 =	vld [tilespmem:$0x1F470];
	v44 =	vsel vm2, v8, v44;
	v45 =	vsel vm13, $0x3, v45;
	vm13 =	vnez.u8 v56  }
0x352: {  	v63 =	vld [tilespmem:$0x1F480];
	vm15 =	vnez.u8 v55;
	vm0 =	vgt.f32 v9, v44;
	v45 =	vsel vm13, $0x4, v45  }
0x353: {  	v48 =	vld [tilespmem:$0x1F490];
	vm13 =	vnez.u8 v58;
	vm0 =	vmand vm15, vm0;
	vm15 =	vnez.u8 v57  }
0x354: {  	v49 =	vld [tilespmem:$0x1F4A0];
	v45 =	vsel vm13, $0x5, v45;
	vm0 =	vmand vm15, vm0;
	vm15 =	vnez.u8 v59  }
0x355: {  	v50 =	vld [tilespmem:$0x1F4B0];
	vm1 =	vmand vm15, vm0;
	vm0 =	vne.s32 v42, $0x1B;
	vm15 =	vnez.u8 v61  }
0x356: {  	v51 =	vld [tilespmem:$0x1FD80];
	vm13 =	vnez.u8 v62;
	v46 =	vsel vm0, $0xFFFFFFFF, v60;
	v45 =	vsel vm15, $0x6, v45  }
0x357: {  	v52 =	vld [tilespmem:$0x1F4C0];
	vm1 =	vmand vm0, vm1;
	vm15 =	vnez.u8 v63;
	v45 =	vsel vm13, $0x7, v45  }
0x358: {  	v53 =	vld [tilespmem:$0x1FD90];
	v44 =	vsel vm1, v9, v44;
	v45 =	vsel vm15, $0x8, v45;
	vm15 =	vnez.u8 v48  }
0x359: {  	v55 =	vld [tilespmem:$0x1F4D0];
	vm0 =	vgt.f32 v7, v44;
	v45 =	vsel vm15, $0x9, v45;
	vm15 =	vnez.u8 v49  }
0x35a: {  	v56 =	vld [tilespmem:$0x1F4E0];
	vm0 =	vmand vm15, vm0;
	vm15 =	vnez.u8 v50  }
0x35b: {  	v57 =	vld [tilespmem:$0x1F4F0];
	v45 =	vsel vm15, $0xA, v45;
	vm15 =	vnez.u8 v51  }
0x35c: {  	v58 =	vld [tilespmem:$0x1F500];
	vm0 =	vmand vm15, vm0;
	vm15 =	vnez.u8 v52  }
0x35d: {  	v54 =	vimm.s32 $0x0;
	v59 =	vld [tilespmem:$0x1F510];
	v45 =	vsel vm15, $0xB, v45;
	vm15 =	vnez.u8 v53  }
0x35e: {  	v60 =	vld [tilespmem:$0x1FDD0];
	vm13 =	vnez.u8 v55;
	vm15 =	vmand vm15, vm0;
	vm0 =	vne.s32 v42, $0x1C  }
0x35f: {  	v61 =	vld [tilespmem:$0x1FDE0];
	[tilespmem:$0x1FD50] =	vst v46;
	v45 =	vsel vm13, $0xC, v45;
	vm13 =	vnez.u8 v56;
	v46 =	vsel vm0, $0xFFFFFFFF, v54  }
0x360: {  	vm15 =	vmand vm0, vm15;
	v45 =	vsel vm13, $0xD, v45;
	vm13 =	vnez.u8 v57  }
0x361: {  	v44 =	vsel vm15, v7, v44;
	v45 =	vsel vm13, $0xE, v45;
	vm13 =	vnez.u8 v58  }
0x362: {  	vm0 =	vgt.f32 v6, v44;
	v45 =	vsel vm13, $0xF, v45;
	vm13 =	vnez.u8 v59  }
0x363: {  	v63 =	vld [tilespmem:$0x1F520];
	vm0 =	vmand vm13, vm0;
	v45 =	vsel vm12, $0x10, v45;
	vm12 =	vnez.u8 v60  }
0x364: {  	v48 =	vld [tilespmem:$0x1FE90];
	vm0 =	vmand vm12, vm0;
	vm12 =	vnez.u8 v61  }
0x365: {  	v49 =	vld [tilespmem:$0x1FEB0];
	vm13 =	vne.s32 v42, $0x1D;
	v45 =	vsel vm11, $0x11, v45;
	vm0 =	vmand vm12, vm0  }
0x366: {  	v62 =	vimm.s32 $0x0;
	v45 =	vsel vm14, $0x12, v45;
	vm0 =	vmand vm13, vm0  }
0x367: {  	[tilespmem:$0x1FDA0] =	vst v46;
	v46 =	vsel vm13, $0xFFFFFFFF, v62;
	v45 =	vsel vm10, $0x13, v45;
	v44 =	vsel vm0, v6, v44  }
0x368: {  	vm13 =	vnez.u8 v63;
	v45 =	vsel vm8, $0x14, v45;
	vm12 =	vgt.f32 v5, v44  }
0x369: {  	v53 =	vld [tilespmem:$0x1F530];
	vm14 =	vnez.u8 v48;
	v45 =	vsel vm7, $0x15, v45;
	vm7 =	vmand vm13, vm12  }
0x36a: {  	v54 =	vld [tilespmem:$0x1FF60];
	vm8 =	vnez.u8 v49;
	v45 =	vsel vm6, $0x16, v45;
	vm6 =	vmand vm14, vm7  }
0x36b: {  	v55 =	vld [tilespmem:$0x1FF90];
	vm10 =	vne.s32 v42, $0x1E;
	v45 =	vsel vm5, $0x17, v45;
	vm5 =	vmand vm8, vm6  }
0x36c: {  	v50 =	vimm.s32 $0x0;
	v45 =	vsel vm4, $0x18, v45;
	vm11 =	vmand vm10, vm5  }
0x36d: {  	v56 =	vimm.s32 $0x0;
	v51 =	vsel vm3, $0x19, v45;
	v45 =	vsel vm11, v5, v44  }
0x36e: {  	vm13 =	vnez.u8 v53;
	v52 =	vsel vm2, $0x1A, v51;
	vm12 =	vgt.f32 v4, v45  }
0x36f: {  	vm14 =	vnez.u8 v54;
	v44 =	vsel vm1, $0x1B, v52;
	vm1 =	vmand vm13, vm12  }
0x370: {  	v44 =	vsel vm15, $0x1C, v44;
	vm15 =	vnez.u8 v55;
	vm1 =	vmand vm14, vm1  }
0x371: {  	v58 =	vld [tilespmem:$0x1F540];
	vm5 =	vne.s32 v42, $0x1F;
	v44 =	vsel vm0, $0x1D, v44;
	vm0 =	vmand vm15, vm1  }
0x372: {  	[tilespmem:$0x1FE00] =	vst v46;
	v46 =	vsel vm10, $0xFFFFFFFF, v50;
	v44 =	vsel vm11, $0x1E, v44;
	vm0 =	vmand vm5, vm0  }
0x373: {  	v57 =	vimm.s32 $0x0;
	v59 =	vld [tilespmem:$0x1F550];
	[tilespmem:$0x1FEE0] =	vst v46;
	v46 =	vsel vm5, $0xFFFFFFFF, v56;
	v44 =	vsel vm0, $0x1F, v44  }
0x374: {  	v60 =	vld [tilespmem:$0x1F560];
	[tilespmem:$0x1FFB0] =	vst v46;
	v46 =	vsel vm0, $0xFFFFFFFF, v57;
	vm0 =	vne.s32 v44, $0x1  }
0x375: {  	v61 =	vld [tilespmem:$0x1F570];
	vm2 =	vmand vm9, vm0  }
0x376: {  	v62 =	vld [tilespmem:$0x1F580];
	vm7 =	vnez.u8 v58;
	vm6 =	vne.s32 v44, $0x2;
	v35 =	vnsel vm2, $0xF149F2CA, v35  }
0x377: {  	vm0 =	vmand vm6, vm7;
	vm8 =	vgt.f32 v34, v35  }
0x378: {  	vm9 =	vnez.u8 v59;
	vm0 =	vmand vm0, vm8  }
0x379: {  	vm10 =	vnez.u8 v60;
	vm0 =	vmand vm9, vm0  }
0x37a: {  	vm11 =	vnez.u8 v61;
	vm0 =	vmand vm10, vm0  }
0x37b: {  	vm12 =	vnez.u8 v62;
	vm0 =	vmand vm11, vm0  }
0x37c: {  	v63 =	vimm.s32 $0x0;
	vm0 =	vmand vm12, vm0  }
0x37d: {  	[tilespmem:$0x1FF70] =	vst v46;
	v46 =	vsel vm0, $0xFFFFFFFF, v63  }
0x37e: {  	[tilespmem:$0x1FE10] =	vst v46;
	v46 =	vld [tilespmem:$0x1F590];
	_ =	sdelay $0x1  }
0x37f: {  	v47 =	vld [tilespmem:$0x1F5A0]  }
0x380: {  	v48 =	vld [tilespmem:$0x1F5B0]  }
0x381: {  	v49 =	vld [tilespmem:$0x1F5C0]  }
0x382: {  	v50 =	vld [tilespmem:$0x1F5D0];
	vm13 =	vne.s32 v44, $0x3;
	v34 =	vsel vm0, v34, v35;
	vm14 =	vnez.u8 v46  }
0x383: {  	vm15 =	vgt.f32 v33, v34;
	vm0 =	vmand vm13, vm14  }
0x384: {  	vm4 =	vnez.u8 v47;
	v52 =	vld [tilespmem:$0x1F5E0];
	vm0 =	vmand vm0, vm15  }
0x385: {  	vm5 =	vnez.u8 v48;
	vm0 =	vmand vm4, vm0  }
0x386: {  	v53 =	vld [tilespmem:$0x1F5F0];
	vm6 =	vnez.u8 v49;
	vm0 =	vmand vm5, vm0  }
0x387: {  	v54 =	vld [tilespmem:$0x1F600];
	vm7 =	vnez.u8 v50;
	vm0 =	vmand vm6, vm0  }
0x388: {  	v51 =	vimm.s32 $0x0;
	v55 =	vld [tilespmem:$0x1F610];
	vm0 =	vmand vm7, vm0  }
0x389: {  	v56 =	vld [tilespmem:$0x1F620];
	vm8 =	vne.s32 v44, $0x4;
	vm9 =	vnez.u8 v52;
	v33 =	vsel vm0, v33, v34  }
0x38a: {  	v35 =	vsel vm0, $0xFFFFFFFF, v51;
	vm0 =	vmand vm8, vm9;
	vm10 =	vgt.f32 v32, v33  }
0x38b: {  	v58 =	vld [tilespmem:$0x1F630];
	vm11 =	vnez.u8 v53;
	vm0 =	vmand vm0, vm10  }
0x38c: {  	vm12 =	vnez.u8 v54;
	vm0 =	vmand vm11, vm0  }
0x38d: {  	v59 =	vld [tilespmem:$0x1F640];
	vm13 =	vnez.u8 v55;
	vm0 =	vmand vm12, vm0  }
0x38e: {  	v60 =	vld [tilespmem:$0x1F650];
	vm14 =	vnez.u8 v56;
	vm0 =	vmand vm13, vm0  }
0x38f: {  	v61 =	vld [tilespmem:$0x1F660];
	v57 =	vimm.s32 $0x0;
	vm0 =	vmand vm14, vm0  }
0x390: {  	v62 =	vld [tilespmem:$0x1F670];
	vm15 =	vne.s32 v44, $0x5;
	vm4 =	vnez.u8 v58;
	v32 =	vsel vm0, v32, v33  }
0x391: {  	v34 =	vsel vm0, $0xFFFFFFFF, v57;
	vm0 =	vmand vm15, vm4;
	vm5 =	vgt.f32 v31, v32  }
0x392: {  	v46 =	vld [tilespmem:$0x1F680];
	vm6 =	vnez.u8 v59;
	vm0 =	vmand vm0, vm5  }
0x393: {  	vm7 =	vnez.u8 v60;
	vm0 =	vmand vm6, vm0  }
0x394: {  	v47 =	vld [tilespmem:$0x1F690];
	vm8 =	vnez.u8 v61;
	vm0 =	vmand vm7, vm0  }
0x395: {  	v48 =	vld [tilespmem:$0x1F6A0];
	vm9 =	vnez.u8 v62;
	vm0 =	vmand vm8, vm0  }
0x396: {  	v49 =	vld [tilespmem:$0x1F6B0];
	v63 =	vimm.s32 $0x0;
	vm0 =	vmand vm9, vm0  }
0x397: {  	v50 =	vld [tilespmem:$0x1F6C0];
	vm10 =	vne.s32 v44, $0x6;
	vm11 =	vnez.u8 v46;
	v31 =	vsel vm0, v31, v32  }
0x398: {  	v33 =	vsel vm0, $0xFFFFFFFF, v63;
	vm0 =	vmand vm10, vm11;
	vm12 =	vgt.f32 v30, v31  }
0x399: {  	v52 =	vld [tilespmem:$0x1F6D0];
	vm13 =	vnez.u8 v47;
	vm0 =	vmand vm0, vm12  }
0x39a: {  	vm14 =	vnez.u8 v48;
	vm0 =	vmand vm13, vm0  }
0x39b: {  	v53 =	vld [tilespmem:$0x1F6E0];
	vm15 =	vnez.u8 v49;
	vm0 =	vmand vm14, vm0  }
0x39c: {  	v54 =	vld [tilespmem:$0x1F6F0];
	vm4 =	vnez.u8 v50;
	vm0 =	vmand vm15, vm0  }
0x39d: {  	v55 =	vld [tilespmem:$0x1F700];
	v51 =	vimm.s32 $0x0;
	vm0 =	vmand vm4, vm0  }
0x39e: {  	v56 =	vld [tilespmem:$0x1F710];
	vm5 =	vne.s32 v44, $0x7;
	vm6 =	vnez.u8 v52;
	v30 =	vsel vm0, v30, v31  }
0x39f: {  	v32 =	vsel vm0, $0xFFFFFFFF, v51;
	vm0 =	vmand vm5, vm6;
	vm7 =	vgt.f32 v29, v30  }
0x3a0: {  	v58 =	vld [tilespmem:$0x1F720];
	vm8 =	vnez.u8 v53;
	vm0 =	vmand vm0, vm7  }
0x3a1: {  	vm9 =	vnez.u8 v54;
	vm0 =	vmand vm8, vm0  }
0x3a2: {  	v59 =	vld [tilespmem:$0x1F730];
	vm10 =	vnez.u8 v55;
	vm0 =	vmand vm9, vm0  }
0x3a3: {  	v60 =	vld [tilespmem:$0x1F740];
	vm11 =	vnez.u8 v56;
	vm0 =	vmand vm10, vm0  }
0x3a4: {  	v61 =	vld [tilespmem:$0x1F750];
	v57 =	vimm.s32 $0x0;
	vm0 =	vmand vm11, vm0  }
0x3a5: {  	v62 =	vld [tilespmem:$0x1F760];
	vm12 =	vne.s32 v44, $0x8;
	vm13 =	vnez.u8 v58;
	v29 =	vsel vm0, v29, v30  }
0x3a6: {  	v31 =	vsel vm0, $0xFFFFFFFF, v57;
	vm0 =	vmand vm12, vm13;
	vm14 =	vgt.f32 v28, v29  }
0x3a7: {  	[tilespmem:$0x1FE80] =	vst v33;
	v33 =	vld [tilespmem:$0x1F770];
	vm15 =	vnez.u8 v59;
	vm0 =	vmand vm0, vm14  }
0x3a8: {  	vm4 =	vnez.u8 v60;
	vm0 =	vmand vm15, vm0  }
0x3a9: {  	[tilespmem:$0x1FE50] =	vst v34;
	v34 =	vld [tilespmem:$0x1F780];
	vm5 =	vnez.u8 v61;
	vm0 =	vmand vm4, vm0  }
0x3aa: {  	[tilespmem:$0x1FE40] =	vst v35;
	v35 =	vld [tilespmem:$0x1F790];
	vm6 =	vnez.u8 v62;
	vm0 =	vmand vm5, vm0  }
0x3ab: {  	v46 =	vld [tilespmem:$0x1F7A0];
	v63 =	vimm.s32 $0x0;
	vm0 =	vmand vm6, vm0  }
0x3ac: {  	v47 =	vld [tilespmem:$0x1F7B0];
	vm7 =	vne.s32 v44, $0x9;
	vm8 =	vnez.u8 v33;
	v28 =	vsel vm0, v28, v29  }
0x3ad: {  	v30 =	vsel vm0, $0xFFFFFFFF, v63;
	vm0 =	vmand vm7, vm8;
	vm9 =	vgt.f32 v27, v28  }
0x3ae: {  	v49 =	vld [tilespmem:$0x1F7C0];
	vm10 =	vnez.u8 v34;
	vm0 =	vmand vm0, vm9  }
0x3af: {  	vm11 =	vnez.u8 v35;
	vm0 =	vmand vm10, vm0  }
0x3b0: {  	v50 =	vld [tilespmem:$0x1F7D0];
	vm12 =	vnez.u8 v46;
	vm0 =	vmand vm11, vm0  }
0x3b1: {  	v51 =	vld [tilespmem:$0x1F7E0];
	vm13 =	vnez.u8 v47;
	vm0 =	vmand vm12, vm0  }
0x3b2: {  	v48 =	vimm.s32 $0x0;
	v52 =	vld [tilespmem:$0x1F7F0];
	vm0 =	vmand vm13, vm0  }
0x3b3: {  	v53 =	vld [tilespmem:$0x1F800];
	vm14 =	vne.s32 v44, $0xA;
	vm15 =	vnez.u8 v49;
	v27 =	vsel vm0, v27, v28  }
0x3b4: {  	v29 =	vsel vm0, $0xFFFFFFFF, v48;
	vm0 =	vmand vm14, vm15;
	vm4 =	vgt.f32 v26, v27  }
0x3b5: {  	v55 =	vld [tilespmem:$0x1F810];
	vm5 =	vnez.u8 v50;
	vm0 =	vmand vm0, vm4  }
0x3b6: {  	vm6 =	vnez.u8 v51;
	vm0 =	vmand vm5, vm0  }
0x3b7: {  	v56 =	vld [tilespmem:$0x1F820];
	vm7 =	vnez.u8 v52;
	vm0 =	vmand vm6, vm0  }
0x3b8: {  	v57 =	vld [tilespmem:$0x1F830];
	vm8 =	vnez.u8 v53;
	vm0 =	vmand vm7, vm0  }
0x3b9: {  	v54 =	vimm.s32 $0x0;
	v58 =	vld [tilespmem:$0x1F840];
	vm0 =	vmand vm8, vm0  }
0x3ba: {  	v59 =	vld [tilespmem:$0x1F850];
	vm9 =	vne.s32 v44, $0xB;
	vm10 =	vnez.u8 v55;
	v26 =	vsel vm0, v26, v27  }
0x3bb: {  	v28 =	vsel vm0, $0xFFFFFFFF, v54;
	vm0 =	vmand vm9, vm10;
	vm11 =	vgt.f32 v25, v26  }
0x3bc: {  	v61 =	vld [tilespmem:$0x1F860];
	vm12 =	vnez.u8 v56;
	vm0 =	vmand vm0, vm11  }
0x3bd: {  	vm13 =	vnez.u8 v57;
	vm0 =	vmand vm12, vm0  }
0x3be: {  	v62 =	vld [tilespmem:$0x1F870];
	vm14 =	vnez.u8 v58;
	vm0 =	vmand vm13, vm0  }
0x3bf: {  	v63 =	vld [tilespmem:$0x1F880];
	vm15 =	vnez.u8 v59;
	vm0 =	vmand vm14, vm0  }
0x3c0: {  	v60 =	vimm.s32 $0x0;
	[tilespmem:$0x1FF30] =	vst v28;
	v28 =	vld [tilespmem:$0x1F890];
	vm0 =	vmand vm15, vm0  }
0x3c1: {  	[tilespmem:$0x1FF10] =	vst v29;
	v29 =	vld [tilespmem:$0x1F8A0];
	vm4 =	vne.s32 v44, $0xC;
	vm5 =	vnez.u8 v61;
	v25 =	vsel vm0, v25, v26  }
0x3c2: {  	v27 =	vsel vm0, $0xFFFFFFFF, v60;
	vm0 =	vmand vm4, vm5;
	vm6 =	vgt.f32 v24, v25  }
0x3c3: {  	[tilespmem:$0x1FED0] =	vst v31;
	v31 =	vld [tilespmem:$0x1F8B0];
	vm7 =	vnez.u8 v62;
	vm0 =	vmand vm0, vm6  }
0x3c4: {  	vm8 =	vnez.u8 v63;
	vm0 =	vmand vm7, vm0  }
0x3c5: {  	[tilespmem:$0x1FEA0] =	vst v32;
	v32 =	vld [tilespmem:$0x1F8C0];
	vm9 =	vnez.u8 v28;
	vm0 =	vmand vm8, vm0  }
0x3c6: {  	v33 =	vld [tilespmem:$0x1F8D0];
	vm10 =	vnez.u8 v29;
	vm0 =	vmand vm9, vm0  }
0x3c7: {  	v34 =	vld [tilespmem:$0x1F8E0];
	[tilespmem:$0x1FEF0] =	vst v30;
	v30 =	vimm.s32 $0x0;
	vm0 =	vmand vm10, vm0  }
0x3c8: {  	v35 =	vld [tilespmem:$0x1F8F0];
	vm11 =	vne.s32 v44, $0xD;
	vm12 =	vnez.u8 v31;
	v24 =	vsel vm0, v24, v25  }
0x3c9: {  	v26 =	vsel vm0, $0xFFFFFFFF, v30;
	vm0 =	vmand vm11, vm12;
	vm13 =	vgt.f32 v23, v24  }
0x3ca: {  	v47 =	vld [tilespmem:$0x1F900];
	vm14 =	vnez.u8 v32;
	vm0 =	vmand vm0, vm13  }
0x3cb: {  	vm15 =	vnez.u8 v33;
	vm0 =	vmand vm14, vm0  }
0x3cc: {  	v48 =	vld [tilespmem:$0x1F910];
	vm4 =	vnez.u8 v34;
	vm0 =	vmand vm15, vm0  }
0x3cd: {  	v49 =	vld [tilespmem:$0x1F920];
	vm5 =	vnez.u8 v35;
	vm0 =	vmand vm4, vm0  }
0x3ce: {  	v46 =	vimm.s32 $0x0;
	v50 =	vld [tilespmem:$0x1F930];
	vm0 =	vmand vm5, vm0  }
0x3cf: {  	v51 =	vld [tilespmem:$0x1F940];
	vm6 =	vne.s32 v44, $0xE;
	vm7 =	vnez.u8 v47;
	v23 =	vsel vm0, v23, v24  }
0x3d0: {  	v25 =	vsel vm0, $0xFFFFFFFF, v46;
	vm0 =	vmand vm6, vm7;
	vm8 =	vgt.f32 v22, v23  }
0x3d1: {  	v53 =	vld [tilespmem:$0x1F950];
	vm9 =	vnez.u8 v48;
	vm0 =	vmand vm0, vm8  }
0x3d2: {  	vm10 =	vnez.u8 v49;
	vm0 =	vmand vm9, vm0  }
0x3d3: {  	v54 =	vld [tilespmem:$0x1F960];
	vm11 =	vnez.u8 v50;
	vm0 =	vmand vm10, vm0  }
0x3d4: {  	v55 =	vld [tilespmem:$0x1F970];
	vm12 =	vnez.u8 v51;
	vm0 =	vmand vm11, vm0  }
0x3d5: {  	v52 =	vimm.s32 $0x0;
	v56 =	vld [tilespmem:$0x1F980];
	vm0 =	vmand vm12, vm0  }
0x3d6: {  	v57 =	vld [tilespmem:$0x1F990];
	vm13 =	vne.s32 v44, $0xF;
	vm14 =	vnez.u8 v53;
	v22 =	vsel vm0, v22, v23  }
0x3d7: {  	v24 =	vsel vm0, $0xFFFFFFFF, v52;
	vm0 =	vmand vm13, vm14;
	vm15 =	vgt.f32 v21, v22  }
0x3d8: {  	v59 =	vld [tilespmem:$0x1F9A0];
	vm4 =	vnez.u8 v54;
	vm0 =	vmand vm0, vm15  }
0x3d9: {  	vm5 =	vnez.u8 v55;
	vm0 =	vmand vm4, vm0  }
0x3da: {  	v60 =	vld [tilespmem:$0x1F9B0];
	vm6 =	vnez.u8 v56;
	vm0 =	vmand vm5, vm0  }
0x3db: {  	v61 =	vld [tilespmem:$0x1F9C0];
	vm7 =	vnez.u8 v57;
	vm0 =	vmand vm6, vm0  }
0x3dc: {  	v58 =	vimm.s32 $0x0;
	v62 =	vld [tilespmem:$0x1F9D0];
	vm0 =	vmand vm7, vm0  }
0x3dd: {  	v63 =	vld [tilespmem:$0x1F9E0];
	vm8 =	vne.s32 v44, $0x10;
	vm9 =	vnez.u8 v59;
	v21 =	vsel vm0, v21, v22  }
0x3de: {  	v23 =	vsel vm0, $0xFFFFFFFF, v58;
	vm0 =	vmand vm8, vm9;
	vm10 =	vgt.f32 v20, v21  }
0x3df: {  	[tilespmem:$0x1FFA0] =	vst v25;
	v25 =	vld [tilespmem:$0x1F9F0];
	vm11 =	vnez.u8 v60;
	vm0 =	vmand vm0, vm10  }
0x3e0: {  	vm12 =	vnez.u8 v61;
	vm0 =	vmand vm11, vm0  }
0x3e1: {  	[tilespmem:$0x1FF80] =	vst v26;
	v26 =	vld [tilespmem:$0x1FA00];
	vm13 =	vnez.u8 v62;
	vm0 =	vmand vm12, vm0  }
0x3e2: {  	[tilespmem:$0x1FF50] =	vst v27;
	v27 =	vld [tilespmem:$0x1FA10];
	vm14 =	vnez.u8 v63;
	vm0 =	vmand vm13, vm0  }
0x3e3: {  	v28 =	vld [tilespmem:$0x1FA20];
	[tilespmem:$0x1FFC0] =	vst v24;
	v24 =	vimm.s32 $0x0;
	vm0 =	vmand vm14, vm0  }
0x3e4: {  	v29 =	vld [tilespmem:$0x1FA30];
	vm15 =	vne.s32 v44, $0x11;
	vm4 =	vnez.u8 v25;
	v20 =	vsel vm0, v20, v21  }
0x3e5: {  	v22 =	vsel vm0, $0xFFFFFFFF, v24;
	vm0 =	vmand vm15, vm4;
	vm5 =	vgt.f32 v19, v20  }
0x3e6: {  	v31 =	vld [tilespmem:$0x1FA40];
	vm6 =	vnez.u8 v26;
	vm0 =	vmand vm0, vm5  }
0x3e7: {  	vm7 =	vnez.u8 v27;
	vm0 =	vmand vm6, vm0  }
0x3e8: {  	v32 =	vld [tilespmem:$0x1FA50];
	vm8 =	vnez.u8 v28;
	vm0 =	vmand vm7, vm0  }
0x3e9: {  	v33 =	vld [tilespmem:$0x1FA60];
	vm9 =	vnez.u8 v29;
	vm0 =	vmand vm8, vm0  }
0x3ea: {  	v34 =	vld [tilespmem:$0x1FA70];
	v30 =	vimm.s32 $0x0;
	vm0 =	vmand vm9, vm0  }
0x3eb: {  	v35 =	vld [tilespmem:$0x1FA80];
	vm10 =	vne.s32 v44, $0x12;
	vm11 =	vnez.u8 v31;
	v19 =	vsel vm0, v19, v20  }
0x3ec: {  	v21 =	vsel vm0, $0xFFFFFFFF, v30;
	vm0 =	vmand vm10, vm11;
	vm12 =	vgt.f32 v17, v19  }
0x3ed: {  	v46 =	vld [tilespmem:$0x1FA90];
	vm13 =	vnez.u8 v32;
	vm0 =	vmand vm0, vm12  }
0x3ee: {  	vm14 =	vnez.u8 v33;
	vm0 =	vmand vm13, vm0  }
0x3ef: {  	v47 =	vld [tilespmem:$0x1FAA0];
	vm15 =	vnez.u8 v34;
	vm0 =	vmand vm14, vm0  }
0x3f0: {  	v48 =	vld [tilespmem:$0x1FAB0];
	vm4 =	vnez.u8 v35;
	vm0 =	vmand vm15, vm0  }
0x3f1: {  	v49 =	vld [tilespmem:$0x1FAC0];
	vm14 =	vmand vm4, vm0  }
0x3f2: {  	v50 =	vld [tilespmem:$0x1FAD0];
	vm5 =	vne.s32 v44, $0x13;
	vm6 =	vnez.u8 v46;
	v17 =	vsel vm14, v17, v19  }
0x3f3: {  	vm0 =	vmand vm5, vm6;
	vm7 =	vgt.f32 v18, v17  }
0x3f4: {  	v51 =	vld [tilespmem:$0x1FAE0];
	vm8 =	vnez.u8 v47;
	vm0 =	vmand vm0, vm7  }
0x3f5: {  	vm9 =	vnez.u8 v48;
	vm0 =	vmand vm8, vm0  }
0x3f6: {  	v52 =	vld [tilespmem:$0x1FAF0];
	vm10 =	vnez.u8 v49;
	vm0 =	vmand vm9, vm0  }
0x3f7: {  	v53 =	vld [tilespmem:$0x1FB00];
	vm11 =	vnez.u8 v50;
	vm0 =	vmand vm10, vm0  }
0x3f8: {  	v54 =	vld [tilespmem:$0x1FB10];
	vm13 =	vmand vm11, vm0  }
0x3f9: {  	v55 =	vld [tilespmem:$0x1FB20];
	vm12 =	vne.s32 v44, $0x14;
	vm15 =	vnez.u8 v51;
	v17 =	vsel vm13, v18, v17  }
0x3fa: {  	vm0 =	vmand vm12, vm15;
	vm4 =	vgt.f32 v14, v17  }
0x3fb: {  	v56 =	vld [tilespmem:$0x1FB30];
	vm5 =	vnez.u8 v52;
	vm0 =	vmand vm0, vm4  }
0x3fc: {  	vm6 =	vnez.u8 v53;
	vm0 =	vmand vm5, vm0  }
0x3fd: {  	v57 =	vld [tilespmem:$0x1FB40];
	vm7 =	vnez.u8 v54;
	vm0 =	vmand vm6, vm0  }
0x3fe: {  	v58 =	vld [tilespmem:$0x1FB50];
	vm8 =	vnez.u8 v55;
	vm0 =	vmand vm7, vm0  }
0x3ff: {  	v59 =	vld [tilespmem:$0x1FB60];
	vm12 =	vmand vm8, vm0  }
0x400: {  	v60 =	vld [tilespmem:$0x1FB70];
	vm9 =	vne.s32 v44, $0x15;
	vm10 =	vnez.u8 v56;
	v14 =	vsel vm12, v14, v17  }
0x401: {  	vm0 =	vmand vm9, vm10;
	vm11 =	vgt.f32 v15, v14  }
0x402: {  	v61 =	vld [tilespmem:$0x1FB80];
	vm15 =	vnez.u8 v57;
	vm0 =	vmand vm0, vm11  }
0x403: {  	vm4 =	vnez.u8 v58;
	vm0 =	vmand vm15, vm0  }
0x404: {  	v62 =	vld [tilespmem:$0x1FB90];
	vm5 =	vnez.u8 v59;
	vm0 =	vmand vm4, vm0  }
0x405: {  	v63 =	vld [tilespmem:$0x1FBA0];
	vm6 =	vnez.u8 v60;
	vm0 =	vmand vm5, vm0  }
0x406: {  	v18 =	vld [tilespmem:$0x1FBB0];
	vm11 =	vmand vm6, vm0  }
0x407: {  	v19 =	vld [tilespmem:$0x1FBC0];
	vm7 =	vne.s32 v44, $0x16;
	vm8 =	vnez.u8 v61;
	v14 =	vsel vm11, v15, v14  }
0x408: {  	vm0 =	vmand vm7, vm8;
	vm9 =	vgt.f32 v12, v14  }
0x409: {  	v20 =	vld [tilespmem:$0x1FBD0];
	vm10 =	vnez.u8 v62;
	vm0 =	vmand vm0, vm9  }
0x40a: {  	vm15 =	vnez.u8 v63;
	vm0 =	vmand vm10, vm0  }
0x40b: {  	[tilespmem:$0x1FFF0] =	vst v21;
	v21 =	vld [tilespmem:$0x1FBE0];
	vm4 =	vnez.u8 v18;
	vm0 =	vmand vm15, vm0  }
0x40c: {  	[tilespmem:$0x1FFE0] =	vst v22;
	v22 =	vld [tilespmem:$0x1FBF0];
	vm5 =	vnez.u8 v19;
	vm0 =	vmand vm4, vm0  }
0x40d: {  	[tilespmem:$0x1FFD0] =	vst v23;
	v23 =	vld [tilespmem:$0x1FC00];
	vm10 =	vmand vm5, vm0  }
0x40e: {  	v24 =	vld [tilespmem:$0x1FC10];
	vm6 =	vne.s32 v44, $0x17;
	vm7 =	vnez.u8 v20;
	v12 =	vsel vm10, v12, v14  }
0x40f: {  	vm0 =	vmand vm6, vm7;
	vm8 =	vgt.f32 v13, v12  }
0x410: {  	v25 =	vld [tilespmem:$0x1FC20];
	vm9 =	vnez.u8 v21;
	vm0 =	vmand vm0, vm8  }
0x411: {  	vm15 =	vnez.u8 v22;
	vm0 =	vmand vm9, vm0  }
0x412: {  	v26 =	vld [tilespmem:$0x1FC30];
	vm4 =	vnez.u8 v23;
	vm0 =	vmand vm15, vm0  }
0x413: {  	v27 =	vld [tilespmem:$0x1FC40];
	vm5 =	vnez.u8 v24;
	vm0 =	vmand vm4, vm0  }
0x414: {  	v28 =	vld [tilespmem:$0x1FC50];
	vm9 =	vmand vm5, vm0  }
0x415: {  	v29 =	vld [tilespmem:$0x1FC60];
	vm6 =	vne.s32 v44, $0x18;
	vm7 =	vnez.u8 v25;
	v12 =	vsel vm9, v13, v12  }
0x416: {  	vm0 =	vmand vm6, vm7;
	vm8 =	vgt.f32 v10, v12  }
0x417: {  	v30 =	vld [tilespmem:$0x1FC70];
	vm15 =	vnez.u8 v26;
	vm0 =	vmand vm0, vm8  }
0x418: {  	vm4 =	vnez.u8 v27;
	vm0 =	vmand vm15, vm0  }
0x419: {  	v31 =	vld [tilespmem:$0x1FC80];
	vm5 =	vnez.u8 v28;
	vm0 =	vmand vm4, vm0  }
0x41a: {  	v32 =	vld [tilespmem:$0x1FC90];
	vm6 =	vnez.u8 v29;
	vm0 =	vmand vm5, vm0  }
0x41b: {  	v33 =	vld [tilespmem:$0x1FCA0];
	vm8 =	vmand vm6, vm0  }
0x41c: {  	v34 =	vld [tilespmem:$0x1FCB0];
	vm7 =	vne.s32 v44, $0x19;
	vm15 =	vnez.u8 v30;
	v10 =	vsel vm8, v10, v12  }
0x41d: {  	vm0 =	vmand vm7, vm15;
	vm4 =	vgt.f32 v11, v10  }
0x41e: {  	v35 =	vld [tilespmem:$0x1FCC0];
	vm5 =	vnez.u8 v31;
	vm0 =	vmand vm0, vm4  }
0x41f: {  	vm6 =	vnez.u8 v32;
	vm0 =	vmand vm5, vm0  }
0x420: {  	v46 =	vld [tilespmem:$0x1FCD0];
	vm7 =	vnez.u8 v33;
	vm0 =	vmand vm6, vm0  }
0x421: {  	v47 =	vld [tilespmem:$0x1FCE0];
	vm15 =	vnez.u8 v34;
	vm0 =	vmand vm7, vm0  }
0x422: {  	v48 =	vld [tilespmem:$0x1FCF0];
	vm7 =	vmand vm15, vm0  }
0x423: {  	v49 =	vld [tilespmem:$0x1FD00];
	vm4 =	vne.s32 v44, $0x1A;
	vm5 =	vnez.u8 v35;
	v10 =	vsel vm7, v11, v10  }
0x424: {  	vm0 =	vmand vm4, vm5;
	vm6 =	vgt.f32 v8, v10  }
0x425: {  	v50 =	vld [tilespmem:$0x1FD10];
	vm15 =	vnez.u8 v46;
	vm0 =	vmand vm0, vm6  }
0x426: {  	vm4 =	vnez.u8 v47;
	vm0 =	vmand vm15, vm0  }
0x427: {  	v51 =	vld [tilespmem:$0x1FD20];
	vm5 =	vnez.u8 v48;
	vm0 =	vmand vm4, vm0  }
0x428: {  	v52 =	vld [tilespmem:$0x1FD30];
	vm6 =	vnez.u8 v49;
	vm0 =	vmand vm5, vm0  }
0x429: {  	v53 =	vld [tilespmem:$0x1FD40];
	vm6 =	vmand vm6, vm0  }
0x42a: {  	v54 =	vld [tilespmem:$0x1FD50];
	vm15 =	vne.s32 v44, $0x1B;
	vm4 =	vnez.u8 v50;
	v8 =	vsel vm6, v8, v10  }
0x42b: {  	vm0 =	vmand vm15, vm4;
	vm5 =	vgt.f32 v9, v8  }
0x42c: {  	v55 =	vld [tilespmem:$0x1FD60];
	vm15 =	vnez.u8 v51;
	vm0 =	vmand vm0, vm5  }
0x42d: {  	vm4 =	vnez.u8 v52;
	vm0 =	vmand vm15, vm0  }
0x42e: {  	v56 =	vld [tilespmem:$0x1FD70];
	vm5 =	vnez.u8 v53;
	vm0 =	vmand vm4, vm0  }
0x42f: {  	v57 =	vld [tilespmem:$0x1FD80];
	vm15 =	vnez.u8 v54;
	vm0 =	vmand vm5, vm0  }
0x430: {  	v58 =	vld [tilespmem:$0x1FD90];
	vm5 =	vmand vm15, vm0  }
0x431: {  	v59 =	vld [tilespmem:$0x1FDA0];
	vm4 =	vne.s32 v44, $0x1C;
	vm15 =	vnez.u8 v55;
	v8 =	vsel vm5, v9, v8  }
0x432: {  	vm0 =	vmand vm4, vm15;
	vm4 =	vgt.f32 v7, v8  }
0x433: {  	v60 =	vld [tilespmem:$0x1FDB0];
	vm15 =	vnez.u8 v56;
	vm0 =	vmand vm0, vm4  }
0x434: {  	vm4 =	vnez.u8 v57;
	vm0 =	vmand vm15, vm0  }
0x435: {  	v61 =	vld [tilespmem:$0x1FDC0];
	vm15 =	vnez.u8 v58;
	vm0 =	vmand vm4, vm0  }
0x436: {  	v62 =	vld [tilespmem:$0x1FDD0];
	vm4 =	vnez.u8 v59;
	vm0 =	vmand vm15, vm0  }
0x437: {  	v63 =	vld [tilespmem:$0x1FDE0];
	vm4 =	vmand vm4, vm0  }
0x438: {  	v12 =	vld [tilespmem:$0x1FDF0];
	vm15 =	vnez.u8 v60;
	vm0 =	vne.s32 v44, $0x1D;
	v7 =	vsel vm4, v7, v8  }
0x439: {  	vm0 =	vmand vm0, vm15;
	vm15 =	vgt.f32 v6, v7  }
0x43a: {  	vm0 =	vmand vm0, vm15;
	vm15 =	vnez.u8 v61  }
0x43b: {  	vm0 =	vmand vm15, vm0;
	vm15 =	vnez.u8 v62  }
0x43c: {  	v13 =	vld [tilespmem:$0x1FE00];
	vm0 =	vmand vm15, vm0;
	vm15 =	vnez.u8 v63  }
0x43d: {  	v15 =	vld [tilespmem:$0x1FE10];
	vm0 =	vmand vm15, vm0;
	vm15 =	vnez.u8 v12  }
0x43e: {  	v8 =	vsel vm15, v4, v16;
	v16 =	vld [tilespmem:$0x1FE20]  }
0x43f: {  	v17 =	vld [tilespmem:$0x1FE30]  }
0x440: {  	v18 =	vld [tilespmem:$0x1FE40]  }
0x441: {  	v19 =	vld [tilespmem:$0x1FE50];
	v14 =	vsel vm2, $0x1, v0;
	vm15 =	vnez.u8 v13  }
0x442: {  	v20 =	vld [tilespmem:$0x1FE60];
	vm3 =	vmand vm15, vm0;
	vm0 =	vne.s32 v44, $0x1E;
	vm15 =	vnez.u8 v15  }
0x443: {  	v22 =	vld [tilespmem:$0x1FE70];
	v6 =	vsel vm3, v6, v7;
	v7 =	vsel vm15, $0x2, v14;
	vm15 =	vnez.u8 v16  }
0x444: {  	v23 =	vld [tilespmem:$0x1FE80];
	vm0 =	vmand vm0, vm15;
	vm15 =	vnez.u8 v17  }
0x445: {  	v24 =	vld [tilespmem:$0x1FE90];
	v9 =	vsel vm15, v4, v37;
	vm15 =	vnez.u8 v18  }
0x446: {  	v25 =	vld [tilespmem:$0x1FEA0];
	vm1 =	vgt.f32 v5, v6;
	v7 =	vsel vm15, $0x3, v7;
	vm15 =	vnez.u8 v19  }
0x447: {  	v26 =	vld [tilespmem:$0x1FEB0];
	vm0 =	vmand vm0, vm1;
	v7 =	vsel vm15, $0x4, v7;
	vm15 =	vnez.u8 v20  }
0x448: {  	v27 =	vld [tilespmem:$0x1FEC0];
	vm0 =	vmand vm15, vm0;
	vm15 =	vnez.u8 v22  }
0x449: {  	v28 =	vld [tilespmem:$0x1FED0];
	v11 =	vsel vm15, v4, v39;
	vm15 =	vnez.u8 v23  }
0x44a: {  	v29 =	vld [tilespmem:$0x1FEE0];
	v7 =	vsel vm15, $0x5, v7;
	vm15 =	vnez.u8 v24  }
0x44b: {  	v30 =	vld [tilespmem:$0x1FEF0];
	vm0 =	vmand vm15, vm0;
	vm15 =	vnez.u8 v25  }
0x44c: {  	v31 =	vld [tilespmem:$0x1FF00];
	v7 =	vsel vm15, $0x6, v7;
	vm15 =	vnez.u8 v26  }
0x44d: {  	v32 =	vld [tilespmem:$0x1FF10];
	v21 =	vadd.f32 $0.0e+00, v8;
	vm0 =	vmand vm15, vm0;
	vm15 =	vnez.u8 v27  }
0x44e: {  	v34 =	vld [tilespmem:$0x1FF20];
	v12 =	vsel vm15, v4, v41;
	vm15 =	vnez.u8 v28  }
0x44f: {  	v10 =	vadd.f32 v9, v21;
	v7 =	vsel vm15, $0x7, v7;
	vm15 =	vnez.u8 v29  }
0x450: {  	v35 =	vld [tilespmem:$0x1FF30];
	vm2 =	vmand vm15, vm0;
	vm0 =	vne.s32 v44, $0x1F;
	vm15 =	vnez.u8 v30  }
0x451: {  	v37 =	vld [tilespmem:$0x1FF40];
	v5 =	vsel vm2, v5, v6;
	v6 =	vsel vm15, $0x8, v7;
	vm15 =	vnez.u8 v31  }
0x452: {  	v39 =	vld [tilespmem:$0x1FF50];
	v10 =	vadd.f32 v11, v10;
	vm1 =	vmand vm0, vm15;
	vm15 =	vnez.u8 v32  }
0x453: {  	v41 =	vld [tilespmem:$0x1FF60];
	v6 =	vsel vm15, $0x9, v6;
	vm15 =	vnez.u8 v34  }
0x454: {  	v33 =	vadd.f32 v12, v10;
	v10 =	vsel vm15, v4, v43;
	v43 =	vld [tilespmem:$0x1FF70]  }
0x455: {  	v46 =	vld [tilespmem:$0x1FF80];
	vm0 =	vgt.f32 v4, v5;
	vm15 =	vnez.u8 v35  }
0x456: {  	v47 =	vld [tilespmem:$0x1FF90];
	vm0 =	vmand vm1, vm0;
	v6 =	vsel vm15, $0xA, v6;
	vm15 =	vnez.u8 v37  }
0x457: {  	v48 =	vld [tilespmem:$0x1FFA0];
	vm0 =	vmand vm15, vm0;
	vm15 =	vnez.u8 v39  }
0x458: {  	v49 =	vld [tilespmem:$0x1FFB0];
	v6 =	vsel vm15, $0xB, v6;
	vm15 =	vnez.u8 v41  }
0x459: {  	v50 =	vld [tilespmem:$0x1FFC0];
	vm0 =	vmand vm15, vm0;
	vm15 =	vnez.u8 v43  }
0x45a: {  	v51 =	vld [tilespmem:$0x1FFD0];
	v13 =	vsel vm15, v4, v45;
	vm15 =	vnez.u8 v46  }
0x45b: {  	v53 =	vld [tilespmem:$0x1FFE0];
	v6 =	vsel vm15, $0xC, v6;
	vm15 =	vnez.u8 v47  }
0x45c: {  	v54 =	vld [tilespmem:$0x1FFF0];
	v7 =	vadd.f32 v10, v33;
	vm0 =	vmand vm15, vm0;
	vm15 =	vnez.u8 v48  }
0x45d: {  	v6 =	vsel vm15, $0xD, v6;
	vm15 =	vnez.u8 v49  }
0x45e: {  	v7 =	vadd.f32 v13, v7;
	vm0 =	vmand vm15, vm0;
	vm15 =	vnez.u8 v50  }
0x45f: {  	v6 =	vsel vm15, $0xE, v6;
	v4 =	vsel vm0, v4, v5;
	vm15 =	vnez.u8 v51  }
0x460: {  	v5 =	vsel vm15, $0xF, v6;
	v52 =	vadd.f32 v4, v7;
	vm15 =	vnez.u8 v53  }
0x461: {  	v5 =	vsel vm15, $0x10, v5;
	vm15 =	vnez.u8 v54  }
0x462: {  	v5 =	vsel vm15, $0x11, v5;
	(erf) = vrcp.f32 v52  }
0x463: {  	v5 =	vsel vm14, $0x12, v5  }
0x464: {  	v5 =	vsel vm13, $0x13, v5  }
0x465: {  	v5 =	vsel vm12, $0x14, v5  }
0x466: {  	v5 =	vsel vm11, $0x15, v5  }
0x467: {  	v5 =	vsel vm10, $0x16, v5  }
0x468: {  	v55 =	vmov s15;
	v5 =	vsel vm9, $0x17, v5  }
0x469: {  	v6 =	vshll.u32 v55, $0x5;
	v5 =	vsel vm8, $0x18, v5  }
0x46a: {  	v6 =	vor.u32 v1, v6;
	v5 =	vsel vm7, $0x19, v5  }
0x46b: {  	v3 =	vadd.s32 v6, v3;
	v5 =	vsel vm6, $0x1A, v5;
	v56 =	vpop (erf)  }
0x46c: {  	v57 =	vadd.s32 v6, v36;
	v5 =	vsel vm5, $0x1B, v5;
	v7 =	vmul.f32 $8.750000000e-01, v56  }
0x46d: {  	v58 =	vadd.s32 v6, v38;
	v5 =	vsel vm4, $0x1C, v5  }
0x46e: {  	v59 =	vadd.s32 v6, v40;
	v5 =	vsel vm3, $0x1D, v5;
	v8 =	vmul.f32 v7, v8  }
0x46f: {  	v60 =	vadd.s32 v6, v42;
	[tilespmem:v6+s12+$0x0] =	vst.idx.msk $0xffff, v2;
	v9 =	vmul.f32 v7, v9;
	v5 =	vsel vm2, $0x1E, v5  }
0x470: {  	v61 =	vadd.s32 v6, v44;
	v5 =	vsel vm0, $0x1F, v5;
	[tilespmem:v3+s12+$0x0] =	vst.idx.msk $0xffff, v8;
	v3 =	vmul.f32 v7, v11  }
0x471: {  	p0 =	sne.s32 s15, $0xF0;
	v62 =	vmul.f32 v7, v12;
	[tilespmem:v57+s12+$0x0] =	vst.idx.msk $0xffff, v9;
	v5 =	vadd.s32 v6, v5  }
.Ltmp0:
0x472: {  	[tilespmem:v58+s12+$0x0] =	vst.idx.msk $0xffff, v3;
	v3 =	vmul.f32 v7, v10;
	(pc) =	sbr.rel @p0 .LBB2_2-.Ltmp0, $4  }
0x473: {  	v63 =	vmul.f32 v7, v13;
	[tilespmem:v59+s12+$0x0] =	vst.idx.msk $0xffff, v62  }
0x474: {  	[tilespmem:v60+s12+$0x0] =	vst.idx.msk $0xffff, v3;
	v3 =	vmul.f32 v7, v4  }
0x475: {  	[tilespmem:v61+s12+$0x0] =	vst.idx.msk $0xffff, v63  }
0x476: {  	s14 =	sadd.s32 $0x80, s14;
	s15 =	sadd.s32 $0x10, s15;
	[tilespmem:v5+s12+$0x0] =	vst.idx.msk $0xffff, v3  }
0x477: {  	s13 =	sadd.s32 $0x1, s13  }
0x478: {  	p0 =	sne.s32 s13, s7  }
.Ltmp1:
0x479: {  	_ = 	snop;
	(pc) =	sbr.rel @p0 .LBB2_1-.Ltmp1, $4  }
0x47a: {  	[hbm4b:s6+s2] =	stream.linear.scatter [tilespmem:s12], [sflag:$0x1], $0x2000, $0x38;
	[tilespmem:$0x5000] =	vst v63  }
0x47b: {  	_ =	swait.ge [sflag:s10], $0x2000  }
0x47c: {  	[sflag:s10] =	ssyncset.done $0x0  }
0x47d: {  	[sflag:s10] =	ssyncadd.s32 $0xFFFFE000  }
0x47e: {  	_ =	sfence.sel $0x180000  }
0x47f: {  	[bflag:$0x0] =	sbarrier.arrive $0xFFFF  }
0x480: {  	p0 =	sne.s32 s1, $0x0;
	_ =	strace $0x90000047  }
0x481: {  	s0 =	sadd.s32 @!p0 $0x100000, s0;
	[bflag:$0x2] =	sbarrier.arrive $0xFFFF  }
0x482: {  	[sflag:s0] =	ssyncadd.tile.s32 @!p0 $0x1;
	_ =	shalt  }
.Lfunc_end2:
_tile_overlayer_lowered:
.L_overlay_start_2:
0x483: {  	(tag) =	ssettag $0x2  }
0x484: {  	s0 =	rddreg [dreg:$0x0];
	s2 =	stileid.u32  }
0x485: {  	s1 =	rddreg [dreg:$0x1];
	p0 =	sne.s32 s2, $0x0  }
0x486: {  	s3 =	rddreg [dreg:$0x2];
	[bflag:$0x3] =	sbarrier.arrive $0xFFFF;
	s2 =	simm.s32 @!p0 $0x1C01  }
0x487: {  	[timem:s3], [sflag:s2] =	dma.local @!p0 [hbm:s0], s1  }
0x488: {  	s0 =	simm.s32 @!p0 $0x1  }
0x489: {  	_ =	swait.ge @!p0 [sflag:s0], s1  }
0x48a: {  	s1 =	ssub.s32 @!p0 $0x0, s1;
	[sflag:s0] =	ssyncset.done @!p0 $0x0  }
0x48b: {  	[sflag:s0] =	ssyncadd.s32 @!p0 s1  }
0x48c: {  	[bflag:$0x3] =	sbarrier.arrive $0xFFFF  }
0x48d: {  	_ =	shalt  }

</sc_bundles>
